<compile_context>
chip_gen: v7x
topology: tpu7x:2x2x1
jax: 0.10.2.dev20260603
libtpu: 0.0.44.dev20260713+nightly
codegen_flags: <defaults>
</compile_context>

<pallas_src>
import functools

import jax
import jax.numpy as jnp
from jax import lax
from jax.experimental import pallas as pl
from jax.experimental.pallas import tpu as pltpu
from jax.experimental.pallas import tpu_sc as plsc

D = 512
V = 32128
S = 200
NRET = 4
T = 16
BSZ = 8
J = NRET * S
JP = 1024
ROWS = BSZ * T
NC = 2
NS = 16
NW = NC * NS
RPW = ROWS // NW


def _attn_body(hs_ref, embs_ref, ids_ref, logits_ref, wq_ref, bq_ref,
               wk_ref, bk_ref, wv_ref, bv_ref, wqp_ref, wcp_ref, bptr_ref,
               dense_ref, w_ref, ids_out_ref):
    hs = hs_ref[0]
    q = jnp.dot(hs, wq_ref[...], preferred_element_type=jnp.float32) + bq_ref[0]
    qk = lax.dot_general(q, wk_ref[...], (((1,), (1,)), ((), ())),
                         preferred_element_type=jnp.float32)
    qbk = jnp.sum(q * bk_ref[0], axis=-1, keepdims=True)
    hw = jnp.sum(hs * wqp_ref[0], axis=-1, keepdims=True)
    u_row = lax.dot_general(wcp_ref[...], wv_ref[...], (((1,), (1,)), ((), ())),
                            preferred_element_type=jnp.float32)
    ubv = jnp.sum(wcp_ref[0] * bv_ref[0])

    embs2 = embs_ref[0].reshape(NRET * S, D)
    scores = lax.dot_general(qk, embs2, (((1,), (1,)), ((), ())),
                             preferred_element_type=jnp.float32)
    scores = (scores + qbk) * jnp.float32(1.0 / (D ** 0.5))

    seg = lax.broadcasted_iota(jnp.int32, (1, J), 1) // S
    segm = [seg == r for r in range(NRET)]
    ids4 = ids_ref[0]
    i48 = jnp.concatenate([ids4] * NRET, axis=1)
    ids_row = jnp.where(segm[0], i48[0:1], 0)
    for r in range(1, NRET):
        ids_row = jnp.where(segm[r], i48[r:r + 1], ids_row)
    scores = jnp.where(ids_row == 0, jnp.float32(-1e9), scores)
    m = jnp.max(scores, axis=-1, keepdims=True)
    e = jnp.exp(scores - m)
    srs = []
    for r in range(NRET):
        sr = jnp.sum(jnp.where(segm[r], e, 0.0), axis=-1, keepdims=True)
        srs.append(sr)
    sfull = jnp.where(segm[0], srs[0], 0.0)
    for r in range(1, NRET):
        sfull = jnp.where(segm[r], srs[r], sfull)
    probs = e / sfull

    embsu = lax.dot_general(u_row, embs2, (((1,), (1,)), ((), ())),
                            preferred_element_type=jnp.float32)
    pu = probs * embsu
    pcs = []
    for r in range(NRET):
        gr = jnp.sum(jnp.where(segm[r], pu, 0.0), axis=-1, keepdims=True)
        pcs.append(jax.nn.sigmoid(hw + gr + ubv + bptr_ref[0, 0]))
    pc_full = jnp.where(segm[0], pcs[0], 0.0)
    for r in range(1, NRET):
        pc_full = jnp.where(segm[r], pcs[r], pc_full)
    w_all = jnp.concatenate(
        [probs * pc_full * jnp.float32(1.0 / NRET),
         jnp.zeros((T, JP - J), jnp.float32)], axis=1)
    for t in range(T):
        w_ref[pl.ds(t * JP, JP)] = w_all[t]
    ids_out_ref[...] = jnp.concatenate(
        [ids_row, jnp.full((1, JP - J), V, jnp.int32)], axis=1)[0]

    scale = 1.0 - (pcs[0] + pcs[1] + pcs[2] + pcs[3]) * jnp.float32(1.0 / NRET)
    l = logits_ref[0]
    ml = jnp.max(l, axis=-1, keepdims=True)
    e2 = jnp.exp(l - ml)
    s2 = jnp.sum(e2, axis=-1, keepdims=True)
    dense_val = e2 * (scale / s2)
    for t in range(T):
        dense_ref[pl.ds(t * V, V)] = dense_val[t]


@functools.cache
def _make_scatter_kernel(bh, boff):
    del boff
    rows = bh * T
    rpw = rows // NW
    wpb = T // rpw
    mesh = plsc.VectorSubcoreMesh(
        core_axis_name="c", subcore_axis_name="s",
        num_cores=NC, num_subcores=NS)

    @functools.partial(
        pl.kernel,
        mesh=mesh,
        out_type=jax.ShapeDtypeStruct((bh, T, V), jnp.float32),
        scratch_types=[
            pltpu.VMEM((2, V + 8), jnp.float32),
            pltpu.VMEM((2, JP), jnp.float32),
            pltpu.VMEM((JP,), jnp.int32),
            pltpu.SemaphoreType.DMA((2,)),
            pltpu.SemaphoreType.DMA((2,)),
        ],
        compiler_params=pltpu.CompilerParams(
            needs_layout_passes=False, use_tc_tiling_on_sc=False),
    )
    def _scatter_kernel(dense_hbm, w_hbm, ids_hbm, out_hbm,
                        row_v, w_v, ids_v, in_sems, out_sems):
        RPW = rpw
        wid = lax.axis_index("s") * NC + lax.axis_index("c")
        b = wid // wpb
        t0 = (wid % wpb) * RPW
        pltpu.sync_copy(ids_hbm.at[pl.ds(b * JP, JP)], ids_v)

        def row_copies(i, sl):
            row = b * T + t0 + i
            return (
                pltpu.make_async_copy(
                    dense_hbm.at[pl.ds(row * V, V)],
                    row_v.at[sl, pl.ds(0, V)], in_sems.at[sl]),
                pltpu.make_async_copy(
                    w_hbm.at[pl.ds(row * JP, JP)], w_v.at[sl], in_sems.at[sl]),
            )

        def out_copy(i, sl):
            return pltpu.make_async_copy(
                row_v.at[sl, pl.ds(0, V)],
                out_hbm.at[b, t0 + i], out_sems.at[sl])

        for cp in row_copies(0, 0):
            cp.start()
        for i in range(RPW):
            sl = i % 2
            if i + 1 < RPW:
                if i >= 1:
                    out_copy(i - 1, 1 - sl).wait()
                for cp in row_copies(i + 1, 1 - sl):
                    cp.start()
            for cp in row_copies(i, sl):
                cp.wait()
            for jblk in range(JP // 16):
                idx = ids_v[pl.ds(jblk * 16, 16)]
                val = w_v[sl, pl.ds(jblk * 16, 16)]
                plsc.addupdate_scatter(row_v.at[sl], [idx], val)
            out_copy(i, sl).start()
        for i in range(RPW - 2, RPW):
            out_copy(i, i % 2).wait()

    return _scatter_kernel


def kernel(hidden_states, ret_text_embs, ret_input_ids, logits,
           Wq_attn, bq_attn, Wk_attn, bk_attn, Wv_attn, bv_attn,
           Wq_ptr, bq_ptr, Wc_ptr, bc_ptr):
    ids = ret_input_ids.astype(jnp.int32)
    bq2 = bq_attn.reshape(1, D)
    bk2 = bk_attn.reshape(1, D)
    bv2 = bv_attn.reshape(1, D)
    wqp = Wq_ptr.reshape(1, D)
    wcp = Wc_ptr.reshape(1, D)
    bptr = (bq_ptr + bc_ptr).reshape(1, 1)

    bh = BSZ
    halves = []
    for boff in (0,):
        outs = pl.pallas_call(
            _attn_body,
            grid=(bh,),
            in_specs=[
                pl.BlockSpec((1, T, D), lambda i, o=boff: (i + o, 0, 0)),
                pl.BlockSpec((1, NRET, S, D),
                             lambda i, o=boff: (i + o, 0, 0, 0)),
                pl.BlockSpec((1, NRET, S), lambda i, o=boff: (i + o, 0, 0)),
                pl.BlockSpec((1, T, V), lambda i, o=boff: (i + o, 0, 0)),
                pl.BlockSpec((D, D), lambda i: (0, 0)),
                pl.BlockSpec((1, D), lambda i: (0, 0)),
                pl.BlockSpec((D, D), lambda i: (0, 0)),
                pl.BlockSpec((1, D), lambda i: (0, 0)),
                pl.BlockSpec((D, D), lambda i: (0, 0)),
                pl.BlockSpec((1, D), lambda i: (0, 0)),
                pl.BlockSpec((1, D), lambda i: (0, 0)),
                pl.BlockSpec((1, D), lambda i: (0, 0)),
                pl.BlockSpec((1, 1), lambda i: (0, 0)),
            ],
            out_specs=[
                pl.BlockSpec((T * V,), lambda i: (i,)),
                pl.BlockSpec((T * JP,), lambda i: (i,)),
                pl.BlockSpec((JP,), lambda i: (i,)),
            ],
            out_shape=[
                jax.ShapeDtypeStruct((bh * T * V,), jnp.float32),
                jax.ShapeDtypeStruct((bh * T * JP,), jnp.float32),
                jax.ShapeDtypeStruct((bh * JP,), jnp.int32),
            ],
        )(hidden_states, ret_text_embs, ids, logits, Wq_attn, bq2,
          Wk_attn, bk2, Wv_attn, bv2, wqp, wcp, bptr)
        halves.append(_make_scatter_kernel(bh, boff)(*outs))

    return halves[0] if len(halves) == 1 else jnp.concatenate(halves, axis=0)

# --- scband reference (transcript-rebuilt; emitter-appended) ---
"""Pipeline reference for scband-pointer-17540646437187 (READ-ONLY COPY).

The authoritative reference and input builder live on the scoring server;
editing this copy changes nothing except your own understanding.
"""

import jax, jax.numpy as jnp
import numpy as np

PAD = 0
COPY_SCALE = 1.0


def setup_inputs(seed: int = 0) -> dict:
    key = jax.random.key(seed)
    ks = jax.random.split(key, 16)
    d = 512
    V = 32128
    inp = {}
    inp['hidden_states'] = jax.random.normal(ks[0], (8, 16, d), dtype=jnp.float32)
    inp['ret_text_embs'] = jax.random.normal(ks[1], (8, 4, 200, d), dtype=jnp.float32)
    inp['ret_input_ids'] = jax.random.randint(ks[2], (8, 4, 200), 0, V, dtype=jnp.int64)
    inp['logits'] = jax.random.normal(ks[3], (8, 16, V), dtype=jnp.float32)
    # ScaledDotProductAttention projection params (num_heads=1)
    inp['Wq_attn'] = jax.random.normal(ks[4], (d, d), dtype=jnp.float32) * 0.02
    inp['bq_attn'] = jnp.zeros((d,), dtype=jnp.float32)
    inp['Wk_attn'] = jax.random.normal(ks[5], (d, d), dtype=jnp.float32) * 0.02
    inp['bk_attn'] = jnp.zeros((d,), dtype=jnp.float32)
    inp['Wv_attn'] = jax.random.normal(ks[6], (d, d), dtype=jnp.float32) * 0.02
    inp['bv_attn'] = jnp.zeros((d,), dtype=jnp.float32)
    # Pointer gate params: Wq: Linear(d, 1), Wc: Linear(d, 1)
    inp['Wq_ptr'] = jax.random.normal(ks[7], (d, 1), dtype=jnp.float32) * 0.02
    inp['bq_ptr'] = jnp.zeros((1,), dtype=jnp.float32)
    inp['Wc_ptr'] = jax.random.normal(ks[8], (d, 1), dtype=jnp.float32) * 0.02
    inp['bc_ptr'] = jnp.zeros((1,), dtype=jnp.float32)
    return inp


def reference(hidden_states, ret_text_embs, ret_input_ids, logits,
              Wq_attn, bq_attn, Wk_attn, bk_attn, Wv_attn, bv_attn,
              Wq_ptr, bq_ptr, Wc_ptr, bc_ptr):
    bsz, n_ret, seq_len = ret_input_ids.shape
    T = hidden_states.shape[1]
    d = hidden_states.shape[2]
    V = logits.shape[-1]
    BN = bsz * n_ret

    # hidden_states.unsqueeze(1).repeat(1, n_ret, 1, 1).view(BN, T, d)
    hs = jnp.broadcast_to(hidden_states[:, None, :, :], (bsz, n_ret, T, d)).reshape(BN, T, d)
    embs = ret_text_embs.reshape(BN, seq_len, d)
    ids = ret_input_ids.reshape(BN, 1, seq_len)
    attn_mask = (ids == PAD)  # [BN, 1, S]

    # ScaledDotProductAttention (single head, eval mode so dropout is identity)
    q = hs @ Wq_attn + bq_attn          # [BN, T, d]
    k = embs @ Wk_attn + bk_attn        # [BN, S, d]
    v = embs @ Wv_attn + bv_attn        # [BN, S, d]
    scores = jnp.einsum('btd,bsd->bts', q, k) / jnp.sqrt(jnp.float32(d))  # [BN, T, S]
    scores = scores[:, None, :, :]      # [BN, 1(head), T, S]
    scores = jnp.where(attn_mask[:, :, None, :], jnp.float32(-1e9), scores)
    attention_probs = jax.nn.softmax(scores, axis=-1)  # [BN, 1, T, S]
    context = jnp.einsum('bhts,bsd->bhtd', attention_probs, v).reshape(BN, T, d)

    # copy gate
    p_copy = COPY_SCALE * jax.nn.sigmoid(hs @ Wq_ptr + bq_ptr + context @ Wc_ptr + bc_ptr)  # [BN, T, 1]
    p_copy = p_copy.reshape(bsz, n_ret, T, 1)

    # ret_input_ids.repeat(1, T, 1).view(bsz, n_ret, T, seq_len)
    ids_rep = jnp.broadcast_to(ids, (BN, T, seq_len)).reshape(bsz, n_ret, T, seq_len)
    ret_probs = p_copy * attention_probs.mean(axis=1).reshape(bsz, n_ret, T, seq_len)

    base = (1.0 - p_copy) * jnp.broadcast_to(
        jax.nn.softmax(logits, axis=-1)[:, None, :, :], (bsz, n_ret, T, V))

    # scatter_add_(dim=3, index=ids_rep, src=ret_probs)
    N = bsz * n_ret * T
    flat = base.reshape(N, V)
    idx = ids_rep.reshape(N, seq_len)
    src = ret_probs.reshape(N, seq_len)
    flat = flat.at[jnp.arange(N)[:, None], idx].add(src)

    probs = flat.reshape(bsz, n_ret, T, V).mean(axis=1)  # [bsz, T, V]; torch squeeze(1) is a no-op here
    return probs

if __name__ == "__main__":
    import jax
    _d = setup_inputs()
    print(jax.jit(kernel)(*tuple(_d.values())))

</pallas_src>

<mosaic_0001>
#map = affine_map<(d0, d1) -> (0)>
#map1 = affine_map<(d0, d1) -> (0, 0, 0)>
module attributes {stable_mosaic.version = 14 : i64} {
  func.func @_scatter_kernel(%arg0: i32, %arg1: i32, %arg2: memref<4112384xf32, #tpu.memory_space<hbm>>, %arg3: memref<131072xf32, #tpu.memory_space<hbm>>, %arg4: memref<8192xi32, #tpu.memory_space<hbm>>, %arg5: memref<8x16x32128xf32, #tpu.memory_space<hbm>>, %arg6: memref<2x32136xf32, #tpu.memory_space<vmem>>, %arg7: memref<2x1024xf32, #tpu.memory_space<vmem>>, %arg8: memref<1024xi32, #tpu.memory_space<vmem>>, %arg9: memref<2x!tpu.dma_semaphore, #tpu.memory_space<semaphore_mem>>, %arg10: memref<2x!tpu.dma_semaphore, #tpu.memory_space<semaphore_mem>>) attributes {dimension_semantics = [#tpu.dimension_semantics<core_parallel>, #tpu.dimension_semantics<subcore_parallel>], iteration_bounds = array<i64: 2, 16>, scalar_prefetch = 0 : i64, scratch_operands = 5 : i64, tpu.core_type = #tpu.core_type<sc_vector_subcore>, window_params = [{transform_indices = #map}, {transform_indices = #map}, {transform_indices = #map}, {transform_indices = #map1}]} {
    %mul3A = arith.constant 2 : i32
    %mul3A_0 = arith.muli %arg1, %mul3A : i32
    %add3A = arith.addi %mul3A_0, %arg0 : i32
    %jit3A = arith.constant 4 : i32
    %div3A = arith.divsi %add3A, %jit3A : i32
    %sign3A = arith.constant 0 : i32
    %sign3A_1 = arith.cmpi sgt, %add3A, %sign3A : i32
    %sign3A_2 = arith.extui %sign3A_1 : i1 to i32
    %sign3A_3 = arith.constant 0 : i32
    %sign3A_4 = arith.cmpi slt, %add3A, %sign3A_3 : i32
    %sign3A_5 = arith.extui %sign3A_4 : i1 to i32
    %sign3A_6 = arith.subi %sign3A_2, %sign3A_5 : i32
    %sign3A_7 = arith.constant 0 : i32
    %sign3A_8 = arith.cmpi sgt, %jit3A, %sign3A_7 : i32
    %sign3A_9 = arith.extui %sign3A_8 : i1 to i32
    %sign3A_10 = arith.constant 0 : i32
    %sign3A_11 = arith.cmpi slt, %jit3A, %sign3A_10 : i32
    %sign3A_12 = arith.extui %sign3A_11 : i1 to i32
    %sign3A_13 = arith.subi %sign3A_9, %sign3A_12 : i32
    %ne3A = arith.cmpi ne, %sign3A_6, %sign3A_13 : i32
    %rem3A = arith.remsi %add3A, %jit3A : i32
    %ne3A_14 = arith.constant 0 : i32
    %ne3A_15 = arith.cmpi ne, %rem3A, %ne3A_14 : i32
    %and3A = arith.andi %ne3A, %ne3A_15 : i1
    %sub3A = arith.constant 1 : i32
    %sub3A_16 = arith.subi %div3A, %sub3A : i32
    %select_n3A = arith.select %and3A, %sub3A_16, %div3A : i32
    %jit3A_17 = arith.constant 4 : i32
    %eq3A = arith.constant 0 : i32
    %eq3A_18 = arith.cmpi eq, %jit3A_17, %eq3A : i32
    %jit3A_19 = arith.constant 1 : i32
    %select_n3A_20 = arith.select %eq3A_18, %jit3A_19, %jit3A_17 : i32
    %rem3A_21 = arith.remsi %add3A, %select_n3A_20 : i32
    %ne3A_22 = arith.constant 0 : i32
    %ne3A_23 = arith.cmpi ne, %rem3A_21, %ne3A_22 : i32
    %lt3A = arith.constant 0 : i32
    %lt3A_24 = arith.cmpi slt, %rem3A_21, %lt3A : i32
    %lt3A_25 = arith.constant 0 : i32
    %lt3A_26 = arith.cmpi slt, %select_n3A_20, %lt3A_25 : i32
    %ne3A_27 = arith.xori %lt3A_24, %lt3A_26 : i1
    %and3A_28 = arith.andi %ne3A_27, %ne3A_23 : i1
    %add3A_29 = arith.addi %rem3A_21, %select_n3A_20 : i32
    %select_n3A_30 = arith.select %and3A_28, %add3A_29, %rem3A_21 : i32
    %mul3A_31 = arith.constant 4 : i32
    %mul3A_32 = arith.muli %select_n3A_30, %mul3A_31 : i32
    %mul3A_33 = arith.constant 1024 : i32
    %mul3A_34 = arith.muli %select_n3A, %mul3A_33 : i32
    "tpu.region"() ({
      %run_scoped3A = tpu.sem_alloc : memref<!tpu.dma_semaphore, #tpu.memory_space<semaphore_mem>>
      %dma_start3A_2999 = tpu.memref_slice %arg4[%mul3A_34] : memref<8192xi32, #tpu.memory_space<hbm>> -> memref<1024xi32, #tpu.memory_space<hbm>>
      %dma_start3A_3000 = tpu.memref_slice %arg4[%mul3A_34] : memref<8192xi32, #tpu.memory_space<hbm>> -> memref<1024xi32, #tpu.memory_space<hbm>>
      tpu.enqueue_dma source(%dma_start3A_3000 : memref<1024xi32, #tpu.memory_space<hbm>>) target(%arg8 : memref<1024xi32, #tpu.memory_space<vmem>>) target_semaphore(%run_scoped3A : memref<!tpu.dma_semaphore, #tpu.memory_space<semaphore_mem>>)
      %dma_wait3A_3001 = tpu.memref_slice %arg4[%mul3A_34] : memref<8192xi32, #tpu.memory_space<hbm>> -> memref<1024xi32, #tpu.memory_space<hbm>>
      %dma_wait3A_3002 = tpu.memref_slice %arg4[%mul3A_34] : memref<8192xi32, #tpu.memory_space<hbm>> -> memref<1024xi32, #tpu.memory_space<hbm>>
      tpu.wait_dma2 semaphore(%run_scoped3A : memref<!tpu.dma_semaphore, #tpu.memory_space<semaphore_mem>>) src(%dma_wait3A_3002 : memref<1024xi32, #tpu.memory_space<hbm>>) dst(%arg8 : memref<1024xi32, #tpu.memory_space<vmem>>)
      tpu.yield
    }) : () -> ()
    %mul3A_35 = arith.constant 16 : i32
    %mul3A_36 = arith.muli %select_n3A, %mul3A_35 : i32
    %add3A_37 = arith.addi %mul3A_36, %mul3A_32 : i32
    %add3A_38 = arith.constant 0 : i32
    %add3A_39 = arith.addi %add3A_37, %add3A_38 : i32
    %mul3A_40 = arith.constant 32128 : i32
    %mul3A_41 = arith.muli %add3A_39, %mul3A_40 : i32
    %mul3A_42 = arith.constant 1024 : i32
    %mul3A_43 = arith.muli %add3A_39, %mul3A_42 : i32
    %dma_start3A = arith.constant 0 : i32
    %dma_start3A_44 = arith.constant 0 : i32
    %dma_start3A_45 = arith.constant 0 : i32
    %dma_start3A_46 = tpu.memref_slice %arg6[%dma_start3A, %dma_start3A_45] : memref<2x32136xf32, #tpu.memory_space<vmem>> -> memref<1x32128xf32, #tpu.memory_space<vmem>>
    %dma_start3A_47 = tpu.memref_squeeze %dma_start3A_46 : memref<1x32128xf32, #tpu.memory_space<vmem>> -> memref<32128xf32, #tpu.memory_space<vmem>>
    %dma_start3A_48 = tpu.memref_slice %arg2[%mul3A_41] : memref<4112384xf32, #tpu.memory_space<hbm>> -> memref<32128xf32, #tpu.memory_space<hbm>>
    %dma_start3A_49 = tpu.memref_slice %arg9[%dma_start3A_44] : memref<2x!tpu.dma_semaphore, #tpu.memory_space<semaphore_mem>> -> memref<1x!tpu.dma_semaphore, #tpu.memory_space<semaphore_mem>>
    %dma_start3A_50 = tpu.memref_squeeze %dma_start3A_49 : memref<1x!tpu.dma_semaphore, #tpu.memory_space<semaphore_mem>> -> memref<!tpu.dma_semaphore, #tpu.memory_space<semaphore_mem>>
    %dma_start3A_51 = arith.constant 0 : i32
    %dma_start3A_52 = tpu.memref_slice %arg6[%dma_start3A, %dma_start3A_51] : memref<2x32136xf32, #tpu.memory_space<vmem>> -> memref<1x32128xf32, #tpu.memory_space<vmem>>
    %dma_start3A_53 = tpu.memref_squeeze %dma_start3A_52 : memref<1x32128xf32, #tpu.memory_space<vmem>> -> memref<32128xf32, #tpu.memory_space<vmem>>
    %dma_start3A_54 = tpu.memref_slice %arg2[%mul3A_41] : memref<4112384xf32, #tpu.memory_space<hbm>> -> memref<32128xf32, #tpu.memory_space<hbm>>
    tpu.enqueue_dma source(%dma_start3A_54 : memref<32128xf32, #tpu.memory_space<hbm>>) target(%dma_start3A_53 : memref<32128xf32, #tpu.memory_space<vmem>>) target_semaphore(%dma_start3A_50 : memref<!tpu.dma_semaphore, #tpu.memory_space<semaphore_mem>>)
    %dma_start3A_55 = arith.constant 0 : i32
    %dma_start3A_56 = arith.constant 0 : i32
    %dma_start3A_57 = arith.constant 0 : i32
    %dma_start3A_58 = tpu.memref_slice %arg7[%dma_start3A_55, %dma_start3A_57] : memref<2x1024xf32, #tpu.memory_space<vmem>> -> memref<1x1024xf32, #tpu.memory_space<vmem>>
    %dma_start3A_59 = tpu.memref_squeeze %dma_start3A_58 : memref<1x1024xf32, #tpu.memory_space<vmem>> -> memref<1024xf32, #tpu.memory_space<vmem>>
    %dma_start3A_60 = tpu.memref_slice %arg3[%mul3A_43] : memref<131072xf32, #tpu.memory_space<hbm>> -> memref<1024xf32, #tpu.memory_space<hbm>>
    %dma_start3A_61 = tpu.memref_slice %arg9[%dma_start3A_56] : memref<2x!tpu.dma_semaphore, #tpu.memory_space<semaphore_mem>> -> memref<1x!tpu.dma_semaphore, #tpu.memory_space<semaphore_mem>>
    %dma_start3A_62 = tpu.memref_squeeze %dma_start3A_61 : memref<1x!tpu.dma_semaphore, #tpu.memory_space<semaphore_mem>> -> memref<!tpu.dma_semaphore, #tpu.memory_space<semaphore_mem>>
    %dma_start3A_63 = arith.constant 0 : i32
    %dma_start3A_64 = tpu.memref_slice %arg7[%dma_start3A_55, %dma_start3A_63] : memref<2x1024xf32, #tpu.memory_space<vmem>> -> memref<1x1024xf32, #tpu.memory_space<vmem>>
    %dma_start3A_65 = tpu.memref_squeeze %dma_start3A_64 : memref<1x1024xf32, #tpu.memory_space<vmem>> -> memref<1024xf32, #tpu.memory_space<vmem>>
    %dma_start3A_66 = tpu.memref_slice %arg3[%mul3A_43] : memref<131072xf32, #tpu.memory_space<hbm>> -> memref<1024xf32, #tpu.memory_space<hbm>>
    tpu.enqueue_dma source(%dma_start3A_66 : memref<1024xf32, #tpu.memory_space<hbm>>) target(%dma_start3A_65 : memref<1024xf32, #tpu.memory_space<vmem>>) target_semaphore(%dma_start3A_62 : memref<!tpu.dma_semaphore, #tpu.memory_space<semaphore_mem>>)
    %mul3A_67 = arith.constant 16 : i32
    %mul3A_68 = arith.muli %select_n3A, %mul3A_67 : i32
    %add3A_69 = arith.addi %mul3A_68, %mul3A_32 : i32
    %add3A_70 = arith.constant 1 : i32
    %add3A_71 = arith.addi %add3A_69, %add3A_70 : i32
    %mul3A_72 = arith.constant 32128 : i32
    %mul3A_73 = arith.muli %add3A_71, %mul3A_72 : i32
    %mul3A_74 = arith.constant 1024 : i32
    %mul3A_75 = arith.muli %add3A_71, %mul3A_74 : i32
    %dma_start3A_76 = arith.constant 1 : i32
    %dma_start3A_77 = arith.constant 1 : i32
    %dma_start3A_78 = arith.constant 0 : i32
    %dma_start3A_79 = tpu.memref_slice %arg6[%dma_start3A_76, %dma_start3A_78] : memref<2x32136xf32, #tpu.memory_space<vmem>> -> memref<1x32128xf32, #tpu.memory_space<vmem>>
    %dma_start3A_80 = tpu.memref_squeeze %dma_start3A_79 : memref<1x32128xf32, #tpu.memory_space<vmem>> -> memref<32128xf32, #tpu.memory_space<vmem>>
    %dma_start3A_81 = tpu.memref_slice %arg2[%mul3A_73] : memref<4112384xf32, #tpu.memory_space<hbm>> -> memref<32128xf32, #tpu.memory_space<hbm>>
    %dma_start3A_82 = tpu.memref_slice %arg9[%dma_start3A_77] : memref<2x!tpu.dma_semaphore, #tpu.memory_space<semaphore_mem>> -> memref<1x!tpu.dma_semaphore, #tpu.memory_space<semaphore_mem>>
    %dma_start3A_83 = tpu.memref_squeeze %dma_start3A_82 : memref<1x!tpu.dma_semaphore, #tpu.memory_space<semaphore_mem>> -> memref<!tpu.dma_semaphore, #tpu.memory_space<semaphore_mem>>
    %dma_start3A_84 = arith.constant 0 : i32
    %dma_start3A_85 = tpu.memref_slice %arg6[%dma_start3A_76, %dma_start3A_84] : memref<2x32136xf32, #tpu.memory_space<vmem>> -> memref<1x32128xf32, #tpu.memory_space<vmem>>
    %dma_start3A_86 = tpu.memref_squeeze %dma_start3A_85 : memref<1x32128xf32, #tpu.memory_space<vmem>> -> memref<32128xf32, #tpu.memory_space<vmem>>
    %dma_start3A_87 = tpu.memref_slice %arg2[%mul3A_73] : memref<4112384xf32, #tpu.memory_space<hbm>> -> memref<32128xf32, #tpu.memory_space<hbm>>
    tpu.enqueue_dma source(%dma_start3A_87 : memref<32128xf32, #tpu.memory_space<hbm>>) target(%dma_start3A_86 : memref<32128xf32, #tpu.memory_space<vmem>>) target_semaphore(%dma_start3A_83 : memref<!tpu.dma_semaphore, #tpu.memory_space<semaphore_mem>>)
    %dma_start3A_88 = arith.constant 1 : i32
    %dma_start3A_89 = arith.constant 1 : i32
    %dma_start3A_90 = arith.constant 0 : i32
    %dma_start3A_91 = tpu.memref_slice %arg7[%dma_start3A_88, %dma_start3A_90] : memref<2x1024xf32, #tpu.memory_space<vmem>> -> memref<1x1024xf32, #tpu.memory_space<vmem>>
    %dma_start3A_92 = tpu.memref_squeeze %dma_start3A_91 : memref<1x1024xf32, #tpu.memory_space<vmem>> -> memref<1024xf32, #tpu.memory_space<vmem>>
    %dma_start3A_93 = tpu.memref_slice %arg3[%mul3A_75] : memref<131072xf32, #tpu.memory_space<hbm>> -> memref<1024xf32, #tpu.memory_space<hbm>>
    %dma_start3A_94 = tpu.memref_slice %arg9[%dma_start3A_89] : memref<2x!tpu.dma_semaphore, #tpu.memory_space<semaphore_mem>> -> memref<1x!tpu.dma_semaphore, #tpu.memory_space<semaphore_mem>>
    %dma_start3A_95 = tpu.memref_squeeze %dma_start3A_94 : memref<1x!tpu.dma_semaphore, #tpu.memory_space<semaphore_mem>> -> memref<!tpu.dma_semaphore, #tpu.memory_space<semaphore_mem>>
    %dma_start3A_96 = arith.constant 0 : i32
    %dma_start3A_97 = tpu.memref_slice %arg7[%dma_start3A_88, %dma_start3A_96] : memref<2x1024xf32, #tpu.memory_space<vmem>> -> memref<1x1024xf32, #tpu.memory_space<vmem>>
    %dma_start3A_98 = tpu.memref_squeeze %dma_start3A_97 : memref<1x1024xf32, #tpu.memory_space<vmem>> -> memref<1024xf32, #tpu.memory_space<vmem>>
    %dma_start3A_99 = tpu.memref_slice %arg3[%mul3A_75] : memref<131072xf32, #tpu.memory_space<hbm>> -> memref<1024xf32, #tpu.memory_space<hbm>>
    tpu.enqueue_dma source(%dma_start3A_99 : memref<1024xf32, #tpu.memory_space<hbm>>) target(%dma_start3A_98 : memref<1024xf32, #tpu.memory_space<vmem>>) target_semaphore(%dma_start3A_95 : memref<!tpu.dma_semaphore, #tpu.memory_space<semaphore_mem>>)
    %mul3A_100 = arith.constant 16 : i32
    %mul3A_101 = arith.muli %select_n3A, %mul3A_100 : i32
    %add3A_102 = arith.addi %mul3A_101, %mul3A_32 : i32
    %add3A_103 = arith.constant 0 : i32
    %add3A_104 = arith.addi %add3A_102, %add3A_103 : i32
    %mul3A_105 = arith.constant 32128 : i32
    %mul3A_106 = arith.muli %add3A_104, %mul3A_105 : i32
    %mul3A_107 = arith.constant 1024 : i32
    %mul3A_108 = arith.muli %add3A_104, %mul3A_107 : i32
    %dma_wait3A = arith.constant 0 : i32
    %dma_wait3A_109 = arith.constant 0 : i32
    %dma_wait3A_110 = arith.constant 0 : i32
    %dma_wait3A_111 = tpu.memref_slice %arg6[%dma_wait3A, %dma_wait3A_110] : memref<2x32136xf32, #tpu.memory_space<vmem>> -> memref<1x32128xf32, #tpu.memory_space<vmem>>
    %dma_wait3A_112 = tpu.memref_squeeze %dma_wait3A_111 : memref<1x32128xf32, #tpu.memory_space<vmem>> -> memref<32128xf32, #tpu.memory_space<vmem>>
    %dma_wait3A_113 = tpu.memref_slice %arg2[%mul3A_106] : memref<4112384xf32, #tpu.memory_space<hbm>> -> memref<32128xf32, #tpu.memory_space<hbm>>
    %dma_wait3A_114 = tpu.memref_slice %arg9[%dma_wait3A_109] : memref<2x!tpu.dma_semaphore, #tpu.memory_space<semaphore_mem>> -> memref<1x!tpu.dma_semaphore, #tpu.memory_space<semaphore_mem>>
    %dma_wait3A_115 = tpu.memref_squeeze %dma_wait3A_114 : memref<1x!tpu.dma_semaphore, #tpu.memory_space<semaphore_mem>> -> memref<!tpu.dma_semaphore, #tpu.memory_space<semaphore_mem>>
    %dma_wait3A_116 = arith.constant 0 : i32
    %dma_wait3A_117 = tpu.memref_slice %arg6[%dma_wait3A, %dma_wait3A_116] : memref<2x32136xf32, #tpu.memory_space<vmem>> -> memref<1x32128xf32, #tpu.memory_space<vmem>>
    %dma_wait3A_118 = tpu.memref_squeeze %dma_wait3A_117 : memref<1x32128xf32, #tpu.memory_space<vmem>> -> memref<32128xf32, #tpu.memory_space<vmem>>
    %dma_wait3A_119 = tpu.memref_slice %arg2[%mul3A_106] : memref<4112384xf32, #tpu.memory_space<hbm>> -> memref<32128xf32, #tpu.memory_space<hbm>>
    tpu.wait_dma2 semaphore(%dma_wait3A_115 : memref<!tpu.dma_semaphore, #tpu.memory_space<semaphore_mem>>) src(%dma_wait3A_119 : memref<32128xf32, #tpu.memory_space<hbm>>) dst(%dma_wait3A_118 : memref<32128xf32, #tpu.memory_space<vmem>>)
    %dma_wait3A_120 = arith.constant 0 : i32
    %dma_wait3A_121 = arith.constant 0 : i32
    %dma_wait3A_122 = arith.constant 0 : i32
    %dma_wait3A_123 = tpu.memref_slice %arg7[%dma_wait3A_120, %dma_wait3A_122] : memref<2x1024xf32, #tpu.memory_space<vmem>> -> memref<1x1024xf32, #tpu.memory_space<vmem>>
    %dma_wait3A_124 = tpu.memref_squeeze %dma_wait3A_123 : memref<1x1024xf32, #tpu.memory_space<vmem>> -> memref<1024xf32, #tpu.memory_space<vmem>>
    %dma_wait3A_125 = tpu.memref_slice %arg3[%mul3A_108] : memref<131072xf32, #tpu.memory_space<hbm>> -> memref<1024xf32, #tpu.memory_space<hbm>>
    %dma_wait3A_126 = tpu.memref_slice %arg9[%dma_wait3A_121] : memref<2x!tpu.dma_semaphore, #tpu.memory_space<semaphore_mem>> -> memref<1x!tpu.dma_semaphore, #tpu.memory_space<semaphore_mem>>
    %dma_wait3A_127 = tpu.memref_squeeze %dma_wait3A_126 : memref<1x!tpu.dma_semaphore, #tpu.memory_space<semaphore_mem>> -> memref<!tpu.dma_semaphore, #tpu.memory_space<semaphore_mem>>
    %dma_wait3A_128 = arith.constant 0 : i32
    %dma_wait3A_129 = tpu.memref_slice %arg7[%dma_wait3A_120, %dma_wait3A_128] : memref<2x1024xf32, #tpu.memory_space<vmem>> -> memref<1x1024xf32, #tpu.memory_space<vmem>>
    %dma_wait3A_130 = tpu.memref_squeeze %dma_wait3A_129 : memref<1x1024xf32, #tpu.memory_space<vmem>> -> memref<1024xf32, #tpu.memory_space<vmem>>
    %dma_wait3A_131 = tpu.memref_slice %arg3[%mul3A_108] : memref<131072xf32, #tpu.memory_space<hbm>> -> memref<1024xf32, #tpu.memory_space<hbm>>
    tpu.wait_dma2 semaphore(%dma_wait3A_127 : memref<!tpu.dma_semaphore, #tpu.memory_space<semaphore_mem>>) src(%dma_wait3A_131 : memref<1024xf32, #tpu.memory_space<hbm>>) dst(%dma_wait3A_130 : memref<1024xf32, #tpu.memory_space<vmem>>)
    %get3A = arith.constant 0 : index
    %get3A_132 = tpu.vector_load %arg8[%get3A] {strides = array<i32>} : memref<1024xi32, #tpu.memory_space<vmem>>, vector<16xi32>,
    %get3A_133 = arith.constant 0 : i32
    %get3A_134 = arith.index_cast %get3A_133 : i32 to index
    %get3A_135 = arith.constant 0 : index
    %get3A_136 = tpu.vector_load %arg7[%get3A_134, %get3A_135] {strides = array<i32>} : memref<2x1024xf32, #tpu.memory_space<vmem>>, vector<16xf32>,
    %scatter3A = arith.constant 0 : i32
    %scatter3A_137 = arith.constant 0 : i32
    %scatter3A_138 = tpu.memref_slice %arg6[%scatter3A, %scatter3A_137] : memref<2x32136xf32, #tpu.memory_space<vmem>> -> memref<1x32136xf32, #tpu.memory_space<vmem>>
    %scatter3A_139 = tpu.memref_squeeze %scatter3A_138 : memref<1x32136xf32, #tpu.memory_space<vmem>> -> memref<32136xf32, #tpu.memory_space<vmem>>
    tpu.vector_store_idx %scatter3A_139[%get3A_132], %get3A_136 {add = true} : memref<32136xf32, #tpu.memory_space<vmem>>[vector<16xi32>], vector<16xf32>,
    %get3A_140 = arith.constant 16 : index
    %get3A_141 = tpu.vector_load %arg8[%get3A_140] {strides = array<i32>} : memref<1024xi32, #tpu.memory_space<vmem>>, vector<16xi32>,
    %get3A_142 = arith.constant 0 : i32
    %get3A_143 = arith.index_cast %get3A_142 : i32 to index
    %get3A_144 = arith.constant 16 : index
    %get3A_145 = tpu.vector_load %arg7[%get3A_143, %get3A_144] {strides = array<i32>} : memref<2x1024xf32, #tpu.memory_space<vmem>>, vector<16xf32>,
    %scatter3A_146 = arith.constant 0 : i32
    %scatter3A_147 = arith.constant 0 : i32
    %scatter3A_148 = tpu.memref_slice %arg6[%scatter3A_146, %scatter3A_147] : memref<2x32136xf32, #tpu.memory_space<vmem>> -> memref<1x32136xf32, #tpu.memory_space<vmem>>
    %scatter3A_149 = tpu.memref_squeeze %scatter3A_148 : memref<1x32136xf32, #tpu.memory_space<vmem>> -> memref<32136xf32, #tpu.memory_space<vmem>>
    tpu.vector_store_idx %scatter3A_149[%get3A_141], %get3A_145 {add = true} : memref<32136xf32, #tpu.memory_space<vmem>>[vector<16xi32>], vector<16xf32>,
    %get3A_150 = arith.constant 32 : index
    %get3A_151 = tpu.vector_load %arg8[%get3A_150] {strides = array<i32>} : memref<1024xi32, #tpu.memory_space<vmem>>, vector<16xi32>,
    %get3A_152 = arith.constant 0 : i32
    %get3A_153 = arith.index_cast %get3A_152 : i32 to index
    %get3A_154 = arith.constant 32 : index
    %get3A_155 = tpu.vector_load %arg7[%get3A_153, %get3A_154] {strides = array<i32>} : memref<2x1024xf32, #tpu.memory_space<vmem>>, vector<16xf32>,
    %scatter3A_156 = arith.constant 0 : i32
    %scatter3A_157 = arith.constant 0 : i32
    %scatter3A_158 = tpu.memref_slice %arg6[%scatter3A_156, %scatter3A_157] : memref<2x32136xf32, #tpu.memory_space<vmem>> -> memref<1x32136xf32, #tpu.memory_space<vmem>>
    %scatter3A_159 = tpu.memref_squeeze %scatter3A_158 : memref<1x32136xf32, #tpu.memory_space<vmem>> -> memref<32136xf32, #tpu.memory_space<vmem>>
    tpu.vector_store_idx %scatter3A_159[%get3A_151], %get3A_155 {add = true} : memref<32136xf32, #tpu.memory_space<vmem>>[vector<16xi32>], vector<16xf32>,
    %get3A_160 = arith.constant 48 : index
    %get3A_161 = tpu.vector_load %arg8[%get3A_160] {strides = array<i32>} : memref<1024xi32, #tpu.memory_space<vmem>>, vector<16xi32>,
    %get3A_162 = arith.constant 0 : i32
    %get3A_163 = arith.index_cast %get3A_162 : i32 to index
    %get3A_164 = arith.constant 48 : index
    %get3A_165 = tpu.vector_load %arg7[%get3A_163, %get3A_164] {strides = array<i32>} : memref<2x1024xf32, #tpu.memory_space<vmem>>, vector<16xf32>,
    %scatter3A_166 = arith.constant 0 : i32
    %scatter3A_167 = arith.constant 0 : i32
    %scatter3A_168 = tpu.memref_slice %arg6[%scatter3A_166, %scatter3A_167] : memref<2x32136xf32, #tpu.memory_space<vmem>> -> memref<1x32136xf32, #tpu.memory_space<vmem>>
    %scatter3A_169 = tpu.memref_squeeze %scatter3A_168 : memref<1x32136xf32, #tpu.memory_space<vmem>> -> memref<32136xf32, #tpu.memory_space<vmem>>
    tpu.vector_store_idx %scatter3A_169[%get3A_161], %get3A_165 {add = true} : memref<32136xf32, #tpu.memory_space<vmem>>[vector<16xi32>], vector<16xf32>,
    %get3A_170 = arith.constant 64 : index
    %get3A_171 = tpu.vector_load %arg8[%get3A_170] {strides = array<i32>} : memref<1024xi32, #tpu.memory_space<vmem>>, vector<16xi32>,
    %get3A_172 = arith.constant 0 : i32
    %get3A_173 = arith.index_cast %get3A_172 : i32 to index
    %get3A_174 = arith.constant 64 : index
    %get3A_175 = tpu.vector_load %arg7[%get3A_173, %get3A_174] {strides = array<i32>} : memref<2x1024xf32, #tpu.memory_space<vmem>>, vector<16xf32>,
    %scatter3A_176 = arith.constant 0 : i32
    %scatter3A_177 = arith.constant 0 : i32
    %scatter3A_178 = tpu.memref_slice %arg6[%scatter3A_176, %scatter3A_177] : memref<2x32136xf32, #tpu.memory_space<vmem>> -> memref<1x32136xf32, #tpu.memory_space<vmem>>
    %scatter3A_179 = tpu.memref_squeeze %scatter3A_178 : memref<1x32136xf32, #tpu.memory_space<vmem>> -> memref<32136xf32, #tpu.memory_space<vmem>>
    tpu.vector_store_idx %scatter3A_179[%get3A_171], %get3A_175 {add = true} : memref<32136xf32, #tpu.memory_space<vmem>>[vector<16xi32>], vector<16xf32>,
    %get3A_180 = arith.constant 80 : index
    %get3A_181 = tpu.vector_load %arg8[%get3A_180] {strides = array<i32>} : memref<1024xi32, #tpu.memory_space<vmem>>, vector<16xi32>,
    %get3A_182 = arith.constant 0 : i32
    %get3A_183 = arith.index_cast %get3A_182 : i32 to index
    %get3A_184 = arith.constant 80 : index
    %get3A_185 = tpu.vector_load %arg7[%get3A_183, %get3A_184] {strides = array<i32>} : memref<2x1024xf32, #tpu.memory_space<vmem>>, vector<16xf32>,
    %scatter3A_186 = arith.constant 0 : i32
    %scatter3A_187 = arith.constant 0 : i32
    %scatter3A_188 = tpu.memref_slice %arg6[%scatter3A_186, %scatter3A_187] : memref<2x32136xf32, #tpu.memory_space<vmem>> -> memref<1x32136xf32, #tpu.memory_space<vmem>>
    %scatter3A_189 = tpu.memref_squeeze %scatter3A_188 : memref<1x32136xf32, #tpu.memory_space<vmem>> -> memref<32136xf32, #tpu.memory_space<vmem>>
    tpu.vector_store_idx %scatter3A_189[%get3A_181], %get3A_185 {add = true} : memref<32136xf32, #tpu.memory_space<vmem>>[vector<16xi32>], vector<16xf32>,
    %get3A_190 = arith.constant 96 : index
    %get3A_191 = tpu.vector_load %arg8[%get3A_190] {strides = array<i32>} : memref<1024xi32, #tpu.memory_space<vmem>>, vector<16xi32>,
    %get3A_192 = arith.constant 0 : i32
    %get3A_193 = arith.index_cast %get3A_192 : i32 to index
    %get3A_194 = arith.constant 96 : index
    %get3A_195 = tpu.vector_load %arg7[%get3A_193, %get3A_194] {strides = array<i32>} : memref<2x1024xf32, #tpu.memory_space<vmem>>, vector<16xf32>,
    %scatter3A_196 = arith.constant 0 : i32
    %scatter3A_197 = arith.constant 0 : i32
    %scatter3A_198 = tpu.memref_slice %arg6[%scatter3A_196, %scatter3A_197] : memref<2x32136xf32, #tpu.memory_space<vmem>> -> memref<1x32136xf32, #tpu.memory_space<vmem>>
    %scatter3A_199 = tpu.memref_squeeze %scatter3A_198 : memref<1x32136xf32, #tpu.memory_space<vmem>> -> memref<32136xf32, #tpu.memory_space<vmem>>
    tpu.vector_store_idx %scatter3A_199[%get3A_191], %get3A_195 {add = true} : memref<32136xf32, #tpu.memory_space<vmem>>[vector<16xi32>], vector<16xf32>,
    %get3A_200 = arith.constant 112 : index
    %get3A_201 = tpu.vector_load %arg8[%get3A_200] {strides = array<i32>} : memref<1024xi32, #tpu.memory_space<vmem>>, vector<16xi32>,
    %get3A_202 = arith.constant 0 : i32
    %get3A_203 = arith.index_cast %get3A_202 : i32 to index
    %get3A_204 = arith.constant 112 : index
    %get3A_205 = tpu.vector_load %arg7[%get3A_203, %get3A_204] {strides = array<i32>} : memref<2x1024xf32, #tpu.memory_space<vmem>>, vector<16xf32>,
    %scatter3A_206 = arith.constant 0 : i32
    %scatter3A_207 = arith.constant 0 : i32
    %scatter3A_208 = tpu.memref_slice %arg6[%scatter3A_206, %scatter3A_207] : memref<2x32136xf32, #tpu.memory_space<vmem>> -> memref<1x32136xf32, #tpu.memory_space<vmem>>
    %scatter3A_209 = tpu.memref_squeeze %scatter3A_208 : memref<1x32136xf32, #tpu.memory_space<vmem>> -> memref<32136xf32, #tpu.memory_space<vmem>>
    tpu.vector_store_idx %scatter3A_209[%get3A_201], %get3A_205 {add = true} : memref<32136xf32, #tpu.memory_space<vmem>>[vector<16xi32>], vector<16xf32>,
    %get3A_210 = arith.constant 128 : index
    %get3A_211 = tpu.vector_load %arg8[%get3A_210] {strides = array<i32>} : memref<1024xi32, #tpu.memory_space<vmem>>, vector<16xi32>,
    %get3A_212 = arith.constant 0 : i32
    %get3A_213 = arith.index_cast %get3A_212 : i32 to index
    %get3A_214 = arith.constant 128 : index
    %get3A_215 = tpu.vector_load %arg7[%get3A_213, %get3A_214] {strides = array<i32>} : memref<2x1024xf32, #tpu.memory_space<vmem>>, vector<16xf32>,
    %scatter3A_216 = arith.constant 0 : i32
    %scatter3A_217 = arith.constant 0 : i32
    %scatter3A_218 = tpu.memref_slice %arg6[%scatter3A_216, %scatter3A_217] : memref<2x32136xf32, #tpu.memory_space<vmem>> -> memref<1x32136xf32, #tpu.memory_space<vmem>>
    %scatter3A_219 = tpu.memref_squeeze %scatter3A_218 : memref<1x32136xf32, #tpu.memory_space<vmem>> -> memref<32136xf32, #tpu.memory_space<vmem>>
    tpu.vector_store_idx %scatter3A_219[%get3A_211], %get3A_215 {add = true} : memref<32136xf32, #tpu.memory_space<vmem>>[vector<16xi32>], vector<16xf32>,
    %get3A_220 = arith.constant 144 : index
    %get3A_221 = tpu.vector_load %arg8[%get3A_220] {strides = array<i32>} : memref<1024xi32, #tpu.memory_space<vmem>>, vector<16xi32>,
    %get3A_222 = arith.constant 0 : i32
    %get3A_223 = arith.index_cast %get3A_222 : i32 to index
    %get3A_224 = arith.constant 144 : index
    %get3A_225 = tpu.vector_load %arg7[%get3A_223, %get3A_224] {strides = array<i32>} : memref<2x1024xf32, #tpu.memory_space<vmem>>, vector<16xf32>,
    %scatter3A_226 = arith.constant 0 : i32
    %scatter3A_227 = arith.constant 0 : i32
    %scatter3A_228 = tpu.memref_slice %arg6[%scatter3A_226, %scatter3A_227] : memref<2x32136xf32, #tpu.memory_space<vmem>> -> memref<1x32136xf32, #tpu.memory_space<vmem>>
    %scatter3A_229 = tpu.memref_squeeze %scatter3A_228 : memref<1x32136xf32, #tpu.memory_space<vmem>> -> memref<32136xf32, #tpu.memory_space<vmem>>
    tpu.vector_store_idx %scatter3A_229[%get3A_221], %get3A_225 {add = true} : memref<32136xf32, #tpu.memory_space<vmem>>[vector<16xi32>], vector<16xf32>,
    %get3A_230 = arith.constant 160 : index
    %get3A_231 = tpu.vector_load %arg8[%get3A_230] {strides = array<i32>} : memref<1024xi32, #tpu.memory_space<vmem>>, vector<16xi32>,
    %get3A_232 = arith.constant 0 : i32
    %get3A_233 = arith.index_cast %get3A_232 : i32 to index
    %get3A_234 = arith.constant 160 : index
    %get3A_235 = tpu.vector_load %arg7[%get3A_233, %get3A_234] {strides = array<i32>} : memref<2x1024xf32, #tpu.memory_space<vmem>>, vector<16xf32>,
    %scatter3A_236 = arith.constant 0 : i32
    %scatter3A_237 = arith.constant 0 : i32
    %scatter3A_238 = tpu.memref_slice %arg6[%scatter3A_236, %scatter3A_237] : memref<2x32136xf32, #tpu.memory_space<vmem>> -> memref<1x32136xf32, #tpu.memory_space<vmem>>
    %scatter3A_239 = tpu.memref_squeeze %scatter3A_238 : memref<1x32136xf32, #tpu.memory_space<vmem>> -> memref<32136xf32, #tpu.memory_space<vmem>>
    tpu.vector_store_idx %scatter3A_239[%get3A_231], %get3A_235 {add = true} : memref<32136xf32, #tpu.memory_space<vmem>>[vector<16xi32>], vector<16xf32>,
    %get3A_240 = arith.constant 176 : index
    %get3A_241 = tpu.vector_load %arg8[%get3A_240] {strides = array<i32>} : memref<1024xi32, #tpu.memory_space<vmem>>, vector<16xi32>,
    %get3A_242 = arith.constant 0 : i32
    %get3A_243 = arith.index_cast %get3A_242 : i32 to index
    %get3A_244 = arith.constant 176 : index
    %get3A_245 = tpu.vector_load %arg7[%get3A_243, %get3A_244] {strides = array<i32>} : memref<2x1024xf32, #tpu.memory_space<vmem>>, vector<16xf32>,
    %scatter3A_246 = arith.constant 0 : i32
    %scatter3A_247 = arith.constant 0 : i32
    %scatter3A_248 = tpu.memref_slice %arg6[%scatter3A_246, %scatter3A_247] : memref<2x32136xf32, #tpu.memory_space<vmem>> -> memref<1x32136xf32, #tpu.memory_space<vmem>>
    %scatter3A_249 = tpu.memref_squeeze %scatter3A_248 : memref<1x32136xf32, #tpu.memory_space<vmem>> -> memref<32136xf32, #tpu.memory_space<vmem>>
    tpu.vector_store_idx %scatter3A_249[%get3A_241], %get3A_245 {add = true} : memref<32136xf32, #tpu.memory_space<vmem>>[vector<16xi32>], vector<16xf32>,
    %get3A_250 = arith.constant 192 : index
    %get3A_251 = tpu.vector_load %arg8[%get3A_250] {strides = array<i32>} : memref<1024xi32, #tpu.memory_space<vmem>>, vector<16xi32>,
    %get3A_252 = arith.constant 0 : i32
    %get3A_253 = arith.index_cast %get3A_252 : i32 to index
    %get3A_254 = arith.constant 192 : index
    %get3A_255 = tpu.vector_load %arg7[%get3A_253, %get3A_254] {strides = array<i32>} : memref<2x1024xf32, #tpu.memory_space<vmem>>, vector<16xf32>,
    %scatter3A_256 = arith.constant 0 : i32
    %scatter3A_257 = arith.constant 0 : i32
    %scatter3A_258 = tpu.memref_slice %arg6[%scatter3A_256, %scatter3A_257] : memref<2x32136xf32, #tpu.memory_space<vmem>> -> memref<1x32136xf32, #tpu.memory_space<vmem>>
    %scatter3A_259 = tpu.memref_squeeze %scatter3A_258 : memref<1x32136xf32, #tpu.memory_space<vmem>> -> memref<32136xf32, #tpu.memory_space<vmem>>
    tpu.vector_store_idx %scatter3A_259[%get3A_251], %get3A_255 {add = true} : memref<32136xf32, #tpu.memory_space<vmem>>[vector<16xi32>], vector<16xf32>,
    %get3A_260 = arith.constant 208 : index
    %get3A_261 = tpu.vector_load %arg8[%get3A_260] {strides = array<i32>} : memref<1024xi32, #tpu.memory_space<vmem>>, vector<16xi32>,
    %get3A_262 = arith.constant 0 : i32
    %get3A_263 = arith.index_cast %get3A_262 : i32 to index
    %get3A_264 = arith.constant 208 : index
    %get3A_265 = tpu.vector_load %arg7[%get3A_263, %get3A_264] {strides = array<i32>} : memref<2x1024xf32, #tpu.memory_space<vmem>>, vector<16xf32>,
    %scatter3A_266 = arith.constant 0 : i32
    %scatter3A_267 = arith.constant 0 : i32
    %scatter3A_268 = tpu.memref_slice %arg6[%scatter3A_266, %scatter3A_267] : memref<2x32136xf32, #tpu.memory_space<vmem>> -> memref<1x32136xf32, #tpu.memory_space<vmem>>
    %scatter3A_269 = tpu.memref_squeeze %scatter3A_268 : memref<1x32136xf32, #tpu.memory_space<vmem>> -> memref<32136xf32, #tpu.memory_space<vmem>>
    tpu.vector_store_idx %scatter3A_269[%get3A_261], %get3A_265 {add = true} : memref<32136xf32, #tpu.memory_space<vmem>>[vector<16xi32>], vector<16xf32>,
    %get3A_270 = arith.constant 224 : index
    %get3A_271 = tpu.vector_load %arg8[%get3A_270] {strides = array<i32>} : memref<1024xi32, #tpu.memory_space<vmem>>, vector<16xi32>,
    %get3A_272 = arith.constant 0 : i32
    %get3A_273 = arith.index_cast %get3A_272 : i32 to index
    %get3A_274 = arith.constant 224 : index
    %get3A_275 = tpu.vector_load %arg7[%get3A_273, %get3A_274] {strides = array<i32>} : memref<2x1024xf32, #tpu.memory_space<vmem>>, vector<16xf32>,
    %scatter3A_276 = arith.constant 0 : i32
    %scatter3A_277 = arith.constant 0 : i32
    %scatter3A_278 = tpu.memref_slice %arg6[%scatter3A_276, %scatter3A_277] : memref<2x32136xf32, #tpu.memory_space<vmem>> -> memref<1x32136xf32, #tpu.memory_space<vmem>>
    %scatter3A_279 = tpu.memref_squeeze %scatter3A_278 : memref<1x32136xf32, #tpu.memory_space<vmem>> -> memref<32136xf32, #tpu.memory_space<vmem>>
    tpu.vector_store_idx %scatter3A_279[%get3A_271], %get3A_275 {add = true} : memref<32136xf32, #tpu.memory_space<vmem>>[vector<16xi32>], vector<16xf32>,
    %get3A_280 = arith.constant 240 : index
    %get3A_281 = tpu.vector_load %arg8[%get3A_280] {strides = array<i32>} : memref<1024xi32, #tpu.memory_space<vmem>>, vector<16xi32>,
    %get3A_282 = arith.constant 0 : i32
    %get3A_283 = arith.index_cast %get3A_282 : i32 to index
    %get3A_284 = arith.constant 240 : index
    %get3A_285 = tpu.vector_load %arg7[%get3A_283, %get3A_284] {strides = array<i32>} : memref<2x1024xf32, #tpu.memory_space<vmem>>, vector<16xf32>,
    %scatter3A_286 = arith.constant 0 : i32
    %scatter3A_287 = arith.constant 0 : i32
    %scatter3A_288 = tpu.memref_slice %arg6[%scatter3A_286, %scatter3A_287] : memref<2x32136xf32, #tpu.memory_space<vmem>> -> memref<1x32136xf32, #tpu.memory_space<vmem>>
    %scatter3A_289 = tpu.memref_squeeze %scatter3A_288 : memref<1x32136xf32, #tpu.memory_space<vmem>> -> memref<32136xf32, #tpu.memory_space<vmem>>
    tpu.vector_store_idx %scatter3A_289[%get3A_281], %get3A_285 {add = true} : memref<32136xf32, #tpu.memory_space<vmem>>[vector<16xi32>], vector<16xf32>,
    %get3A_290 = arith.constant 256 : index
    %get3A_291 = tpu.vector_load %arg8[%get3A_290] {strides = array<i32>} : memref<1024xi32, #tpu.memory_space<vmem>>, vector<16xi32>,
    %get3A_292 = arith.constant 0 : i32
    %get3A_293 = arith.index_cast %get3A_292 : i32 to index
    %get3A_294 = arith.constant 256 : index
    %get3A_295 = tpu.vector_load %arg7[%get3A_293, %get3A_294] {strides = array<i32>} : memref<2x1024xf32, #tpu.memory_space<vmem>>, vector<16xf32>,
    %scatter3A_296 = arith.constant 0 : i32
    %scatter3A_297 = arith.constant 0 : i32
    %scatter3A_298 = tpu.memref_slice %arg6[%scatter3A_296, %scatter3A_297] : memref<2x32136xf32, #tpu.memory_space<vmem>> -> memref<1x32136xf32, #tpu.memory_space<vmem>>
    %scatter3A_299 = tpu.memref_squeeze %scatter3A_298 : memref<1x32136xf32, #tpu.memory_space<vmem>> -> memref<32136xf32, #tpu.memory_space<vmem>>
    tpu.vector_store_idx %scatter3A_299[%get3A_291], %get3A_295 {add = true} : memref<32136xf32, #tpu.memory_space<vmem>>[vector<16xi32>], vector<16xf32>,
    %get3A_300 = arith.constant 272 : index
    %get3A_301 = tpu.vector_load %arg8[%get3A_300] {strides = array<i32>} : memref<1024xi32, #tpu.memory_space<vmem>>, vector<16xi32>,
    %get3A_302 = arith.constant 0 : i32
    %get3A_303 = arith.index_cast %get3A_302 : i32 to index
    %get3A_304 = arith.constant 272 : index
    %get3A_305 = tpu.vector_load %arg7[%get3A_303, %get3A_304] {strides = array<i32>} : memref<2x1024xf32, #tpu.memory_space<vmem>>, vector<16xf32>,
    %scatter3A_306 = arith.constant 0 : i32
    %scatter3A_307 = arith.constant 0 : i32
    %scatter3A_308 = tpu.memref_slice %arg6[%scatter3A_306, %scatter3A_307] : memref<2x32136xf32, #tpu.memory_space<vmem>> -> memref<1x32136xf32, #tpu.memory_space<vmem>>
    %scatter3A_309 = tpu.memref_squeeze %scatter3A_308 : memref<1x32136xf32, #tpu.memory_space<vmem>> -> memref<32136xf32, #tpu.memory_space<vmem>>
    tpu.vector_store_idx %scatter3A_309[%get3A_301], %get3A_305 {add = true} : memref<32136xf32, #tpu.memory_space<vmem>>[vector<16xi32>], vector<16xf32>,
    %get3A_310 = arith.constant 288 : index
    %get3A_311 = tpu.vector_load %arg8[%get3A_310] {strides = array<i32>} : memref<1024xi32, #tpu.memory_space<vmem>>, vector<16xi32>,
    %get3A_312 = arith.constant 0 : i32
    %get3A_313 = arith.index_cast %get3A_312 : i32 to index
    %get3A_314 = arith.constant 288 : index
    %get3A_315 = tpu.vector_load %arg7[%get3A_313, %get3A_314] {strides = array<i32>} : memref<2x1024xf32, #tpu.memory_space<vmem>>, vector<16xf32>,
    %scatter3A_316 = arith.constant 0 : i32
    %scatter3A_317 = arith.constant 0 : i32
    %scatter3A_318 = tpu.memref_slice %arg6[%scatter3A_316, %scatter3A_317] : memref<2x32136xf32, #tpu.memory_space<vmem>> -> memref<1x32136xf32, #tpu.memory_space<vmem>>
    %scatter3A_319 = tpu.memref_squeeze %scatter3A_318 : memref<1x32136xf32, #tpu.memory_space<vmem>> -> memref<32136xf32, #tpu.memory_space<vmem>>
    tpu.vector_store_idx %scatter3A_319[%get3A_311], %get3A_315 {add = true} : memref<32136xf32, #tpu.memory_space<vmem>>[vector<16xi32>], vector<16xf32>,
    %get3A_320 = arith.constant 304 : index
    %get3A_321 = tpu.vector_load %arg8[%get3A_320] {strides = array<i32>} : memref<1024xi32, #tpu.memory_space<vmem>>, vector<16xi32>,
    %get3A_322 = arith.constant 0 : i32
    %get3A_323 = arith.index_cast %get3A_322 : i32 to index
    %get3A_324 = arith.constant 304 : index
    %get3A_325 = tpu.vector_load %arg7[%get3A_323, %get3A_324] {strides = array<i32>} : memref<2x1024xf32, #tpu.memory_space<vmem>>, vector<16xf32>,
    %scatter3A_326 = arith.constant 0 : i32
    %scatter3A_327 = arith.constant 0 : i32
    %scatter3A_328 = tpu.memref_slice %arg6[%scatter3A_326, %scatter3A_327] : memref<2x32136xf32, #tpu.memory_space<vmem>> -> memref<1x32136xf32, #tpu.memory_space<vmem>>
    %scatter3A_329 = tpu.memref_squeeze %scatter3A_328 : memref<1x32136xf32, #tpu.memory_space<vmem>> -> memref<32136xf32, #tpu.memory_space<vmem>>
    tpu.vector_store_idx %scatter3A_329[%get3A_321], %get3A_325 {add = true} : memref<32136xf32, #tpu.memory_space<vmem>>[vector<16xi32>], vector<16xf32>,
    %get3A_330 = arith.constant 320 : index
    %get3A_331 = tpu.vector_load %arg8[%get3A_330] {strides = array<i32>} : memref<1024xi32, #tpu.memory_space<vmem>>, vector<16xi32>,
    %get3A_332 = arith.constant 0 : i32
    %get3A_333 = arith.index_cast %get3A_332 : i32 to index
    %get3A_334 = arith.constant 320 : index
    %get3A_335 = tpu.vector_load %arg7[%get3A_333, %get3A_334] {strides = array<i32>} : memref<2x1024xf32, #tpu.memory_space<vmem>>, vector<16xf32>,
    %scatter3A_336 = arith.constant 0 : i32
    %scatter3A_337 = arith.constant 0 : i32
    %scatter3A_338 = tpu.memref_slice %arg6[%scatter3A_336, %scatter3A_337] : memref<2x32136xf32, #tpu.memory_space<vmem>> -> memref<1x32136xf32, #tpu.memory_space<vmem>>
    %scatter3A_339 = tpu.memref_squeeze %scatter3A_338 : memref<1x32136xf32, #tpu.memory_space<vmem>> -> memref<32136xf32, #tpu.memory_space<vmem>>
    tpu.vector_store_idx %scatter3A_339[%get3A_331], %get3A_335 {add = true} : memref<32136xf32, #tpu.memory_space<vmem>>[vector<16xi32>], vector<16xf32>,
    %get3A_340 = arith.constant 336 : index
    %get3A_341 = tpu.vector_load %arg8[%get3A_340] {strides = array<i32>} : memref<1024xi32, #tpu.memory_space<vmem>>, vector<16xi32>,
    %get3A_342 = arith.constant 0 : i32
    %get3A_343 = arith.index_cast %get3A_342 : i32 to index
    %get3A_344 = arith.constant 336 : index
    %get3A_345 = tpu.vector_load %arg7[%get3A_343, %get3A_344] {strides = array<i32>} : memref<2x1024xf32, #tpu.memory_space<vmem>>, vector<16xf32>,
    %scatter3A_346 = arith.constant 0 : i32
    %scatter3A_347 = arith.constant 0 : i32
    %scatter3A_348 = tpu.memref_slice %arg6[%scatter3A_346, %scatter3A_347] : memref<2x32136xf32, #tpu.memory_space<vmem>> -> memref<1x32136xf32, #tpu.memory_space<vmem>>
    %scatter3A_349 = tpu.memref_squeeze %scatter3A_348 : memref<1x32136xf32, #tpu.memory_space<vmem>> -> memref<32136xf32, #tpu.memory_space<vmem>>
    tpu.vector_store_idx %scatter3A_349[%get3A_341], %get3A_345 {add = true} : memref<32136xf32, #tpu.memory_space<vmem>>[vector<16xi32>], vector<16xf32>,
    %get3A_350 = arith.constant 352 : index
    %get3A_351 = tpu.vector_load %arg8[%get3A_350] {strides = array<i32>} : memref<1024xi32, #tpu.memory_space<vmem>>, vector<16xi32>,
    %get3A_352 = arith.constant 0 : i32
    %get3A_353 = arith.index_cast %get3A_352 : i32 to index
    %get3A_354 = arith.constant 352 : index
    %get3A_355 = tpu.vector_load %arg7[%get3A_353, %get3A_354] {strides = array<i32>} : memref<2x1024xf32, #tpu.memory_space<vmem>>, vector<16xf32>,
    %scatter3A_356 = arith.constant 0 : i32
    %scatter3A_357 = arith.constant 0 : i32
    %scatter3A_358 = tpu.memref_slice %arg6[%scatter3A_356, %scatter3A_357] : memref<2x32136xf32, #tpu.memory_space<vmem>> -> memref<1x32136xf32, #tpu.memory_space<vmem>>
    %scatter3A_359 = tpu.memref_squeeze %scatter3A_358 : memref<1x32136xf32, #tpu.memory_space<vmem>> -> memref<32136xf32, #tpu.memory_space<vmem>>
    tpu.vector_store_idx %scatter3A_359[%get3A_351], %get3A_355 {add = true} : memref<32136xf32, #tpu.memory_space<vmem>>[vector<16xi32>], vector<16xf32>,
    %get3A_360 = arith.constant 368 : index
    %get3A_361 = tpu.vector_load %arg8[%get3A_360] {strides = array<i32>} : memref<1024xi32, #tpu.memory_space<vmem>>, vector<16xi32>,
    %get3A_362 = arith.constant 0 : i32
    %get3A_363 = arith.index_cast %get3A_362 : i32 to index
    %get3A_364 = arith.constant 368 : index
    %get3A_365 = tpu.vector_load %arg7[%get3A_363, %get3A_364] {strides = array<i32>} : memref<2x1024xf32, #tpu.memory_space<vmem>>, vector<16xf32>,
    %scatter3A_366 = arith.constant 0 : i32
    %scatter3A_367 = arith.constant 0 : i32
    %scatter3A_368 = tpu.memref_slice %arg6[%scatter3A_366, %scatter3A_367] : memref<2x32136xf32, #tpu.memory_space<vmem>> -> memref<1x32136xf32, #tpu.memory_space<vmem>>
    %scatter3A_369 = tpu.memref_squeeze %scatter3A_368 : memref<1x32136xf32, #tpu.memory_space<vmem>> -> memref<32136xf32, #tpu.memory_space<vmem>>
    tpu.vector_store_idx %scatter3A_369[%get3A_361], %get3A_365 {add = true} : memref<32136xf32, #tpu.memory_space<vmem>>[vector<16xi32>], vector<16xf32>,
    %get3A_370 = arith.constant 384 : index
    %get3A_371 = tpu.vector_load %arg8[%get3A_370] {strides = array<i32>} : memref<1024xi32, #tpu.memory_space<vmem>>, vector<16xi32>,
    %get3A_372 = arith.constant 0 : i32
    %get3A_373 = arith.index_cast %get3A_372 : i32 to index
    %get3A_374 = arith.constant 384 : index
    %get3A_375 = tpu.vector_load %arg7[%get3A_373, %get3A_374] {strides = array<i32>} : memref<2x1024xf32, #tpu.memory_space<vmem>>, vector<16xf32>,
    %scatter3A_376 = arith.constant 0 : i32
    %scatter3A_377 = arith.constant 0 : i32
    %scatter3A_378 = tpu.memref_slice %arg6[%scatter3A_376, %scatter3A_377] : memref<2x32136xf32, #tpu.memory_space<vmem>> -> memref<1x32136xf32, #tpu.memory_space<vmem>>
    %scatter3A_379 = tpu.memref_squeeze %scatter3A_378 : memref<1x32136xf32, #tpu.memory_space<vmem>> -> memref<32136xf32, #tpu.memory_space<vmem>>
    tpu.vector_store_idx %scatter3A_379[%get3A_371], %get3A_375 {add = true} : memref<32136xf32, #tpu.memory_space<vmem>>[vector<16xi32>], vector<16xf32>,
    %get3A_380 = arith.constant 400 : index
    %get3A_381 = tpu.vector_load %arg8[%get3A_380] {strides = array<i32>} : memref<1024xi32, #tpu.memory_space<vmem>>, vector<16xi32>,
    %get3A_382 = arith.constant 0 : i32
    %get3A_383 = arith.index_cast %get3A_382 : i32 to index
    %get3A_384 = arith.constant 400 : index
    %get3A_385 = tpu.vector_load %arg7[%get3A_383, %get3A_384] {strides = array<i32>} : memref<2x1024xf32, #tpu.memory_space<vmem>>, vector<16xf32>,
    %scatter3A_386 = arith.constant 0 : i32
    %scatter3A_387 = arith.constant 0 : i32
    %scatter3A_388 = tpu.memref_slice %arg6[%scatter3A_386, %scatter3A_387] : memref<2x32136xf32, #tpu.memory_space<vmem>> -> memref<1x32136xf32, #tpu.memory_space<vmem>>
    %scatter3A_389 = tpu.memref_squeeze %scatter3A_388 : memref<1x32136xf32, #tpu.memory_space<vmem>> -> memref<32136xf32, #tpu.memory_space<vmem>>
    tpu.vector_store_idx %scatter3A_389[%get3A_381], %get3A_385 {add = true} : memref<32136xf32, #tpu.memory_space<vmem>>[vector<16xi32>], vector<16xf32>,
    %get3A_390 = arith.constant 416 : index
    %get3A_391 = tpu.vector_load %arg8[%get3A_390] {strides = array<i32>} : memref<1024xi32, #tpu.memory_space<vmem>>, vector<16xi32>,
    %get3A_392 = arith.constant 0 : i32
    %get3A_393 = arith.index_cast %get3A_392 : i32 to index
    %get3A_394 = arith.constant 416 : index
    %get3A_395 = tpu.vector_load %arg7[%get3A_393, %get3A_394] {strides = array<i32>} : memref<2x1024xf32, #tpu.memory_space<vmem>>, vector<16xf32>,
    %scatter3A_396 = arith.constant 0 : i32
    %scatter3A_397 = arith.constant 0 : i32
    %scatter3A_398 = tpu.memref_slice %arg6[%scatter3A_396, %scatter3A_397] : memref<2x32136xf32, #tpu.memory_space<vmem>> -> memref<1x32136xf32, #tpu.memory_space<vmem>>
    %scatter3A_399 = tpu.memref_squeeze %scatter3A_398 : memref<1x32136xf32, #tpu.memory_space<vmem>> -> memref<32136xf32, #tpu.memory_space<vmem>>
    tpu.vector_store_idx %scatter3A_399[%get3A_391], %get3A_395 {add = true} : memref<32136xf32, #tpu.memory_space<vmem>>[vector<16xi32>], vector<16xf32>,
    %get3A_400 = arith.constant 432 : index
    %get3A_401 = tpu.vector_load %arg8[%get3A_400] {strides = array<i32>} : memref<1024xi32, #tpu.memory_space<vmem>>, vector<16xi32>,
    %get3A_402 = arith.constant 0 : i32
    %get3A_403 = arith.index_cast %get3A_402 : i32 to index
    %get3A_404 = arith.constant 432 : index
    %get3A_405 = tpu.vector_load %arg7[%get3A_403, %get3A_404] {strides = array<i32>} : memref<2x1024xf32, #tpu.memory_space<vmem>>, vector<16xf32>,
    %scatter3A_406 = arith.constant 0 : i32
    %scatter3A_407 = arith.constant 0 : i32
    %scatter3A_408 = tpu.memref_slice %arg6[%scatter3A_406, %scatter3A_407] : memref<2x32136xf32, #tpu.memory_space<vmem>> -> memref<1x32136xf32, #tpu.memory_space<vmem>>
    %scatter3A_409 = tpu.memref_squeeze %scatter3A_408 : memref<1x32136xf32, #tpu.memory_space<vmem>> -> memref<32136xf32, #tpu.memory_space<vmem>>
    tpu.vector_store_idx %scatter3A_409[%get3A_401], %get3A_405 {add = true} : memref<32136xf32, #tpu.memory_space<vmem>>[vector<16xi32>], vector<16xf32>,
    %get3A_410 = arith.constant 448 : index
    %get3A_411 = tpu.vector_load %arg8[%get3A_410] {strides = array<i32>} : memref<1024xi32, #tpu.memory_space<vmem>>, vector<16xi32>,
    %get3A_412 = arith.constant 0 : i32
    %get3A_413 = arith.index_cast %get3A_412 : i32 to index
    %get3A_414 = arith.constant 448 : index
    %get3A_415 = tpu.vector_load %arg7[%get3A_413, %get3A_414] {strides = array<i32>} : memref<2x1024xf32, #tpu.memory_space<vmem>>, vector<16xf32>,
    %scatter3A_416 = arith.constant 0 : i32
    %scatter3A_417 = arith.constant 0 : i32
    %scatter3A_418 = tpu.memref_slice %arg6[%scatter3A_416, %scatter3A_417] : memref<2x32136xf32, #tpu.memory_space<vmem>> -> memref<1x32136xf32, #tpu.memory_space<vmem>>
    %scatter3A_419 = tpu.memref_squeeze %scatter3A_418 : memref<1x32136xf32, #tpu.memory_space<vmem>> -> memref<32136xf32, #tpu.memory_space<vmem>>
    tpu.vector_store_idx %scatter3A_419[%get3A_411], %get3A_415 {add = true} : memref<32136xf32, #tpu.memory_space<vmem>>[vector<16xi32>], vector<16xf32>,
    %get3A_420 = arith.constant 464 : index
    %get3A_421 = tpu.vector_load %arg8[%get3A_420] {strides = array<i32>} : memref<1024xi32, #tpu.memory_space<vmem>>, vector<16xi32>,
    %get3A_422 = arith.constant 0 : i32
    %get3A_423 = arith.index_cast %get3A_422 : i32 to index
    %get3A_424 = arith.constant 464 : index
    %get3A_425 = tpu.vector_load %arg7[%get3A_423, %get3A_424] {strides = array<i32>} : memref<2x1024xf32, #tpu.memory_space<vmem>>, vector<16xf32>,
    %scatter3A_426 = arith.constant 0 : i32
    %scatter3A_427 = arith.constant 0 : i32
    %scatter3A_428 = tpu.memref_slice %arg6[%scatter3A_426, %scatter3A_427] : memref<2x32136xf32, #tpu.memory_space<vmem>> -> memref<1x32136xf32, #tpu.memory_space<vmem>>
    %scatter3A_429 = tpu.memref_squeeze %scatter3A_428 : memref<1x32136xf32, #tpu.memory_space<vmem>> -> memref<32136xf32, #tpu.memory_space<vmem>>
    tpu.vector_store_idx %scatter3A_429[%get3A_421], %get3A_425 {add = true} : memref<32136xf32, #tpu.memory_space<vmem>>[vector<16xi32>], vector<16xf32>,
    %get3A_430 = arith.constant 480 : index
    %get3A_431 = tpu.vector_load %arg8[%get3A_430] {strides = array<i32>} : memref<1024xi32, #tpu.memory_space<vmem>>, vector<16xi32>,
    %get3A_432 = arith.constant 0 : i32
    %get3A_433 = arith.index_cast %get3A_432 : i32 to index
    %get3A_434 = arith.constant 480 : index
    %get3A_435 = tpu.vector_load %arg7[%get3A_433, %get3A_434] {strides = array<i32>} : memref<2x1024xf32, #tpu.memory_space<vmem>>, vector<16xf32>,
    %scatter3A_436 = arith.constant 0 : i32
    %scatter3A_437 = arith.constant 0 : i32
    %scatter3A_438 = tpu.memref_slice %arg6[%scatter3A_436, %scatter3A_437] : memref<2x32136xf32, #tpu.memory_space<vmem>> -> memref<1x32136xf32, #tpu.memory_space<vmem>>
    %scatter3A_439 = tpu.memref_squeeze %scatter3A_438 : memref<1x32136xf32, #tpu.memory_space<vmem>> -> memref<32136xf32, #tpu.memory_space<vmem>>
    tpu.vector_store_idx %scatter3A_439[%get3A_431], %get3A_435 {add = true} : memref<32136xf32, #tpu.memory_space<vmem>>[vector<16xi32>], vector<16xf32>,
    %get3A_440 = arith.constant 496 : index
    %get3A_441 = tpu.vector_load %arg8[%get3A_440] {strides = array<i32>} : memref<1024xi32, #tpu.memory_space<vmem>>, vector<16xi32>,
    %get3A_442 = arith.constant 0 : i32
    %get3A_443 = arith.index_cast %get3A_442 : i32 to index
    %get3A_444 = arith.constant 496 : index
    %get3A_445 = tpu.vector_load %arg7[%get3A_443, %get3A_444] {strides = array<i32>} : memref<2x1024xf32, #tpu.memory_space<vmem>>, vector<16xf32>,
    %scatter3A_446 = arith.constant 0 : i32
    %scatter3A_447 = arith.constant 0 : i32
    %scatter3A_448 = tpu.memref_slice %arg6[%scatter3A_446, %scatter3A_447] : memref<2x32136xf32, #tpu.memory_space<vmem>> -> memref<1x32136xf32, #tpu.memory_space<vmem>>
    %scatter3A_449 = tpu.memref_squeeze %scatter3A_448 : memref<1x32136xf32, #tpu.memory_space<vmem>> -> memref<32136xf32, #tpu.memory_space<vmem>>
    tpu.vector_store_idx %scatter3A_449[%get3A_441], %get3A_445 {add = true} : memref<32136xf32, #tpu.memory_space<vmem>>[vector<16xi32>], vector<16xf32>,
    %get3A_450 = arith.constant 512 : index
    %get3A_451 = tpu.vector_load %arg8[%get3A_450] {strides = array<i32>} : memref<1024xi32, #tpu.memory_space<vmem>>, vector<16xi32>,
    %get3A_452 = arith.constant 0 : i32
    %get3A_453 = arith.index_cast %get3A_452 : i32 to index
    %get3A_454 = arith.constant 512 : index
    %get3A_455 = tpu.vector_load %arg7[%get3A_453, %get3A_454] {strides = array<i32>} : memref<2x1024xf32, #tpu.memory_space<vmem>>, vector<16xf32>,
    %scatter3A_456 = arith.constant 0 : i32
    %scatter3A_457 = arith.constant 0 : i32
    %scatter3A_458 = tpu.memref_slice %arg6[%scatter3A_456, %scatter3A_457] : memref<2x32136xf32, #tpu.memory_space<vmem>> -> memref<1x32136xf32, #tpu.memory_space<vmem>>
    %scatter3A_459 = tpu.memref_squeeze %scatter3A_458 : memref<1x32136xf32, #tpu.memory_space<vmem>> -> memref<32136xf32, #tpu.memory_space<vmem>>
    tpu.vector_store_idx %scatter3A_459[%get3A_451], %get3A_455 {add = true} : memref<32136xf32, #tpu.memory_space<vmem>>[vector<16xi32>], vector<16xf32>,
    %get3A_460 = arith.constant 528 : index
    %get3A_461 = tpu.vector_load %arg8[%get3A_460] {strides = array<i32>} : memref<1024xi32, #tpu.memory_space<vmem>>, vector<16xi32>,
    %get3A_462 = arith.constant 0 : i32
    %get3A_463 = arith.index_cast %get3A_462 : i32 to index
    %get3A_464 = arith.constant 528 : index
    %get3A_465 = tpu.vector_load %arg7[%get3A_463, %get3A_464] {strides = array<i32>} : memref<2x1024xf32, #tpu.memory_space<vmem>>, vector<16xf32>,
    %scatter3A_466 = arith.constant 0 : i32
    %scatter3A_467 = arith.constant 0 : i32
    %scatter3A_468 = tpu.memref_slice %arg6[%scatter3A_466, %scatter3A_467] : memref<2x32136xf32, #tpu.memory_space<vmem>> -> memref<1x32136xf32, #tpu.memory_space<vmem>>
    %scatter3A_469 = tpu.memref_squeeze %scatter3A_468 : memref<1x32136xf32, #tpu.memory_space<vmem>> -> memref<32136xf32, #tpu.memory_space<vmem>>
    tpu.vector_store_idx %scatter3A_469[%get3A_461], %get3A_465 {add = true} : memref<32136xf32, #tpu.memory_space<vmem>>[vector<16xi32>], vector<16xf32>,
    %get3A_470 = arith.constant 544 : index
    %get3A_471 = tpu.vector_load %arg8[%get3A_470] {strides = array<i32>} : memref<1024xi32, #tpu.memory_space<vmem>>, vector<16xi32>,
    %get3A_472 = arith.constant 0 : i32
    %get3A_473 = arith.index_cast %get3A_472 : i32 to index
    %get3A_474 = arith.constant 544 : index
    %get3A_475 = tpu.vector_load %arg7[%get3A_473, %get3A_474] {strides = array<i32>} : memref<2x1024xf32, #tpu.memory_space<vmem>>, vector<16xf32>,
    %scatter3A_476 = arith.constant 0 : i32
    %scatter3A_477 = arith.constant 0 : i32
    %scatter3A_478 = tpu.memref_slice %arg6[%scatter3A_476, %scatter3A_477] : memref<2x32136xf32, #tpu.memory_space<vmem>> -> memref<1x32136xf32, #tpu.memory_space<vmem>>
    %scatter3A_479 = tpu.memref_squeeze %scatter3A_478 : memref<1x32136xf32, #tpu.memory_space<vmem>> -> memref<32136xf32, #tpu.memory_space<vmem>>
    tpu.vector_store_idx %scatter3A_479[%get3A_471], %get3A_475 {add = true} : memref<32136xf32, #tpu.memory_space<vmem>>[vector<16xi32>], vector<16xf32>,
    %get3A_480 = arith.constant 560 : index
    %get3A_481 = tpu.vector_load %arg8[%get3A_480] {strides = array<i32>} : memref<1024xi32, #tpu.memory_space<vmem>>, vector<16xi32>,
    %get3A_482 = arith.constant 0 : i32
    %get3A_483 = arith.index_cast %get3A_482 : i32 to index
    %get3A_484 = arith.constant 560 : index
    %get3A_485 = tpu.vector_load %arg7[%get3A_483, %get3A_484] {strides = array<i32>} : memref<2x1024xf32, #tpu.memory_space<vmem>>, vector<16xf32>,
    %scatter3A_486 = arith.constant 0 : i32
    %scatter3A_487 = arith.constant 0 : i32
    %scatter3A_488 = tpu.memref_slice %arg6[%scatter3A_486, %scatter3A_487] : memref<2x32136xf32, #tpu.memory_space<vmem>> -> memref<1x32136xf32, #tpu.memory_space<vmem>>
    %scatter3A_489 = tpu.memref_squeeze %scatter3A_488 : memref<1x32136xf32, #tpu.memory_space<vmem>> -> memref<32136xf32, #tpu.memory_space<vmem>>
    tpu.vector_store_idx %scatter3A_489[%get3A_481], %get3A_485 {add = true} : memref<32136xf32, #tpu.memory_space<vmem>>[vector<16xi32>], vector<16xf32>,
    %get3A_490 = arith.constant 576 : index
    %get3A_491 = tpu.vector_load %arg8[%get3A_490] {strides = array<i32>} : memref<1024xi32, #tpu.memory_space<vmem>>, vector<16xi32>,
    %get3A_492 = arith.constant 0 : i32
    %get3A_493 = arith.index_cast %get3A_492 : i32 to index
    %get3A_494 = arith.constant 576 : index
    %get3A_495 = tpu.vector_load %arg7[%get3A_493, %get3A_494] {strides = array<i32>} : memref<2x1024xf32, #tpu.memory_space<vmem>>, vector<16xf32>,
    %scatter3A_496 = arith.constant 0 : i32
    %scatter3A_497 = arith.constant 0 : i32
    %scatter3A_498 = tpu.memref_slice %arg6[%scatter3A_496, %scatter3A_497] : memref<2x32136xf32, #tpu.memory_space<vmem>> -> memref<1x32136xf32, #tpu.memory_space<vmem>>
    %scatter3A_499 = tpu.memref_squeeze %scatter3A_498 : memref<1x32136xf32, #tpu.memory_space<vmem>> -> memref<32136xf32, #tpu.memory_space<vmem>>
    tpu.vector_store_idx %scatter3A_499[%get3A_491], %get3A_495 {add = true} : memref<32136xf32, #tpu.memory_space<vmem>>[vector<16xi32>], vector<16xf32>,
    %get3A_500 = arith.constant 592 : index
    %get3A_501 = tpu.vector_load %arg8[%get3A_500] {strides = array<i32>} : memref<1024xi32, #tpu.memory_space<vmem>>, vector<16xi32>,
    %get3A_502 = arith.constant 0 : i32
    %get3A_503 = arith.index_cast %get3A_502 : i32 to index
    %get3A_504 = arith.constant 592 : index
    %get3A_505 = tpu.vector_load %arg7[%get3A_503, %get3A_504] {strides = array<i32>} : memref<2x1024xf32, #tpu.memory_space<vmem>>, vector<16xf32>,
    %scatter3A_506 = arith.constant 0 : i32
    %scatter3A_507 = arith.constant 0 : i32
    %scatter3A_508 = tpu.memref_slice %arg6[%scatter3A_506, %scatter3A_507] : memref<2x32136xf32, #tpu.memory_space<vmem>> -> memref<1x32136xf32, #tpu.memory_space<vmem>>
    %scatter3A_509 = tpu.memref_squeeze %scatter3A_508 : memref<1x32136xf32, #tpu.memory_space<vmem>> -> memref<32136xf32, #tpu.memory_space<vmem>>
    tpu.vector_store_idx %scatter3A_509[%get3A_501], %get3A_505 {add = true} : memref<32136xf32, #tpu.memory_space<vmem>>[vector<16xi32>], vector<16xf32>,
    %get3A_510 = arith.constant 608 : index
    %get3A_511 = tpu.vector_load %arg8[%get3A_510] {strides = array<i32>} : memref<1024xi32, #tpu.memory_space<vmem>>, vector<16xi32>,
    %get3A_512 = arith.constant 0 : i32
    %get3A_513 = arith.index_cast %get3A_512 : i32 to index
    %get3A_514 = arith.constant 608 : index
    %get3A_515 = tpu.vector_load %arg7[%get3A_513, %get3A_514] {strides = array<i32>} : memref<2x1024xf32, #tpu.memory_space<vmem>>, vector<16xf32>,
    %scatter3A_516 = arith.constant 0 : i32
    %scatter3A_517 = arith.constant 0 : i32
    %scatter3A_518 = tpu.memref_slice %arg6[%scatter3A_516, %scatter3A_517] : memref<2x32136xf32, #tpu.memory_space<vmem>> -> memref<1x32136xf32, #tpu.memory_space<vmem>>
    %scatter3A_519 = tpu.memref_squeeze %scatter3A_518 : memref<1x32136xf32, #tpu.memory_space<vmem>> -> memref<32136xf32, #tpu.memory_space<vmem>>
    tpu.vector_store_idx %scatter3A_519[%get3A_511], %get3A_515 {add = true} : memref<32136xf32, #tpu.memory_space<vmem>>[vector<16xi32>], vector<16xf32>,
    %get3A_520 = arith.constant 624 : index
    %get3A_521 = tpu.vector_load %arg8[%get3A_520] {strides = array<i32>} : memref<1024xi32, #tpu.memory_space<vmem>>, vector<16xi32>,
    %get3A_522 = arith.constant 0 : i32
    %get3A_523 = arith.index_cast %get3A_522 : i32 to index
    %get3A_524 = arith.constant 624 : index
    %get3A_525 = tpu.vector_load %arg7[%get3A_523, %get3A_524] {strides = array<i32>} : memref<2x1024xf32, #tpu.memory_space<vmem>>, vector<16xf32>,
    %scatter3A_526 = arith.constant 0 : i32
    %scatter3A_527 = arith.constant 0 : i32
    %scatter3A_528 = tpu.memref_slice %arg6[%scatter3A_526, %scatter3A_527] : memref<2x32136xf32, #tpu.memory_space<vmem>> -> memref<1x32136xf32, #tpu.memory_space<vmem>>
    %scatter3A_529 = tpu.memref_squeeze %scatter3A_528 : memref<1x32136xf32, #tpu.memory_space<vmem>> -> memref<32136xf32, #tpu.memory_space<vmem>>
    tpu.vector_store_idx %scatter3A_529[%get3A_521], %get3A_525 {add = true} : memref<32136xf32, #tpu.memory_space<vmem>>[vector<16xi32>], vector<16xf32>,
    %get3A_530 = arith.constant 640 : index
    %get3A_531 = tpu.vector_load %arg8[%get3A_530] {strides = array<i32>} : memref<1024xi32, #tpu.memory_space<vmem>>, vector<16xi32>,
    %get3A_532 = arith.constant 0 : i32
    %get3A_533 = arith.index_cast %get3A_532 : i32 to index
    %get3A_534 = arith.constant 640 : index
    %get3A_535 = tpu.vector_load %arg7[%get3A_533, %get3A_534] {strides = array<i32>} : memref<2x1024xf32, #tpu.memory_space<vmem>>, vector<16xf32>,
    %scatter3A_536 = arith.constant 0 : i32
    %scatter3A_537 = arith.constant 0 : i32
    %scatter3A_538 = tpu.memref_slice %arg6[%scatter3A_536, %scatter3A_537] : memref<2x32136xf32, #tpu.memory_space<vmem>> -> memref<1x32136xf32, #tpu.memory_space<vmem>>
    %scatter3A_539 = tpu.memref_squeeze %scatter3A_538 : memref<1x32136xf32, #tpu.memory_space<vmem>> -> memref<32136xf32, #tpu.memory_space<vmem>>
    tpu.vector_store_idx %scatter3A_539[%get3A_531], %get3A_535 {add = true} : memref<32136xf32, #tpu.memory_space<vmem>>[vector<16xi32>], vector<16xf32>,
    %get3A_540 = arith.constant 656 : index
    %get3A_541 = tpu.vector_load %arg8[%get3A_540] {strides = array<i32>} : memref<1024xi32, #tpu.memory_space<vmem>>, vector<16xi32>,
    %get3A_542 = arith.constant 0 : i32
    %get3A_543 = arith.index_cast %get3A_542 : i32 to index
    %get3A_544 = arith.constant 656 : index
    %get3A_545 = tpu.vector_load %arg7[%get3A_543, %get3A_544] {strides = array<i32>} : memref<2x1024xf32, #tpu.memory_space<vmem>>, vector<16xf32>,
    %scatter3A_546 = arith.constant 0 : i32
    %scatter3A_547 = arith.constant 0 : i32
    %scatter3A_548 = tpu.memref_slice %arg6[%scatter3A_546, %scatter3A_547] : memref<2x32136xf32, #tpu.memory_space<vmem>> -> memref<1x32136xf32, #tpu.memory_space<vmem>>
    %scatter3A_549 = tpu.memref_squeeze %scatter3A_548 : memref<1x32136xf32, #tpu.memory_space<vmem>> -> memref<32136xf32, #tpu.memory_space<vmem>>
    tpu.vector_store_idx %scatter3A_549[%get3A_541], %get3A_545 {add = true} : memref<32136xf32, #tpu.memory_space<vmem>>[vector<16xi32>], vector<16xf32>,
    %get3A_550 = arith.constant 672 : index
    %get3A_551 = tpu.vector_load %arg8[%get3A_550] {strides = array<i32>} : memref<1024xi32, #tpu.memory_space<vmem>>, vector<16xi32>,
    %get3A_552 = arith.constant 0 : i32
    %get3A_553 = arith.index_cast %get3A_552 : i32 to index
    %get3A_554 = arith.constant 672 : index
    %get3A_555 = tpu.vector_load %arg7[%get3A_553, %get3A_554] {strides = array<i32>} : memref<2x1024xf32, #tpu.memory_space<vmem>>, vector<16xf32>,
    %scatter3A_556 = arith.constant 0 : i32
    %scatter3A_557 = arith.constant 0 : i32
    %scatter3A_558 = tpu.memref_slice %arg6[%scatter3A_556, %scatter3A_557] : memref<2x32136xf32, #tpu.memory_space<vmem>> -> memref<1x32136xf32, #tpu.memory_space<vmem>>
    %scatter3A_559 = tpu.memref_squeeze %scatter3A_558 : memref<1x32136xf32, #tpu.memory_space<vmem>> -> memref<32136xf32, #tpu.memory_space<vmem>>
    tpu.vector_store_idx %scatter3A_559[%get3A_551], %get3A_555 {add = true} : memref<32136xf32, #tpu.memory_space<vmem>>[vector<16xi32>], vector<16xf32>,
    %get3A_560 = arith.constant 688 : index
    %get3A_561 = tpu.vector_load %arg8[%get3A_560] {strides = array<i32>} : memref<1024xi32, #tpu.memory_space<vmem>>, vector<16xi32>,
    %get3A_562 = arith.constant 0 : i32
    %get3A_563 = arith.index_cast %get3A_562 : i32 to index
    %get3A_564 = arith.constant 688 : index
    %get3A_565 = tpu.vector_load %arg7[%get3A_563, %get3A_564] {strides = array<i32>} : memref<2x1024xf32, #tpu.memory_space<vmem>>, vector<16xf32>,
    %scatter3A_566 = arith.constant 0 : i32
    %scatter3A_567 = arith.constant 0 : i32
    %scatter3A_568 = tpu.memref_slice %arg6[%scatter3A_566, %scatter3A_567] : memref<2x32136xf32, #tpu.memory_space<vmem>> -> memref<1x32136xf32, #tpu.memory_space<vmem>>
    %scatter3A_569 = tpu.memref_squeeze %scatter3A_568 : memref<1x32136xf32, #tpu.memory_space<vmem>> -> memref<32136xf32, #tpu.memory_space<vmem>>
    tpu.vector_store_idx %scatter3A_569[%get3A_561], %get3A_565 {add = true} : memref<32136xf32, #tpu.memory_space<vmem>>[vector<16xi32>], vector<16xf32>,
    %get3A_570 = arith.constant 704 : index
    %get3A_571 = tpu.vector_load %arg8[%get3A_570] {strides = array<i32>} : memref<1024xi32, #tpu.memory_space<vmem>>, vector<16xi32>,
    %get3A_572 = arith.constant 0 : i32
    %get3A_573 = arith.index_cast %get3A_572 : i32 to index
    %get3A_574 = arith.constant 704 : index
    %get3A_575 = tpu.vector_load %arg7[%get3A_573, %get3A_574] {strides = array<i32>} : memref<2x1024xf32, #tpu.memory_space<vmem>>, vector<16xf32>,
    %scatter3A_576 = arith.constant 0 : i32
    %scatter3A_577 = arith.constant 0 : i32
    %scatter3A_578 = tpu.memref_slice %arg6[%scatter3A_576, %scatter3A_577] : memref<2x32136xf32, #tpu.memory_space<vmem>> -> memref<1x32136xf32, #tpu.memory_space<vmem>>
    %scatter3A_579 = tpu.memref_squeeze %scatter3A_578 : memref<1x32136xf32, #tpu.memory_space<vmem>> -> memref<32136xf32, #tpu.memory_space<vmem>>
    tpu.vector_store_idx %scatter3A_579[%get3A_571], %get3A_575 {add = true} : memref<32136xf32, #tpu.memory_space<vmem>>[vector<16xi32>], vector<16xf32>,
    %get3A_580 = arith.constant 720 : index
    %get3A_581 = tpu.vector_load %arg8[%get3A_580] {strides = array<i32>} : memref<1024xi32, #tpu.memory_space<vmem>>, vector<16xi32>,
    %get3A_582 = arith.constant 0 : i32
    %get3A_583 = arith.index_cast %get3A_582 : i32 to index
    %get3A_584 = arith.constant 720 : index
    %get3A_585 = tpu.vector_load %arg7[%get3A_583, %get3A_584] {strides = array<i32>} : memref<2x1024xf32, #tpu.memory_space<vmem>>, vector<16xf32>,
    %scatter3A_586 = arith.constant 0 : i32
    %scatter3A_587 = arith.constant 0 : i32
    %scatter3A_588 = tpu.memref_slice %arg6[%scatter3A_586, %scatter3A_587] : memref<2x32136xf32, #tpu.memory_space<vmem>> -> memref<1x32136xf32, #tpu.memory_space<vmem>>
    %scatter3A_589 = tpu.memref_squeeze %scatter3A_588 : memref<1x32136xf32, #tpu.memory_space<vmem>> -> memref<32136xf32, #tpu.memory_space<vmem>>
    tpu.vector_store_idx %scatter3A_589[%get3A_581], %get3A_585 {add = true} : memref<32136xf32, #tpu.memory_space<vmem>>[vector<16xi32>], vector<16xf32>,
    %get3A_590 = arith.constant 736 : index
    %get3A_591 = tpu.vector_load %arg8[%get3A_590] {strides = array<i32>} : memref<1024xi32, #tpu.memory_space<vmem>>, vector<16xi32>,
    %get3A_592 = arith.constant 0 : i32
    %get3A_593 = arith.index_cast %get3A_592 : i32 to index
    %get3A_594 = arith.constant 736 : index
    %get3A_595 = tpu.vector_load %arg7[%get3A_593, %get3A_594] {strides = array<i32>} : memref<2x1024xf32, #tpu.memory_space<vmem>>, vector<16xf32>,
    %scatter3A_596 = arith.constant 0 : i32
    %scatter3A_597 = arith.constant 0 : i32
    %scatter3A_598 = tpu.memref_slice %arg6[%scatter3A_596, %scatter3A_597] : memref<2x32136xf32, #tpu.memory_space<vmem>> -> memref<1x32136xf32, #tpu.memory_space<vmem>>
    %scatter3A_599 = tpu.memref_squeeze %scatter3A_598 : memref<1x32136xf32, #tpu.memory_space<vmem>> -> memref<32136xf32, #tpu.memory_space<vmem>>
    tpu.vector_store_idx %scatter3A_599[%get3A_591], %get3A_595 {add = true} : memref<32136xf32, #tpu.memory_space<vmem>>[vector<16xi32>], vector<16xf32>,
    %get3A_600 = arith.constant 752 : index
    %get3A_601 = tpu.vector_load %arg8[%get3A_600] {strides = array<i32>} : memref<1024xi32, #tpu.memory_space<vmem>>, vector<16xi32>,
    %get3A_602 = arith.constant 0 : i32
    %get3A_603 = arith.index_cast %get3A_602 : i32 to index
    %get3A_604 = arith.constant 752 : index
    %get3A_605 = tpu.vector_load %arg7[%get3A_603, %get3A_604] {strides = array<i32>} : memref<2x1024xf32, #tpu.memory_space<vmem>>, vector<16xf32>,
    %scatter3A_606 = arith.constant 0 : i32
    %scatter3A_607 = arith.constant 0 : i32
    %scatter3A_608 = tpu.memref_slice %arg6[%scatter3A_606, %scatter3A_607] : memref<2x32136xf32, #tpu.memory_space<vmem>> -> memref<1x32136xf32, #tpu.memory_space<vmem>>
    %scatter3A_609 = tpu.memref_squeeze %scatter3A_608 : memref<1x32136xf32, #tpu.memory_space<vmem>> -> memref<32136xf32, #tpu.memory_space<vmem>>
    tpu.vector_store_idx %scatter3A_609[%get3A_601], %get3A_605 {add = true} : memref<32136xf32, #tpu.memory_space<vmem>>[vector<16xi32>], vector<16xf32>,
    %get3A_610 = arith.constant 768 : index
    %get3A_611 = tpu.vector_load %arg8[%get3A_610] {strides = array<i32>} : memref<1024xi32, #tpu.memory_space<vmem>>, vector<16xi32>,
    %get3A_612 = arith.constant 0 : i32
    %get3A_613 = arith.index_cast %get3A_612 : i32 to index
    %get3A_614 = arith.constant 768 : index
    %get3A_615 = tpu.vector_load %arg7[%get3A_613, %get3A_614] {strides = array<i32>} : memref<2x1024xf32, #tpu.memory_space<vmem>>, vector<16xf32>,
    %scatter3A_616 = arith.constant 0 : i32
    %scatter3A_617 = arith.constant 0 : i32
    %scatter3A_618 = tpu.memref_slice %arg6[%scatter3A_616, %scatter3A_617] : memref<2x32136xf32, #tpu.memory_space<vmem>> -> memref<1x32136xf32, #tpu.memory_space<vmem>>
    %scatter3A_619 = tpu.memref_squeeze %scatter3A_618 : memref<1x32136xf32, #tpu.memory_space<vmem>> -> memref<32136xf32, #tpu.memory_space<vmem>>
    tpu.vector_store_idx %scatter3A_619[%get3A_611], %get3A_615 {add = true} : memref<32136xf32, #tpu.memory_space<vmem>>[vector<16xi32>], vector<16xf32>,
    %get3A_620 = arith.constant 784 : index
    %get3A_621 = tpu.vector_load %arg8[%get3A_620] {strides = array<i32>} : memref<1024xi32, #tpu.memory_space<vmem>>, vector<16xi32>,
    %get3A_622 = arith.constant 0 : i32
    %get3A_623 = arith.index_cast %get3A_622 : i32 to index
    %get3A_624 = arith.constant 784 : index
    %get3A_625 = tpu.vector_load %arg7[%get3A_623, %get3A_624] {strides = array<i32>} : memref<2x1024xf32, #tpu.memory_space<vmem>>, vector<16xf32>,
    %scatter3A_626 = arith.constant 0 : i32
    %scatter3A_627 = arith.constant 0 : i32
    %scatter3A_628 = tpu.memref_slice %arg6[%scatter3A_626, %scatter3A_627] : memref<2x32136xf32, #tpu.memory_space<vmem>> -> memref<1x32136xf32, #tpu.memory_space<vmem>>
    %scatter3A_629 = tpu.memref_squeeze %scatter3A_628 : memref<1x32136xf32, #tpu.memory_space<vmem>> -> memref<32136xf32, #tpu.memory_space<vmem>>
    tpu.vector_store_idx %scatter3A_629[%get3A_621], %get3A_625 {add = true} : memref<32136xf32, #tpu.memory_space<vmem>>[vector<16xi32>], vector<16xf32>,
    %get3A_630 = arith.constant 800 : index
    %get3A_631 = tpu.vector_load %arg8[%get3A_630] {strides = array<i32>} : memref<1024xi32, #tpu.memory_space<vmem>>, vector<16xi32>,
    %get3A_632 = arith.constant 0 : i32
    %get3A_633 = arith.index_cast %get3A_632 : i32 to index
    %get3A_634 = arith.constant 800 : index
    %get3A_635 = tpu.vector_load %arg7[%get3A_633, %get3A_634] {strides = array<i32>} : memref<2x1024xf32, #tpu.memory_space<vmem>>, vector<16xf32>,
    %scatter3A_636 = arith.constant 0 : i32
    %scatter3A_637 = arith.constant 0 : i32
    %scatter3A_638 = tpu.memref_slice %arg6[%scatter3A_636, %scatter3A_637] : memref<2x32136xf32, #tpu.memory_space<vmem>> -> memref<1x32136xf32, #tpu.memory_space<vmem>>
    %scatter3A_639 = tpu.memref_squeeze %scatter3A_638 : memref<1x32136xf32, #tpu.memory_space<vmem>> -> memref<32136xf32, #tpu.memory_space<vmem>>
    tpu.vector_store_idx %scatter3A_639[%get3A_631], %get3A_635 {add = true} : memref<32136xf32, #tpu.memory_space<vmem>>[vector<16xi32>], vector<16xf32>,
    %get3A_640 = arith.constant 816 : index
    %get3A_641 = tpu.vector_load %arg8[%get3A_640] {strides = array<i32>} : memref<1024xi32, #tpu.memory_space<vmem>>, vector<16xi32>,
    %get3A_642 = arith.constant 0 : i32
    %get3A_643 = arith.index_cast %get3A_642 : i32 to index
    %get3A_644 = arith.constant 816 : index
    %get3A_645 = tpu.vector_load %arg7[%get3A_643, %get3A_644] {strides = array<i32>} : memref<2x1024xf32, #tpu.memory_space<vmem>>, vector<16xf32>,
    %scatter3A_646 = arith.constant 0 : i32
    %scatter3A_647 = arith.constant 0 : i32
    %scatter3A_648 = tpu.memref_slice %arg6[%scatter3A_646, %scatter3A_647] : memref<2x32136xf32, #tpu.memory_space<vmem>> -> memref<1x32136xf32, #tpu.memory_space<vmem>>
    %scatter3A_649 = tpu.memref_squeeze %scatter3A_648 : memref<1x32136xf32, #tpu.memory_space<vmem>> -> memref<32136xf32, #tpu.memory_space<vmem>>
    tpu.vector_store_idx %scatter3A_649[%get3A_641], %get3A_645 {add = true} : memref<32136xf32, #tpu.memory_space<vmem>>[vector<16xi32>], vector<16xf32>,
    %get3A_650 = arith.constant 832 : index
    %get3A_651 = tpu.vector_load %arg8[%get3A_650] {strides = array<i32>} : memref<1024xi32, #tpu.memory_space<vmem>>, vector<16xi32>,
    %get3A_652 = arith.constant 0 : i32
    %get3A_653 = arith.index_cast %get3A_652 : i32 to index
    %get3A_654 = arith.constant 832 : index
    %get3A_655 = tpu.vector_load %arg7[%get3A_653, %get3A_654] {strides = array<i32>} : memref<2x1024xf32, #tpu.memory_space<vmem>>, vector<16xf32>,
    %scatter3A_656 = arith.constant 0 : i32
    %scatter3A_657 = arith.constant 0 : i32
    %scatter3A_658 = tpu.memref_slice %arg6[%scatter3A_656, %scatter3A_657] : memref<2x32136xf32, #tpu.memory_space<vmem>> -> memref<1x32136xf32, #tpu.memory_space<vmem>>
    %scatter3A_659 = tpu.memref_squeeze %scatter3A_658 : memref<1x32136xf32, #tpu.memory_space<vmem>> -> memref<32136xf32, #tpu.memory_space<vmem>>
    tpu.vector_store_idx %scatter3A_659[%get3A_651], %get3A_655 {add = true} : memref<32136xf32, #tpu.memory_space<vmem>>[vector<16xi32>], vector<16xf32>,
    %get3A_660 = arith.constant 848 : index
    %get3A_661 = tpu.vector_load %arg8[%get3A_660] {strides = array<i32>} : memref<1024xi32, #tpu.memory_space<vmem>>, vector<16xi32>,
    %get3A_662 = arith.constant 0 : i32
    %get3A_663 = arith.index_cast %get3A_662 : i32 to index
    %get3A_664 = arith.constant 848 : index
    %get3A_665 = tpu.vector_load %arg7[%get3A_663, %get3A_664] {strides = array<i32>} : memref<2x1024xf32, #tpu.memory_space<vmem>>, vector<16xf32>,
    %scatter3A_666 = arith.constant 0 : i32
    %scatter3A_667 = arith.constant 0 : i32
    %scatter3A_668 = tpu.memref_slice %arg6[%scatter3A_666, %scatter3A_667] : memref<2x32136xf32, #tpu.memory_space<vmem>> -> memref<1x32136xf32, #tpu.memory_space<vmem>>
    %scatter3A_669 = tpu.memref_squeeze %scatter3A_668 : memref<1x32136xf32, #tpu.memory_space<vmem>> -> memref<32136xf32, #tpu.memory_space<vmem>>
    tpu.vector_store_idx %scatter3A_669[%get3A_661], %get3A_665 {add = true} : memref<32136xf32, #tpu.memory_space<vmem>>[vector<16xi32>], vector<16xf32>,
    %get3A_670 = arith.constant 864 : index
    %get3A_671 = tpu.vector_load %arg8[%get3A_670] {strides = array<i32>} : memref<1024xi32, #tpu.memory_space<vmem>>, vector<16xi32>,
    %get3A_672 = arith.constant 0 : i32
    %get3A_673 = arith.index_cast %get3A_672 : i32 to index
    %get3A_674 = arith.constant 864 : index
    %get3A_675 = tpu.vector_load %arg7[%get3A_673, %get3A_674] {strides = array<i32>} : memref<2x1024xf32, #tpu.memory_space<vmem>>, vector<16xf32>,
    %scatter3A_676 = arith.constant 0 : i32
    %scatter3A_677 = arith.constant 0 : i32
    %scatter3A_678 = tpu.memref_slice %arg6[%scatter3A_676, %scatter3A_677] : memref<2x32136xf32, #tpu.memory_space<vmem>> -> memref<1x32136xf32, #tpu.memory_space<vmem>>
    %scatter3A_679 = tpu.memref_squeeze %scatter3A_678 : memref<1x32136xf32, #tpu.memory_space<vmem>> -> memref<32136xf32, #tpu.memory_space<vmem>>
    tpu.vector_store_idx %scatter3A_679[%get3A_671], %get3A_675 {add = true} : memref<32136xf32, #tpu.memory_space<vmem>>[vector<16xi32>], vector<16xf32>,
    %get3A_680 = arith.constant 880 : index
    %get3A_681 = tpu.vector_load %arg8[%get3A_680] {strides = array<i32>} : memref<1024xi32, #tpu.memory_space<vmem>>, vector<16xi32>,
    %get3A_682 = arith.constant 0 : i32
    %get3A_683 = arith.index_cast %get3A_682 : i32 to index
    %get3A_684 = arith.constant 880 : index
    %get3A_685 = tpu.vector_load %arg7[%get3A_683, %get3A_684] {strides = array<i32>} : memref<2x1024xf32, #tpu.memory_space<vmem>>, vector<16xf32>,
    %scatter3A_686 = arith.constant 0 : i32
    %scatter3A_687 = arith.constant 0 : i32
    %scatter3A_688 = tpu.memref_slice %arg6[%scatter3A_686, %scatter3A_687] : memref<2x32136xf32, #tpu.memory_space<vmem>> -> memref<1x32136xf32, #tpu.memory_space<vmem>>
    %scatter3A_689 = tpu.memref_squeeze %scatter3A_688 : memref<1x32136xf32, #tpu.memory_space<vmem>> -> memref<32136xf32, #tpu.memory_space<vmem>>
    tpu.vector_store_idx %scatter3A_689[%get3A_681], %get3A_685 {add = true} : memref<32136xf32, #tpu.memory_space<vmem>>[vector<16xi32>], vector<16xf32>,
    %get3A_690 = arith.constant 896 : index
    %get3A_691 = tpu.vector_load %arg8[%get3A_690] {strides = array<i32>} : memref<1024xi32, #tpu.memory_space<vmem>>, vector<16xi32>,
    %get3A_692 = arith.constant 0 : i32
    %get3A_693 = arith.index_cast %get3A_692 : i32 to index
    %get3A_694 = arith.constant 896 : index
    %get3A_695 = tpu.vector_load %arg7[%get3A_693, %get3A_694] {strides = array<i32>} : memref<2x1024xf32, #tpu.memory_space<vmem>>, vector<16xf32>,
    %scatter3A_696 = arith.constant 0 : i32
    %scatter3A_697 = arith.constant 0 : i32
    %scatter3A_698 = tpu.memref_slice %arg6[%scatter3A_696, %scatter3A_697] : memref<2x32136xf32, #tpu.memory_space<vmem>> -> memref<1x32136xf32, #tpu.memory_space<vmem>>
    %scatter3A_699 = tpu.memref_squeeze %scatter3A_698 : memref<1x32136xf32, #tpu.memory_space<vmem>> -> memref<32136xf32, #tpu.memory_space<vmem>>
    tpu.vector_store_idx %scatter3A_699[%get3A_691], %get3A_695 {add = true} : memref<32136xf32, #tpu.memory_space<vmem>>[vector<16xi32>], vector<16xf32>,
    %get3A_700 = arith.constant 912 : index
    %get3A_701 = tpu.vector_load %arg8[%get3A_700] {strides = array<i32>} : memref<1024xi32, #tpu.memory_space<vmem>>, vector<16xi32>,
    %get3A_702 = arith.constant 0 : i32
    %get3A_703 = arith.index_cast %get3A_702 : i32 to index
    %get3A_704 = arith.constant 912 : index
    %get3A_705 = tpu.vector_load %arg7[%get3A_703, %get3A_704] {strides = array<i32>} : memref<2x1024xf32, #tpu.memory_space<vmem>>, vector<16xf32>,
    %scatter3A_706 = arith.constant 0 : i32
    %scatter3A_707 = arith.constant 0 : i32
    %scatter3A_708 = tpu.memref_slice %arg6[%scatter3A_706, %scatter3A_707] : memref<2x32136xf32, #tpu.memory_space<vmem>> -> memref<1x32136xf32, #tpu.memory_space<vmem>>
    %scatter3A_709 = tpu.memref_squeeze %scatter3A_708 : memref<1x32136xf32, #tpu.memory_space<vmem>> -> memref<32136xf32, #tpu.memory_space<vmem>>
    tpu.vector_store_idx %scatter3A_709[%get3A_701], %get3A_705 {add = true} : memref<32136xf32, #tpu.memory_space<vmem>>[vector<16xi32>], vector<16xf32>,
    %get3A_710 = arith.constant 928 : index
    %get3A_711 = tpu.vector_load %arg8[%get3A_710] {strides = array<i32>} : memref<1024xi32, #tpu.memory_space<vmem>>, vector<16xi32>,
    %get3A_712 = arith.constant 0 : i32
    %get3A_713 = arith.index_cast %get3A_712 : i32 to index
    %get3A_714 = arith.constant 928 : index
    %get3A_715 = tpu.vector_load %arg7[%get3A_713, %get3A_714] {strides = array<i32>} : memref<2x1024xf32, #tpu.memory_space<vmem>>, vector<16xf32>,
    %scatter3A_716 = arith.constant 0 : i32
    %scatter3A_717 = arith.constant 0 : i32
    %scatter3A_718 = tpu.memref_slice %arg6[%scatter3A_716, %scatter3A_717] : memref<2x32136xf32, #tpu.memory_space<vmem>> -> memref<1x32136xf32, #tpu.memory_space<vmem>>
    %scatter3A_719 = tpu.memref_squeeze %scatter3A_718 : memref<1x32136xf32, #tpu.memory_space<vmem>> -> memref<32136xf32, #tpu.memory_space<vmem>>
    tpu.vector_store_idx %scatter3A_719[%get3A_711], %get3A_715 {add = true} : memref<32136xf32, #tpu.memory_space<vmem>>[vector<16xi32>], vector<16xf32>,
    %get3A_720 = arith.constant 944 : index
    %get3A_721 = tpu.vector_load %arg8[%get3A_720] {strides = array<i32>} : memref<1024xi32, #tpu.memory_space<vmem>>, vector<16xi32>,
    %get3A_722 = arith.constant 0 : i32
    %get3A_723 = arith.index_cast %get3A_722 : i32 to index
    %get3A_724 = arith.constant 944 : index
    %get3A_725 = tpu.vector_load %arg7[%get3A_723, %get3A_724] {strides = array<i32>} : memref<2x1024xf32, #tpu.memory_space<vmem>>, vector<16xf32>,
    %scatter3A_726 = arith.constant 0 : i32
    %scatter3A_727 = arith.constant 0 : i32
    %scatter3A_728 = tpu.memref_slice %arg6[%scatter3A_726, %scatter3A_727] : memref<2x32136xf32, #tpu.memory_space<vmem>> -> memref<1x32136xf32, #tpu.memory_space<vmem>>
    %scatter3A_729 = tpu.memref_squeeze %scatter3A_728 : memref<1x32136xf32, #tpu.memory_space<vmem>> -> memref<32136xf32, #tpu.memory_space<vmem>>
    tpu.vector_store_idx %scatter3A_729[%get3A_721], %get3A_725 {add = true} : memref<32136xf32, #tpu.memory_space<vmem>>[vector<16xi32>], vector<16xf32>,
    %get3A_730 = arith.constant 960 : index
    %get3A_731 = tpu.vector_load %arg8[%get3A_730] {strides = array<i32>} : memref<1024xi32, #tpu.memory_space<vmem>>, vector<16xi32>,
    %get3A_732 = arith.constant 0 : i32
    %get3A_733 = arith.index_cast %get3A_732 : i32 to index
    %get3A_734 = arith.constant 960 : index
    %get3A_735 = tpu.vector_load %arg7[%get3A_733, %get3A_734] {strides = array<i32>} : memref<2x1024xf32, #tpu.memory_space<vmem>>, vector<16xf32>,
    %scatter3A_736 = arith.constant 0 : i32
    %scatter3A_737 = arith.constant 0 : i32
    %scatter3A_738 = tpu.memref_slice %arg6[%scatter3A_736, %scatter3A_737] : memref<2x32136xf32, #tpu.memory_space<vmem>> -> memref<1x32136xf32, #tpu.memory_space<vmem>>
    %scatter3A_739 = tpu.memref_squeeze %scatter3A_738 : memref<1x32136xf32, #tpu.memory_space<vmem>> -> memref<32136xf32, #tpu.memory_space<vmem>>
    tpu.vector_store_idx %scatter3A_739[%get3A_731], %get3A_735 {add = true} : memref<32136xf32, #tpu.memory_space<vmem>>[vector<16xi32>], vector<16xf32>,
    %get3A_740 = arith.constant 976 : index
    %get3A_741 = tpu.vector_load %arg8[%get3A_740] {strides = array<i32>} : memref<1024xi32, #tpu.memory_space<vmem>>, vector<16xi32>,
    %get3A_742 = arith.constant 0 : i32
    %get3A_743 = arith.index_cast %get3A_742 : i32 to index
    %get3A_744 = arith.constant 976 : index
    %get3A_745 = tpu.vector_load %arg7[%get3A_743, %get3A_744] {strides = array<i32>} : memref<2x1024xf32, #tpu.memory_space<vmem>>, vector<16xf32>,
    %scatter3A_746 = arith.constant 0 : i32
    %scatter3A_747 = arith.constant 0 : i32
    %scatter3A_748 = tpu.memref_slice %arg6[%scatter3A_746, %scatter3A_747] : memref<2x32136xf32, #tpu.memory_space<vmem>> -> memref<1x32136xf32, #tpu.memory_space<vmem>>
    %scatter3A_749 = tpu.memref_squeeze %scatter3A_748 : memref<1x32136xf32, #tpu.memory_space<vmem>> -> memref<32136xf32, #tpu.memory_space<vmem>>
    tpu.vector_store_idx %scatter3A_749[%get3A_741], %get3A_745 {add = true} : memref<32136xf32, #tpu.memory_space<vmem>>[vector<16xi32>], vector<16xf32>,
    %get3A_750 = arith.constant 992 : index
    %get3A_751 = tpu.vector_load %arg8[%get3A_750] {strides = array<i32>} : memref<1024xi32, #tpu.memory_space<vmem>>, vector<16xi32>,
    %get3A_752 = arith.constant 0 : i32
    %get3A_753 = arith.index_cast %get3A_752 : i32 to index
    %get3A_754 = arith.constant 992 : index
    %get3A_755 = tpu.vector_load %arg7[%get3A_753, %get3A_754] {strides = array<i32>} : memref<2x1024xf32, #tpu.memory_space<vmem>>, vector<16xf32>,
    %scatter3A_756 = arith.constant 0 : i32
    %scatter3A_757 = arith.constant 0 : i32
    %scatter3A_758 = tpu.memref_slice %arg6[%scatter3A_756, %scatter3A_757] : memref<2x32136xf32, #tpu.memory_space<vmem>> -> memref<1x32136xf32, #tpu.memory_space<vmem>>
    %scatter3A_759 = tpu.memref_squeeze %scatter3A_758 : memref<1x32136xf32, #tpu.memory_space<vmem>> -> memref<32136xf32, #tpu.memory_space<vmem>>
    tpu.vector_store_idx %scatter3A_759[%get3A_751], %get3A_755 {add = true} : memref<32136xf32, #tpu.memory_space<vmem>>[vector<16xi32>], vector<16xf32>,
    %get3A_760 = arith.constant 1008 : index
    %get3A_761 = tpu.vector_load %arg8[%get3A_760] {strides = array<i32>} : memref<1024xi32, #tpu.memory_space<vmem>>, vector<16xi32>,
    %get3A_762 = arith.constant 0 : i32
    %get3A_763 = arith.index_cast %get3A_762 : i32 to index
    %get3A_764 = arith.constant 1008 : index
    %get3A_765 = tpu.vector_load %arg7[%get3A_763, %get3A_764] {strides = array<i32>} : memref<2x1024xf32, #tpu.memory_space<vmem>>, vector<16xf32>,
    %scatter3A_766 = arith.constant 0 : i32
    %scatter3A_767 = arith.constant 0 : i32
    %scatter3A_768 = tpu.memref_slice %arg6[%scatter3A_766, %scatter3A_767] : memref<2x32136xf32, #tpu.memory_space<vmem>> -> memref<1x32136xf32, #tpu.memory_space<vmem>>
    %scatter3A_769 = tpu.memref_squeeze %scatter3A_768 : memref<1x32136xf32, #tpu.memory_space<vmem>> -> memref<32136xf32, #tpu.memory_space<vmem>>
    tpu.vector_store_idx %scatter3A_769[%get3A_761], %get3A_765 {add = true} : memref<32136xf32, #tpu.memory_space<vmem>>[vector<16xi32>], vector<16xf32>,
    %add3A_770 = arith.constant 0 : i32
    %add3A_771 = arith.addi %mul3A_32, %add3A_770 : i32
    %dma_start3A_772 = arith.constant 0 : i32
    %dma_start3A_773 = arith.constant 0 : i32
    %dma_start3A_774 = arith.constant 0 : i32
    %dma_start3A_775 = tpu.memref_slice %arg6[%dma_start3A_772, %dma_start3A_774] : memref<2x32136xf32, #tpu.memory_space<vmem>> -> memref<1x32128xf32, #tpu.memory_space<vmem>>
    %dma_start3A_776 = tpu.memref_squeeze %dma_start3A_775 : memref<1x32128xf32, #tpu.memory_space<vmem>> -> memref<32128xf32, #tpu.memory_space<vmem>>
    %dma_start3A_777 = arith.constant 0 : i32
    %dma_start3A_778 = tpu.memref_slice %arg5[%select_n3A, %add3A_771, %dma_start3A_777] : memref<8x16x32128xf32, #tpu.memory_space<hbm>> -> memref<1x1x32128xf32, #tpu.memory_space<hbm>>
    %dma_start3A_779 = tpu.memref_squeeze %dma_start3A_778 : memref<1x1x32128xf32, #tpu.memory_space<hbm>> -> memref<32128xf32, #tpu.memory_space<hbm>>
    %dma_start3A_780 = tpu.memref_slice %arg10[%dma_start3A_773] : memref<2x!tpu.dma_semaphore, #tpu.memory_space<semaphore_mem>> -> memref<1x!tpu.dma_semaphore, #tpu.memory_space<semaphore_mem>>
    %dma_start3A_781 = tpu.memref_squeeze %dma_start3A_780 : memref<1x!tpu.dma_semaphore, #tpu.memory_space<semaphore_mem>> -> memref<!tpu.dma_semaphore, #tpu.memory_space<semaphore_mem>>
    %dma_start3A_782 = arith.constant 0 : i32
    %dma_start3A_783 = tpu.memref_slice %arg5[%select_n3A, %add3A_771, %dma_start3A_782] : memref<8x16x32128xf32, #tpu.memory_space<hbm>> -> memref<1x1x32128xf32, #tpu.memory_space<hbm>>
    %dma_start3A_784 = tpu.memref_squeeze %dma_start3A_783 : memref<1x1x32128xf32, #tpu.memory_space<hbm>> -> memref<32128xf32, #tpu.memory_space<hbm>>
    %dma_start3A_785 = arith.constant 0 : i32
    %dma_start3A_786 = tpu.memref_slice %arg6[%dma_start3A_772, %dma_start3A_785] : memref<2x32136xf32, #tpu.memory_space<vmem>> -> memref<1x32128xf32, #tpu.memory_space<vmem>>
    %dma_start3A_787 = tpu.memref_squeeze %dma_start3A_786 : memref<1x32128xf32, #tpu.memory_space<vmem>> -> memref<32128xf32, #tpu.memory_space<vmem>>
    tpu.enqueue_dma source(%dma_start3A_787 : memref<32128xf32, #tpu.memory_space<vmem>>) target(%dma_start3A_784 : memref<32128xf32, #tpu.memory_space<hbm>>) target_semaphore(%dma_start3A_781 : memref<!tpu.dma_semaphore, #tpu.memory_space<semaphore_mem>>)
    %add3A_788 = arith.constant 0 : i32
    %add3A_789 = arith.addi %mul3A_32, %add3A_788 : i32
    %dma_wait3A_790 = arith.constant 0 : i32
    %dma_wait3A_791 = arith.constant 0 : i32
    %dma_wait3A_792 = arith.constant 0 : i32
    %dma_wait3A_793 = tpu.memref_slice %arg6[%dma_wait3A_790, %dma_wait3A_792] : memref<2x32136xf32, #tpu.memory_space<vmem>> -> memref<1x32128xf32, #tpu.memory_space<vmem>>
    %dma_wait3A_794 = tpu.memref_squeeze %dma_wait3A_793 : memref<1x32128xf32, #tpu.memory_space<vmem>> -> memref<32128xf32, #tpu.memory_space<vmem>>
    %dma_wait3A_795 = arith.constant 0 : i32
    %dma_wait3A_796 = tpu.memref_slice %arg5[%select_n3A, %add3A_789, %dma_wait3A_795] : memref<8x16x32128xf32, #tpu.memory_space<hbm>> -> memref<1x1x32128xf32, #tpu.memory_space<hbm>>
    %dma_wait3A_797 = tpu.memref_squeeze %dma_wait3A_796 : memref<1x1x32128xf32, #tpu.memory_space<hbm>> -> memref<32128xf32, #tpu.memory_space<hbm>>
    %dma_wait3A_798 = tpu.memref_slice %arg10[%dma_wait3A_791] : memref<2x!tpu.dma_semaphore, #tpu.memory_space<semaphore_mem>> -> memref<1x!tpu.dma_semaphore, #tpu.memory_space<semaphore_mem>>
    %dma_wait3A_799 = tpu.memref_squeeze %dma_wait3A_798 : memref<1x!tpu.dma_semaphore, #tpu.memory_space<semaphore_mem>> -> memref<!tpu.dma_semaphore, #tpu.memory_space<semaphore_mem>>
    %dma_wait3A_800 = arith.constant 0 : i32
    %dma_wait3A_801 = tpu.memref_slice %arg5[%select_n3A, %add3A_789, %dma_wait3A_800] : memref<8x16x32128xf32, #tpu.memory_space<hbm>> -> memref<1x1x32128xf32, #tpu.memory_space<hbm>>
    %dma_wait3A_802 = tpu.memref_squeeze %dma_wait3A_801 : memref<1x1x32128xf32, #tpu.memory_space<hbm>> -> memref<32128xf32, #tpu.memory_space<hbm>>
    %dma_wait3A_803 = arith.constant 0 : i32
    %dma_wait3A_804 = tpu.memref_slice %arg6[%dma_wait3A_790, %dma_wait3A_803] : memref<2x32136xf32, #tpu.memory_space<vmem>> -> memref<1x32128xf32, #tpu.memory_space<vmem>>
    %dma_wait3A_805 = tpu.memref_squeeze %dma_wait3A_804 : memref<1x32128xf32, #tpu.memory_space<vmem>> -> memref<32128xf32, #tpu.memory_space<vmem>>
    tpu.wait_dma2 semaphore(%dma_wait3A_799 : memref<!tpu.dma_semaphore, #tpu.memory_space<semaphore_mem>>) src(%dma_wait3A_805 : memref<32128xf32, #tpu.memory_space<vmem>>) dst(%dma_wait3A_802 : memref<32128xf32, #tpu.memory_space<hbm>>)
    %mul3A_806 = arith.constant 16 : i32
    %mul3A_807 = arith.muli %select_n3A, %mul3A_806 : i32
    %add3A_808 = arith.addi %mul3A_807, %mul3A_32 : i32
    %add3A_809 = arith.constant 2 : i32
    %add3A_810 = arith.addi %add3A_808, %add3A_809 : i32
    %mul3A_811 = arith.constant 32128 : i32
    %mul3A_812 = arith.muli %add3A_810, %mul3A_811 : i32
    %mul3A_813 = arith.constant 1024 : i32
    %mul3A_814 = arith.muli %add3A_810, %mul3A_813 : i32
    %dma_start3A_815 = arith.constant 0 : i32
    %dma_start3A_816 = arith.constant 0 : i32
    %dma_start3A_817 = arith.constant 0 : i32
    %dma_start3A_818 = tpu.memref_slice %arg6[%dma_start3A_815, %dma_start3A_817] : memref<2x32136xf32, #tpu.memory_space<vmem>> -> memref<1x32128xf32, #tpu.memory_space<vmem>>
    %dma_start3A_819 = tpu.memref_squeeze %dma_start3A_818 : memref<1x32128xf32, #tpu.memory_space<vmem>> -> memref<32128xf32, #tpu.memory_space<vmem>>
    %dma_start3A_820 = tpu.memref_slice %arg2[%mul3A_812] : memref<4112384xf32, #tpu.memory_space<hbm>> -> memref<32128xf32, #tpu.memory_space<hbm>>
    %dma_start3A_821 = tpu.memref_slice %arg9[%dma_start3A_816] : memref<2x!tpu.dma_semaphore, #tpu.memory_space<semaphore_mem>> -> memref<1x!tpu.dma_semaphore, #tpu.memory_space<semaphore_mem>>
    %dma_start3A_822 = tpu.memref_squeeze %dma_start3A_821 : memref<1x!tpu.dma_semaphore, #tpu.memory_space<semaphore_mem>> -> memref<!tpu.dma_semaphore, #tpu.memory_space<semaphore_mem>>
    %dma_start3A_823 = arith.constant 0 : i32
    %dma_start3A_824 = tpu.memref_slice %arg6[%dma_start3A_815, %dma_start3A_823] : memref<2x32136xf32, #tpu.memory_space<vmem>> -> memref<1x32128xf32, #tpu.memory_space<vmem>>
    %dma_start3A_825 = tpu.memref_squeeze %dma_start3A_824 : memref<1x32128xf32, #tpu.memory_space<vmem>> -> memref<32128xf32, #tpu.memory_space<vmem>>
    %dma_start3A_826 = tpu.memref_slice %arg2[%mul3A_812] : memref<4112384xf32, #tpu.memory_space<hbm>> -> memref<32128xf32, #tpu.memory_space<hbm>>
    tpu.enqueue_dma source(%dma_start3A_826 : memref<32128xf32, #tpu.memory_space<hbm>>) target(%dma_start3A_825 : memref<32128xf32, #tpu.memory_space<vmem>>) target_semaphore(%dma_start3A_822 : memref<!tpu.dma_semaphore, #tpu.memory_space<semaphore_mem>>)
    %dma_start3A_827 = arith.constant 0 : i32
    %dma_start3A_828 = arith.constant 0 : i32
    %dma_start3A_829 = arith.constant 0 : i32
    %dma_start3A_830 = tpu.memref_slice %arg7[%dma_start3A_827, %dma_start3A_829] : memref<2x1024xf32, #tpu.memory_space<vmem>> -> memref<1x1024xf32, #tpu.memory_space<vmem>>
    %dma_start3A_831 = tpu.memref_squeeze %dma_start3A_830 : memref<1x1024xf32, #tpu.memory_space<vmem>> -> memref<1024xf32, #tpu.memory_space<vmem>>
    %dma_start3A_832 = tpu.memref_slice %arg3[%mul3A_814] : memref<131072xf32, #tpu.memory_space<hbm>> -> memref<1024xf32, #tpu.memory_space<hbm>>
    %dma_start3A_833 = tpu.memref_slice %arg9[%dma_start3A_828] : memref<2x!tpu.dma_semaphore, #tpu.memory_space<semaphore_mem>> -> memref<1x!tpu.dma_semaphore, #tpu.memory_space<semaphore_mem>>
    %dma_start3A_834 = tpu.memref_squeeze %dma_start3A_833 : memref<1x!tpu.dma_semaphore, #tpu.memory_space<semaphore_mem>> -> memref<!tpu.dma_semaphore, #tpu.memory_space<semaphore_mem>>
    %dma_start3A_835 = arith.constant 0 : i32
    %dma_start3A_836 = tpu.memref_slice %arg7[%dma_start3A_827, %dma_start3A_835] : memref<2x1024xf32, #tpu.memory_space<vmem>> -> memref<1x1024xf32, #tpu.memory_space<vmem>>
    %dma_start3A_837 = tpu.memref_squeeze %dma_start3A_836 : memref<1x1024xf32, #tpu.memory_space<vmem>> -> memref<1024xf32, #tpu.memory_space<vmem>>
    %dma_start3A_838 = tpu.memref_slice %arg3[%mul3A_814] : memref<131072xf32, #tpu.memory_space<hbm>> -> memref<1024xf32, #tpu.memory_space<hbm>>
    tpu.enqueue_dma source(%dma_start3A_838 : memref<1024xf32, #tpu.memory_space<hbm>>) target(%dma_start3A_837 : memref<1024xf32, #tpu.memory_space<vmem>>) target_semaphore(%dma_start3A_834 : memref<!tpu.dma_semaphore, #tpu.memory_space<semaphore_mem>>)
    %mul3A_839 = arith.constant 16 : i32
    %mul3A_840 = arith.muli %select_n3A, %mul3A_839 : i32
    %add3A_841 = arith.addi %mul3A_840, %mul3A_32 : i32
    %add3A_842 = arith.constant 1 : i32
    %add3A_843 = arith.addi %add3A_841, %add3A_842 : i32
    %mul3A_844 = arith.constant 32128 : i32
    %mul3A_845 = arith.muli %add3A_843, %mul3A_844 : i32
    %mul3A_846 = arith.constant 1024 : i32
    %mul3A_847 = arith.muli %add3A_843, %mul3A_846 : i32
    %dma_wait3A_848 = arith.constant 1 : i32
    %dma_wait3A_849 = arith.constant 1 : i32
    %dma_wait3A_850 = arith.constant 0 : i32
    %dma_wait3A_851 = tpu.memref_slice %arg6[%dma_wait3A_848, %dma_wait3A_850] : memref<2x32136xf32, #tpu.memory_space<vmem>> -> memref<1x32128xf32, #tpu.memory_space<vmem>>
    %dma_wait3A_852 = tpu.memref_squeeze %dma_wait3A_851 : memref<1x32128xf32, #tpu.memory_space<vmem>> -> memref<32128xf32, #tpu.memory_space<vmem>>
    %dma_wait3A_853 = tpu.memref_slice %arg2[%mul3A_845] : memref<4112384xf32, #tpu.memory_space<hbm>> -> memref<32128xf32, #tpu.memory_space<hbm>>
    %dma_wait3A_854 = tpu.memref_slice %arg9[%dma_wait3A_849] : memref<2x!tpu.dma_semaphore, #tpu.memory_space<semaphore_mem>> -> memref<1x!tpu.dma_semaphore, #tpu.memory_space<semaphore_mem>>
    %dma_wait3A_855 = tpu.memref_squeeze %dma_wait3A_854 : memref<1x!tpu.dma_semaphore, #tpu.memory_space<semaphore_mem>> -> memref<!tpu.dma_semaphore, #tpu.memory_space<semaphore_mem>>
    %dma_wait3A_856 = arith.constant 0 : i32
    %dma_wait3A_857 = tpu.memref_slice %arg6[%dma_wait3A_848, %dma_wait3A_856] : memref<2x32136xf32, #tpu.memory_space<vmem>> -> memref<1x32128xf32, #tpu.memory_space<vmem>>
    %dma_wait3A_858 = tpu.memref_squeeze %dma_wait3A_857 : memref<1x32128xf32, #tpu.memory_space<vmem>> -> memref<32128xf32, #tpu.memory_space<vmem>>
    %dma_wait3A_859 = tpu.memref_slice %arg2[%mul3A_845] : memref<4112384xf32, #tpu.memory_space<hbm>> -> memref<32128xf32, #tpu.memory_space<hbm>>
    tpu.wait_dma2 semaphore(%dma_wait3A_855 : memref<!tpu.dma_semaphore, #tpu.memory_space<semaphore_mem>>) src(%dma_wait3A_859 : memref<32128xf32, #tpu.memory_space<hbm>>) dst(%dma_wait3A_858 : memref<32128xf32, #tpu.memory_space<vmem>>)
    %dma_wait3A_860 = arith.constant 1 : i32
    %dma_wait3A_861 = arith.constant 1 : i32
    %dma_wait3A_862 = arith.constant 0 : i32
    %dma_wait3A_863 = tpu.memref_slice %arg7[%dma_wait3A_860, %dma_wait3A_862] : memref<2x1024xf32, #tpu.memory_space<vmem>> -> memref<1x1024xf32, #tpu.memory_space<vmem>>
    %dma_wait3A_864 = tpu.memref_squeeze %dma_wait3A_863 : memref<1x1024xf32, #tpu.memory_space<vmem>> -> memref<1024xf32, #tpu.memory_space<vmem>>
    %dma_wait3A_865 = tpu.memref_slice %arg3[%mul3A_847] : memref<131072xf32, #tpu.memory_space<hbm>> -> memref<1024xf32, #tpu.memory_space<hbm>>
    %dma_wait3A_866 = tpu.memref_slice %arg9[%dma_wait3A_861] : memref<2x!tpu.dma_semaphore, #tpu.memory_space<semaphore_mem>> -> memref<1x!tpu.dma_semaphore, #tpu.memory_space<semaphore_mem>>
    %dma_wait3A_867 = tpu.memref_squeeze %dma_wait3A_866 : memref<1x!tpu.dma_semaphore, #tpu.memory_space<semaphore_mem>> -> memref<!tpu.dma_semaphore, #tpu.memory_space<semaphore_mem>>
    %dma_wait3A_868 = arith.constant 0 : i32
    %dma_wait3A_869 = tpu.memref_slice %arg7[%dma_wait3A_860, %dma_wait3A_868] : memref<2x1024xf32, #tpu.memory_space<vmem>> -> memref<1x1024xf32, #tpu.memory_space<vmem>>
    %dma_wait3A_870 = tpu.memref_squeeze %dma_wait3A_869 : memref<1x1024xf32, #tpu.memory_space<vmem>> -> memref<1024xf32, #tpu.memory_space<vmem>>
    %dma_wait3A_871 = tpu.memref_slice %arg3[%mul3A_847] : memref<131072xf32, #tpu.memory_space<hbm>> -> memref<1024xf32, #tpu.memory_space<hbm>>
    tpu.wait_dma2 semaphore(%dma_wait3A_867 : memref<!tpu.dma_semaphore, #tpu.memory_space<semaphore_mem>>) src(%dma_wait3A_871 : memref<1024xf32, #tpu.memory_space<hbm>>) dst(%dma_wait3A_870 : memref<1024xf32, #tpu.memory_space<vmem>>)
    %get3A_872 = arith.constant 0 : index
    %get3A_873 = tpu.vector_load %arg8[%get3A_872] {strides = array<i32>} : memref<1024xi32, #tpu.memory_space<vmem>>, vector<16xi32>,
    %get3A_874 = arith.constant 1 : i32
    %get3A_875 = arith.index_cast %get3A_874 : i32 to index
    %get3A_876 = arith.constant 0 : index
    %get3A_877 = tpu.vector_load %arg7[%get3A_875, %get3A_876] {strides = array<i32>} : memref<2x1024xf32, #tpu.memory_space<vmem>>, vector<16xf32>,
    %scatter3A_878 = arith.constant 1 : i32
    %scatter3A_879 = arith.constant 0 : i32
    %scatter3A_880 = tpu.memref_slice %arg6[%scatter3A_878, %scatter3A_879] : memref<2x32136xf32, #tpu.memory_space<vmem>> -> memref<1x32136xf32, #tpu.memory_space<vmem>>
    %scatter3A_881 = tpu.memref_squeeze %scatter3A_880 : memref<1x32136xf32, #tpu.memory_space<vmem>> -> memref<32136xf32, #tpu.memory_space<vmem>>
    tpu.vector_store_idx %scatter3A_881[%get3A_873], %get3A_877 {add = true} : memref<32136xf32, #tpu.memory_space<vmem>>[vector<16xi32>], vector<16xf32>,
    %get3A_882 = arith.constant 16 : index
    %get3A_883 = tpu.vector_load %arg8[%get3A_882] {strides = array<i32>} : memref<1024xi32, #tpu.memory_space<vmem>>, vector<16xi32>,
    %get3A_884 = arith.constant 1 : i32
    %get3A_885 = arith.index_cast %get3A_884 : i32 to index
    %get3A_886 = arith.constant 16 : index
    %get3A_887 = tpu.vector_load %arg7[%get3A_885, %get3A_886] {strides = array<i32>} : memref<2x1024xf32, #tpu.memory_space<vmem>>, vector<16xf32>,
    %scatter3A_888 = arith.constant 1 : i32
    %scatter3A_889 = arith.constant 0 : i32
    %scatter3A_890 = tpu.memref_slice %arg6[%scatter3A_888, %scatter3A_889] : memref<2x32136xf32, #tpu.memory_space<vmem>> -> memref<1x32136xf32, #tpu.memory_space<vmem>>
    %scatter3A_891 = tpu.memref_squeeze %scatter3A_890 : memref<1x32136xf32, #tpu.memory_space<vmem>> -> memref<32136xf32, #tpu.memory_space<vmem>>
    tpu.vector_store_idx %scatter3A_891[%get3A_883], %get3A_887 {add = true} : memref<32136xf32, #tpu.memory_space<vmem>>[vector<16xi32>], vector<16xf32>,
    %get3A_892 = arith.constant 32 : index
    %get3A_893 = tpu.vector_load %arg8[%get3A_892] {strides = array<i32>} : memref<1024xi32, #tpu.memory_space<vmem>>, vector<16xi32>,
    %get3A_894 = arith.constant 1 : i32
    %get3A_895 = arith.index_cast %get3A_894 : i32 to index
    %get3A_896 = arith.constant 32 : index
    %get3A_897 = tpu.vector_load %arg7[%get3A_895, %get3A_896] {strides = array<i32>} : memref<2x1024xf32, #tpu.memory_space<vmem>>, vector<16xf32>,
    %scatter3A_898 = arith.constant 1 : i32
    %scatter3A_899 = arith.constant 0 : i32
    %scatter3A_900 = tpu.memref_slice %arg6[%scatter3A_898, %scatter3A_899] : memref<2x32136xf32, #tpu.memory_space<vmem>> -> memref<1x32136xf32, #tpu.memory_space<vmem>>
    %scatter3A_901 = tpu.memref_squeeze %scatter3A_900 : memref<1x32136xf32, #tpu.memory_space<vmem>> -> memref<32136xf32, #tpu.memory_space<vmem>>
    tpu.vector_store_idx %scatter3A_901[%get3A_893], %get3A_897 {add = true} : memref<32136xf32, #tpu.memory_space<vmem>>[vector<16xi32>], vector<16xf32>,
    %get3A_902 = arith.constant 48 : index
    %get3A_903 = tpu.vector_load %arg8[%get3A_902] {strides = array<i32>} : memref<1024xi32, #tpu.memory_space<vmem>>, vector<16xi32>,
    %get3A_904 = arith.constant 1 : i32
    %get3A_905 = arith.index_cast %get3A_904 : i32 to index
    %get3A_906 = arith.constant 48 : index
    %get3A_907 = tpu.vector_load %arg7[%get3A_905, %get3A_906] {strides = array<i32>} : memref<2x1024xf32, #tpu.memory_space<vmem>>, vector<16xf32>,
    %scatter3A_908 = arith.constant 1 : i32
    %scatter3A_909 = arith.constant 0 : i32
    %scatter3A_910 = tpu.memref_slice %arg6[%scatter3A_908, %scatter3A_909] : memref<2x32136xf32, #tpu.memory_space<vmem>> -> memref<1x32136xf32, #tpu.memory_space<vmem>>
    %scatter3A_911 = tpu.memref_squeeze %scatter3A_910 : memref<1x32136xf32, #tpu.memory_space<vmem>> -> memref<32136xf32, #tpu.memory_space<vmem>>
    tpu.vector_store_idx %scatter3A_911[%get3A_903], %get3A_907 {add = true} : memref<32136xf32, #tpu.memory_space<vmem>>[vector<16xi32>], vector<16xf32>,
    %get3A_912 = arith.constant 64 : index
    %get3A_913 = tpu.vector_load %arg8[%get3A_912] {strides = array<i32>} : memref<1024xi32, #tpu.memory_space<vmem>>, vector<16xi32>,
    %get3A_914 = arith.constant 1 : i32
    %get3A_915 = arith.index_cast %get3A_914 : i32 to index
    %get3A_916 = arith.constant 64 : index
    %get3A_917 = tpu.vector_load %arg7[%get3A_915, %get3A_916] {strides = array<i32>} : memref<2x1024xf32, #tpu.memory_space<vmem>>, vector<16xf32>,
    %scatter3A_918 = arith.constant 1 : i32
    %scatter3A_919 = arith.constant 0 : i32
    %scatter3A_920 = tpu.memref_slice %arg6[%scatter3A_918, %scatter3A_919] : memref<2x32136xf32, #tpu.memory_space<vmem>> -> memref<1x32136xf32, #tpu.memory_space<vmem>>
    %scatter3A_921 = tpu.memref_squeeze %scatter3A_920 : memref<1x32136xf32, #tpu.memory_space<vmem>> -> memref<32136xf32, #tpu.memory_space<vmem>>
    tpu.vector_store_idx %scatter3A_921[%get3A_913], %get3A_917 {add = true} : memref<32136xf32, #tpu.memory_space<vmem>>[vector<16xi32>], vector<16xf32>,
    %get3A_922 = arith.constant 80 : index
    %get3A_923 = tpu.vector_load %arg8[%get3A_922] {strides = array<i32>} : memref<1024xi32, #tpu.memory_space<vmem>>, vector<16xi32>,
    %get3A_924 = arith.constant 1 : i32
    %get3A_925 = arith.index_cast %get3A_924 : i32 to index
    %get3A_926 = arith.constant 80 : index
    %get3A_927 = tpu.vector_load %arg7[%get3A_925, %get3A_926] {strides = array<i32>} : memref<2x1024xf32, #tpu.memory_space<vmem>>, vector<16xf32>,
    %scatter3A_928 = arith.constant 1 : i32
    %scatter3A_929 = arith.constant 0 : i32
    %scatter3A_930 = tpu.memref_slice %arg6[%scatter3A_928, %scatter3A_929] : memref<2x32136xf32, #tpu.memory_space<vmem>> -> memref<1x32136xf32, #tpu.memory_space<vmem>>
    %scatter3A_931 = tpu.memref_squeeze %scatter3A_930 : memref<1x32136xf32, #tpu.memory_space<vmem>> -> memref<32136xf32, #tpu.memory_space<vmem>>
    tpu.vector_store_idx %scatter3A_931[%get3A_923], %get3A_927 {add = true} : memref<32136xf32, #tpu.memory_space<vmem>>[vector<16xi32>], vector<16xf32>,
    %get3A_932 = arith.constant 96 : index
    %get3A_933 = tpu.vector_load %arg8[%get3A_932] {strides = array<i32>} : memref<1024xi32, #tpu.memory_space<vmem>>, vector<16xi32>,
    %get3A_934 = arith.constant 1 : i32
    %get3A_935 = arith.index_cast %get3A_934 : i32 to index
    %get3A_936 = arith.constant 96 : index
    %get3A_937 = tpu.vector_load %arg7[%get3A_935, %get3A_936] {strides = array<i32>} : memref<2x1024xf32, #tpu.memory_space<vmem>>, vector<16xf32>,
    %scatter3A_938 = arith.constant 1 : i32
    %scatter3A_939 = arith.constant 0 : i32
    %scatter3A_940 = tpu.memref_slice %arg6[%scatter3A_938, %scatter3A_939] : memref<2x32136xf32, #tpu.memory_space<vmem>> -> memref<1x32136xf32, #tpu.memory_space<vmem>>
    %scatter3A_941 = tpu.memref_squeeze %scatter3A_940 : memref<1x32136xf32, #tpu.memory_space<vmem>> -> memref<32136xf32, #tpu.memory_space<vmem>>
    tpu.vector_store_idx %scatter3A_941[%get3A_933], %get3A_937 {add = true} : memref<32136xf32, #tpu.memory_space<vmem>>[vector<16xi32>], vector<16xf32>,
    %get3A_942 = arith.constant 112 : index
    %get3A_943 = tpu.vector_load %arg8[%get3A_942] {strides = array<i32>} : memref<1024xi32, #tpu.memory_space<vmem>>, vector<16xi32>,
    %get3A_944 = arith.constant 1 : i32
    %get3A_945 = arith.index_cast %get3A_944 : i32 to index
    %get3A_946 = arith.constant 112 : index
    %get3A_947 = tpu.vector_load %arg7[%get3A_945, %get3A_946] {strides = array<i32>} : memref<2x1024xf32, #tpu.memory_space<vmem>>, vector<16xf32>,
    %scatter3A_948 = arith.constant 1 : i32
    %scatter3A_949 = arith.constant 0 : i32
    %scatter3A_950 = tpu.memref_slice %arg6[%scatter3A_948, %scatter3A_949] : memref<2x32136xf32, #tpu.memory_space<vmem>> -> memref<1x32136xf32, #tpu.memory_space<vmem>>
    %scatter3A_951 = tpu.memref_squeeze %scatter3A_950 : memref<1x32136xf32, #tpu.memory_space<vmem>> -> memref<32136xf32, #tpu.memory_space<vmem>>
    tpu.vector_store_idx %scatter3A_951[%get3A_943], %get3A_947 {add = true} : memref<32136xf32, #tpu.memory_space<vmem>>[vector<16xi32>], vector<16xf32>,
    %get3A_952 = arith.constant 128 : index
    %get3A_953 = tpu.vector_load %arg8[%get3A_952] {strides = array<i32>} : memref<1024xi32, #tpu.memory_space<vmem>>, vector<16xi32>,
    %get3A_954 = arith.constant 1 : i32
    %get3A_955 = arith.index_cast %get3A_954 : i32 to index
    %get3A_956 = arith.constant 128 : index
    %get3A_957 = tpu.vector_load %arg7[%get3A_955, %get3A_956] {strides = array<i32>} : memref<2x1024xf32, #tpu.memory_space<vmem>>, vector<16xf32>,
    %scatter3A_958 = arith.constant 1 : i32
    %scatter3A_959 = arith.constant 0 : i32
    %scatter3A_960 = tpu.memref_slice %arg6[%scatter3A_958, %scatter3A_959] : memref<2x32136xf32, #tpu.memory_space<vmem>> -> memref<1x32136xf32, #tpu.memory_space<vmem>>
    %scatter3A_961 = tpu.memref_squeeze %scatter3A_960 : memref<1x32136xf32, #tpu.memory_space<vmem>> -> memref<32136xf32, #tpu.memory_space<vmem>>
    tpu.vector_store_idx %scatter3A_961[%get3A_953], %get3A_957 {add = true} : memref<32136xf32, #tpu.memory_space<vmem>>[vector<16xi32>], vector<16xf32>,
    %get3A_962 = arith.constant 144 : index
    %get3A_963 = tpu.vector_load %arg8[%get3A_962] {strides = array<i32>} : memref<1024xi32, #tpu.memory_space<vmem>>, vector<16xi32>,
    %get3A_964 = arith.constant 1 : i32
    %get3A_965 = arith.index_cast %get3A_964 : i32 to index
    %get3A_966 = arith.constant 144 : index
    %get3A_967 = tpu.vector_load %arg7[%get3A_965, %get3A_966] {strides = array<i32>} : memref<2x1024xf32, #tpu.memory_space<vmem>>, vector<16xf32>,
    %scatter3A_968 = arith.constant 1 : i32
    %scatter3A_969 = arith.constant 0 : i32
    %scatter3A_970 = tpu.memref_slice %arg6[%scatter3A_968, %scatter3A_969] : memref<2x32136xf32, #tpu.memory_space<vmem>> -> memref<1x32136xf32, #tpu.memory_space<vmem>>
    %scatter3A_971 = tpu.memref_squeeze %scatter3A_970 : memref<1x32136xf32, #tpu.memory_space<vmem>> -> memref<32136xf32, #tpu.memory_space<vmem>>
    tpu.vector_store_idx %scatter3A_971[%get3A_963], %get3A_967 {add = true} : memref<32136xf32, #tpu.memory_space<vmem>>[vector<16xi32>], vector<16xf32>,
    %get3A_972 = arith.constant 160 : index
    %get3A_973 = tpu.vector_load %arg8[%get3A_972] {strides = array<i32>} : memref<1024xi32, #tpu.memory_space<vmem>>, vector<16xi32>,
    %get3A_974 = arith.constant 1 : i32
    %get3A_975 = arith.index_cast %get3A_974 : i32 to index
    %get3A_976 = arith.constant 160 : index
    %get3A_977 = tpu.vector_load %arg7[%get3A_975, %get3A_976] {strides = array<i32>} : memref<2x1024xf32, #tpu.memory_space<vmem>>, vector<16xf32>,
    %scatter3A_978 = arith.constant 1 : i32
    %scatter3A_979 = arith.constant 0 : i32
    %scatter3A_980 = tpu.memref_slice %arg6[%scatter3A_978, %scatter3A_979] : memref<2x32136xf32, #tpu.memory_space<vmem>> -> memref<1x32136xf32, #tpu.memory_space<vmem>>
    %scatter3A_981 = tpu.memref_squeeze %scatter3A_980 : memref<1x32136xf32, #tpu.memory_space<vmem>> -> memref<32136xf32, #tpu.memory_space<vmem>>
    tpu.vector_store_idx %scatter3A_981[%get3A_973], %get3A_977 {add = true} : memref<32136xf32, #tpu.memory_space<vmem>>[vector<16xi32>], vector<16xf32>,
    %get3A_982 = arith.constant 176 : index
    %get3A_983 = tpu.vector_load %arg8[%get3A_982] {strides = array<i32>} : memref<1024xi32, #tpu.memory_space<vmem>>, vector<16xi32>,
    %get3A_984 = arith.constant 1 : i32
    %get3A_985 = arith.index_cast %get3A_984 : i32 to index
    %get3A_986 = arith.constant 176 : index
    %get3A_987 = tpu.vector_load %arg7[%get3A_985, %get3A_986] {strides = array<i32>} : memref<2x1024xf32, #tpu.memory_space<vmem>>, vector<16xf32>,
    %scatter3A_988 = arith.constant 1 : i32
    %scatter3A_989 = arith.constant 0 : i32
    %scatter3A_990 = tpu.memref_slice %arg6[%scatter3A_988, %scatter3A_989] : memref<2x32136xf32, #tpu.memory_space<vmem>> -> memref<1x32136xf32, #tpu.memory_space<vmem>>
    %scatter3A_991 = tpu.memref_squeeze %scatter3A_990 : memref<1x32136xf32, #tpu.memory_space<vmem>> -> memref<32136xf32, #tpu.memory_space<vmem>>
    tpu.vector_store_idx %scatter3A_991[%get3A_983], %get3A_987 {add = true} : memref<32136xf32, #tpu.memory_space<vmem>>[vector<16xi32>], vector<16xf32>,
    %get3A_992 = arith.constant 192 : index
    %get3A_993 = tpu.vector_load %arg8[%get3A_992] {strides = array<i32>} : memref<1024xi32, #tpu.memory_space<vmem>>, vector<16xi32>,
    %get3A_994 = arith.constant 1 : i32
    %get3A_995 = arith.index_cast %get3A_994 : i32 to index
    %get3A_996 = arith.constant 192 : index
    %get3A_997 = tpu.vector_load %arg7[%get3A_995, %get3A_996] {strides = array<i32>} : memref<2x1024xf32, #tpu.memory_space<vmem>>, vector<16xf32>,
    %scatter3A_998 = arith.constant 1 : i32
    %scatter3A_999 = arith.constant 0 : i32
    %scatter3A_1000 = tpu.memref_slice %arg6[%scatter3A_998, %scatter3A_999] : memref<2x32136xf32, #tpu.memory_space<vmem>> -> memref<1x32136xf32, #tpu.memory_space<vmem>>
    %scatter3A_1001 = tpu.memref_squeeze %scatter3A_1000 : memref<1x32136xf32, #tpu.memory_space<vmem>> -> memref<32136xf32, #tpu.memory_space<vmem>>
    tpu.vector_store_idx %scatter3A_1001[%get3A_993], %get3A_997 {add = true} : memref<32136xf32, #tpu.memory_space<vmem>>[vector<16xi32>], vector<16xf32>,
    %get3A_1002 = arith.constant 208 : index
    %get3A_1003 = tpu.vector_load %arg8[%get3A_1002] {strides = array<i32>} : memref<1024xi32, #tpu.memory_space<vmem>>, vector<16xi32>,
    %get3A_1004 = arith.constant 1 : i32
    %get3A_1005 = arith.index_cast %get3A_1004 : i32 to index
    %get3A_1006 = arith.constant 208 : index
    %get3A_1007 = tpu.vector_load %arg7[%get3A_1005, %get3A_1006] {strides = array<i32>} : memref<2x1024xf32, #tpu.memory_space<vmem>>, vector<16xf32>,
    %scatter3A_1008 = arith.constant 1 : i32
    %scatter3A_1009 = arith.constant 0 : i32
    %scatter3A_1010 = tpu.memref_slice %arg6[%scatter3A_1008, %scatter3A_1009] : memref<2x32136xf32, #tpu.memory_space<vmem>> -> memref<1x32136xf32, #tpu.memory_space<vmem>>
    %scatter3A_1011 = tpu.memref_squeeze %scatter3A_1010 : memref<1x32136xf32, #tpu.memory_space<vmem>> -> memref<32136xf32, #tpu.memory_space<vmem>>
    tpu.vector_store_idx %scatter3A_1011[%get3A_1003], %get3A_1007 {add = true} : memref<32136xf32, #tpu.memory_space<vmem>>[vector<16xi32>], vector<16xf32>,
    %get3A_1012 = arith.constant 224 : index
    %get3A_1013 = tpu.vector_load %arg8[%get3A_1012] {strides = array<i32>} : memref<1024xi32, #tpu.memory_space<vmem>>, vector<16xi32>,
    %get3A_1014 = arith.constant 1 : i32
    %get3A_1015 = arith.index_cast %get3A_1014 : i32 to index
    %get3A_1016 = arith.constant 224 : index
    %get3A_1017 = tpu.vector_load %arg7[%get3A_1015, %get3A_1016] {strides = array<i32>} : memref<2x1024xf32, #tpu.memory_space<vmem>>, vector<16xf32>,
    %scatter3A_1018 = arith.constant 1 : i32
    %scatter3A_1019 = arith.constant 0 : i32
    %scatter3A_1020 = tpu.memref_slice %arg6[%scatter3A_1018, %scatter3A_1019] : memref<2x32136xf32, #tpu.memory_space<vmem>> -> memref<1x32136xf32, #tpu.memory_space<vmem>>
    %scatter3A_1021 = tpu.memref_squeeze %scatter3A_1020 : memref<1x32136xf32, #tpu.memory_space<vmem>> -> memref<32136xf32, #tpu.memory_space<vmem>>
    tpu.vector_store_idx %scatter3A_1021[%get3A_1013], %get3A_1017 {add = true} : memref<32136xf32, #tpu.memory_space<vmem>>[vector<16xi32>], vector<16xf32>,
    %get3A_1022 = arith.constant 240 : index
    %get3A_1023 = tpu.vector_load %arg8[%get3A_1022] {strides = array<i32>} : memref<1024xi32, #tpu.memory_space<vmem>>, vector<16xi32>,
    %get3A_1024 = arith.constant 1 : i32
    %get3A_1025 = arith.index_cast %get3A_1024 : i32 to index
    %get3A_1026 = arith.constant 240 : index
    %get3A_1027 = tpu.vector_load %arg7[%get3A_1025, %get3A_1026] {strides = array<i32>} : memref<2x1024xf32, #tpu.memory_space<vmem>>, vector<16xf32>,
    %scatter3A_1028 = arith.constant 1 : i32
    %scatter3A_1029 = arith.constant 0 : i32
    %scatter3A_1030 = tpu.memref_slice %arg6[%scatter3A_1028, %scatter3A_1029] : memref<2x32136xf32, #tpu.memory_space<vmem>> -> memref<1x32136xf32, #tpu.memory_space<vmem>>
    %scatter3A_1031 = tpu.memref_squeeze %scatter3A_1030 : memref<1x32136xf32, #tpu.memory_space<vmem>> -> memref<32136xf32, #tpu.memory_space<vmem>>
    tpu.vector_store_idx %scatter3A_1031[%get3A_1023], %get3A_1027 {add = true} : memref<32136xf32, #tpu.memory_space<vmem>>[vector<16xi32>], vector<16xf32>,
    %get3A_1032 = arith.constant 256 : index
    %get3A_1033 = tpu.vector_load %arg8[%get3A_1032] {strides = array<i32>} : memref<1024xi32, #tpu.memory_space<vmem>>, vector<16xi32>,
    %get3A_1034 = arith.constant 1 : i32
    %get3A_1035 = arith.index_cast %get3A_1034 : i32 to index
    %get3A_1036 = arith.constant 256 : index
    %get3A_1037 = tpu.vector_load %arg7[%get3A_1035, %get3A_1036] {strides = array<i32>} : memref<2x1024xf32, #tpu.memory_space<vmem>>, vector<16xf32>,
    %scatter3A_1038 = arith.constant 1 : i32
    %scatter3A_1039 = arith.constant 0 : i32
    %scatter3A_1040 = tpu.memref_slice %arg6[%scatter3A_1038, %scatter3A_1039] : memref<2x32136xf32, #tpu.memory_space<vmem>> -> memref<1x32136xf32, #tpu.memory_space<vmem>>
    %scatter3A_1041 = tpu.memref_squeeze %scatter3A_1040 : memref<1x32136xf32, #tpu.memory_space<vmem>> -> memref<32136xf32, #tpu.memory_space<vmem>>
    tpu.vector_store_idx %scatter3A_1041[%get3A_1033], %get3A_1037 {add = true} : memref<32136xf32, #tpu.memory_space<vmem>>[vector<16xi32>], vector<16xf32>,
    %get3A_1042 = arith.constant 272 : index
    %get3A_1043 = tpu.vector_load %arg8[%get3A_1042] {strides = array<i32>} : memref<1024xi32, #tpu.memory_space<vmem>>, vector<16xi32>,
    %get3A_1044 = arith.constant 1 : i32
    %get3A_1045 = arith.index_cast %get3A_1044 : i32 to index
    %get3A_1046 = arith.constant 272 : index
    %get3A_1047 = tpu.vector_load %arg7[%get3A_1045, %get3A_1046] {strides = array<i32>} : memref<2x1024xf32, #tpu.memory_space<vmem>>, vector<16xf32>,
    %scatter3A_1048 = arith.constant 1 : i32
    %scatter3A_1049 = arith.constant 0 : i32
    %scatter3A_1050 = tpu.memref_slice %arg6[%scatter3A_1048, %scatter3A_1049] : memref<2x32136xf32, #tpu.memory_space<vmem>> -> memref<1x32136xf32, #tpu.memory_space<vmem>>
    %scatter3A_1051 = tpu.memref_squeeze %scatter3A_1050 : memref<1x32136xf32, #tpu.memory_space<vmem>> -> memref<32136xf32, #tpu.memory_space<vmem>>
    tpu.vector_store_idx %scatter3A_1051[%get3A_1043], %get3A_1047 {add = true} : memref<32136xf32, #tpu.memory_space<vmem>>[vector<16xi32>], vector<16xf32>,
    %get3A_1052 = arith.constant 288 : index
    %get3A_1053 = tpu.vector_load %arg8[%get3A_1052] {strides = array<i32>} : memref<1024xi32, #tpu.memory_space<vmem>>, vector<16xi32>,
    %get3A_1054 = arith.constant 1 : i32
    %get3A_1055 = arith.index_cast %get3A_1054 : i32 to index
    %get3A_1056 = arith.constant 288 : index
    %get3A_1057 = tpu.vector_load %arg7[%get3A_1055, %get3A_1056] {strides = array<i32>} : memref<2x1024xf32, #tpu.memory_space<vmem>>, vector<16xf32>,
    %scatter3A_1058 = arith.constant 1 : i32
    %scatter3A_1059 = arith.constant 0 : i32
    %scatter3A_1060 = tpu.memref_slice %arg6[%scatter3A_1058, %scatter3A_1059] : memref<2x32136xf32, #tpu.memory_space<vmem>> -> memref<1x32136xf32, #tpu.memory_space<vmem>>
    %scatter3A_1061 = tpu.memref_squeeze %scatter3A_1060 : memref<1x32136xf32, #tpu.memory_space<vmem>> -> memref<32136xf32, #tpu.memory_space<vmem>>
    tpu.vector_store_idx %scatter3A_1061[%get3A_1053], %get3A_1057 {add = true} : memref<32136xf32, #tpu.memory_space<vmem>>[vector<16xi32>], vector<16xf32>,
    %get3A_1062 = arith.constant 304 : index
    %get3A_1063 = tpu.vector_load %arg8[%get3A_1062] {strides = array<i32>} : memref<1024xi32, #tpu.memory_space<vmem>>, vector<16xi32>,
    %get3A_1064 = arith.constant 1 : i32
    %get3A_1065 = arith.index_cast %get3A_1064 : i32 to index
    %get3A_1066 = arith.constant 304 : index
    %get3A_1067 = tpu.vector_load %arg7[%get3A_1065, %get3A_1066] {strides = array<i32>} : memref<2x1024xf32, #tpu.memory_space<vmem>>, vector<16xf32>,
    %scatter3A_1068 = arith.constant 1 : i32
    %scatter3A_1069 = arith.constant 0 : i32
    %scatter3A_1070 = tpu.memref_slice %arg6[%scatter3A_1068, %scatter3A_1069] : memref<2x32136xf32, #tpu.memory_space<vmem>> -> memref<1x32136xf32, #tpu.memory_space<vmem>>
    %scatter3A_1071 = tpu.memref_squeeze %scatter3A_1070 : memref<1x32136xf32, #tpu.memory_space<vmem>> -> memref<32136xf32, #tpu.memory_space<vmem>>
    tpu.vector_store_idx %scatter3A_1071[%get3A_1063], %get3A_1067 {add = true} : memref<32136xf32, #tpu.memory_space<vmem>>[vector<16xi32>], vector<16xf32>,
    %get3A_1072 = arith.constant 320 : index
    %get3A_1073 = tpu.vector_load %arg8[%get3A_1072] {strides = array<i32>} : memref<1024xi32, #tpu.memory_space<vmem>>, vector<16xi32>,
    %get3A_1074 = arith.constant 1 : i32
    %get3A_1075 = arith.index_cast %get3A_1074 : i32 to index
    %get3A_1076 = arith.constant 320 : index
    %get3A_1077 = tpu.vector_load %arg7[%get3A_1075, %get3A_1076] {strides = array<i32>} : memref<2x1024xf32, #tpu.memory_space<vmem>>, vector<16xf32>,
    %scatter3A_1078 = arith.constant 1 : i32
    %scatter3A_1079 = arith.constant 0 : i32
    %scatter3A_1080 = tpu.memref_slice %arg6[%scatter3A_1078, %scatter3A_1079] : memref<2x32136xf32, #tpu.memory_space<vmem>> -> memref<1x32136xf32, #tpu.memory_space<vmem>>
    %scatter3A_1081 = tpu.memref_squeeze %scatter3A_1080 : memref<1x32136xf32, #tpu.memory_space<vmem>> -> memref<32136xf32, #tpu.memory_space<vmem>>
    tpu.vector_store_idx %scatter3A_1081[%get3A_1073], %get3A_1077 {add = true} : memref<32136xf32, #tpu.memory_space<vmem>>[vector<16xi32>], vector<16xf32>,
    %get3A_1082 = arith.constant 336 : index
    %get3A_1083 = tpu.vector_load %arg8[%get3A_1082] {strides = array<i32>} : memref<1024xi32, #tpu.memory_space<vmem>>, vector<16xi32>,
    %get3A_1084 = arith.constant 1 : i32
    %get3A_1085 = arith.index_cast %get3A_1084 : i32 to index
    %get3A_1086 = arith.constant 336 : index
    %get3A_1087 = tpu.vector_load %arg7[%get3A_1085, %get3A_1086] {strides = array<i32>} : memref<2x1024xf32, #tpu.memory_space<vmem>>, vector<16xf32>,
    %scatter3A_1088 = arith.constant 1 : i32
    %scatter3A_1089 = arith.constant 0 : i32
    %scatter3A_1090 = tpu.memref_slice %arg6[%scatter3A_1088, %scatter3A_1089] : memref<2x32136xf32, #tpu.memory_space<vmem>> -> memref<1x32136xf32, #tpu.memory_space<vmem>>
    %scatter3A_1091 = tpu.memref_squeeze %scatter3A_1090 : memref<1x32136xf32, #tpu.memory_space<vmem>> -> memref<32136xf32, #tpu.memory_space<vmem>>
    tpu.vector_store_idx %scatter3A_1091[%get3A_1083], %get3A_1087 {add = true} : memref<32136xf32, #tpu.memory_space<vmem>>[vector<16xi32>], vector<16xf32>,
    %get3A_1092 = arith.constant 352 : index
    %get3A_1093 = tpu.vector_load %arg8[%get3A_1092] {strides = array<i32>} : memref<1024xi32, #tpu.memory_space<vmem>>, vector<16xi32>,
    %get3A_1094 = arith.constant 1 : i32
    %get3A_1095 = arith.index_cast %get3A_1094 : i32 to index
    %get3A_1096 = arith.constant 352 : index
    %get3A_1097 = tpu.vector_load %arg7[%get3A_1095, %get3A_1096] {strides = array<i32>} : memref<2x1024xf32, #tpu.memory_space<vmem>>, vector<16xf32>,
    %scatter3A_1098 = arith.constant 1 : i32
    %scatter3A_1099 = arith.constant 0 : i32
    %scatter3A_1100 = tpu.memref_slice %arg6[%scatter3A_1098, %scatter3A_1099] : memref<2x32136xf32, #tpu.memory_space<vmem>> -> memref<1x32136xf32, #tpu.memory_space<vmem>>
    %scatter3A_1101 = tpu.memref_squeeze %scatter3A_1100 : memref<1x32136xf32, #tpu.memory_space<vmem>> -> memref<32136xf32, #tpu.memory_space<vmem>>
    tpu.vector_store_idx %scatter3A_1101[%get3A_1093], %get3A_1097 {add = true} : memref<32136xf32, #tpu.memory_space<vmem>>[vector<16xi32>], vector<16xf32>,
    %get3A_1102 = arith.constant 368 : index
    %get3A_1103 = tpu.vector_load %arg8[%get3A_1102] {strides = array<i32>} : memref<1024xi32, #tpu.memory_space<vmem>>, vector<16xi32>,
    %get3A_1104 = arith.constant 1 : i32
    %get3A_1105 = arith.index_cast %get3A_1104 : i32 to index
    %get3A_1106 = arith.constant 368 : index
    %get3A_1107 = tpu.vector_load %arg7[%get3A_1105, %get3A_1106] {strides = array<i32>} : memref<2x1024xf32, #tpu.memory_space<vmem>>, vector<16xf32>,
    %scatter3A_1108 = arith.constant 1 : i32
    %scatter3A_1109 = arith.constant 0 : i32
    %scatter3A_1110 = tpu.memref_slice %arg6[%scatter3A_1108, %scatter3A_1109] : memref<2x32136xf32, #tpu.memory_space<vmem>> -> memref<1x32136xf32, #tpu.memory_space<vmem>>
    %scatter3A_1111 = tpu.memref_squeeze %scatter3A_1110 : memref<1x32136xf32, #tpu.memory_space<vmem>> -> memref<32136xf32, #tpu.memory_space<vmem>>
    tpu.vector_store_idx %scatter3A_1111[%get3A_1103], %get3A_1107 {add = true} : memref<32136xf32, #tpu.memory_space<vmem>>[vector<16xi32>], vector<16xf32>,
    %get3A_1112 = arith.constant 384 : index
    %get3A_1113 = tpu.vector_load %arg8[%get3A_1112] {strides = array<i32>} : memref<1024xi32, #tpu.memory_space<vmem>>, vector<16xi32>,
    %get3A_1114 = arith.constant 1 : i32
    %get3A_1115 = arith.index_cast %get3A_1114 : i32 to index
    %get3A_1116 = arith.constant 384 : index
    %get3A_1117 = tpu.vector_load %arg7[%get3A_1115, %get3A_1116] {strides = array<i32>} : memref<2x1024xf32, #tpu.memory_space<vmem>>, vector<16xf32>,
    %scatter3A_1118 = arith.constant 1 : i32
    %scatter3A_1119 = arith.constant 0 : i32
    %scatter3A_1120 = tpu.memref_slice %arg6[%scatter3A_1118, %scatter3A_1119] : memref<2x32136xf32, #tpu.memory_space<vmem>> -> memref<1x32136xf32, #tpu.memory_space<vmem>>
    %scatter3A_1121 = tpu.memref_squeeze %scatter3A_1120 : memref<1x32136xf32, #tpu.memory_space<vmem>> -> memref<32136xf32, #tpu.memory_space<vmem>>
    tpu.vector_store_idx %scatter3A_1121[%get3A_1113], %get3A_1117 {add = true} : memref<32136xf32, #tpu.memory_space<vmem>>[vector<16xi32>], vector<16xf32>,
    %get3A_1122 = arith.constant 400 : index
    %get3A_1123 = tpu.vector_load %arg8[%get3A_1122] {strides = array<i32>} : memref<1024xi32, #tpu.memory_space<vmem>>, vector<16xi32>,
    %get3A_1124 = arith.constant 1 : i32
    %get3A_1125 = arith.index_cast %get3A_1124 : i32 to index
    %get3A_1126 = arith.constant 400 : index
    %get3A_1127 = tpu.vector_load %arg7[%get3A_1125, %get3A_1126] {strides = array<i32>} : memref<2x1024xf32, #tpu.memory_space<vmem>>, vector<16xf32>,
    %scatter3A_1128 = arith.constant 1 : i32
    %scatter3A_1129 = arith.constant 0 : i32
    %scatter3A_1130 = tpu.memref_slice %arg6[%scatter3A_1128, %scatter3A_1129] : memref<2x32136xf32, #tpu.memory_space<vmem>> -> memref<1x32136xf32, #tpu.memory_space<vmem>>
    %scatter3A_1131 = tpu.memref_squeeze %scatter3A_1130 : memref<1x32136xf32, #tpu.memory_space<vmem>> -> memref<32136xf32, #tpu.memory_space<vmem>>
    tpu.vector_store_idx %scatter3A_1131[%get3A_1123], %get3A_1127 {add = true} : memref<32136xf32, #tpu.memory_space<vmem>>[vector<16xi32>], vector<16xf32>,
    %get3A_1132 = arith.constant 416 : index
    %get3A_1133 = tpu.vector_load %arg8[%get3A_1132] {strides = array<i32>} : memref<1024xi32, #tpu.memory_space<vmem>>, vector<16xi32>,
    %get3A_1134 = arith.constant 1 : i32
    %get3A_1135 = arith.index_cast %get3A_1134 : i32 to index
    %get3A_1136 = arith.constant 416 : index
    %get3A_1137 = tpu.vector_load %arg7[%get3A_1135, %get3A_1136] {strides = array<i32>} : memref<2x1024xf32, #tpu.memory_space<vmem>>, vector<16xf32>,
    %scatter3A_1138 = arith.constant 1 : i32
    %scatter3A_1139 = arith.constant 0 : i32
    %scatter3A_1140 = tpu.memref_slice %arg6[%scatter3A_1138, %scatter3A_1139] : memref<2x32136xf32, #tpu.memory_space<vmem>> -> memref<1x32136xf32, #tpu.memory_space<vmem>>
    %scatter3A_1141 = tpu.memref_squeeze %scatter3A_1140 : memref<1x32136xf32, #tpu.memory_space<vmem>> -> memref<32136xf32, #tpu.memory_space<vmem>>
    tpu.vector_store_idx %scatter3A_1141[%get3A_1133], %get3A_1137 {add = true} : memref<32136xf32, #tpu.memory_space<vmem>>[vector<16xi32>], vector<16xf32>,
    %get3A_1142 = arith.constant 432 : index
    %get3A_1143 = tpu.vector_load %arg8[%get3A_1142] {strides = array<i32>} : memref<1024xi32, #tpu.memory_space<vmem>>, vector<16xi32>,
    %get3A_1144 = arith.constant 1 : i32
    %get3A_1145 = arith.index_cast %get3A_1144 : i32 to index
    %get3A_1146 = arith.constant 432 : index
    %get3A_1147 = tpu.vector_load %arg7[%get3A_1145, %get3A_1146] {strides = array<i32>} : memref<2x1024xf32, #tpu.memory_space<vmem>>, vector<16xf32>,
    %scatter3A_1148 = arith.constant 1 : i32
    %scatter3A_1149 = arith.constant 0 : i32
    %scatter3A_1150 = tpu.memref_slice %arg6[%scatter3A_1148, %scatter3A_1149] : memref<2x32136xf32, #tpu.memory_space<vmem>> -> memref<1x32136xf32, #tpu.memory_space<vmem>>
    %scatter3A_1151 = tpu.memref_squeeze %scatter3A_1150 : memref<1x32136xf32, #tpu.memory_space<vmem>> -> memref<32136xf32, #tpu.memory_space<vmem>>
    tpu.vector_store_idx %scatter3A_1151[%get3A_1143], %get3A_1147 {add = true} : memref<32136xf32, #tpu.memory_space<vmem>>[vector<16xi32>], vector<16xf32>,
    %get3A_1152 = arith.constant 448 : index
    %get3A_1153 = tpu.vector_load %arg8[%get3A_1152] {strides = array<i32>} : memref<1024xi32, #tpu.memory_space<vmem>>, vector<16xi32>,
    %get3A_1154 = arith.constant 1 : i32
    %get3A_1155 = arith.index_cast %get3A_1154 : i32 to index
    %get3A_1156 = arith.constant 448 : index
    %get3A_1157 = tpu.vector_load %arg7[%get3A_1155, %get3A_1156] {strides = array<i32>} : memref<2x1024xf32, #tpu.memory_space<vmem>>, vector<16xf32>,
    %scatter3A_1158 = arith.constant 1 : i32
    %scatter3A_1159 = arith.constant 0 : i32
    %scatter3A_1160 = tpu.memref_slice %arg6[%scatter3A_1158, %scatter3A_1159] : memref<2x32136xf32, #tpu.memory_space<vmem>> -> memref<1x32136xf32, #tpu.memory_space<vmem>>
    %scatter3A_1161 = tpu.memref_squeeze %scatter3A_1160 : memref<1x32136xf32, #tpu.memory_space<vmem>> -> memref<32136xf32, #tpu.memory_space<vmem>>
    tpu.vector_store_idx %scatter3A_1161[%get3A_1153], %get3A_1157 {add = true} : memref<32136xf32, #tpu.memory_space<vmem>>[vector<16xi32>], vector<16xf32>,
    %get3A_1162 = arith.constant 464 : index
    %get3A_1163 = tpu.vector_load %arg8[%get3A_1162] {strides = array<i32>} : memref<1024xi32, #tpu.memory_space<vmem>>, vector<16xi32>,
    %get3A_1164 = arith.constant 1 : i32
    %get3A_1165 = arith.index_cast %get3A_1164 : i32 to index
    %get3A_1166 = arith.constant 464 : index
    %get3A_1167 = tpu.vector_load %arg7[%get3A_1165, %get3A_1166] {strides = array<i32>} : memref<2x1024xf32, #tpu.memory_space<vmem>>, vector<16xf32>,
    %scatter3A_1168 = arith.constant 1 : i32
    %scatter3A_1169 = arith.constant 0 : i32
    %scatter3A_1170 = tpu.memref_slice %arg6[%scatter3A_1168, %scatter3A_1169] : memref<2x32136xf32, #tpu.memory_space<vmem>> -> memref<1x32136xf32, #tpu.memory_space<vmem>>
    %scatter3A_1171 = tpu.memref_squeeze %scatter3A_1170 : memref<1x32136xf32, #tpu.memory_space<vmem>> -> memref<32136xf32, #tpu.memory_space<vmem>>
    tpu.vector_store_idx %scatter3A_1171[%get3A_1163], %get3A_1167 {add = true} : memref<32136xf32, #tpu.memory_space<vmem>>[vector<16xi32>], vector<16xf32>,
    %get3A_1172 = arith.constant 480 : index
    %get3A_1173 = tpu.vector_load %arg8[%get3A_1172] {strides = array<i32>} : memref<1024xi32, #tpu.memory_space<vmem>>, vector<16xi32>,
    %get3A_1174 = arith.constant 1 : i32
    %get3A_1175 = arith.index_cast %get3A_1174 : i32 to index
    %get3A_1176 = arith.constant 480 : index
    %get3A_1177 = tpu.vector_load %arg7[%get3A_1175, %get3A_1176] {strides = array<i32>} : memref<2x1024xf32, #tpu.memory_space<vmem>>, vector<16xf32>,
    %scatter3A_1178 = arith.constant 1 : i32
    %scatter3A_1179 = arith.constant 0 : i32
    %scatter3A_1180 = tpu.memref_slice %arg6[%scatter3A_1178, %scatter3A_1179] : memref<2x32136xf32, #tpu.memory_space<vmem>> -> memref<1x32136xf32, #tpu.memory_space<vmem>>
    %scatter3A_1181 = tpu.memref_squeeze %scatter3A_1180 : memref<1x32136xf32, #tpu.memory_space<vmem>> -> memref<32136xf32, #tpu.memory_space<vmem>>
    tpu.vector_store_idx %scatter3A_1181[%get3A_1173], %get3A_1177 {add = true} : memref<32136xf32, #tpu.memory_space<vmem>>[vector<16xi32>], vector<16xf32>,
    %get3A_1182 = arith.constant 496 : index
    %get3A_1183 = tpu.vector_load %arg8[%get3A_1182] {strides = array<i32>} : memref<1024xi32, #tpu.memory_space<vmem>>, vector<16xi32>,
    %get3A_1184 = arith.constant 1 : i32
    %get3A_1185 = arith.index_cast %get3A_1184 : i32 to index
    %get3A_1186 = arith.constant 496 : index
    %get3A_1187 = tpu.vector_load %arg7[%get3A_1185, %get3A_1186] {strides = array<i32>} : memref<2x1024xf32, #tpu.memory_space<vmem>>, vector<16xf32>,
    %scatter3A_1188 = arith.constant 1 : i32
    %scatter3A_1189 = arith.constant 0 : i32
    %scatter3A_1190 = tpu.memref_slice %arg6[%scatter3A_1188, %scatter3A_1189] : memref<2x32136xf32, #tpu.memory_space<vmem>> -> memref<1x32136xf32, #tpu.memory_space<vmem>>
    %scatter3A_1191 = tpu.memref_squeeze %scatter3A_1190 : memref<1x32136xf32, #tpu.memory_space<vmem>> -> memref<32136xf32, #tpu.memory_space<vmem>>
    tpu.vector_store_idx %scatter3A_1191[%get3A_1183], %get3A_1187 {add = true} : memref<32136xf32, #tpu.memory_space<vmem>>[vector<16xi32>], vector<16xf32>,
    %get3A_1192 = arith.constant 512 : index
    %get3A_1193 = tpu.vector_load %arg8[%get3A_1192] {strides = array<i32>} : memref<1024xi32, #tpu.memory_space<vmem>>, vector<16xi32>,
    %get3A_1194 = arith.constant 1 : i32
    %get3A_1195 = arith.index_cast %get3A_1194 : i32 to index
    %get3A_1196 = arith.constant 512 : index
    %get3A_1197 = tpu.vector_load %arg7[%get3A_1195, %get3A_1196] {strides = array<i32>} : memref<2x1024xf32, #tpu.memory_space<vmem>>, vector<16xf32>,
    %scatter3A_1198 = arith.constant 1 : i32
    %scatter3A_1199 = arith.constant 0 : i32
    %scatter3A_1200 = tpu.memref_slice %arg6[%scatter3A_1198, %scatter3A_1199] : memref<2x32136xf32, #tpu.memory_space<vmem>> -> memref<1x32136xf32, #tpu.memory_space<vmem>>
    %scatter3A_1201 = tpu.memref_squeeze %scatter3A_1200 : memref<1x32136xf32, #tpu.memory_space<vmem>> -> memref<32136xf32, #tpu.memory_space<vmem>>
    tpu.vector_store_idx %scatter3A_1201[%get3A_1193], %get3A_1197 {add = true} : memref<32136xf32, #tpu.memory_space<vmem>>[vector<16xi32>], vector<16xf32>,
    %get3A_1202 = arith.constant 528 : index
    %get3A_1203 = tpu.vector_load %arg8[%get3A_1202] {strides = array<i32>} : memref<1024xi32, #tpu.memory_space<vmem>>, vector<16xi32>,
    %get3A_1204 = arith.constant 1 : i32
    %get3A_1205 = arith.index_cast %get3A_1204 : i32 to index
    %get3A_1206 = arith.constant 528 : index
    %get3A_1207 = tpu.vector_load %arg7[%get3A_1205, %get3A_1206] {strides = array<i32>} : memref<2x1024xf32, #tpu.memory_space<vmem>>, vector<16xf32>,
    %scatter3A_1208 = arith.constant 1 : i32
    %scatter3A_1209 = arith.constant 0 : i32
    %scatter3A_1210 = tpu.memref_slice %arg6[%scatter3A_1208, %scatter3A_1209] : memref<2x32136xf32, #tpu.memory_space<vmem>> -> memref<1x32136xf32, #tpu.memory_space<vmem>>
    %scatter3A_1211 = tpu.memref_squeeze %scatter3A_1210 : memref<1x32136xf32, #tpu.memory_space<vmem>> -> memref<32136xf32, #tpu.memory_space<vmem>>
    tpu.vector_store_idx %scatter3A_1211[%get3A_1203], %get3A_1207 {add = true} : memref<32136xf32, #tpu.memory_space<vmem>>[vector<16xi32>], vector<16xf32>,
    %get3A_1212 = arith.constant 544 : index
    %get3A_1213 = tpu.vector_load %arg8[%get3A_1212] {strides = array<i32>} : memref<1024xi32, #tpu.memory_space<vmem>>, vector<16xi32>,
    %get3A_1214 = arith.constant 1 : i32
    %get3A_1215 = arith.index_cast %get3A_1214 : i32 to index
    %get3A_1216 = arith.constant 544 : index
    %get3A_1217 = tpu.vector_load %arg7[%get3A_1215, %get3A_1216] {strides = array<i32>} : memref<2x1024xf32, #tpu.memory_space<vmem>>, vector<16xf32>,
    %scatter3A_1218 = arith.constant 1 : i32
    %scatter3A_1219 = arith.constant 0 : i32
    %scatter3A_1220 = tpu.memref_slice %arg6[%scatter3A_1218, %scatter3A_1219] : memref<2x32136xf32, #tpu.memory_space<vmem>> -> memref<1x32136xf32, #tpu.memory_space<vmem>>
    %scatter3A_1221 = tpu.memref_squeeze %scatter3A_1220 : memref<1x32136xf32, #tpu.memory_space<vmem>> -> memref<32136xf32, #tpu.memory_space<vmem>>
    tpu.vector_store_idx %scatter3A_1221[%get3A_1213], %get3A_1217 {add = true} : memref<32136xf32, #tpu.memory_space<vmem>>[vector<16xi32>], vector<16xf32>,
    %get3A_1222 = arith.constant 560 : index
    %get3A_1223 = tpu.vector_load %arg8[%get3A_1222] {strides = array<i32>} : memref<1024xi32, #tpu.memory_space<vmem>>, vector<16xi32>,
    %get3A_1224 = arith.constant 1 : i32
    %get3A_1225 = arith.index_cast %get3A_1224 : i32 to index
    %get3A_1226 = arith.constant 560 : index
    %get3A_1227 = tpu.vector_load %arg7[%get3A_1225, %get3A_1226] {strides = array<i32>} : memref<2x1024xf32, #tpu.memory_space<vmem>>, vector<16xf32>,
    %scatter3A_1228 = arith.constant 1 : i32
    %scatter3A_1229 = arith.constant 0 : i32
    %scatter3A_1230 = tpu.memref_slice %arg6[%scatter3A_1228, %scatter3A_1229] : memref<2x32136xf32, #tpu.memory_space<vmem>> -> memref<1x32136xf32, #tpu.memory_space<vmem>>
    %scatter3A_1231 = tpu.memref_squeeze %scatter3A_1230 : memref<1x32136xf32, #tpu.memory_space<vmem>> -> memref<32136xf32, #tpu.memory_space<vmem>>
    tpu.vector_store_idx %scatter3A_1231[%get3A_1223], %get3A_1227 {add = true} : memref<32136xf32, #tpu.memory_space<vmem>>[vector<16xi32>], vector<16xf32>,
    %get3A_1232 = arith.constant 576 : index
    %get3A_1233 = tpu.vector_load %arg8[%get3A_1232] {strides = array<i32>} : memref<1024xi32, #tpu.memory_space<vmem>>, vector<16xi32>,
    %get3A_1234 = arith.constant 1 : i32
    %get3A_1235 = arith.index_cast %get3A_1234 : i32 to index
    %get3A_1236 = arith.constant 576 : index
    %get3A_1237 = tpu.vector_load %arg7[%get3A_1235, %get3A_1236] {strides = array<i32>} : memref<2x1024xf32, #tpu.memory_space<vmem>>, vector<16xf32>,
    %scatter3A_1238 = arith.constant 1 : i32
    %scatter3A_1239 = arith.constant 0 : i32
    %scatter3A_1240 = tpu.memref_slice %arg6[%scatter3A_1238, %scatter3A_1239] : memref<2x32136xf32, #tpu.memory_space<vmem>> -> memref<1x32136xf32, #tpu.memory_space<vmem>>
    %scatter3A_1241 = tpu.memref_squeeze %scatter3A_1240 : memref<1x32136xf32, #tpu.memory_space<vmem>> -> memref<32136xf32, #tpu.memory_space<vmem>>
    tpu.vector_store_idx %scatter3A_1241[%get3A_1233], %get3A_1237 {add = true} : memref<32136xf32, #tpu.memory_space<vmem>>[vector<16xi32>], vector<16xf32>,
    %get3A_1242 = arith.constant 592 : index
    %get3A_1243 = tpu.vector_load %arg8[%get3A_1242] {strides = array<i32>} : memref<1024xi32, #tpu.memory_space<vmem>>, vector<16xi32>,
    %get3A_1244 = arith.constant 1 : i32
    %get3A_1245 = arith.index_cast %get3A_1244 : i32 to index
    %get3A_1246 = arith.constant 592 : index
    %get3A_1247 = tpu.vector_load %arg7[%get3A_1245, %get3A_1246] {strides = array<i32>} : memref<2x1024xf32, #tpu.memory_space<vmem>>, vector<16xf32>,
    %scatter3A_1248 = arith.constant 1 : i32
    %scatter3A_1249 = arith.constant 0 : i32
    %scatter3A_1250 = tpu.memref_slice %arg6[%scatter3A_1248, %scatter3A_1249] : memref<2x32136xf32, #tpu.memory_space<vmem>> -> memref<1x32136xf32, #tpu.memory_space<vmem>>
    %scatter3A_1251 = tpu.memref_squeeze %scatter3A_1250 : memref<1x32136xf32, #tpu.memory_space<vmem>> -> memref<32136xf32, #tpu.memory_space<vmem>>
    tpu.vector_store_idx %scatter3A_1251[%get3A_1243], %get3A_1247 {add = true} : memref<32136xf32, #tpu.memory_space<vmem>>[vector<16xi32>], vector<16xf32>,
    %get3A_1252 = arith.constant 608 : index
    %get3A_1253 = tpu.vector_load %arg8[%get3A_1252] {strides = array<i32>} : memref<1024xi32, #tpu.memory_space<vmem>>, vector<16xi32>,
    %get3A_1254 = arith.constant 1 : i32
    %get3A_1255 = arith.index_cast %get3A_1254 : i32 to index
    %get3A_1256 = arith.constant 608 : index
    %get3A_1257 = tpu.vector_load %arg7[%get3A_1255, %get3A_1256] {strides = array<i32>} : memref<2x1024xf32, #tpu.memory_space<vmem>>, vector<16xf32>,
    %scatter3A_1258 = arith.constant 1 : i32
    %scatter3A_1259 = arith.constant 0 : i32
    %scatter3A_1260 = tpu.memref_slice %arg6[%scatter3A_1258, %scatter3A_1259] : memref<2x32136xf32, #tpu.memory_space<vmem>> -> memref<1x32136xf32, #tpu.memory_space<vmem>>
    %scatter3A_1261 = tpu.memref_squeeze %scatter3A_1260 : memref<1x32136xf32, #tpu.memory_space<vmem>> -> memref<32136xf32, #tpu.memory_space<vmem>>
    tpu.vector_store_idx %scatter3A_1261[%get3A_1253], %get3A_1257 {add = true} : memref<32136xf32, #tpu.memory_space<vmem>>[vector<16xi32>], vector<16xf32>,
    %get3A_1262 = arith.constant 624 : index
    %get3A_1263 = tpu.vector_load %arg8[%get3A_1262] {strides = array<i32>} : memref<1024xi32, #tpu.memory_space<vmem>>, vector<16xi32>,
    %get3A_1264 = arith.constant 1 : i32
    %get3A_1265 = arith.index_cast %get3A_1264 : i32 to index
    %get3A_1266 = arith.constant 624 : index
    %get3A_1267 = tpu.vector_load %arg7[%get3A_1265, %get3A_1266] {strides = array<i32>} : memref<2x1024xf32, #tpu.memory_space<vmem>>, vector<16xf32>,
    %scatter3A_1268 = arith.constant 1 : i32
    %scatter3A_1269 = arith.constant 0 : i32
    %scatter3A_1270 = tpu.memref_slice %arg6[%scatter3A_1268, %scatter3A_1269] : memref<2x32136xf32, #tpu.memory_space<vmem>> -> memref<1x32136xf32, #tpu.memory_space<vmem>>
    %scatter3A_1271 = tpu.memref_squeeze %scatter3A_1270 : memref<1x32136xf32, #tpu.memory_space<vmem>> -> memref<32136xf32, #tpu.memory_space<vmem>>
    tpu.vector_store_idx %scatter3A_1271[%get3A_1263], %get3A_1267 {add = true} : memref<32136xf32, #tpu.memory_space<vmem>>[vector<16xi32>], vector<16xf32>,
    %get3A_1272 = arith.constant 640 : index
    %get3A_1273 = tpu.vector_load %arg8[%get3A_1272] {strides = array<i32>} : memref<1024xi32, #tpu.memory_space<vmem>>, vector<16xi32>,
    %get3A_1274 = arith.constant 1 : i32
    %get3A_1275 = arith.index_cast %get3A_1274 : i32 to index
    %get3A_1276 = arith.constant 640 : index
    %get3A_1277 = tpu.vector_load %arg7[%get3A_1275, %get3A_1276] {strides = array<i32>} : memref<2x1024xf32, #tpu.memory_space<vmem>>, vector<16xf32>,
    %scatter3A_1278 = arith.constant 1 : i32
    %scatter3A_1279 = arith.constant 0 : i32
    %scatter3A_1280 = tpu.memref_slice %arg6[%scatter3A_1278, %scatter3A_1279] : memref<2x32136xf32, #tpu.memory_space<vmem>> -> memref<1x32136xf32, #tpu.memory_space<vmem>>
    %scatter3A_1281 = tpu.memref_squeeze %scatter3A_1280 : memref<1x32136xf32, #tpu.memory_space<vmem>> -> memref<32136xf32, #tpu.memory_space<vmem>>
    tpu.vector_store_idx %scatter3A_1281[%get3A_1273], %get3A_1277 {add = true} : memref<32136xf32, #tpu.memory_space<vmem>>[vector<16xi32>], vector<16xf32>,
    %get3A_1282 = arith.constant 656 : index
    %get3A_1283 = tpu.vector_load %arg8[%get3A_1282] {strides = array<i32>} : memref<1024xi32, #tpu.memory_space<vmem>>, vector<16xi32>,
    %get3A_1284 = arith.constant 1 : i32
    %get3A_1285 = arith.index_cast %get3A_1284 : i32 to index
    %get3A_1286 = arith.constant 656 : index
    %get3A_1287 = tpu.vector_load %arg7[%get3A_1285, %get3A_1286] {strides = array<i32>} : memref<2x1024xf32, #tpu.memory_space<vmem>>, vector<16xf32>,
    %scatter3A_1288 = arith.constant 1 : i32
    %scatter3A_1289 = arith.constant 0 : i32
    %scatter3A_1290 = tpu.memref_slice %arg6[%scatter3A_1288, %scatter3A_1289] : memref<2x32136xf32, #tpu.memory_space<vmem>> -> memref<1x32136xf32, #tpu.memory_space<vmem>>
    %scatter3A_1291 = tpu.memref_squeeze %scatter3A_1290 : memref<1x32136xf32, #tpu.memory_space<vmem>> -> memref<32136xf32, #tpu.memory_space<vmem>>
    tpu.vector_store_idx %scatter3A_1291[%get3A_1283], %get3A_1287 {add = true} : memref<32136xf32, #tpu.memory_space<vmem>>[vector<16xi32>], vector<16xf32>,
    %get3A_1292 = arith.constant 672 : index
    %get3A_1293 = tpu.vector_load %arg8[%get3A_1292] {strides = array<i32>} : memref<1024xi32, #tpu.memory_space<vmem>>, vector<16xi32>,
    %get3A_1294 = arith.constant 1 : i32
    %get3A_1295 = arith.index_cast %get3A_1294 : i32 to index
    %get3A_1296 = arith.constant 672 : index
    %get3A_1297 = tpu.vector_load %arg7[%get3A_1295, %get3A_1296] {strides = array<i32>} : memref<2x1024xf32, #tpu.memory_space<vmem>>, vector<16xf32>,
    %scatter3A_1298 = arith.constant 1 : i32
    %scatter3A_1299 = arith.constant 0 : i32
    %scatter3A_1300 = tpu.memref_slice %arg6[%scatter3A_1298, %scatter3A_1299] : memref<2x32136xf32, #tpu.memory_space<vmem>> -> memref<1x32136xf32, #tpu.memory_space<vmem>>
    %scatter3A_1301 = tpu.memref_squeeze %scatter3A_1300 : memref<1x32136xf32, #tpu.memory_space<vmem>> -> memref<32136xf32, #tpu.memory_space<vmem>>
    tpu.vector_store_idx %scatter3A_1301[%get3A_1293], %get3A_1297 {add = true} : memref<32136xf32, #tpu.memory_space<vmem>>[vector<16xi32>], vector<16xf32>,
    %get3A_1302 = arith.constant 688 : index
    %get3A_1303 = tpu.vector_load %arg8[%get3A_1302] {strides = array<i32>} : memref<1024xi32, #tpu.memory_space<vmem>>, vector<16xi32>,
    %get3A_1304 = arith.constant 1 : i32
    %get3A_1305 = arith.index_cast %get3A_1304 : i32 to index
    %get3A_1306 = arith.constant 688 : index
    %get3A_1307 = tpu.vector_load %arg7[%get3A_1305, %get3A_1306] {strides = array<i32>} : memref<2x1024xf32, #tpu.memory_space<vmem>>, vector<16xf32>,
    %scatter3A_1308 = arith.constant 1 : i32
    %scatter3A_1309 = arith.constant 0 : i32
    %scatter3A_1310 = tpu.memref_slice %arg6[%scatter3A_1308, %scatter3A_1309] : memref<2x32136xf32, #tpu.memory_space<vmem>> -> memref<1x32136xf32, #tpu.memory_space<vmem>>
    %scatter3A_1311 = tpu.memref_squeeze %scatter3A_1310 : memref<1x32136xf32, #tpu.memory_space<vmem>> -> memref<32136xf32, #tpu.memory_space<vmem>>
    tpu.vector_store_idx %scatter3A_1311[%get3A_1303], %get3A_1307 {add = true} : memref<32136xf32, #tpu.memory_space<vmem>>[vector<16xi32>], vector<16xf32>,
    %get3A_1312 = arith.constant 704 : index
    %get3A_1313 = tpu.vector_load %arg8[%get3A_1312] {strides = array<i32>} : memref<1024xi32, #tpu.memory_space<vmem>>, vector<16xi32>,
    %get3A_1314 = arith.constant 1 : i32
    %get3A_1315 = arith.index_cast %get3A_1314 : i32 to index
    %get3A_1316 = arith.constant 704 : index
    %get3A_1317 = tpu.vector_load %arg7[%get3A_1315, %get3A_1316] {strides = array<i32>} : memref<2x1024xf32, #tpu.memory_space<vmem>>, vector<16xf32>,
    %scatter3A_1318 = arith.constant 1 : i32
    %scatter3A_1319 = arith.constant 0 : i32
    %scatter3A_1320 = tpu.memref_slice %arg6[%scatter3A_1318, %scatter3A_1319] : memref<2x32136xf32, #tpu.memory_space<vmem>> -> memref<1x32136xf32, #tpu.memory_space<vmem>>
    %scatter3A_1321 = tpu.memref_squeeze %scatter3A_1320 : memref<1x32136xf32, #tpu.memory_space<vmem>> -> memref<32136xf32, #tpu.memory_space<vmem>>
    tpu.vector_store_idx %scatter3A_1321[%get3A_1313], %get3A_1317 {add = true} : memref<32136xf32, #tpu.memory_space<vmem>>[vector<16xi32>], vector<16xf32>,
    %get3A_1322 = arith.constant 720 : index
    %get3A_1323 = tpu.vector_load %arg8[%get3A_1322] {strides = array<i32>} : memref<1024xi32, #tpu.memory_space<vmem>>, vector<16xi32>,
    %get3A_1324 = arith.constant 1 : i32
    %get3A_1325 = arith.index_cast %get3A_1324 : i32 to index
    %get3A_1326 = arith.constant 720 : index
    %get3A_1327 = tpu.vector_load %arg7[%get3A_1325, %get3A_1326] {strides = array<i32>} : memref<2x1024xf32, #tpu.memory_space<vmem>>, vector<16xf32>,
    %scatter3A_1328 = arith.constant 1 : i32
    %scatter3A_1329 = arith.constant 0 : i32
    %scatter3A_1330 = tpu.memref_slice %arg6[%scatter3A_1328, %scatter3A_1329] : memref<2x32136xf32, #tpu.memory_space<vmem>> -> memref<1x32136xf32, #tpu.memory_space<vmem>>
    %scatter3A_1331 = tpu.memref_squeeze %scatter3A_1330 : memref<1x32136xf32, #tpu.memory_space<vmem>> -> memref<32136xf32, #tpu.memory_space<vmem>>
    tpu.vector_store_idx %scatter3A_1331[%get3A_1323], %get3A_1327 {add = true} : memref<32136xf32, #tpu.memory_space<vmem>>[vector<16xi32>], vector<16xf32>,
    %get3A_1332 = arith.constant 736 : index
    %get3A_1333 = tpu.vector_load %arg8[%get3A_1332] {strides = array<i32>} : memref<1024xi32, #tpu.memory_space<vmem>>, vector<16xi32>,
    %get3A_1334 = arith.constant 1 : i32
    %get3A_1335 = arith.index_cast %get3A_1334 : i32 to index
    %get3A_1336 = arith.constant 736 : index
    %get3A_1337 = tpu.vector_load %arg7[%get3A_1335, %get3A_1336] {strides = array<i32>} : memref<2x1024xf32, #tpu.memory_space<vmem>>, vector<16xf32>,
    %scatter3A_1338 = arith.constant 1 : i32
    %scatter3A_1339 = arith.constant 0 : i32
    %scatter3A_1340 = tpu.memref_slice %arg6[%scatter3A_1338, %scatter3A_1339] : memref<2x32136xf32, #tpu.memory_space<vmem>> -> memref<1x32136xf32, #tpu.memory_space<vmem>>
    %scatter3A_1341 = tpu.memref_squeeze %scatter3A_1340 : memref<1x32136xf32, #tpu.memory_space<vmem>> -> memref<32136xf32, #tpu.memory_space<vmem>>
    tpu.vector_store_idx %scatter3A_1341[%get3A_1333], %get3A_1337 {add = true} : memref<32136xf32, #tpu.memory_space<vmem>>[vector<16xi32>], vector<16xf32>,
    %get3A_1342 = arith.constant 752 : index
    %get3A_1343 = tpu.vector_load %arg8[%get3A_1342] {strides = array<i32>} : memref<1024xi32, #tpu.memory_space<vmem>>, vector<16xi32>,
    %get3A_1344 = arith.constant 1 : i32
    %get3A_1345 = arith.index_cast %get3A_1344 : i32 to index
    %get3A_1346 = arith.constant 752 : index
    %get3A_1347 = tpu.vector_load %arg7[%get3A_1345, %get3A_1346] {strides = array<i32>} : memref<2x1024xf32, #tpu.memory_space<vmem>>, vector<16xf32>,
    %scatter3A_1348 = arith.constant 1 : i32
    %scatter3A_1349 = arith.constant 0 : i32
    %scatter3A_1350 = tpu.memref_slice %arg6[%scatter3A_1348, %scatter3A_1349] : memref<2x32136xf32, #tpu.memory_space<vmem>> -> memref<1x32136xf32, #tpu.memory_space<vmem>>
    %scatter3A_1351 = tpu.memref_squeeze %scatter3A_1350 : memref<1x32136xf32, #tpu.memory_space<vmem>> -> memref<32136xf32, #tpu.memory_space<vmem>>
    tpu.vector_store_idx %scatter3A_1351[%get3A_1343], %get3A_1347 {add = true} : memref<32136xf32, #tpu.memory_space<vmem>>[vector<16xi32>], vector<16xf32>,
    %get3A_1352 = arith.constant 768 : index
    %get3A_1353 = tpu.vector_load %arg8[%get3A_1352] {strides = array<i32>} : memref<1024xi32, #tpu.memory_space<vmem>>, vector<16xi32>,
    %get3A_1354 = arith.constant 1 : i32
    %get3A_1355 = arith.index_cast %get3A_1354 : i32 to index
    %get3A_1356 = arith.constant 768 : index
    %get3A_1357 = tpu.vector_load %arg7[%get3A_1355, %get3A_1356] {strides = array<i32>} : memref<2x1024xf32, #tpu.memory_space<vmem>>, vector<16xf32>,
    %scatter3A_1358 = arith.constant 1 : i32
    %scatter3A_1359 = arith.constant 0 : i32
    %scatter3A_1360 = tpu.memref_slice %arg6[%scatter3A_1358, %scatter3A_1359] : memref<2x32136xf32, #tpu.memory_space<vmem>> -> memref<1x32136xf32, #tpu.memory_space<vmem>>
    %scatter3A_1361 = tpu.memref_squeeze %scatter3A_1360 : memref<1x32136xf32, #tpu.memory_space<vmem>> -> memref<32136xf32, #tpu.memory_space<vmem>>
    tpu.vector_store_idx %scatter3A_1361[%get3A_1353], %get3A_1357 {add = true} : memref<32136xf32, #tpu.memory_space<vmem>>[vector<16xi32>], vector<16xf32>,
    %get3A_1362 = arith.constant 784 : index
    %get3A_1363 = tpu.vector_load %arg8[%get3A_1362] {strides = array<i32>} : memref<1024xi32, #tpu.memory_space<vmem>>, vector<16xi32>,
    %get3A_1364 = arith.constant 1 : i32
    %get3A_1365 = arith.index_cast %get3A_1364 : i32 to index
    %get3A_1366 = arith.constant 784 : index
    %get3A_1367 = tpu.vector_load %arg7[%get3A_1365, %get3A_1366] {strides = array<i32>} : memref<2x1024xf32, #tpu.memory_space<vmem>>, vector<16xf32>,
    %scatter3A_1368 = arith.constant 1 : i32
    %scatter3A_1369 = arith.constant 0 : i32
    %scatter3A_1370 = tpu.memref_slice %arg6[%scatter3A_1368, %scatter3A_1369] : memref<2x32136xf32, #tpu.memory_space<vmem>> -> memref<1x32136xf32, #tpu.memory_space<vmem>>
    %scatter3A_1371 = tpu.memref_squeeze %scatter3A_1370 : memref<1x32136xf32, #tpu.memory_space<vmem>> -> memref<32136xf32, #tpu.memory_space<vmem>>
    tpu.vector_store_idx %scatter3A_1371[%get3A_1363], %get3A_1367 {add = true} : memref<32136xf32, #tpu.memory_space<vmem>>[vector<16xi32>], vector<16xf32>,
    %get3A_1372 = arith.constant 800 : index
    %get3A_1373 = tpu.vector_load %arg8[%get3A_1372] {strides = array<i32>} : memref<1024xi32, #tpu.memory_space<vmem>>, vector<16xi32>,
    %get3A_1374 = arith.constant 1 : i32
    %get3A_1375 = arith.index_cast %get3A_1374 : i32 to index
    %get3A_1376 = arith.constant 800 : index
    %get3A_1377 = tpu.vector_load %arg7[%get3A_1375, %get3A_1376] {strides = array<i32>} : memref<2x1024xf32, #tpu.memory_space<vmem>>, vector<16xf32>,
    %scatter3A_1378 = arith.constant 1 : i32
    %scatter3A_1379 = arith.constant 0 : i32
    %scatter3A_1380 = tpu.memref_slice %arg6[%scatter3A_1378, %scatter3A_1379] : memref<2x32136xf32, #tpu.memory_space<vmem>> -> memref<1x32136xf32, #tpu.memory_space<vmem>>
    %scatter3A_1381 = tpu.memref_squeeze %scatter3A_1380 : memref<1x32136xf32, #tpu.memory_space<vmem>> -> memref<32136xf32, #tpu.memory_space<vmem>>
    tpu.vector_store_idx %scatter3A_1381[%get3A_1373], %get3A_1377 {add = true} : memref<32136xf32, #tpu.memory_space<vmem>>[vector<16xi32>], vector<16xf32>,
    %get3A_1382 = arith.constant 816 : index
    %get3A_1383 = tpu.vector_load %arg8[%get3A_1382] {strides = array<i32>} : memref<1024xi32, #tpu.memory_space<vmem>>, vector<16xi32>,
    %get3A_1384 = arith.constant 1 : i32
    %get3A_1385 = arith.index_cast %get3A_1384 : i32 to index
    %get3A_1386 = arith.constant 816 : index
    %get3A_1387 = tpu.vector_load %arg7[%get3A_1385, %get3A_1386] {strides = array<i32>} : memref<2x1024xf32, #tpu.memory_space<vmem>>, vector<16xf32>,
    %scatter3A_1388 = arith.constant 1 : i32
    %scatter3A_1389 = arith.constant 0 : i32
    %scatter3A_1390 = tpu.memref_slice %arg6[%scatter3A_1388, %scatter3A_1389] : memref<2x32136xf32, #tpu.memory_space<vmem>> -> memref<1x32136xf32, #tpu.memory_space<vmem>>
    %scatter3A_1391 = tpu.memref_squeeze %scatter3A_1390 : memref<1x32136xf32, #tpu.memory_space<vmem>> -> memref<32136xf32, #tpu.memory_space<vmem>>
    tpu.vector_store_idx %scatter3A_1391[%get3A_1383], %get3A_1387 {add = true} : memref<32136xf32, #tpu.memory_space<vmem>>[vector<16xi32>], vector<16xf32>,
    %get3A_1392 = arith.constant 832 : index
    %get3A_1393 = tpu.vector_load %arg8[%get3A_1392] {strides = array<i32>} : memref<1024xi32, #tpu.memory_space<vmem>>, vector<16xi32>,
    %get3A_1394 = arith.constant 1 : i32
    %get3A_1395 = arith.index_cast %get3A_1394 : i32 to index
    %get3A_1396 = arith.constant 832 : index
    %get3A_1397 = tpu.vector_load %arg7[%get3A_1395, %get3A_1396] {strides = array<i32>} : memref<2x1024xf32, #tpu.memory_space<vmem>>, vector<16xf32>,
    %scatter3A_1398 = arith.constant 1 : i32
    %scatter3A_1399 = arith.constant 0 : i32
    %scatter3A_1400 = tpu.memref_slice %arg6[%scatter3A_1398, %scatter3A_1399] : memref<2x32136xf32, #tpu.memory_space<vmem>> -> memref<1x32136xf32, #tpu.memory_space<vmem>>
    %scatter3A_1401 = tpu.memref_squeeze %scatter3A_1400 : memref<1x32136xf32, #tpu.memory_space<vmem>> -> memref<32136xf32, #tpu.memory_space<vmem>>
    tpu.vector_store_idx %scatter3A_1401[%get3A_1393], %get3A_1397 {add = true} : memref<32136xf32, #tpu.memory_space<vmem>>[vector<16xi32>], vector<16xf32>,
    %get3A_1402 = arith.constant 848 : index
    %get3A_1403 = tpu.vector_load %arg8[%get3A_1402] {strides = array<i32>} : memref<1024xi32, #tpu.memory_space<vmem>>, vector<16xi32>,
    %get3A_1404 = arith.constant 1 : i32
    %get3A_1405 = arith.index_cast %get3A_1404 : i32 to index
    %get3A_1406 = arith.constant 848 : index
    %get3A_1407 = tpu.vector_load %arg7[%get3A_1405, %get3A_1406] {strides = array<i32>} : memref<2x1024xf32, #tpu.memory_space<vmem>>, vector<16xf32>,
    %scatter3A_1408 = arith.constant 1 : i32
    %scatter3A_1409 = arith.constant 0 : i32
    %scatter3A_1410 = tpu.memref_slice %arg6[%scatter3A_1408, %scatter3A_1409] : memref<2x32136xf32, #tpu.memory_space<vmem>> -> memref<1x32136xf32, #tpu.memory_space<vmem>>
    %scatter3A_1411 = tpu.memref_squeeze %scatter3A_1410 : memref<1x32136xf32, #tpu.memory_space<vmem>> -> memref<32136xf32, #tpu.memory_space<vmem>>
    tpu.vector_store_idx %scatter3A_1411[%get3A_1403], %get3A_1407 {add = true} : memref<32136xf32, #tpu.memory_space<vmem>>[vector<16xi32>], vector<16xf32>,
    %get3A_1412 = arith.constant 864 : index
    %get3A_1413 = tpu.vector_load %arg8[%get3A_1412] {strides = array<i32>} : memref<1024xi32, #tpu.memory_space<vmem>>, vector<16xi32>,
    %get3A_1414 = arith.constant 1 : i32
    %get3A_1415 = arith.index_cast %get3A_1414 : i32 to index
    %get3A_1416 = arith.constant 864 : index
    %get3A_1417 = tpu.vector_load %arg7[%get3A_1415, %get3A_1416] {strides = array<i32>} : memref<2x1024xf32, #tpu.memory_space<vmem>>, vector<16xf32>,
    %scatter3A_1418 = arith.constant 1 : i32
    %scatter3A_1419 = arith.constant 0 : i32
    %scatter3A_1420 = tpu.memref_slice %arg6[%scatter3A_1418, %scatter3A_1419] : memref<2x32136xf32, #tpu.memory_space<vmem>> -> memref<1x32136xf32, #tpu.memory_space<vmem>>
    %scatter3A_1421 = tpu.memref_squeeze %scatter3A_1420 : memref<1x32136xf32, #tpu.memory_space<vmem>> -> memref<32136xf32, #tpu.memory_space<vmem>>
    tpu.vector_store_idx %scatter3A_1421[%get3A_1413], %get3A_1417 {add = true} : memref<32136xf32, #tpu.memory_space<vmem>>[vector<16xi32>], vector<16xf32>,
    %get3A_1422 = arith.constant 880 : index
    %get3A_1423 = tpu.vector_load %arg8[%get3A_1422] {strides = array<i32>} : memref<1024xi32, #tpu.memory_space<vmem>>, vector<16xi32>,
    %get3A_1424 = arith.constant 1 : i32
    %get3A_1425 = arith.index_cast %get3A_1424 : i32 to index
    %get3A_1426 = arith.constant 880 : index
    %get3A_1427 = tpu.vector_load %arg7[%get3A_1425, %get3A_1426] {strides = array<i32>} : memref<2x1024xf32, #tpu.memory_space<vmem>>, vector<16xf32>,
    %scatter3A_1428 = arith.constant 1 : i32
    %scatter3A_1429 = arith.constant 0 : i32
    %scatter3A_1430 = tpu.memref_slice %arg6[%scatter3A_1428, %scatter3A_1429] : memref<2x32136xf32, #tpu.memory_space<vmem>> -> memref<1x32136xf32, #tpu.memory_space<vmem>>
    %scatter3A_1431 = tpu.memref_squeeze %scatter3A_1430 : memref<1x32136xf32, #tpu.memory_space<vmem>> -> memref<32136xf32, #tpu.memory_space<vmem>>
    tpu.vector_store_idx %scatter3A_1431[%get3A_1423], %get3A_1427 {add = true} : memref<32136xf32, #tpu.memory_space<vmem>>[vector<16xi32>], vector<16xf32>,
    %get3A_1432 = arith.constant 896 : index
    %get3A_1433 = tpu.vector_load %arg8[%get3A_1432] {strides = array<i32>} : memref<1024xi32, #tpu.memory_space<vmem>>, vector<16xi32>,
    %get3A_1434 = arith.constant 1 : i32
    %get3A_1435 = arith.index_cast %get3A_1434 : i32 to index
    %get3A_1436 = arith.constant 896 : index
    %get3A_1437 = tpu.vector_load %arg7[%get3A_1435, %get3A_1436] {strides = array<i32>} : memref<2x1024xf32, #tpu.memory_space<vmem>>, vector<16xf32>,
    %scatter3A_1438 = arith.constant 1 : i32
    %scatter3A_1439 = arith.constant 0 : i32
    %scatter3A_1440 = tpu.memref_slice %arg6[%scatter3A_1438, %scatter3A_1439] : memref<2x32136xf32, #tpu.memory_space<vmem>> -> memref<1x32136xf32, #tpu.memory_space<vmem>>
    %scatter3A_1441 = tpu.memref_squeeze %scatter3A_1440 : memref<1x32136xf32, #tpu.memory_space<vmem>> -> memref<32136xf32, #tpu.memory_space<vmem>>
    tpu.vector_store_idx %scatter3A_1441[%get3A_1433], %get3A_1437 {add = true} : memref<32136xf32, #tpu.memory_space<vmem>>[vector<16xi32>], vector<16xf32>,
    %get3A_1442 = arith.constant 912 : index
    %get3A_1443 = tpu.vector_load %arg8[%get3A_1442] {strides = array<i32>} : memref<1024xi32, #tpu.memory_space<vmem>>, vector<16xi32>,
    %get3A_1444 = arith.constant 1 : i32
    %get3A_1445 = arith.index_cast %get3A_1444 : i32 to index
    %get3A_1446 = arith.constant 912 : index
    %get3A_1447 = tpu.vector_load %arg7[%get3A_1445, %get3A_1446] {strides = array<i32>} : memref<2x1024xf32, #tpu.memory_space<vmem>>, vector<16xf32>,
    %scatter3A_1448 = arith.constant 1 : i32
    %scatter3A_1449 = arith.constant 0 : i32
    %scatter3A_1450 = tpu.memref_slice %arg6[%scatter3A_1448, %scatter3A_1449] : memref<2x32136xf32, #tpu.memory_space<vmem>> -> memref<1x32136xf32, #tpu.memory_space<vmem>>
    %scatter3A_1451 = tpu.memref_squeeze %scatter3A_1450 : memref<1x32136xf32, #tpu.memory_space<vmem>> -> memref<32136xf32, #tpu.memory_space<vmem>>
    tpu.vector_store_idx %scatter3A_1451[%get3A_1443], %get3A_1447 {add = true} : memref<32136xf32, #tpu.memory_space<vmem>>[vector<16xi32>], vector<16xf32>,
    %get3A_1452 = arith.constant 928 : index
    %get3A_1453 = tpu.vector_load %arg8[%get3A_1452] {strides = array<i32>} : memref<1024xi32, #tpu.memory_space<vmem>>, vector<16xi32>,
    %get3A_1454 = arith.constant 1 : i32
    %get3A_1455 = arith.index_cast %get3A_1454 : i32 to index
    %get3A_1456 = arith.constant 928 : index
    %get3A_1457 = tpu.vector_load %arg7[%get3A_1455, %get3A_1456] {strides = array<i32>} : memref<2x1024xf32, #tpu.memory_space<vmem>>, vector<16xf32>,
    %scatter3A_1458 = arith.constant 1 : i32
    %scatter3A_1459 = arith.constant 0 : i32
    %scatter3A_1460 = tpu.memref_slice %arg6[%scatter3A_1458, %scatter3A_1459] : memref<2x32136xf32, #tpu.memory_space<vmem>> -> memref<1x32136xf32, #tpu.memory_space<vmem>>
    %scatter3A_1461 = tpu.memref_squeeze %scatter3A_1460 : memref<1x32136xf32, #tpu.memory_space<vmem>> -> memref<32136xf32, #tpu.memory_space<vmem>>
    tpu.vector_store_idx %scatter3A_1461[%get3A_1453], %get3A_1457 {add = true} : memref<32136xf32, #tpu.memory_space<vmem>>[vector<16xi32>], vector<16xf32>,
    %get3A_1462 = arith.constant 944 : index
    %get3A_1463 = tpu.vector_load %arg8[%get3A_1462] {strides = array<i32>} : memref<1024xi32, #tpu.memory_space<vmem>>, vector<16xi32>,
    %get3A_1464 = arith.constant 1 : i32
    %get3A_1465 = arith.index_cast %get3A_1464 : i32 to index
    %get3A_1466 = arith.constant 944 : index
    %get3A_1467 = tpu.vector_load %arg7[%get3A_1465, %get3A_1466] {strides = array<i32>} : memref<2x1024xf32, #tpu.memory_space<vmem>>, vector<16xf32>,
    %scatter3A_1468 = arith.constant 1 : i32
    %scatter3A_1469 = arith.constant 0 : i32
    %scatter3A_1470 = tpu.memref_slice %arg6[%scatter3A_1468, %scatter3A_1469] : memref<2x32136xf32, #tpu.memory_space<vmem>> -> memref<1x32136xf32, #tpu.memory_space<vmem>>
    %scatter3A_1471 = tpu.memref_squeeze %scatter3A_1470 : memref<1x32136xf32, #tpu.memory_space<vmem>> -> memref<32136xf32, #tpu.memory_space<vmem>>
    tpu.vector_store_idx %scatter3A_1471[%get3A_1463], %get3A_1467 {add = true} : memref<32136xf32, #tpu.memory_space<vmem>>[vector<16xi32>], vector<16xf32>,
    %get3A_1472 = arith.constant 960 : index
    %get3A_1473 = tpu.vector_load %arg8[%get3A_1472] {strides = array<i32>} : memref<1024xi32, #tpu.memory_space<vmem>>, vector<16xi32>,
    %get3A_1474 = arith.constant 1 : i32
    %get3A_1475 = arith.index_cast %get3A_1474 : i32 to index
    %get3A_1476 = arith.constant 960 : index
    %get3A_1477 = tpu.vector_load %arg7[%get3A_1475, %get3A_1476] {strides = array<i32>} : memref<2x1024xf32, #tpu.memory_space<vmem>>, vector<16xf32>,
    %scatter3A_1478 = arith.constant 1 : i32
    %scatter3A_1479 = arith.constant 0 : i32
    %scatter3A_1480 = tpu.memref_slice %arg6[%scatter3A_1478, %scatter3A_1479] : memref<2x32136xf32, #tpu.memory_space<vmem>> -> memref<1x32136xf32, #tpu.memory_space<vmem>>
    %scatter3A_1481 = tpu.memref_squeeze %scatter3A_1480 : memref<1x32136xf32, #tpu.memory_space<vmem>> -> memref<32136xf32, #tpu.memory_space<vmem>>
    tpu.vector_store_idx %scatter3A_1481[%get3A_1473], %get3A_1477 {add = true} : memref<32136xf32, #tpu.memory_space<vmem>>[vector<16xi32>], vector<16xf32>,
    %get3A_1482 = arith.constant 976 : index
    %get3A_1483 = tpu.vector_load %arg8[%get3A_1482] {strides = array<i32>} : memref<1024xi32, #tpu.memory_space<vmem>>, vector<16xi32>,
    %get3A_1484 = arith.constant 1 : i32
    %get3A_1485 = arith.index_cast %get3A_1484 : i32 to index
    %get3A_1486 = arith.constant 976 : index
    %get3A_1487 = tpu.vector_load %arg7[%get3A_1485, %get3A_1486] {strides = array<i32>} : memref<2x1024xf32, #tpu.memory_space<vmem>>, vector<16xf32>,
    %scatter3A_1488 = arith.constant 1 : i32
    %scatter3A_1489 = arith.constant 0 : i32
    %scatter3A_1490 = tpu.memref_slice %arg6[%scatter3A_1488, %scatter3A_1489] : memref<2x32136xf32, #tpu.memory_space<vmem>> -> memref<1x32136xf32, #tpu.memory_space<vmem>>
    %scatter3A_1491 = tpu.memref_squeeze %scatter3A_1490 : memref<1x32136xf32, #tpu.memory_space<vmem>> -> memref<32136xf32, #tpu.memory_space<vmem>>
    tpu.vector_store_idx %scatter3A_1491[%get3A_1483], %get3A_1487 {add = true} : memref<32136xf32, #tpu.memory_space<vmem>>[vector<16xi32>], vector<16xf32>,
    %get3A_1492 = arith.constant 992 : index
    %get3A_1493 = tpu.vector_load %arg8[%get3A_1492] {strides = array<i32>} : memref<1024xi32, #tpu.memory_space<vmem>>, vector<16xi32>,
    %get3A_1494 = arith.constant 1 : i32
    %get3A_1495 = arith.index_cast %get3A_1494 : i32 to index
    %get3A_1496 = arith.constant 992 : index
    %get3A_1497 = tpu.vector_load %arg7[%get3A_1495, %get3A_1496] {strides = array<i32>} : memref<2x1024xf32, #tpu.memory_space<vmem>>, vector<16xf32>,
    %scatter3A_1498 = arith.constant 1 : i32
    %scatter3A_1499 = arith.constant 0 : i32
    %scatter3A_1500 = tpu.memref_slice %arg6[%scatter3A_1498, %scatter3A_1499] : memref<2x32136xf32, #tpu.memory_space<vmem>> -> memref<1x32136xf32, #tpu.memory_space<vmem>>
    %scatter3A_1501 = tpu.memref_squeeze %scatter3A_1500 : memref<1x32136xf32, #tpu.memory_space<vmem>> -> memref<32136xf32, #tpu.memory_space<vmem>>
    tpu.vector_store_idx %scatter3A_1501[%get3A_1493], %get3A_1497 {add = true} : memref<32136xf32, #tpu.memory_space<vmem>>[vector<16xi32>], vector<16xf32>,
    %get3A_1502 = arith.constant 1008 : index
    %get3A_1503 = tpu.vector_load %arg8[%get3A_1502] {strides = array<i32>} : memref<1024xi32, #tpu.memory_space<vmem>>, vector<16xi32>,
    %get3A_1504 = arith.constant 1 : i32
    %get3A_1505 = arith.index_cast %get3A_1504 : i32 to index
    %get3A_1506 = arith.constant 1008 : index
    %get3A_1507 = tpu.vector_load %arg7[%get3A_1505, %get3A_1506] {strides = array<i32>} : memref<2x1024xf32, #tpu.memory_space<vmem>>, vector<16xf32>,
    %scatter3A_1508 = arith.constant 1 : i32
    %scatter3A_1509 = arith.constant 0 : i32
    %scatter3A_1510 = tpu.memref_slice %arg6[%scatter3A_1508, %scatter3A_1509] : memref<2x32136xf32, #tpu.memory_space<vmem>> -> memref<1x32136xf32, #tpu.memory_space<vmem>>
    %scatter3A_1511 = tpu.memref_squeeze %scatter3A_1510 : memref<1x32136xf32, #tpu.memory_space<vmem>> -> memref<32136xf32, #tpu.memory_space<vmem>>
    tpu.vector_store_idx %scatter3A_1511[%get3A_1503], %get3A_1507 {add = true} : memref<32136xf32, #tpu.memory_space<vmem>>[vector<16xi32>], vector<16xf32>,
    %add3A_1512 = arith.constant 1 : i32
    %add3A_1513 = arith.addi %mul3A_32, %add3A_1512 : i32
    %dma_start3A_1514 = arith.constant 1 : i32
    %dma_start3A_1515 = arith.constant 1 : i32
    %dma_start3A_1516 = arith.constant 0 : i32
    %dma_start3A_1517 = tpu.memref_slice %arg6[%dma_start3A_1514, %dma_start3A_1516] : memref<2x32136xf32, #tpu.memory_space<vmem>> -> memref<1x32128xf32, #tpu.memory_space<vmem>>
    %dma_start3A_1518 = tpu.memref_squeeze %dma_start3A_1517 : memref<1x32128xf32, #tpu.memory_space<vmem>> -> memref<32128xf32, #tpu.memory_space<vmem>>
    %dma_start3A_1519 = arith.constant 0 : i32
    %dma_start3A_1520 = tpu.memref_slice %arg5[%select_n3A, %add3A_1513, %dma_start3A_1519] : memref<8x16x32128xf32, #tpu.memory_space<hbm>> -> memref<1x1x32128xf32, #tpu.memory_space<hbm>>
    %dma_start3A_1521 = tpu.memref_squeeze %dma_start3A_1520 : memref<1x1x32128xf32, #tpu.memory_space<hbm>> -> memref<32128xf32, #tpu.memory_space<hbm>>
    %dma_start3A_1522 = tpu.memref_slice %arg10[%dma_start3A_1515] : memref<2x!tpu.dma_semaphore, #tpu.memory_space<semaphore_mem>> -> memref<1x!tpu.dma_semaphore, #tpu.memory_space<semaphore_mem>>
    %dma_start3A_1523 = tpu.memref_squeeze %dma_start3A_1522 : memref<1x!tpu.dma_semaphore, #tpu.memory_space<semaphore_mem>> -> memref<!tpu.dma_semaphore, #tpu.memory_space<semaphore_mem>>
    %dma_start3A_1524 = arith.constant 0 : i32
    %dma_start3A_1525 = tpu.memref_slice %arg5[%select_n3A, %add3A_1513, %dma_start3A_1524] : memref<8x16x32128xf32, #tpu.memory_space<hbm>> -> memref<1x1x32128xf32, #tpu.memory_space<hbm>>
    %dma_start3A_1526 = tpu.memref_squeeze %dma_start3A_1525 : memref<1x1x32128xf32, #tpu.memory_space<hbm>> -> memref<32128xf32, #tpu.memory_space<hbm>>
    %dma_start3A_1527 = arith.constant 0 : i32
    %dma_start3A_1528 = tpu.memref_slice %arg6[%dma_start3A_1514, %dma_start3A_1527] : memref<2x32136xf32, #tpu.memory_space<vmem>> -> memref<1x32128xf32, #tpu.memory_space<vmem>>
    %dma_start3A_1529 = tpu.memref_squeeze %dma_start3A_1528 : memref<1x32128xf32, #tpu.memory_space<vmem>> -> memref<32128xf32, #tpu.memory_space<vmem>>
    tpu.enqueue_dma source(%dma_start3A_1529 : memref<32128xf32, #tpu.memory_space<vmem>>) target(%dma_start3A_1526 : memref<32128xf32, #tpu.memory_space<hbm>>) target_semaphore(%dma_start3A_1523 : memref<!tpu.dma_semaphore, #tpu.memory_space<semaphore_mem>>)
    %add3A_1530 = arith.constant 1 : i32
    %add3A_1531 = arith.addi %mul3A_32, %add3A_1530 : i32
    %dma_wait3A_1532 = arith.constant 1 : i32
    %dma_wait3A_1533 = arith.constant 1 : i32
    %dma_wait3A_1534 = arith.constant 0 : i32
    %dma_wait3A_1535 = tpu.memref_slice %arg6[%dma_wait3A_1532, %dma_wait3A_1534] : memref<2x32136xf32, #tpu.memory_space<vmem>> -> memref<1x32128xf32, #tpu.memory_space<vmem>>
    %dma_wait3A_1536 = tpu.memref_squeeze %dma_wait3A_1535 : memref<1x32128xf32, #tpu.memory_space<vmem>> -> memref<32128xf32, #tpu.memory_space<vmem>>
    %dma_wait3A_1537 = arith.constant 0 : i32
    %dma_wait3A_1538 = tpu.memref_slice %arg5[%select_n3A, %add3A_1531, %dma_wait3A_1537] : memref<8x16x32128xf32, #tpu.memory_space<hbm>> -> memref<1x1x32128xf32, #tpu.memory_space<hbm>>
    %dma_wait3A_1539 = tpu.memref_squeeze %dma_wait3A_1538 : memref<1x1x32128xf32, #tpu.memory_space<hbm>> -> memref<32128xf32, #tpu.memory_space<hbm>>
    %dma_wait3A_1540 = tpu.memref_slice %arg10[%dma_wait3A_1533] : memref<2x!tpu.dma_semaphore, #tpu.memory_space<semaphore_mem>> -> memref<1x!tpu.dma_semaphore, #tpu.memory_space<semaphore_mem>>
    %dma_wait3A_1541 = tpu.memref_squeeze %dma_wait3A_1540 : memref<1x!tpu.dma_semaphore, #tpu.memory_space<semaphore_mem>> -> memref<!tpu.dma_semaphore, #tpu.memory_space<semaphore_mem>>
    %dma_wait3A_1542 = arith.constant 0 : i32
    %dma_wait3A_1543 = tpu.memref_slice %arg5[%select_n3A, %add3A_1531, %dma_wait3A_1542] : memref<8x16x32128xf32, #tpu.memory_space<hbm>> -> memref<1x1x32128xf32, #tpu.memory_space<hbm>>
    %dma_wait3A_1544 = tpu.memref_squeeze %dma_wait3A_1543 : memref<1x1x32128xf32, #tpu.memory_space<hbm>> -> memref<32128xf32, #tpu.memory_space<hbm>>
    %dma_wait3A_1545 = arith.constant 0 : i32
    %dma_wait3A_1546 = tpu.memref_slice %arg6[%dma_wait3A_1532, %dma_wait3A_1545] : memref<2x32136xf32, #tpu.memory_space<vmem>> -> memref<1x32128xf32, #tpu.memory_space<vmem>>
    %dma_wait3A_1547 = tpu.memref_squeeze %dma_wait3A_1546 : memref<1x32128xf32, #tpu.memory_space<vmem>> -> memref<32128xf32, #tpu.memory_space<vmem>>
    tpu.wait_dma2 semaphore(%dma_wait3A_1541 : memref<!tpu.dma_semaphore, #tpu.memory_space<semaphore_mem>>) src(%dma_wait3A_1547 : memref<32128xf32, #tpu.memory_space<vmem>>) dst(%dma_wait3A_1544 : memref<32128xf32, #tpu.memory_space<hbm>>)
    %mul3A_1548 = arith.constant 16 : i32
    %mul3A_1549 = arith.muli %select_n3A, %mul3A_1548 : i32
    %add3A_1550 = arith.addi %mul3A_1549, %mul3A_32 : i32
    %add3A_1551 = arith.constant 3 : i32
    %add3A_1552 = arith.addi %add3A_1550, %add3A_1551 : i32
    %mul3A_1553 = arith.constant 32128 : i32
    %mul3A_1554 = arith.muli %add3A_1552, %mul3A_1553 : i32
    %mul3A_1555 = arith.constant 1024 : i32
    %mul3A_1556 = arith.muli %add3A_1552, %mul3A_1555 : i32
    %dma_start3A_1557 = arith.constant 1 : i32
    %dma_start3A_1558 = arith.constant 1 : i32
    %dma_start3A_1559 = arith.constant 0 : i32
    %dma_start3A_1560 = tpu.memref_slice %arg6[%dma_start3A_1557, %dma_start3A_1559] : memref<2x32136xf32, #tpu.memory_space<vmem>> -> memref<1x32128xf32, #tpu.memory_space<vmem>>
    %dma_start3A_1561 = tpu.memref_squeeze %dma_start3A_1560 : memref<1x32128xf32, #tpu.memory_space<vmem>> -> memref<32128xf32, #tpu.memory_space<vmem>>
    %dma_start3A_1562 = tpu.memref_slice %arg2[%mul3A_1554] : memref<4112384xf32, #tpu.memory_space<hbm>> -> memref<32128xf32, #tpu.memory_space<hbm>>
    %dma_start3A_1563 = tpu.memref_slice %arg9[%dma_start3A_1558] : memref<2x!tpu.dma_semaphore, #tpu.memory_space<semaphore_mem>> -> memref<1x!tpu.dma_semaphore, #tpu.memory_space<semaphore_mem>>
    %dma_start3A_1564 = tpu.memref_squeeze %dma_start3A_1563 : memref<1x!tpu.dma_semaphore, #tpu.memory_space<semaphore_mem>> -> memref<!tpu.dma_semaphore, #tpu.memory_space<semaphore_mem>>
    %dma_start3A_1565 = arith.constant 0 : i32
    %dma_start3A_1566 = tpu.memref_slice %arg6[%dma_start3A_1557, %dma_start3A_1565] : memref<2x32136xf32, #tpu.memory_space<vmem>> -> memref<1x32128xf32, #tpu.memory_space<vmem>>
    %dma_start3A_1567 = tpu.memref_squeeze %dma_start3A_1566 : memref<1x32128xf32, #tpu.memory_space<vmem>> -> memref<32128xf32, #tpu.memory_space<vmem>>
    %dma_start3A_1568 = tpu.memref_slice %arg2[%mul3A_1554] : memref<4112384xf32, #tpu.memory_space<hbm>> -> memref<32128xf32, #tpu.memory_space<hbm>>
    tpu.enqueue_dma source(%dma_start3A_1568 : memref<32128xf32, #tpu.memory_space<hbm>>) target(%dma_start3A_1567 : memref<32128xf32, #tpu.memory_space<vmem>>) target_semaphore(%dma_start3A_1564 : memref<!tpu.dma_semaphore, #tpu.memory_space<semaphore_mem>>)
    %dma_start3A_1569 = arith.constant 1 : i32
    %dma_start3A_1570 = arith.constant 1 : i32
    %dma_start3A_1571 = arith.constant 0 : i32
    %dma_start3A_1572 = tpu.memref_slice %arg7[%dma_start3A_1569, %dma_start3A_1571] : memref<2x1024xf32, #tpu.memory_space<vmem>> -> memref<1x1024xf32, #tpu.memory_space<vmem>>
    %dma_start3A_1573 = tpu.memref_squeeze %dma_start3A_1572 : memref<1x1024xf32, #tpu.memory_space<vmem>> -> memref<1024xf32, #tpu.memory_space<vmem>>
    %dma_start3A_1574 = tpu.memref_slice %arg3[%mul3A_1556] : memref<131072xf32, #tpu.memory_space<hbm>> -> memref<1024xf32, #tpu.memory_space<hbm>>
    %dma_start3A_1575 = tpu.memref_slice %arg9[%dma_start3A_1570] : memref<2x!tpu.dma_semaphore, #tpu.memory_space<semaphore_mem>> -> memref<1x!tpu.dma_semaphore, #tpu.memory_space<semaphore_mem>>
    %dma_start3A_1576 = tpu.memref_squeeze %dma_start3A_1575 : memref<1x!tpu.dma_semaphore, #tpu.memory_space<semaphore_mem>> -> memref<!tpu.dma_semaphore, #tpu.memory_space<semaphore_mem>>
    %dma_start3A_1577 = arith.constant 0 : i32
    %dma_start3A_1578 = tpu.memref_slice %arg7[%dma_start3A_1569, %dma_start3A_1577] : memref<2x1024xf32, #tpu.memory_space<vmem>> -> memref<1x1024xf32, #tpu.memory_space<vmem>>
    %dma_start3A_1579 = tpu.memref_squeeze %dma_start3A_1578 : memref<1x1024xf32, #tpu.memory_space<vmem>> -> memref<1024xf32, #tpu.memory_space<vmem>>
    %dma_start3A_1580 = tpu.memref_slice %arg3[%mul3A_1556] : memref<131072xf32, #tpu.memory_space<hbm>> -> memref<1024xf32, #tpu.memory_space<hbm>>
    tpu.enqueue_dma source(%dma_start3A_1580 : memref<1024xf32, #tpu.memory_space<hbm>>) target(%dma_start3A_1579 : memref<1024xf32, #tpu.memory_space<vmem>>) target_semaphore(%dma_start3A_1576 : memref<!tpu.dma_semaphore, #tpu.memory_space<semaphore_mem>>)
    %mul3A_1581 = arith.constant 16 : i32
    %mul3A_1582 = arith.muli %select_n3A, %mul3A_1581 : i32
    %add3A_1583 = arith.addi %mul3A_1582, %mul3A_32 : i32
    %add3A_1584 = arith.constant 2 : i32
    %add3A_1585 = arith.addi %add3A_1583, %add3A_1584 : i32
    %mul3A_1586 = arith.constant 32128 : i32
    %mul3A_1587 = arith.muli %add3A_1585, %mul3A_1586 : i32
    %mul3A_1588 = arith.constant 1024 : i32
    %mul3A_1589 = arith.muli %add3A_1585, %mul3A_1588 : i32
    %dma_wait3A_1590 = arith.constant 0 : i32
    %dma_wait3A_1591 = arith.constant 0 : i32
    %dma_wait3A_1592 = arith.constant 0 : i32
    %dma_wait3A_1593 = tpu.memref_slice %arg6[%dma_wait3A_1590, %dma_wait3A_1592] : memref<2x32136xf32, #tpu.memory_space<vmem>> -> memref<1x32128xf32, #tpu.memory_space<vmem>>
    %dma_wait3A_1594 = tpu.memref_squeeze %dma_wait3A_1593 : memref<1x32128xf32, #tpu.memory_space<vmem>> -> memref<32128xf32, #tpu.memory_space<vmem>>
    %dma_wait3A_1595 = tpu.memref_slice %arg2[%mul3A_1587] : memref<4112384xf32, #tpu.memory_space<hbm>> -> memref<32128xf32, #tpu.memory_space<hbm>>
    %dma_wait3A_1596 = tpu.memref_slice %arg9[%dma_wait3A_1591] : memref<2x!tpu.dma_semaphore, #tpu.memory_space<semaphore_mem>> -> memref<1x!tpu.dma_semaphore, #tpu.memory_space<semaphore_mem>>
    %dma_wait3A_1597 = tpu.memref_squeeze %dma_wait3A_1596 : memref<1x!tpu.dma_semaphore, #tpu.memory_space<semaphore_mem>> -> memref<!tpu.dma_semaphore, #tpu.memory_space<semaphore_mem>>
    %dma_wait3A_1598 = arith.constant 0 : i32
    %dma_wait3A_1599 = tpu.memref_slice %arg6[%dma_wait3A_1590, %dma_wait3A_1598] : memref<2x32136xf32, #tpu.memory_space<vmem>> -> memref<1x32128xf32, #tpu.memory_space<vmem>>
    %dma_wait3A_1600 = tpu.memref_squeeze %dma_wait3A_1599 : memref<1x32128xf32, #tpu.memory_space<vmem>> -> memref<32128xf32, #tpu.memory_space<vmem>>
    %dma_wait3A_1601 = tpu.memref_slice %arg2[%mul3A_1587] : memref<4112384xf32, #tpu.memory_space<hbm>> -> memref<32128xf32, #tpu.memory_space<hbm>>
    tpu.wait_dma2 semaphore(%dma_wait3A_1597 : memref<!tpu.dma_semaphore, #tpu.memory_space<semaphore_mem>>) src(%dma_wait3A_1601 : memref<32128xf32, #tpu.memory_space<hbm>>) dst(%dma_wait3A_1600 : memref<32128xf32, #tpu.memory_space<vmem>>)
    %dma_wait3A_1602 = arith.constant 0 : i32
    %dma_wait3A_1603 = arith.constant 0 : i32
    %dma_wait3A_1604 = arith.constant 0 : i32
    %dma_wait3A_1605 = tpu.memref_slice %arg7[%dma_wait3A_1602, %dma_wait3A_1604] : memref<2x1024xf32, #tpu.memory_space<vmem>> -> memref<1x1024xf32, #tpu.memory_space<vmem>>
    %dma_wait3A_1606 = tpu.memref_squeeze %dma_wait3A_1605 : memref<1x1024xf32, #tpu.memory_space<vmem>> -> memref<1024xf32, #tpu.memory_space<vmem>>
    %dma_wait3A_1607 = tpu.memref_slice %arg3[%mul3A_1589] : memref<131072xf32, #tpu.memory_space<hbm>> -> memref<1024xf32, #tpu.memory_space<hbm>>
    %dma_wait3A_1608 = tpu.memref_slice %arg9[%dma_wait3A_1603] : memref<2x!tpu.dma_semaphore, #tpu.memory_space<semaphore_mem>> -> memref<1x!tpu.dma_semaphore, #tpu.memory_space<semaphore_mem>>
    %dma_wait3A_1609 = tpu.memref_squeeze %dma_wait3A_1608 : memref<1x!tpu.dma_semaphore, #tpu.memory_space<semaphore_mem>> -> memref<!tpu.dma_semaphore, #tpu.memory_space<semaphore_mem>>
    %dma_wait3A_1610 = arith.constant 0 : i32
    %dma_wait3A_1611 = tpu.memref_slice %arg7[%dma_wait3A_1602, %dma_wait3A_1610] : memref<2x1024xf32, #tpu.memory_space<vmem>> -> memref<1x1024xf32, #tpu.memory_space<vmem>>
    %dma_wait3A_1612 = tpu.memref_squeeze %dma_wait3A_1611 : memref<1x1024xf32, #tpu.memory_space<vmem>> -> memref<1024xf32, #tpu.memory_space<vmem>>
    %dma_wait3A_1613 = tpu.memref_slice %arg3[%mul3A_1589] : memref<131072xf32, #tpu.memory_space<hbm>> -> memref<1024xf32, #tpu.memory_space<hbm>>
    tpu.wait_dma2 semaphore(%dma_wait3A_1609 : memref<!tpu.dma_semaphore, #tpu.memory_space<semaphore_mem>>) src(%dma_wait3A_1613 : memref<1024xf32, #tpu.memory_space<hbm>>) dst(%dma_wait3A_1612 : memref<1024xf32, #tpu.memory_space<vmem>>)
    %get3A_1614 = arith.constant 0 : index
    %get3A_1615 = tpu.vector_load %arg8[%get3A_1614] {strides = array<i32>} : memref<1024xi32, #tpu.memory_space<vmem>>, vector<16xi32>,
    %get3A_1616 = arith.constant 0 : i32
    %get3A_1617 = arith.index_cast %get3A_1616 : i32 to index
    %get3A_1618 = arith.constant 0 : index
    %get3A_1619 = tpu.vector_load %arg7[%get3A_1617, %get3A_1618] {strides = array<i32>} : memref<2x1024xf32, #tpu.memory_space<vmem>>, vector<16xf32>,
    %scatter3A_1620 = arith.constant 0 : i32
    %scatter3A_1621 = arith.constant 0 : i32
    %scatter3A_1622 = tpu.memref_slice %arg6[%scatter3A_1620, %scatter3A_1621] : memref<2x32136xf32, #tpu.memory_space<vmem>> -> memref<1x32136xf32, #tpu.memory_space<vmem>>
    %scatter3A_1623 = tpu.memref_squeeze %scatter3A_1622 : memref<1x32136xf32, #tpu.memory_space<vmem>> -> memref<32136xf32, #tpu.memory_space<vmem>>
    tpu.vector_store_idx %scatter3A_1623[%get3A_1615], %get3A_1619 {add = true} : memref<32136xf32, #tpu.memory_space<vmem>>[vector<16xi32>], vector<16xf32>,
    %get3A_1624 = arith.constant 16 : index
    %get3A_1625 = tpu.vector_load %arg8[%get3A_1624] {strides = array<i32>} : memref<1024xi32, #tpu.memory_space<vmem>>, vector<16xi32>,
    %get3A_1626 = arith.constant 0 : i32
    %get3A_1627 = arith.index_cast %get3A_1626 : i32 to index
    %get3A_1628 = arith.constant 16 : index
    %get3A_1629 = tpu.vector_load %arg7[%get3A_1627, %get3A_1628] {strides = array<i32>} : memref<2x1024xf32, #tpu.memory_space<vmem>>, vector<16xf32>,
    %scatter3A_1630 = arith.constant 0 : i32
    %scatter3A_1631 = arith.constant 0 : i32
    %scatter3A_1632 = tpu.memref_slice %arg6[%scatter3A_1630, %scatter3A_1631] : memref<2x32136xf32, #tpu.memory_space<vmem>> -> memref<1x32136xf32, #tpu.memory_space<vmem>>
    %scatter3A_1633 = tpu.memref_squeeze %scatter3A_1632 : memref<1x32136xf32, #tpu.memory_space<vmem>> -> memref<32136xf32, #tpu.memory_space<vmem>>
    tpu.vector_store_idx %scatter3A_1633[%get3A_1625], %get3A_1629 {add = true} : memref<32136xf32, #tpu.memory_space<vmem>>[vector<16xi32>], vector<16xf32>,
    %get3A_1634 = arith.constant 32 : index
    %get3A_1635 = tpu.vector_load %arg8[%get3A_1634] {strides = array<i32>} : memref<1024xi32, #tpu.memory_space<vmem>>, vector<16xi32>,
    %get3A_1636 = arith.constant 0 : i32
    %get3A_1637 = arith.index_cast %get3A_1636 : i32 to index
    %get3A_1638 = arith.constant 32 : index
    %get3A_1639 = tpu.vector_load %arg7[%get3A_1637, %get3A_1638] {strides = array<i32>} : memref<2x1024xf32, #tpu.memory_space<vmem>>, vector<16xf32>,
    %scatter3A_1640 = arith.constant 0 : i32
    %scatter3A_1641 = arith.constant 0 : i32
    %scatter3A_1642 = tpu.memref_slice %arg6[%scatter3A_1640, %scatter3A_1641] : memref<2x32136xf32, #tpu.memory_space<vmem>> -> memref<1x32136xf32, #tpu.memory_space<vmem>>
    %scatter3A_1643 = tpu.memref_squeeze %scatter3A_1642 : memref<1x32136xf32, #tpu.memory_space<vmem>> -> memref<32136xf32, #tpu.memory_space<vmem>>
    tpu.vector_store_idx %scatter3A_1643[%get3A_1635], %get3A_1639 {add = true} : memref<32136xf32, #tpu.memory_space<vmem>>[vector<16xi32>], vector<16xf32>,
    %get3A_1644 = arith.constant 48 : index
    %get3A_1645 = tpu.vector_load %arg8[%get3A_1644] {strides = array<i32>} : memref<1024xi32, #tpu.memory_space<vmem>>, vector<16xi32>,
    %get3A_1646 = arith.constant 0 : i32
    %get3A_1647 = arith.index_cast %get3A_1646 : i32 to index
    %get3A_1648 = arith.constant 48 : index
    %get3A_1649 = tpu.vector_load %arg7[%get3A_1647, %get3A_1648] {strides = array<i32>} : memref<2x1024xf32, #tpu.memory_space<vmem>>, vector<16xf32>,
    %scatter3A_1650 = arith.constant 0 : i32
    %scatter3A_1651 = arith.constant 0 : i32
    %scatter3A_1652 = tpu.memref_slice %arg6[%scatter3A_1650, %scatter3A_1651] : memref<2x32136xf32, #tpu.memory_space<vmem>> -> memref<1x32136xf32, #tpu.memory_space<vmem>>
    %scatter3A_1653 = tpu.memref_squeeze %scatter3A_1652 : memref<1x32136xf32, #tpu.memory_space<vmem>> -> memref<32136xf32, #tpu.memory_space<vmem>>
    tpu.vector_store_idx %scatter3A_1653[%get3A_1645], %get3A_1649 {add = true} : memref<32136xf32, #tpu.memory_space<vmem>>[vector<16xi32>], vector<16xf32>,
    %get3A_1654 = arith.constant 64 : index
    %get3A_1655 = tpu.vector_load %arg8[%get3A_1654] {strides = array<i32>} : memref<1024xi32, #tpu.memory_space<vmem>>, vector<16xi32>,
    %get3A_1656 = arith.constant 0 : i32
    %get3A_1657 = arith.index_cast %get3A_1656 : i32 to index
    %get3A_1658 = arith.constant 64 : index
    %get3A_1659 = tpu.vector_load %arg7[%get3A_1657, %get3A_1658] {strides = array<i32>} : memref<2x1024xf32, #tpu.memory_space<vmem>>, vector<16xf32>,
    %scatter3A_1660 = arith.constant 0 : i32
    %scatter3A_1661 = arith.constant 0 : i32
    %scatter3A_1662 = tpu.memref_slice %arg6[%scatter3A_1660, %scatter3A_1661] : memref<2x32136xf32, #tpu.memory_space<vmem>> -> memref<1x32136xf32, #tpu.memory_space<vmem>>
    %scatter3A_1663 = tpu.memref_squeeze %scatter3A_1662 : memref<1x32136xf32, #tpu.memory_space<vmem>> -> memref<32136xf32, #tpu.memory_space<vmem>>
    tpu.vector_store_idx %scatter3A_1663[%get3A_1655], %get3A_1659 {add = true} : memref<32136xf32, #tpu.memory_space<vmem>>[vector<16xi32>], vector<16xf32>,
    %get3A_1664 = arith.constant 80 : index
    %get3A_1665 = tpu.vector_load %arg8[%get3A_1664] {strides = array<i32>} : memref<1024xi32, #tpu.memory_space<vmem>>, vector<16xi32>,
    %get3A_1666 = arith.constant 0 : i32
    %get3A_1667 = arith.index_cast %get3A_1666 : i32 to index
    %get3A_1668 = arith.constant 80 : index
    %get3A_1669 = tpu.vector_load %arg7[%get3A_1667, %get3A_1668] {strides = array<i32>} : memref<2x1024xf32, #tpu.memory_space<vmem>>, vector<16xf32>,
    %scatter3A_1670 = arith.constant 0 : i32
    %scatter3A_1671 = arith.constant 0 : i32
    %scatter3A_1672 = tpu.memref_slice %arg6[%scatter3A_1670, %scatter3A_1671] : memref<2x32136xf32, #tpu.memory_space<vmem>> -> memref<1x32136xf32, #tpu.memory_space<vmem>>
    %scatter3A_1673 = tpu.memref_squeeze %scatter3A_1672 : memref<1x32136xf32, #tpu.memory_space<vmem>> -> memref<32136xf32, #tpu.memory_space<vmem>>
    tpu.vector_store_idx %scatter3A_1673[%get3A_1665], %get3A_1669 {add = true} : memref<32136xf32, #tpu.memory_space<vmem>>[vector<16xi32>], vector<16xf32>,
    %get3A_1674 = arith.constant 96 : index
    %get3A_1675 = tpu.vector_load %arg8[%get3A_1674] {strides = array<i32>} : memref<1024xi32, #tpu.memory_space<vmem>>, vector<16xi32>,
    %get3A_1676 = arith.constant 0 : i32
    %get3A_1677 = arith.index_cast %get3A_1676 : i32 to index
    %get3A_1678 = arith.constant 96 : index
    %get3A_1679 = tpu.vector_load %arg7[%get3A_1677, %get3A_1678] {strides = array<i32>} : memref<2x1024xf32, #tpu.memory_space<vmem>>, vector<16xf32>,
    %scatter3A_1680 = arith.constant 0 : i32
    %scatter3A_1681 = arith.constant 0 : i32
    %scatter3A_1682 = tpu.memref_slice %arg6[%scatter3A_1680, %scatter3A_1681] : memref<2x32136xf32, #tpu.memory_space<vmem>> -> memref<1x32136xf32, #tpu.memory_space<vmem>>
    %scatter3A_1683 = tpu.memref_squeeze %scatter3A_1682 : memref<1x32136xf32, #tpu.memory_space<vmem>> -> memref<32136xf32, #tpu.memory_space<vmem>>
    tpu.vector_store_idx %scatter3A_1683[%get3A_1675], %get3A_1679 {add = true} : memref<32136xf32, #tpu.memory_space<vmem>>[vector<16xi32>], vector<16xf32>,
    %get3A_1684 = arith.constant 112 : index
    %get3A_1685 = tpu.vector_load %arg8[%get3A_1684] {strides = array<i32>} : memref<1024xi32, #tpu.memory_space<vmem>>, vector<16xi32>,
    %get3A_1686 = arith.constant 0 : i32
    %get3A_1687 = arith.index_cast %get3A_1686 : i32 to index
    %get3A_1688 = arith.constant 112 : index
    %get3A_1689 = tpu.vector_load %arg7[%get3A_1687, %get3A_1688] {strides = array<i32>} : memref<2x1024xf32, #tpu.memory_space<vmem>>, vector<16xf32>,
    %scatter3A_1690 = arith.constant 0 : i32
    %scatter3A_1691 = arith.constant 0 : i32
    %scatter3A_1692 = tpu.memref_slice %arg6[%scatter3A_1690, %scatter3A_1691] : memref<2x32136xf32, #tpu.memory_space<vmem>> -> memref<1x32136xf32, #tpu.memory_space<vmem>>
    %scatter3A_1693 = tpu.memref_squeeze %scatter3A_1692 : memref<1x32136xf32, #tpu.memory_space<vmem>> -> memref<32136xf32, #tpu.memory_space<vmem>>
    tpu.vector_store_idx %scatter3A_1693[%get3A_1685], %get3A_1689 {add = true} : memref<32136xf32, #tpu.memory_space<vmem>>[vector<16xi32>], vector<16xf32>,
    %get3A_1694 = arith.constant 128 : index
    %get3A_1695 = tpu.vector_load %arg8[%get3A_1694] {strides = array<i32>} : memref<1024xi32, #tpu.memory_space<vmem>>, vector<16xi32>,
    %get3A_1696 = arith.constant 0 : i32
    %get3A_1697 = arith.index_cast %get3A_1696 : i32 to index
    %get3A_1698 = arith.constant 128 : index
    %get3A_1699 = tpu.vector_load %arg7[%get3A_1697, %get3A_1698] {strides = array<i32>} : memref<2x1024xf32, #tpu.memory_space<vmem>>, vector<16xf32>,
    %scatter3A_1700 = arith.constant 0 : i32
    %scatter3A_1701 = arith.constant 0 : i32
    %scatter3A_1702 = tpu.memref_slice %arg6[%scatter3A_1700, %scatter3A_1701] : memref<2x32136xf32, #tpu.memory_space<vmem>> -> memref<1x32136xf32, #tpu.memory_space<vmem>>
    %scatter3A_1703 = tpu.memref_squeeze %scatter3A_1702 : memref<1x32136xf32, #tpu.memory_space<vmem>> -> memref<32136xf32, #tpu.memory_space<vmem>>
    tpu.vector_store_idx %scatter3A_1703[%get3A_1695], %get3A_1699 {add = true} : memref<32136xf32, #tpu.memory_space<vmem>>[vector<16xi32>], vector<16xf32>,
    %get3A_1704 = arith.constant 144 : index
    %get3A_1705 = tpu.vector_load %arg8[%get3A_1704] {strides = array<i32>} : memref<1024xi32, #tpu.memory_space<vmem>>, vector<16xi32>,
    %get3A_1706 = arith.constant 0 : i32
    %get3A_1707 = arith.index_cast %get3A_1706 : i32 to index
    %get3A_1708 = arith.constant 144 : index
    %get3A_1709 = tpu.vector_load %arg7[%get3A_1707, %get3A_1708] {strides = array<i32>} : memref<2x1024xf32, #tpu.memory_space<vmem>>, vector<16xf32>,
    %scatter3A_1710 = arith.constant 0 : i32
    %scatter3A_1711 = arith.constant 0 : i32
    %scatter3A_1712 = tpu.memref_slice %arg6[%scatter3A_1710, %scatter3A_1711] : memref<2x32136xf32, #tpu.memory_space<vmem>> -> memref<1x32136xf32, #tpu.memory_space<vmem>>
    %scatter3A_1713 = tpu.memref_squeeze %scatter3A_1712 : memref<1x32136xf32, #tpu.memory_space<vmem>> -> memref<32136xf32, #tpu.memory_space<vmem>>
    tpu.vector_store_idx %scatter3A_1713[%get3A_1705], %get3A_1709 {add = true} : memref<32136xf32, #tpu.memory_space<vmem>>[vector<16xi32>], vector<16xf32>,
    %get3A_1714 = arith.constant 160 : index
    %get3A_1715 = tpu.vector_load %arg8[%get3A_1714] {strides = array<i32>} : memref<1024xi32, #tpu.memory_space<vmem>>, vector<16xi32>,
    %get3A_1716 = arith.constant 0 : i32
    %get3A_1717 = arith.index_cast %get3A_1716 : i32 to index
    %get3A_1718 = arith.constant 160 : index
    %get3A_1719 = tpu.vector_load %arg7[%get3A_1717, %get3A_1718] {strides = array<i32>} : memref<2x1024xf32, #tpu.memory_space<vmem>>, vector<16xf32>,
    %scatter3A_1720 = arith.constant 0 : i32
    %scatter3A_1721 = arith.constant 0 : i32
    %scatter3A_1722 = tpu.memref_slice %arg6[%scatter3A_1720, %scatter3A_1721] : memref<2x32136xf32, #tpu.memory_space<vmem>> -> memref<1x32136xf32, #tpu.memory_space<vmem>>
    %scatter3A_1723 = tpu.memref_squeeze %scatter3A_1722 : memref<1x32136xf32, #tpu.memory_space<vmem>> -> memref<32136xf32, #tpu.memory_space<vmem>>
    tpu.vector_store_idx %scatter3A_1723[%get3A_1715], %get3A_1719 {add = true} : memref<32136xf32, #tpu.memory_space<vmem>>[vector<16xi32>], vector<16xf32>,
    %get3A_1724 = arith.constant 176 : index
    %get3A_1725 = tpu.vector_load %arg8[%get3A_1724] {strides = array<i32>} : memref<1024xi32, #tpu.memory_space<vmem>>, vector<16xi32>,
    %get3A_1726 = arith.constant 0 : i32
    %get3A_1727 = arith.index_cast %get3A_1726 : i32 to index
    %get3A_1728 = arith.constant 176 : index
    %get3A_1729 = tpu.vector_load %arg7[%get3A_1727, %get3A_1728] {strides = array<i32>} : memref<2x1024xf32, #tpu.memory_space<vmem>>, vector<16xf32>,
    %scatter3A_1730 = arith.constant 0 : i32
    %scatter3A_1731 = arith.constant 0 : i32
    %scatter3A_1732 = tpu.memref_slice %arg6[%scatter3A_1730, %scatter3A_1731] : memref<2x32136xf32, #tpu.memory_space<vmem>> -> memref<1x32136xf32, #tpu.memory_space<vmem>>
    %scatter3A_1733 = tpu.memref_squeeze %scatter3A_1732 : memref<1x32136xf32, #tpu.memory_space<vmem>> -> memref<32136xf32, #tpu.memory_space<vmem>>
    tpu.vector_store_idx %scatter3A_1733[%get3A_1725], %get3A_1729 {add = true} : memref<32136xf32, #tpu.memory_space<vmem>>[vector<16xi32>], vector<16xf32>,
    %get3A_1734 = arith.constant 192 : index
    %get3A_1735 = tpu.vector_load %arg8[%get3A_1734] {strides = array<i32>} : memref<1024xi32, #tpu.memory_space<vmem>>, vector<16xi32>,
    %get3A_1736 = arith.constant 0 : i32
    %get3A_1737 = arith.index_cast %get3A_1736 : i32 to index
    %get3A_1738 = arith.constant 192 : index
    %get3A_1739 = tpu.vector_load %arg7[%get3A_1737, %get3A_1738] {strides = array<i32>} : memref<2x1024xf32, #tpu.memory_space<vmem>>, vector<16xf32>,
    %scatter3A_1740 = arith.constant 0 : i32
    %scatter3A_1741 = arith.constant 0 : i32
    %scatter3A_1742 = tpu.memref_slice %arg6[%scatter3A_1740, %scatter3A_1741] : memref<2x32136xf32, #tpu.memory_space<vmem>> -> memref<1x32136xf32, #tpu.memory_space<vmem>>
    %scatter3A_1743 = tpu.memref_squeeze %scatter3A_1742 : memref<1x32136xf32, #tpu.memory_space<vmem>> -> memref<32136xf32, #tpu.memory_space<vmem>>
    tpu.vector_store_idx %scatter3A_1743[%get3A_1735], %get3A_1739 {add = true} : memref<32136xf32, #tpu.memory_space<vmem>>[vector<16xi32>], vector<16xf32>,
    %get3A_1744 = arith.constant 208 : index
    %get3A_1745 = tpu.vector_load %arg8[%get3A_1744] {strides = array<i32>} : memref<1024xi32, #tpu.memory_space<vmem>>, vector<16xi32>,
    %get3A_1746 = arith.constant 0 : i32
    %get3A_1747 = arith.index_cast %get3A_1746 : i32 to index
    %get3A_1748 = arith.constant 208 : index
    %get3A_1749 = tpu.vector_load %arg7[%get3A_1747, %get3A_1748] {strides = array<i32>} : memref<2x1024xf32, #tpu.memory_space<vmem>>, vector<16xf32>,
    %scatter3A_1750 = arith.constant 0 : i32
    %scatter3A_1751 = arith.constant 0 : i32
    %scatter3A_1752 = tpu.memref_slice %arg6[%scatter3A_1750, %scatter3A_1751] : memref<2x32136xf32, #tpu.memory_space<vmem>> -> memref<1x32136xf32, #tpu.memory_space<vmem>>
    %scatter3A_1753 = tpu.memref_squeeze %scatter3A_1752 : memref<1x32136xf32, #tpu.memory_space<vmem>> -> memref<32136xf32, #tpu.memory_space<vmem>>
    tpu.vector_store_idx %scatter3A_1753[%get3A_1745], %get3A_1749 {add = true} : memref<32136xf32, #tpu.memory_space<vmem>>[vector<16xi32>], vector<16xf32>,
    %get3A_1754 = arith.constant 224 : index
    %get3A_1755 = tpu.vector_load %arg8[%get3A_1754] {strides = array<i32>} : memref<1024xi32, #tpu.memory_space<vmem>>, vector<16xi32>,
    %get3A_1756 = arith.constant 0 : i32
    %get3A_1757 = arith.index_cast %get3A_1756 : i32 to index
    %get3A_1758 = arith.constant 224 : index
    %get3A_1759 = tpu.vector_load %arg7[%get3A_1757, %get3A_1758] {strides = array<i32>} : memref<2x1024xf32, #tpu.memory_space<vmem>>, vector<16xf32>,
    %scatter3A_1760 = arith.constant 0 : i32
    %scatter3A_1761 = arith.constant 0 : i32
    %scatter3A_1762 = tpu.memref_slice %arg6[%scatter3A_1760, %scatter3A_1761] : memref<2x32136xf32, #tpu.memory_space<vmem>> -> memref<1x32136xf32, #tpu.memory_space<vmem>>
    %scatter3A_1763 = tpu.memref_squeeze %scatter3A_1762 : memref<1x32136xf32, #tpu.memory_space<vmem>> -> memref<32136xf32, #tpu.memory_space<vmem>>
    tpu.vector_store_idx %scatter3A_1763[%get3A_1755], %get3A_1759 {add = true} : memref<32136xf32, #tpu.memory_space<vmem>>[vector<16xi32>], vector<16xf32>,
    %get3A_1764 = arith.constant 240 : index
    %get3A_1765 = tpu.vector_load %arg8[%get3A_1764] {strides = array<i32>} : memref<1024xi32, #tpu.memory_space<vmem>>, vector<16xi32>,
    %get3A_1766 = arith.constant 0 : i32
    %get3A_1767 = arith.index_cast %get3A_1766 : i32 to index
    %get3A_1768 = arith.constant 240 : index
    %get3A_1769 = tpu.vector_load %arg7[%get3A_1767, %get3A_1768] {strides = array<i32>} : memref<2x1024xf32, #tpu.memory_space<vmem>>, vector<16xf32>,
    %scatter3A_1770 = arith.constant 0 : i32
    %scatter3A_1771 = arith.constant 0 : i32
    %scatter3A_1772 = tpu.memref_slice %arg6[%scatter3A_1770, %scatter3A_1771] : memref<2x32136xf32, #tpu.memory_space<vmem>> -> memref<1x32136xf32, #tpu.memory_space<vmem>>
    %scatter3A_1773 = tpu.memref_squeeze %scatter3A_1772 : memref<1x32136xf32, #tpu.memory_space<vmem>> -> memref<32136xf32, #tpu.memory_space<vmem>>
    tpu.vector_store_idx %scatter3A_1773[%get3A_1765], %get3A_1769 {add = true} : memref<32136xf32, #tpu.memory_space<vmem>>[vector<16xi32>], vector<16xf32>,
    %get3A_1774 = arith.constant 256 : index
    %get3A_1775 = tpu.vector_load %arg8[%get3A_1774] {strides = array<i32>} : memref<1024xi32, #tpu.memory_space<vmem>>, vector<16xi32>,
    %get3A_1776 = arith.constant 0 : i32
    %get3A_1777 = arith.index_cast %get3A_1776 : i32 to index
    %get3A_1778 = arith.constant 256 : index
    %get3A_1779 = tpu.vector_load %arg7[%get3A_1777, %get3A_1778] {strides = array<i32>} : memref<2x1024xf32, #tpu.memory_space<vmem>>, vector<16xf32>,
    %scatter3A_1780 = arith.constant 0 : i32
    %scatter3A_1781 = arith.constant 0 : i32
    %scatter3A_1782 = tpu.memref_slice %arg6[%scatter3A_1780, %scatter3A_1781] : memref<2x32136xf32, #tpu.memory_space<vmem>> -> memref<1x32136xf32, #tpu.memory_space<vmem>>
    %scatter3A_1783 = tpu.memref_squeeze %scatter3A_1782 : memref<1x32136xf32, #tpu.memory_space<vmem>> -> memref<32136xf32, #tpu.memory_space<vmem>>
    tpu.vector_store_idx %scatter3A_1783[%get3A_1775], %get3A_1779 {add = true} : memref<32136xf32, #tpu.memory_space<vmem>>[vector<16xi32>], vector<16xf32>,
    %get3A_1784 = arith.constant 272 : index
    %get3A_1785 = tpu.vector_load %arg8[%get3A_1784] {strides = array<i32>} : memref<1024xi32, #tpu.memory_space<vmem>>, vector<16xi32>,
    %get3A_1786 = arith.constant 0 : i32
    %get3A_1787 = arith.index_cast %get3A_1786 : i32 to index
    %get3A_1788 = arith.constant 272 : index
    %get3A_1789 = tpu.vector_load %arg7[%get3A_1787, %get3A_1788] {strides = array<i32>} : memref<2x1024xf32, #tpu.memory_space<vmem>>, vector<16xf32>,
    %scatter3A_1790 = arith.constant 0 : i32
    %scatter3A_1791 = arith.constant 0 : i32
    %scatter3A_1792 = tpu.memref_slice %arg6[%scatter3A_1790, %scatter3A_1791] : memref<2x32136xf32, #tpu.memory_space<vmem>> -> memref<1x32136xf32, #tpu.memory_space<vmem>>
    %scatter3A_1793 = tpu.memref_squeeze %scatter3A_1792 : memref<1x32136xf32, #tpu.memory_space<vmem>> -> memref<32136xf32, #tpu.memory_space<vmem>>
    tpu.vector_store_idx %scatter3A_1793[%get3A_1785], %get3A_1789 {add = true} : memref<32136xf32, #tpu.memory_space<vmem>>[vector<16xi32>], vector<16xf32>,
    %get3A_1794 = arith.constant 288 : index
    %get3A_1795 = tpu.vector_load %arg8[%get3A_1794] {strides = array<i32>} : memref<1024xi32, #tpu.memory_space<vmem>>, vector<16xi32>,
    %get3A_1796 = arith.constant 0 : i32
    %get3A_1797 = arith.index_cast %get3A_1796 : i32 to index
    %get3A_1798 = arith.constant 288 : index
    %get3A_1799 = tpu.vector_load %arg7[%get3A_1797, %get3A_1798] {strides = array<i32>} : memref<2x1024xf32, #tpu.memory_space<vmem>>, vector<16xf32>,
    %scatter3A_1800 = arith.constant 0 : i32
    %scatter3A_1801 = arith.constant 0 : i32
    %scatter3A_1802 = tpu.memref_slice %arg6[%scatter3A_1800, %scatter3A_1801] : memref<2x32136xf32, #tpu.memory_space<vmem>> -> memref<1x32136xf32, #tpu.memory_space<vmem>>
    %scatter3A_1803 = tpu.memref_squeeze %scatter3A_1802 : memref<1x32136xf32, #tpu.memory_space<vmem>> -> memref<32136xf32, #tpu.memory_space<vmem>>
    tpu.vector_store_idx %scatter3A_1803[%get3A_1795], %get3A_1799 {add = true} : memref<32136xf32, #tpu.memory_space<vmem>>[vector<16xi32>], vector<16xf32>,
    %get3A_1804 = arith.constant 304 : index
    %get3A_1805 = tpu.vector_load %arg8[%get3A_1804] {strides = array<i32>} : memref<1024xi32, #tpu.memory_space<vmem>>, vector<16xi32>,
    %get3A_1806 = arith.constant 0 : i32
    %get3A_1807 = arith.index_cast %get3A_1806 : i32 to index
    %get3A_1808 = arith.constant 304 : index
    %get3A_1809 = tpu.vector_load %arg7[%get3A_1807, %get3A_1808] {strides = array<i32>} : memref<2x1024xf32, #tpu.memory_space<vmem>>, vector<16xf32>,
    %scatter3A_1810 = arith.constant 0 : i32
    %scatter3A_1811 = arith.constant 0 : i32
    %scatter3A_1812 = tpu.memref_slice %arg6[%scatter3A_1810, %scatter3A_1811] : memref<2x32136xf32, #tpu.memory_space<vmem>> -> memref<1x32136xf32, #tpu.memory_space<vmem>>
    %scatter3A_1813 = tpu.memref_squeeze %scatter3A_1812 : memref<1x32136xf32, #tpu.memory_space<vmem>> -> memref<32136xf32, #tpu.memory_space<vmem>>
    tpu.vector_store_idx %scatter3A_1813[%get3A_1805], %get3A_1809 {add = true} : memref<32136xf32, #tpu.memory_space<vmem>>[vector<16xi32>], vector<16xf32>,
    %get3A_1814 = arith.constant 320 : index
    %get3A_1815 = tpu.vector_load %arg8[%get3A_1814] {strides = array<i32>} : memref<1024xi32, #tpu.memory_space<vmem>>, vector<16xi32>,
    %get3A_1816 = arith.constant 0 : i32
    %get3A_1817 = arith.index_cast %get3A_1816 : i32 to index
    %get3A_1818 = arith.constant 320 : index
    %get3A_1819 = tpu.vector_load %arg7[%get3A_1817, %get3A_1818] {strides = array<i32>} : memref<2x1024xf32, #tpu.memory_space<vmem>>, vector<16xf32>,
    %scatter3A_1820 = arith.constant 0 : i32
    %scatter3A_1821 = arith.constant 0 : i32
    %scatter3A_1822 = tpu.memref_slice %arg6[%scatter3A_1820, %scatter3A_1821] : memref<2x32136xf32, #tpu.memory_space<vmem>> -> memref<1x32136xf32, #tpu.memory_space<vmem>>
    %scatter3A_1823 = tpu.memref_squeeze %scatter3A_1822 : memref<1x32136xf32, #tpu.memory_space<vmem>> -> memref<32136xf32, #tpu.memory_space<vmem>>
    tpu.vector_store_idx %scatter3A_1823[%get3A_1815], %get3A_1819 {add = true} : memref<32136xf32, #tpu.memory_space<vmem>>[vector<16xi32>], vector<16xf32>,
    %get3A_1824 = arith.constant 336 : index
    %get3A_1825 = tpu.vector_load %arg8[%get3A_1824] {strides = array<i32>} : memref<1024xi32, #tpu.memory_space<vmem>>, vector<16xi32>,
    %get3A_1826 = arith.constant 0 : i32
    %get3A_1827 = arith.index_cast %get3A_1826 : i32 to index
    %get3A_1828 = arith.constant 336 : index
    %get3A_1829 = tpu.vector_load %arg7[%get3A_1827, %get3A_1828] {strides = array<i32>} : memref<2x1024xf32, #tpu.memory_space<vmem>>, vector<16xf32>,
    %scatter3A_1830 = arith.constant 0 : i32
    %scatter3A_1831 = arith.constant 0 : i32
    %scatter3A_1832 = tpu.memref_slice %arg6[%scatter3A_1830, %scatter3A_1831] : memref<2x32136xf32, #tpu.memory_space<vmem>> -> memref<1x32136xf32, #tpu.memory_space<vmem>>
    %scatter3A_1833 = tpu.memref_squeeze %scatter3A_1832 : memref<1x32136xf32, #tpu.memory_space<vmem>> -> memref<32136xf32, #tpu.memory_space<vmem>>
    tpu.vector_store_idx %scatter3A_1833[%get3A_1825], %get3A_1829 {add = true} : memref<32136xf32, #tpu.memory_space<vmem>>[vector<16xi32>], vector<16xf32>,
    %get3A_1834 = arith.constant 352 : index
    %get3A_1835 = tpu.vector_load %arg8[%get3A_1834] {strides = array<i32>} : memref<1024xi32, #tpu.memory_space<vmem>>, vector<16xi32>,
    %get3A_1836 = arith.constant 0 : i32
    %get3A_1837 = arith.index_cast %get3A_1836 : i32 to index
    %get3A_1838 = arith.constant 352 : index
    %get3A_1839 = tpu.vector_load %arg7[%get3A_1837, %get3A_1838] {strides = array<i32>} : memref<2x1024xf32, #tpu.memory_space<vmem>>, vector<16xf32>,
    %scatter3A_1840 = arith.constant 0 : i32
    %scatter3A_1841 = arith.constant 0 : i32
    %scatter3A_1842 = tpu.memref_slice %arg6[%scatter3A_1840, %scatter3A_1841] : memref<2x32136xf32, #tpu.memory_space<vmem>> -> memref<1x32136xf32, #tpu.memory_space<vmem>>
    %scatter3A_1843 = tpu.memref_squeeze %scatter3A_1842 : memref<1x32136xf32, #tpu.memory_space<vmem>> -> memref<32136xf32, #tpu.memory_space<vmem>>
    tpu.vector_store_idx %scatter3A_1843[%get3A_1835], %get3A_1839 {add = true} : memref<32136xf32, #tpu.memory_space<vmem>>[vector<16xi32>], vector<16xf32>,
    %get3A_1844 = arith.constant 368 : index
    %get3A_1845 = tpu.vector_load %arg8[%get3A_1844] {strides = array<i32>} : memref<1024xi32, #tpu.memory_space<vmem>>, vector<16xi32>,
    %get3A_1846 = arith.constant 0 : i32
    %get3A_1847 = arith.index_cast %get3A_1846 : i32 to index
    %get3A_1848 = arith.constant 368 : index
    %get3A_1849 = tpu.vector_load %arg7[%get3A_1847, %get3A_1848] {strides = array<i32>} : memref<2x1024xf32, #tpu.memory_space<vmem>>, vector<16xf32>,
    %scatter3A_1850 = arith.constant 0 : i32
    %scatter3A_1851 = arith.constant 0 : i32
    %scatter3A_1852 = tpu.memref_slice %arg6[%scatter3A_1850, %scatter3A_1851] : memref<2x32136xf32, #tpu.memory_space<vmem>> -> memref<1x32136xf32, #tpu.memory_space<vmem>>
    %scatter3A_1853 = tpu.memref_squeeze %scatter3A_1852 : memref<1x32136xf32, #tpu.memory_space<vmem>> -> memref<32136xf32, #tpu.memory_space<vmem>>
    tpu.vector_store_idx %scatter3A_1853[%get3A_1845], %get3A_1849 {add = true} : memref<32136xf32, #tpu.memory_space<vmem>>[vector<16xi32>], vector<16xf32>,
    %get3A_1854 = arith.constant 384 : index
    %get3A_1855 = tpu.vector_load %arg8[%get3A_1854] {strides = array<i32>} : memref<1024xi32, #tpu.memory_space<vmem>>, vector<16xi32>,
    %get3A_1856 = arith.constant 0 : i32
    %get3A_1857 = arith.index_cast %get3A_1856 : i32 to index
    %get3A_1858 = arith.constant 384 : index
    %get3A_1859 = tpu.vector_load %arg7[%get3A_1857, %get3A_1858] {strides = array<i32>} : memref<2x1024xf32, #tpu.memory_space<vmem>>, vector<16xf32>,
    %scatter3A_1860 = arith.constant 0 : i32
    %scatter3A_1861 = arith.constant 0 : i32
    %scatter3A_1862 = tpu.memref_slice %arg6[%scatter3A_1860, %scatter3A_1861] : memref<2x32136xf32, #tpu.memory_space<vmem>> -> memref<1x32136xf32, #tpu.memory_space<vmem>>
    %scatter3A_1863 = tpu.memref_squeeze %scatter3A_1862 : memref<1x32136xf32, #tpu.memory_space<vmem>> -> memref<32136xf32, #tpu.memory_space<vmem>>
    tpu.vector_store_idx %scatter3A_1863[%get3A_1855], %get3A_1859 {add = true} : memref<32136xf32, #tpu.memory_space<vmem>>[vector<16xi32>], vector<16xf32>,
    %get3A_1864 = arith.constant 400 : index
    %get3A_1865 = tpu.vector_load %arg8[%get3A_1864] {strides = array<i32>} : memref<1024xi32, #tpu.memory_space<vmem>>, vector<16xi32>,
    %get3A_1866 = arith.constant 0 : i32
    %get3A_1867 = arith.index_cast %get3A_1866 : i32 to index
    %get3A_1868 = arith.constant 400 : index
    %get3A_1869 = tpu.vector_load %arg7[%get3A_1867, %get3A_1868] {strides = array<i32>} : memref<2x1024xf32, #tpu.memory_space<vmem>>, vector<16xf32>,
    %scatter3A_1870 = arith.constant 0 : i32
    %scatter3A_1871 = arith.constant 0 : i32
    %scatter3A_1872 = tpu.memref_slice %arg6[%scatter3A_1870, %scatter3A_1871] : memref<2x32136xf32, #tpu.memory_space<vmem>> -> memref<1x32136xf32, #tpu.memory_space<vmem>>
    %scatter3A_1873 = tpu.memref_squeeze %scatter3A_1872 : memref<1x32136xf32, #tpu.memory_space<vmem>> -> memref<32136xf32, #tpu.memory_space<vmem>>
    tpu.vector_store_idx %scatter3A_1873[%get3A_1865], %get3A_1869 {add = true} : memref<32136xf32, #tpu.memory_space<vmem>>[vector<16xi32>], vector<16xf32>,
    %get3A_1874 = arith.constant 416 : index
    %get3A_1875 = tpu.vector_load %arg8[%get3A_1874] {strides = array<i32>} : memref<1024xi32, #tpu.memory_space<vmem>>, vector<16xi32>,
    %get3A_1876 = arith.constant 0 : i32
    %get3A_1877 = arith.index_cast %get3A_1876 : i32 to index
    %get3A_1878 = arith.constant 416 : index
    %get3A_1879 = tpu.vector_load %arg7[%get3A_1877, %get3A_1878] {strides = array<i32>} : memref<2x1024xf32, #tpu.memory_space<vmem>>, vector<16xf32>,
    %scatter3A_1880 = arith.constant 0 : i32
    %scatter3A_1881 = arith.constant 0 : i32
    %scatter3A_1882 = tpu.memref_slice %arg6[%scatter3A_1880, %scatter3A_1881] : memref<2x32136xf32, #tpu.memory_space<vmem>> -> memref<1x32136xf32, #tpu.memory_space<vmem>>
    %scatter3A_1883 = tpu.memref_squeeze %scatter3A_1882 : memref<1x32136xf32, #tpu.memory_space<vmem>> -> memref<32136xf32, #tpu.memory_space<vmem>>
    tpu.vector_store_idx %scatter3A_1883[%get3A_1875], %get3A_1879 {add = true} : memref<32136xf32, #tpu.memory_space<vmem>>[vector<16xi32>], vector<16xf32>,
    %get3A_1884 = arith.constant 432 : index
    %get3A_1885 = tpu.vector_load %arg8[%get3A_1884] {strides = array<i32>} : memref<1024xi32, #tpu.memory_space<vmem>>, vector<16xi32>,
    %get3A_1886 = arith.constant 0 : i32
    %get3A_1887 = arith.index_cast %get3A_1886 : i32 to index
    %get3A_1888 = arith.constant 432 : index
    %get3A_1889 = tpu.vector_load %arg7[%get3A_1887, %get3A_1888] {strides = array<i32>} : memref<2x1024xf32, #tpu.memory_space<vmem>>, vector<16xf32>,
    %scatter3A_1890 = arith.constant 0 : i32
    %scatter3A_1891 = arith.constant 0 : i32
    %scatter3A_1892 = tpu.memref_slice %arg6[%scatter3A_1890, %scatter3A_1891] : memref<2x32136xf32, #tpu.memory_space<vmem>> -> memref<1x32136xf32, #tpu.memory_space<vmem>>
    %scatter3A_1893 = tpu.memref_squeeze %scatter3A_1892 : memref<1x32136xf32, #tpu.memory_space<vmem>> -> memref<32136xf32, #tpu.memory_space<vmem>>
    tpu.vector_store_idx %scatter3A_1893[%get3A_1885], %get3A_1889 {add = true} : memref<32136xf32, #tpu.memory_space<vmem>>[vector<16xi32>], vector<16xf32>,
    %get3A_1894 = arith.constant 448 : index
    %get3A_1895 = tpu.vector_load %arg8[%get3A_1894] {strides = array<i32>} : memref<1024xi32, #tpu.memory_space<vmem>>, vector<16xi32>,
    %get3A_1896 = arith.constant 0 : i32
    %get3A_1897 = arith.index_cast %get3A_1896 : i32 to index
    %get3A_1898 = arith.constant 448 : index
    %get3A_1899 = tpu.vector_load %arg7[%get3A_1897, %get3A_1898] {strides = array<i32>} : memref<2x1024xf32, #tpu.memory_space<vmem>>, vector<16xf32>,
    %scatter3A_1900 = arith.constant 0 : i32
    %scatter3A_1901 = arith.constant 0 : i32
    %scatter3A_1902 = tpu.memref_slice %arg6[%scatter3A_1900, %scatter3A_1901] : memref<2x32136xf32, #tpu.memory_space<vmem>> -> memref<1x32136xf32, #tpu.memory_space<vmem>>
    %scatter3A_1903 = tpu.memref_squeeze %scatter3A_1902 : memref<1x32136xf32, #tpu.memory_space<vmem>> -> memref<32136xf32, #tpu.memory_space<vmem>>
    tpu.vector_store_idx %scatter3A_1903[%get3A_1895], %get3A_1899 {add = true} : memref<32136xf32, #tpu.memory_space<vmem>>[vector<16xi32>], vector<16xf32>,
    %get3A_1904 = arith.constant 464 : index
    %get3A_1905 = tpu.vector_load %arg8[%get3A_1904] {strides = array<i32>} : memref<1024xi32, #tpu.memory_space<vmem>>, vector<16xi32>,
    %get3A_1906 = arith.constant 0 : i32
    %get3A_1907 = arith.index_cast %get3A_1906 : i32 to index
    %get3A_1908 = arith.constant 464 : index
    %get3A_1909 = tpu.vector_load %arg7[%get3A_1907, %get3A_1908] {strides = array<i32>} : memref<2x1024xf32, #tpu.memory_space<vmem>>, vector<16xf32>,
    %scatter3A_1910 = arith.constant 0 : i32
    %scatter3A_1911 = arith.constant 0 : i32
    %scatter3A_1912 = tpu.memref_slice %arg6[%scatter3A_1910, %scatter3A_1911] : memref<2x32136xf32, #tpu.memory_space<vmem>> -> memref<1x32136xf32, #tpu.memory_space<vmem>>
    %scatter3A_1913 = tpu.memref_squeeze %scatter3A_1912 : memref<1x32136xf32, #tpu.memory_space<vmem>> -> memref<32136xf32, #tpu.memory_space<vmem>>
    tpu.vector_store_idx %scatter3A_1913[%get3A_1905], %get3A_1909 {add = true} : memref<32136xf32, #tpu.memory_space<vmem>>[vector<16xi32>], vector<16xf32>,
    %get3A_1914 = arith.constant 480 : index
    %get3A_1915 = tpu.vector_load %arg8[%get3A_1914] {strides = array<i32>} : memref<1024xi32, #tpu.memory_space<vmem>>, vector<16xi32>,
    %get3A_1916 = arith.constant 0 : i32
    %get3A_1917 = arith.index_cast %get3A_1916 : i32 to index
    %get3A_1918 = arith.constant 480 : index
    %get3A_1919 = tpu.vector_load %arg7[%get3A_1917, %get3A_1918] {strides = array<i32>} : memref<2x1024xf32, #tpu.memory_space<vmem>>, vector<16xf32>,
    %scatter3A_1920 = arith.constant 0 : i32
    %scatter3A_1921 = arith.constant 0 : i32
    %scatter3A_1922 = tpu.memref_slice %arg6[%scatter3A_1920, %scatter3A_1921] : memref<2x32136xf32, #tpu.memory_space<vmem>> -> memref<1x32136xf32, #tpu.memory_space<vmem>>
    %scatter3A_1923 = tpu.memref_squeeze %scatter3A_1922 : memref<1x32136xf32, #tpu.memory_space<vmem>> -> memref<32136xf32, #tpu.memory_space<vmem>>
    tpu.vector_store_idx %scatter3A_1923[%get3A_1915], %get3A_1919 {add = true} : memref<32136xf32, #tpu.memory_space<vmem>>[vector<16xi32>], vector<16xf32>,
    %get3A_1924 = arith.constant 496 : index
    %get3A_1925 = tpu.vector_load %arg8[%get3A_1924] {strides = array<i32>} : memref<1024xi32, #tpu.memory_space<vmem>>, vector<16xi32>,
    %get3A_1926 = arith.constant 0 : i32
    %get3A_1927 = arith.index_cast %get3A_1926 : i32 to index
    %get3A_1928 = arith.constant 496 : index
    %get3A_1929 = tpu.vector_load %arg7[%get3A_1927, %get3A_1928] {strides = array<i32>} : memref<2x1024xf32, #tpu.memory_space<vmem>>, vector<16xf32>,
    %scatter3A_1930 = arith.constant 0 : i32
    %scatter3A_1931 = arith.constant 0 : i32
    %scatter3A_1932 = tpu.memref_slice %arg6[%scatter3A_1930, %scatter3A_1931] : memref<2x32136xf32, #tpu.memory_space<vmem>> -> memref<1x32136xf32, #tpu.memory_space<vmem>>
    %scatter3A_1933 = tpu.memref_squeeze %scatter3A_1932 : memref<1x32136xf32, #tpu.memory_space<vmem>> -> memref<32136xf32, #tpu.memory_space<vmem>>
    tpu.vector_store_idx %scatter3A_1933[%get3A_1925], %get3A_1929 {add = true} : memref<32136xf32, #tpu.memory_space<vmem>>[vector<16xi32>], vector<16xf32>,
    %get3A_1934 = arith.constant 512 : index
    %get3A_1935 = tpu.vector_load %arg8[%get3A_1934] {strides = array<i32>} : memref<1024xi32, #tpu.memory_space<vmem>>, vector<16xi32>,
    %get3A_1936 = arith.constant 0 : i32
    %get3A_1937 = arith.index_cast %get3A_1936 : i32 to index
    %get3A_1938 = arith.constant 512 : index
    %get3A_1939 = tpu.vector_load %arg7[%get3A_1937, %get3A_1938] {strides = array<i32>} : memref<2x1024xf32, #tpu.memory_space<vmem>>, vector<16xf32>,
    %scatter3A_1940 = arith.constant 0 : i32
    %scatter3A_1941 = arith.constant 0 : i32
    %scatter3A_1942 = tpu.memref_slice %arg6[%scatter3A_1940, %scatter3A_1941] : memref<2x32136xf32, #tpu.memory_space<vmem>> -> memref<1x32136xf32, #tpu.memory_space<vmem>>
    %scatter3A_1943 = tpu.memref_squeeze %scatter3A_1942 : memref<1x32136xf32, #tpu.memory_space<vmem>> -> memref<32136xf32, #tpu.memory_space<vmem>>
    tpu.vector_store_idx %scatter3A_1943[%get3A_1935], %get3A_1939 {add = true} : memref<32136xf32, #tpu.memory_space<vmem>>[vector<16xi32>], vector<16xf32>,
    %get3A_1944 = arith.constant 528 : index
    %get3A_1945 = tpu.vector_load %arg8[%get3A_1944] {strides = array<i32>} : memref<1024xi32, #tpu.memory_space<vmem>>, vector<16xi32>,
    %get3A_1946 = arith.constant 0 : i32
    %get3A_1947 = arith.index_cast %get3A_1946 : i32 to index
    %get3A_1948 = arith.constant 528 : index
    %get3A_1949 = tpu.vector_load %arg7[%get3A_1947, %get3A_1948] {strides = array<i32>} : memref<2x1024xf32, #tpu.memory_space<vmem>>, vector<16xf32>,
    %scatter3A_1950 = arith.constant 0 : i32
    %scatter3A_1951 = arith.constant 0 : i32
    %scatter3A_1952 = tpu.memref_slice %arg6[%scatter3A_1950, %scatter3A_1951] : memref<2x32136xf32, #tpu.memory_space<vmem>> -> memref<1x32136xf32, #tpu.memory_space<vmem>>
    %scatter3A_1953 = tpu.memref_squeeze %scatter3A_1952 : memref<1x32136xf32, #tpu.memory_space<vmem>> -> memref<32136xf32, #tpu.memory_space<vmem>>
    tpu.vector_store_idx %scatter3A_1953[%get3A_1945], %get3A_1949 {add = true} : memref<32136xf32, #tpu.memory_space<vmem>>[vector<16xi32>], vector<16xf32>,
    %get3A_1954 = arith.constant 544 : index
    %get3A_1955 = tpu.vector_load %arg8[%get3A_1954] {strides = array<i32>} : memref<1024xi32, #tpu.memory_space<vmem>>, vector<16xi32>,
    %get3A_1956 = arith.constant 0 : i32
    %get3A_1957 = arith.index_cast %get3A_1956 : i32 to index
    %get3A_1958 = arith.constant 544 : index
    %get3A_1959 = tpu.vector_load %arg7[%get3A_1957, %get3A_1958] {strides = array<i32>} : memref<2x1024xf32, #tpu.memory_space<vmem>>, vector<16xf32>,
    %scatter3A_1960 = arith.constant 0 : i32
    %scatter3A_1961 = arith.constant 0 : i32
    %scatter3A_1962 = tpu.memref_slice %arg6[%scatter3A_1960, %scatter3A_1961] : memref<2x32136xf32, #tpu.memory_space<vmem>> -> memref<1x32136xf32, #tpu.memory_space<vmem>>
    %scatter3A_1963 = tpu.memref_squeeze %scatter3A_1962 : memref<1x32136xf32, #tpu.memory_space<vmem>> -> memref<32136xf32, #tpu.memory_space<vmem>>
    tpu.vector_store_idx %scatter3A_1963[%get3A_1955], %get3A_1959 {add = true} : memref<32136xf32, #tpu.memory_space<vmem>>[vector<16xi32>], vector<16xf32>,
    %get3A_1964 = arith.constant 560 : index
    %get3A_1965 = tpu.vector_load %arg8[%get3A_1964] {strides = array<i32>} : memref<1024xi32, #tpu.memory_space<vmem>>, vector<16xi32>,
    %get3A_1966 = arith.constant 0 : i32
    %get3A_1967 = arith.index_cast %get3A_1966 : i32 to index
    %get3A_1968 = arith.constant 560 : index
    %get3A_1969 = tpu.vector_load %arg7[%get3A_1967, %get3A_1968] {strides = array<i32>} : memref<2x1024xf32, #tpu.memory_space<vmem>>, vector<16xf32>,
    %scatter3A_1970 = arith.constant 0 : i32
    %scatter3A_1971 = arith.constant 0 : i32
    %scatter3A_1972 = tpu.memref_slice %arg6[%scatter3A_1970, %scatter3A_1971] : memref<2x32136xf32, #tpu.memory_space<vmem>> -> memref<1x32136xf32, #tpu.memory_space<vmem>>
    %scatter3A_1973 = tpu.memref_squeeze %scatter3A_1972 : memref<1x32136xf32, #tpu.memory_space<vmem>> -> memref<32136xf32, #tpu.memory_space<vmem>>
    tpu.vector_store_idx %scatter3A_1973[%get3A_1965], %get3A_1969 {add = true} : memref<32136xf32, #tpu.memory_space<vmem>>[vector<16xi32>], vector<16xf32>,
    %get3A_1974 = arith.constant 576 : index
    %get3A_1975 = tpu.vector_load %arg8[%get3A_1974] {strides = array<i32>} : memref<1024xi32, #tpu.memory_space<vmem>>, vector<16xi32>,
    %get3A_1976 = arith.constant 0 : i32
    %get3A_1977 = arith.index_cast %get3A_1976 : i32 to index
    %get3A_1978 = arith.constant 576 : index
    %get3A_1979 = tpu.vector_load %arg7[%get3A_1977, %get3A_1978] {strides = array<i32>} : memref<2x1024xf32, #tpu.memory_space<vmem>>, vector<16xf32>,
    %scatter3A_1980 = arith.constant 0 : i32
    %scatter3A_1981 = arith.constant 0 : i32
    %scatter3A_1982 = tpu.memref_slice %arg6[%scatter3A_1980, %scatter3A_1981] : memref<2x32136xf32, #tpu.memory_space<vmem>> -> memref<1x32136xf32, #tpu.memory_space<vmem>>
    %scatter3A_1983 = tpu.memref_squeeze %scatter3A_1982 : memref<1x32136xf32, #tpu.memory_space<vmem>> -> memref<32136xf32, #tpu.memory_space<vmem>>
    tpu.vector_store_idx %scatter3A_1983[%get3A_1975], %get3A_1979 {add = true} : memref<32136xf32, #tpu.memory_space<vmem>>[vector<16xi32>], vector<16xf32>,
    %get3A_1984 = arith.constant 592 : index
    %get3A_1985 = tpu.vector_load %arg8[%get3A_1984] {strides = array<i32>} : memref<1024xi32, #tpu.memory_space<vmem>>, vector<16xi32>,
    %get3A_1986 = arith.constant 0 : i32
    %get3A_1987 = arith.index_cast %get3A_1986 : i32 to index
    %get3A_1988 = arith.constant 592 : index
    %get3A_1989 = tpu.vector_load %arg7[%get3A_1987, %get3A_1988] {strides = array<i32>} : memref<2x1024xf32, #tpu.memory_space<vmem>>, vector<16xf32>,
    %scatter3A_1990 = arith.constant 0 : i32
    %scatter3A_1991 = arith.constant 0 : i32
    %scatter3A_1992 = tpu.memref_slice %arg6[%scatter3A_1990, %scatter3A_1991] : memref<2x32136xf32, #tpu.memory_space<vmem>> -> memref<1x32136xf32, #tpu.memory_space<vmem>>
    %scatter3A_1993 = tpu.memref_squeeze %scatter3A_1992 : memref<1x32136xf32, #tpu.memory_space<vmem>> -> memref<32136xf32, #tpu.memory_space<vmem>>
    tpu.vector_store_idx %scatter3A_1993[%get3A_1985], %get3A_1989 {add = true} : memref<32136xf32, #tpu.memory_space<vmem>>[vector<16xi32>], vector<16xf32>,
    %get3A_1994 = arith.constant 608 : index
    %get3A_1995 = tpu.vector_load %arg8[%get3A_1994] {strides = array<i32>} : memref<1024xi32, #tpu.memory_space<vmem>>, vector<16xi32>,
    %get3A_1996 = arith.constant 0 : i32
    %get3A_1997 = arith.index_cast %get3A_1996 : i32 to index
    %get3A_1998 = arith.constant 608 : index
    %get3A_1999 = tpu.vector_load %arg7[%get3A_1997, %get3A_1998] {strides = array<i32>} : memref<2x1024xf32, #tpu.memory_space<vmem>>, vector<16xf32>,
    %scatter3A_2000 = arith.constant 0 : i32
    %scatter3A_2001 = arith.constant 0 : i32
    %scatter3A_2002 = tpu.memref_slice %arg6[%scatter3A_2000, %scatter3A_2001] : memref<2x32136xf32, #tpu.memory_space<vmem>> -> memref<1x32136xf32, #tpu.memory_space<vmem>>
    %scatter3A_2003 = tpu.memref_squeeze %scatter3A_2002 : memref<1x32136xf32, #tpu.memory_space<vmem>> -> memref<32136xf32, #tpu.memory_space<vmem>>
    tpu.vector_store_idx %scatter3A_2003[%get3A_1995], %get3A_1999 {add = true} : memref<32136xf32, #tpu.memory_space<vmem>>[vector<16xi32>], vector<16xf32>,
    %get3A_2004 = arith.constant 624 : index
    %get3A_2005 = tpu.vector_load %arg8[%get3A_2004] {strides = array<i32>} : memref<1024xi32, #tpu.memory_space<vmem>>, vector<16xi32>,
    %get3A_2006 = arith.constant 0 : i32
    %get3A_2007 = arith.index_cast %get3A_2006 : i32 to index
    %get3A_2008 = arith.constant 624 : index
    %get3A_2009 = tpu.vector_load %arg7[%get3A_2007, %get3A_2008] {strides = array<i32>} : memref<2x1024xf32, #tpu.memory_space<vmem>>, vector<16xf32>,
    %scatter3A_2010 = arith.constant 0 : i32
    %scatter3A_2011 = arith.constant 0 : i32
    %scatter3A_2012 = tpu.memref_slice %arg6[%scatter3A_2010, %scatter3A_2011] : memref<2x32136xf32, #tpu.memory_space<vmem>> -> memref<1x32136xf32, #tpu.memory_space<vmem>>
    %scatter3A_2013 = tpu.memref_squeeze %scatter3A_2012 : memref<1x32136xf32, #tpu.memory_space<vmem>> -> memref<32136xf32, #tpu.memory_space<vmem>>
    tpu.vector_store_idx %scatter3A_2013[%get3A_2005], %get3A_2009 {add = true} : memref<32136xf32, #tpu.memory_space<vmem>>[vector<16xi32>], vector<16xf32>,
    %get3A_2014 = arith.constant 640 : index
    %get3A_2015 = tpu.vector_load %arg8[%get3A_2014] {strides = array<i32>} : memref<1024xi32, #tpu.memory_space<vmem>>, vector<16xi32>,
    %get3A_2016 = arith.constant 0 : i32
    %get3A_2017 = arith.index_cast %get3A_2016 : i32 to index
    %get3A_2018 = arith.constant 640 : index
    %get3A_2019 = tpu.vector_load %arg7[%get3A_2017, %get3A_2018] {strides = array<i32>} : memref<2x1024xf32, #tpu.memory_space<vmem>>, vector<16xf32>,
    %scatter3A_2020 = arith.constant 0 : i32
    %scatter3A_2021 = arith.constant 0 : i32
    %scatter3A_2022 = tpu.memref_slice %arg6[%scatter3A_2020, %scatter3A_2021] : memref<2x32136xf32, #tpu.memory_space<vmem>> -> memref<1x32136xf32, #tpu.memory_space<vmem>>
    %scatter3A_2023 = tpu.memref_squeeze %scatter3A_2022 : memref<1x32136xf32, #tpu.memory_space<vmem>> -> memref<32136xf32, #tpu.memory_space<vmem>>
    tpu.vector_store_idx %scatter3A_2023[%get3A_2015], %get3A_2019 {add = true} : memref<32136xf32, #tpu.memory_space<vmem>>[vector<16xi32>], vector<16xf32>,
    %get3A_2024 = arith.constant 656 : index
    %get3A_2025 = tpu.vector_load %arg8[%get3A_2024] {strides = array<i32>} : memref<1024xi32, #tpu.memory_space<vmem>>, vector<16xi32>,
    %get3A_2026 = arith.constant 0 : i32
    %get3A_2027 = arith.index_cast %get3A_2026 : i32 to index
    %get3A_2028 = arith.constant 656 : index
    %get3A_2029 = tpu.vector_load %arg7[%get3A_2027, %get3A_2028] {strides = array<i32>} : memref<2x1024xf32, #tpu.memory_space<vmem>>, vector<16xf32>,
    %scatter3A_2030 = arith.constant 0 : i32
    %scatter3A_2031 = arith.constant 0 : i32
    %scatter3A_2032 = tpu.memref_slice %arg6[%scatter3A_2030, %scatter3A_2031] : memref<2x32136xf32, #tpu.memory_space<vmem>> -> memref<1x32136xf32, #tpu.memory_space<vmem>>
    %scatter3A_2033 = tpu.memref_squeeze %scatter3A_2032 : memref<1x32136xf32, #tpu.memory_space<vmem>> -> memref<32136xf32, #tpu.memory_space<vmem>>
    tpu.vector_store_idx %scatter3A_2033[%get3A_2025], %get3A_2029 {add = true} : memref<32136xf32, #tpu.memory_space<vmem>>[vector<16xi32>], vector<16xf32>,
    %get3A_2034 = arith.constant 672 : index
    %get3A_2035 = tpu.vector_load %arg8[%get3A_2034] {strides = array<i32>} : memref<1024xi32, #tpu.memory_space<vmem>>, vector<16xi32>,
    %get3A_2036 = arith.constant 0 : i32
    %get3A_2037 = arith.index_cast %get3A_2036 : i32 to index
    %get3A_2038 = arith.constant 672 : index
    %get3A_2039 = tpu.vector_load %arg7[%get3A_2037, %get3A_2038] {strides = array<i32>} : memref<2x1024xf32, #tpu.memory_space<vmem>>, vector<16xf32>,
    %scatter3A_2040 = arith.constant 0 : i32
    %scatter3A_2041 = arith.constant 0 : i32
    %scatter3A_2042 = tpu.memref_slice %arg6[%scatter3A_2040, %scatter3A_2041] : memref<2x32136xf32, #tpu.memory_space<vmem>> -> memref<1x32136xf32, #tpu.memory_space<vmem>>
    %scatter3A_2043 = tpu.memref_squeeze %scatter3A_2042 : memref<1x32136xf32, #tpu.memory_space<vmem>> -> memref<32136xf32, #tpu.memory_space<vmem>>
    tpu.vector_store_idx %scatter3A_2043[%get3A_2035], %get3A_2039 {add = true} : memref<32136xf32, #tpu.memory_space<vmem>>[vector<16xi32>], vector<16xf32>,
    %get3A_2044 = arith.constant 688 : index
    %get3A_2045 = tpu.vector_load %arg8[%get3A_2044] {strides = array<i32>} : memref<1024xi32, #tpu.memory_space<vmem>>, vector<16xi32>,
    %get3A_2046 = arith.constant 0 : i32
    %get3A_2047 = arith.index_cast %get3A_2046 : i32 to index
    %get3A_2048 = arith.constant 688 : index
    %get3A_2049 = tpu.vector_load %arg7[%get3A_2047, %get3A_2048] {strides = array<i32>} : memref<2x1024xf32, #tpu.memory_space<vmem>>, vector<16xf32>,
    %scatter3A_2050 = arith.constant 0 : i32
    %scatter3A_2051 = arith.constant 0 : i32
    %scatter3A_2052 = tpu.memref_slice %arg6[%scatter3A_2050, %scatter3A_2051] : memref<2x32136xf32, #tpu.memory_space<vmem>> -> memref<1x32136xf32, #tpu.memory_space<vmem>>
    %scatter3A_2053 = tpu.memref_squeeze %scatter3A_2052 : memref<1x32136xf32, #tpu.memory_space<vmem>> -> memref<32136xf32, #tpu.memory_space<vmem>>
    tpu.vector_store_idx %scatter3A_2053[%get3A_2045], %get3A_2049 {add = true} : memref<32136xf32, #tpu.memory_space<vmem>>[vector<16xi32>], vector<16xf32>,
    %get3A_2054 = arith.constant 704 : index
    %get3A_2055 = tpu.vector_load %arg8[%get3A_2054] {strides = array<i32>} : memref<1024xi32, #tpu.memory_space<vmem>>, vector<16xi32>,
    %get3A_2056 = arith.constant 0 : i32
    %get3A_2057 = arith.index_cast %get3A_2056 : i32 to index
    %get3A_2058 = arith.constant 704 : index
    %get3A_2059 = tpu.vector_load %arg7[%get3A_2057, %get3A_2058] {strides = array<i32>} : memref<2x1024xf32, #tpu.memory_space<vmem>>, vector<16xf32>,
    %scatter3A_2060 = arith.constant 0 : i32
    %scatter3A_2061 = arith.constant 0 : i32
    %scatter3A_2062 = tpu.memref_slice %arg6[%scatter3A_2060, %scatter3A_2061] : memref<2x32136xf32, #tpu.memory_space<vmem>> -> memref<1x32136xf32, #tpu.memory_space<vmem>>
    %scatter3A_2063 = tpu.memref_squeeze %scatter3A_2062 : memref<1x32136xf32, #tpu.memory_space<vmem>> -> memref<32136xf32, #tpu.memory_space<vmem>>
    tpu.vector_store_idx %scatter3A_2063[%get3A_2055], %get3A_2059 {add = true} : memref<32136xf32, #tpu.memory_space<vmem>>[vector<16xi32>], vector<16xf32>,
    %get3A_2064 = arith.constant 720 : index
    %get3A_2065 = tpu.vector_load %arg8[%get3A_2064] {strides = array<i32>} : memref<1024xi32, #tpu.memory_space<vmem>>, vector<16xi32>,
    %get3A_2066 = arith.constant 0 : i32
    %get3A_2067 = arith.index_cast %get3A_2066 : i32 to index
    %get3A_2068 = arith.constant 720 : index
    %get3A_2069 = tpu.vector_load %arg7[%get3A_2067, %get3A_2068] {strides = array<i32>} : memref<2x1024xf32, #tpu.memory_space<vmem>>, vector<16xf32>,
    %scatter3A_2070 = arith.constant 0 : i32
    %scatter3A_2071 = arith.constant 0 : i32
    %scatter3A_2072 = tpu.memref_slice %arg6[%scatter3A_2070, %scatter3A_2071] : memref<2x32136xf32, #tpu.memory_space<vmem>> -> memref<1x32136xf32, #tpu.memory_space<vmem>>
    %scatter3A_2073 = tpu.memref_squeeze %scatter3A_2072 : memref<1x32136xf32, #tpu.memory_space<vmem>> -> memref<32136xf32, #tpu.memory_space<vmem>>
    tpu.vector_store_idx %scatter3A_2073[%get3A_2065], %get3A_2069 {add = true} : memref<32136xf32, #tpu.memory_space<vmem>>[vector<16xi32>], vector<16xf32>,
    %get3A_2074 = arith.constant 736 : index
    %get3A_2075 = tpu.vector_load %arg8[%get3A_2074] {strides = array<i32>} : memref<1024xi32, #tpu.memory_space<vmem>>, vector<16xi32>,
    %get3A_2076 = arith.constant 0 : i32
    %get3A_2077 = arith.index_cast %get3A_2076 : i32 to index
    %get3A_2078 = arith.constant 736 : index
    %get3A_2079 = tpu.vector_load %arg7[%get3A_2077, %get3A_2078] {strides = array<i32>} : memref<2x1024xf32, #tpu.memory_space<vmem>>, vector<16xf32>,
    %scatter3A_2080 = arith.constant 0 : i32
    %scatter3A_2081 = arith.constant 0 : i32
    %scatter3A_2082 = tpu.memref_slice %arg6[%scatter3A_2080, %scatter3A_2081] : memref<2x32136xf32, #tpu.memory_space<vmem>> -> memref<1x32136xf32, #tpu.memory_space<vmem>>
    %scatter3A_2083 = tpu.memref_squeeze %scatter3A_2082 : memref<1x32136xf32, #tpu.memory_space<vmem>> -> memref<32136xf32, #tpu.memory_space<vmem>>
    tpu.vector_store_idx %scatter3A_2083[%get3A_2075], %get3A_2079 {add = true} : memref<32136xf32, #tpu.memory_space<vmem>>[vector<16xi32>], vector<16xf32>,
    %get3A_2084 = arith.constant 752 : index
    %get3A_2085 = tpu.vector_load %arg8[%get3A_2084] {strides = array<i32>} : memref<1024xi32, #tpu.memory_space<vmem>>, vector<16xi32>,
    %get3A_2086 = arith.constant 0 : i32
    %get3A_2087 = arith.index_cast %get3A_2086 : i32 to index
    %get3A_2088 = arith.constant 752 : index
    %get3A_2089 = tpu.vector_load %arg7[%get3A_2087, %get3A_2088] {strides = array<i32>} : memref<2x1024xf32, #tpu.memory_space<vmem>>, vector<16xf32>,
    %scatter3A_2090 = arith.constant 0 : i32
    %scatter3A_2091 = arith.constant 0 : i32
    %scatter3A_2092 = tpu.memref_slice %arg6[%scatter3A_2090, %scatter3A_2091] : memref<2x32136xf32, #tpu.memory_space<vmem>> -> memref<1x32136xf32, #tpu.memory_space<vmem>>
    %scatter3A_2093 = tpu.memref_squeeze %scatter3A_2092 : memref<1x32136xf32, #tpu.memory_space<vmem>> -> memref<32136xf32, #tpu.memory_space<vmem>>
    tpu.vector_store_idx %scatter3A_2093[%get3A_2085], %get3A_2089 {add = true} : memref<32136xf32, #tpu.memory_space<vmem>>[vector<16xi32>], vector<16xf32>,
    %get3A_2094 = arith.constant 768 : index
    %get3A_2095 = tpu.vector_load %arg8[%get3A_2094] {strides = array<i32>} : memref<1024xi32, #tpu.memory_space<vmem>>, vector<16xi32>,
    %get3A_2096 = arith.constant 0 : i32
    %get3A_2097 = arith.index_cast %get3A_2096 : i32 to index
    %get3A_2098 = arith.constant 768 : index
    %get3A_2099 = tpu.vector_load %arg7[%get3A_2097, %get3A_2098] {strides = array<i32>} : memref<2x1024xf32, #tpu.memory_space<vmem>>, vector<16xf32>,
    %scatter3A_2100 = arith.constant 0 : i32
    %scatter3A_2101 = arith.constant 0 : i32
    %scatter3A_2102 = tpu.memref_slice %arg6[%scatter3A_2100, %scatter3A_2101] : memref<2x32136xf32, #tpu.memory_space<vmem>> -> memref<1x32136xf32, #tpu.memory_space<vmem>>
    %scatter3A_2103 = tpu.memref_squeeze %scatter3A_2102 : memref<1x32136xf32, #tpu.memory_space<vmem>> -> memref<32136xf32, #tpu.memory_space<vmem>>
    tpu.vector_store_idx %scatter3A_2103[%get3A_2095], %get3A_2099 {add = true} : memref<32136xf32, #tpu.memory_space<vmem>>[vector<16xi32>], vector<16xf32>,
    %get3A_2104 = arith.constant 784 : index
    %get3A_2105 = tpu.vector_load %arg8[%get3A_2104] {strides = array<i32>} : memref<1024xi32, #tpu.memory_space<vmem>>, vector<16xi32>,
    %get3A_2106 = arith.constant 0 : i32
    %get3A_2107 = arith.index_cast %get3A_2106 : i32 to index
    %get3A_2108 = arith.constant 784 : index
    %get3A_2109 = tpu.vector_load %arg7[%get3A_2107, %get3A_2108] {strides = array<i32>} : memref<2x1024xf32, #tpu.memory_space<vmem>>, vector<16xf32>,
    %scatter3A_2110 = arith.constant 0 : i32
    %scatter3A_2111 = arith.constant 0 : i32
    %scatter3A_2112 = tpu.memref_slice %arg6[%scatter3A_2110, %scatter3A_2111] : memref<2x32136xf32, #tpu.memory_space<vmem>> -> memref<1x32136xf32, #tpu.memory_space<vmem>>
    %scatter3A_2113 = tpu.memref_squeeze %scatter3A_2112 : memref<1x32136xf32, #tpu.memory_space<vmem>> -> memref<32136xf32, #tpu.memory_space<vmem>>
    tpu.vector_store_idx %scatter3A_2113[%get3A_2105], %get3A_2109 {add = true} : memref<32136xf32, #tpu.memory_space<vmem>>[vector<16xi32>], vector<16xf32>,
    %get3A_2114 = arith.constant 800 : index
    %get3A_2115 = tpu.vector_load %arg8[%get3A_2114] {strides = array<i32>} : memref<1024xi32, #tpu.memory_space<vmem>>, vector<16xi32>,
    %get3A_2116 = arith.constant 0 : i32
    %get3A_2117 = arith.index_cast %get3A_2116 : i32 to index
    %get3A_2118 = arith.constant 800 : index
    %get3A_2119 = tpu.vector_load %arg7[%get3A_2117, %get3A_2118] {strides = array<i32>} : memref<2x1024xf32, #tpu.memory_space<vmem>>, vector<16xf32>,
    %scatter3A_2120 = arith.constant 0 : i32
    %scatter3A_2121 = arith.constant 0 : i32
    %scatter3A_2122 = tpu.memref_slice %arg6[%scatter3A_2120, %scatter3A_2121] : memref<2x32136xf32, #tpu.memory_space<vmem>> -> memref<1x32136xf32, #tpu.memory_space<vmem>>
    %scatter3A_2123 = tpu.memref_squeeze %scatter3A_2122 : memref<1x32136xf32, #tpu.memory_space<vmem>> -> memref<32136xf32, #tpu.memory_space<vmem>>
    tpu.vector_store_idx %scatter3A_2123[%get3A_2115], %get3A_2119 {add = true} : memref<32136xf32, #tpu.memory_space<vmem>>[vector<16xi32>], vector<16xf32>,
    %get3A_2124 = arith.constant 816 : index
    %get3A_2125 = tpu.vector_load %arg8[%get3A_2124] {strides = array<i32>} : memref<1024xi32, #tpu.memory_space<vmem>>, vector<16xi32>,
    %get3A_2126 = arith.constant 0 : i32
    %get3A_2127 = arith.index_cast %get3A_2126 : i32 to index
    %get3A_2128 = arith.constant 816 : index
    %get3A_2129 = tpu.vector_load %arg7[%get3A_2127, %get3A_2128] {strides = array<i32>} : memref<2x1024xf32, #tpu.memory_space<vmem>>, vector<16xf32>,
    %scatter3A_2130 = arith.constant 0 : i32
    %scatter3A_2131 = arith.constant 0 : i32
    %scatter3A_2132 = tpu.memref_slice %arg6[%scatter3A_2130, %scatter3A_2131] : memref<2x32136xf32, #tpu.memory_space<vmem>> -> memref<1x32136xf32, #tpu.memory_space<vmem>>
    %scatter3A_2133 = tpu.memref_squeeze %scatter3A_2132 : memref<1x32136xf32, #tpu.memory_space<vmem>> -> memref<32136xf32, #tpu.memory_space<vmem>>
    tpu.vector_store_idx %scatter3A_2133[%get3A_2125], %get3A_2129 {add = true} : memref<32136xf32, #tpu.memory_space<vmem>>[vector<16xi32>], vector<16xf32>,
    %get3A_2134 = arith.constant 832 : index
    %get3A_2135 = tpu.vector_load %arg8[%get3A_2134] {strides = array<i32>} : memref<1024xi32, #tpu.memory_space<vmem>>, vector<16xi32>,
    %get3A_2136 = arith.constant 0 : i32
    %get3A_2137 = arith.index_cast %get3A_2136 : i32 to index
    %get3A_2138 = arith.constant 832 : index
    %get3A_2139 = tpu.vector_load %arg7[%get3A_2137, %get3A_2138] {strides = array<i32>} : memref<2x1024xf32, #tpu.memory_space<vmem>>, vector<16xf32>,
    %scatter3A_2140 = arith.constant 0 : i32
    %scatter3A_2141 = arith.constant 0 : i32
    %scatter3A_2142 = tpu.memref_slice %arg6[%scatter3A_2140, %scatter3A_2141] : memref<2x32136xf32, #tpu.memory_space<vmem>> -> memref<1x32136xf32, #tpu.memory_space<vmem>>
    %scatter3A_2143 = tpu.memref_squeeze %scatter3A_2142 : memref<1x32136xf32, #tpu.memory_space<vmem>> -> memref<32136xf32, #tpu.memory_space<vmem>>
    tpu.vector_store_idx %scatter3A_2143[%get3A_2135], %get3A_2139 {add = true} : memref<32136xf32, #tpu.memory_space<vmem>>[vector<16xi32>], vector<16xf32>,
    %get3A_2144 = arith.constant 848 : index
    %get3A_2145 = tpu.vector_load %arg8[%get3A_2144] {strides = array<i32>} : memref<1024xi32, #tpu.memory_space<vmem>>, vector<16xi32>,
    %get3A_2146 = arith.constant 0 : i32
    %get3A_2147 = arith.index_cast %get3A_2146 : i32 to index
    %get3A_2148 = arith.constant 848 : index
    %get3A_2149 = tpu.vector_load %arg7[%get3A_2147, %get3A_2148] {strides = array<i32>} : memref<2x1024xf32, #tpu.memory_space<vmem>>, vector<16xf32>,
    %scatter3A_2150 = arith.constant 0 : i32
    %scatter3A_2151 = arith.constant 0 : i32
    %scatter3A_2152 = tpu.memref_slice %arg6[%scatter3A_2150, %scatter3A_2151] : memref<2x32136xf32, #tpu.memory_space<vmem>> -> memref<1x32136xf32, #tpu.memory_space<vmem>>
    %scatter3A_2153 = tpu.memref_squeeze %scatter3A_2152 : memref<1x32136xf32, #tpu.memory_space<vmem>> -> memref<32136xf32, #tpu.memory_space<vmem>>
    tpu.vector_store_idx %scatter3A_2153[%get3A_2145], %get3A_2149 {add = true} : memref<32136xf32, #tpu.memory_space<vmem>>[vector<16xi32>], vector<16xf32>,
    %get3A_2154 = arith.constant 864 : index
    %get3A_2155 = tpu.vector_load %arg8[%get3A_2154] {strides = array<i32>} : memref<1024xi32, #tpu.memory_space<vmem>>, vector<16xi32>,
    %get3A_2156 = arith.constant 0 : i32
    %get3A_2157 = arith.index_cast %get3A_2156 : i32 to index
    %get3A_2158 = arith.constant 864 : index
    %get3A_2159 = tpu.vector_load %arg7[%get3A_2157, %get3A_2158] {strides = array<i32>} : memref<2x1024xf32, #tpu.memory_space<vmem>>, vector<16xf32>,
    %scatter3A_2160 = arith.constant 0 : i32
    %scatter3A_2161 = arith.constant 0 : i32
    %scatter3A_2162 = tpu.memref_slice %arg6[%scatter3A_2160, %scatter3A_2161] : memref<2x32136xf32, #tpu.memory_space<vmem>> -> memref<1x32136xf32, #tpu.memory_space<vmem>>
    %scatter3A_2163 = tpu.memref_squeeze %scatter3A_2162 : memref<1x32136xf32, #tpu.memory_space<vmem>> -> memref<32136xf32, #tpu.memory_space<vmem>>
    tpu.vector_store_idx %scatter3A_2163[%get3A_2155], %get3A_2159 {add = true} : memref<32136xf32, #tpu.memory_space<vmem>>[vector<16xi32>], vector<16xf32>,
    %get3A_2164 = arith.constant 880 : index
    %get3A_2165 = tpu.vector_load %arg8[%get3A_2164] {strides = array<i32>} : memref<1024xi32, #tpu.memory_space<vmem>>, vector<16xi32>,
    %get3A_2166 = arith.constant 0 : i32
    %get3A_2167 = arith.index_cast %get3A_2166 : i32 to index
    %get3A_2168 = arith.constant 880 : index
    %get3A_2169 = tpu.vector_load %arg7[%get3A_2167, %get3A_2168] {strides = array<i32>} : memref<2x1024xf32, #tpu.memory_space<vmem>>, vector<16xf32>,
    %scatter3A_2170 = arith.constant 0 : i32
    %scatter3A_2171 = arith.constant 0 : i32
    %scatter3A_2172 = tpu.memref_slice %arg6[%scatter3A_2170, %scatter3A_2171] : memref<2x32136xf32, #tpu.memory_space<vmem>> -> memref<1x32136xf32, #tpu.memory_space<vmem>>
    %scatter3A_2173 = tpu.memref_squeeze %scatter3A_2172 : memref<1x32136xf32, #tpu.memory_space<vmem>> -> memref<32136xf32, #tpu.memory_space<vmem>>
    tpu.vector_store_idx %scatter3A_2173[%get3A_2165], %get3A_2169 {add = true} : memref<32136xf32, #tpu.memory_space<vmem>>[vector<16xi32>], vector<16xf32>,
    %get3A_2174 = arith.constant 896 : index
    %get3A_2175 = tpu.vector_load %arg8[%get3A_2174] {strides = array<i32>} : memref<1024xi32, #tpu.memory_space<vmem>>, vector<16xi32>,
    %get3A_2176 = arith.constant 0 : i32
    %get3A_2177 = arith.index_cast %get3A_2176 : i32 to index
    %get3A_2178 = arith.constant 896 : index
    %get3A_2179 = tpu.vector_load %arg7[%get3A_2177, %get3A_2178] {strides = array<i32>} : memref<2x1024xf32, #tpu.memory_space<vmem>>, vector<16xf32>,
    %scatter3A_2180 = arith.constant 0 : i32
    %scatter3A_2181 = arith.constant 0 : i32
    %scatter3A_2182 = tpu.memref_slice %arg6[%scatter3A_2180, %scatter3A_2181] : memref<2x32136xf32, #tpu.memory_space<vmem>> -> memref<1x32136xf32, #tpu.memory_space<vmem>>
    %scatter3A_2183 = tpu.memref_squeeze %scatter3A_2182 : memref<1x32136xf32, #tpu.memory_space<vmem>> -> memref<32136xf32, #tpu.memory_space<vmem>>
    tpu.vector_store_idx %scatter3A_2183[%get3A_2175], %get3A_2179 {add = true} : memref<32136xf32, #tpu.memory_space<vmem>>[vector<16xi32>], vector<16xf32>,
    %get3A_2184 = arith.constant 912 : index
    %get3A_2185 = tpu.vector_load %arg8[%get3A_2184] {strides = array<i32>} : memref<1024xi32, #tpu.memory_space<vmem>>, vector<16xi32>,
    %get3A_2186 = arith.constant 0 : i32
    %get3A_2187 = arith.index_cast %get3A_2186 : i32 to index
    %get3A_2188 = arith.constant 912 : index
    %get3A_2189 = tpu.vector_load %arg7[%get3A_2187, %get3A_2188] {strides = array<i32>} : memref<2x1024xf32, #tpu.memory_space<vmem>>, vector<16xf32>,
    %scatter3A_2190 = arith.constant 0 : i32
    %scatter3A_2191 = arith.constant 0 : i32
    %scatter3A_2192 = tpu.memref_slice %arg6[%scatter3A_2190, %scatter3A_2191] : memref<2x32136xf32, #tpu.memory_space<vmem>> -> memref<1x32136xf32, #tpu.memory_space<vmem>>
    %scatter3A_2193 = tpu.memref_squeeze %scatter3A_2192 : memref<1x32136xf32, #tpu.memory_space<vmem>> -> memref<32136xf32, #tpu.memory_space<vmem>>
    tpu.vector_store_idx %scatter3A_2193[%get3A_2185], %get3A_2189 {add = true} : memref<32136xf32, #tpu.memory_space<vmem>>[vector<16xi32>], vector<16xf32>,
    %get3A_2194 = arith.constant 928 : index
    %get3A_2195 = tpu.vector_load %arg8[%get3A_2194] {strides = array<i32>} : memref<1024xi32, #tpu.memory_space<vmem>>, vector<16xi32>,
    %get3A_2196 = arith.constant 0 : i32
    %get3A_2197 = arith.index_cast %get3A_2196 : i32 to index
    %get3A_2198 = arith.constant 928 : index
    %get3A_2199 = tpu.vector_load %arg7[%get3A_2197, %get3A_2198] {strides = array<i32>} : memref<2x1024xf32, #tpu.memory_space<vmem>>, vector<16xf32>,
    %scatter3A_2200 = arith.constant 0 : i32
    %scatter3A_2201 = arith.constant 0 : i32
    %scatter3A_2202 = tpu.memref_slice %arg6[%scatter3A_2200, %scatter3A_2201] : memref<2x32136xf32, #tpu.memory_space<vmem>> -> memref<1x32136xf32, #tpu.memory_space<vmem>>
    %scatter3A_2203 = tpu.memref_squeeze %scatter3A_2202 : memref<1x32136xf32, #tpu.memory_space<vmem>> -> memref<32136xf32, #tpu.memory_space<vmem>>
    tpu.vector_store_idx %scatter3A_2203[%get3A_2195], %get3A_2199 {add = true} : memref<32136xf32, #tpu.memory_space<vmem>>[vector<16xi32>], vector<16xf32>,
    %get3A_2204 = arith.constant 944 : index
    %get3A_2205 = tpu.vector_load %arg8[%get3A_2204] {strides = array<i32>} : memref<1024xi32, #tpu.memory_space<vmem>>, vector<16xi32>,
    %get3A_2206 = arith.constant 0 : i32
    %get3A_2207 = arith.index_cast %get3A_2206 : i32 to index
    %get3A_2208 = arith.constant 944 : index
    %get3A_2209 = tpu.vector_load %arg7[%get3A_2207, %get3A_2208] {strides = array<i32>} : memref<2x1024xf32, #tpu.memory_space<vmem>>, vector<16xf32>,
    %scatter3A_2210 = arith.constant 0 : i32
    %scatter3A_2211 = arith.constant 0 : i32
    %scatter3A_2212 = tpu.memref_slice %arg6[%scatter3A_2210, %scatter3A_2211] : memref<2x32136xf32, #tpu.memory_space<vmem>> -> memref<1x32136xf32, #tpu.memory_space<vmem>>
    %scatter3A_2213 = tpu.memref_squeeze %scatter3A_2212 : memref<1x32136xf32, #tpu.memory_space<vmem>> -> memref<32136xf32, #tpu.memory_space<vmem>>
    tpu.vector_store_idx %scatter3A_2213[%get3A_2205], %get3A_2209 {add = true} : memref<32136xf32, #tpu.memory_space<vmem>>[vector<16xi32>], vector<16xf32>,
    %get3A_2214 = arith.constant 960 : index
    %get3A_2215 = tpu.vector_load %arg8[%get3A_2214] {strides = array<i32>} : memref<1024xi32, #tpu.memory_space<vmem>>, vector<16xi32>,
    %get3A_2216 = arith.constant 0 : i32
    %get3A_2217 = arith.index_cast %get3A_2216 : i32 to index
    %get3A_2218 = arith.constant 960 : index
    %get3A_2219 = tpu.vector_load %arg7[%get3A_2217, %get3A_2218] {strides = array<i32>} : memref<2x1024xf32, #tpu.memory_space<vmem>>, vector<16xf32>,
    %scatter3A_2220 = arith.constant 0 : i32
    %scatter3A_2221 = arith.constant 0 : i32
    %scatter3A_2222 = tpu.memref_slice %arg6[%scatter3A_2220, %scatter3A_2221] : memref<2x32136xf32, #tpu.memory_space<vmem>> -> memref<1x32136xf32, #tpu.memory_space<vmem>>
    %scatter3A_2223 = tpu.memref_squeeze %scatter3A_2222 : memref<1x32136xf32, #tpu.memory_space<vmem>> -> memref<32136xf32, #tpu.memory_space<vmem>>
    tpu.vector_store_idx %scatter3A_2223[%get3A_2215], %get3A_2219 {add = true} : memref<32136xf32, #tpu.memory_space<vmem>>[vector<16xi32>], vector<16xf32>,
    %get3A_2224 = arith.constant 976 : index
    %get3A_2225 = tpu.vector_load %arg8[%get3A_2224] {strides = array<i32>} : memref<1024xi32, #tpu.memory_space<vmem>>, vector<16xi32>,
    %get3A_2226 = arith.constant 0 : i32
    %get3A_2227 = arith.index_cast %get3A_2226 : i32 to index
    %get3A_2228 = arith.constant 976 : index
    %get3A_2229 = tpu.vector_load %arg7[%get3A_2227, %get3A_2228] {strides = array<i32>} : memref<2x1024xf32, #tpu.memory_space<vmem>>, vector<16xf32>,
    %scatter3A_2230 = arith.constant 0 : i32
    %scatter3A_2231 = arith.constant 0 : i32
    %scatter3A_2232 = tpu.memref_slice %arg6[%scatter3A_2230, %scatter3A_2231] : memref<2x32136xf32, #tpu.memory_space<vmem>> -> memref<1x32136xf32, #tpu.memory_space<vmem>>
    %scatter3A_2233 = tpu.memref_squeeze %scatter3A_2232 : memref<1x32136xf32, #tpu.memory_space<vmem>> -> memref<32136xf32, #tpu.memory_space<vmem>>
    tpu.vector_store_idx %scatter3A_2233[%get3A_2225], %get3A_2229 {add = true} : memref<32136xf32, #tpu.memory_space<vmem>>[vector<16xi32>], vector<16xf32>,
    %get3A_2234 = arith.constant 992 : index
    %get3A_2235 = tpu.vector_load %arg8[%get3A_2234] {strides = array<i32>} : memref<1024xi32, #tpu.memory_space<vmem>>, vector<16xi32>,
    %get3A_2236 = arith.constant 0 : i32
    %get3A_2237 = arith.index_cast %get3A_2236 : i32 to index
    %get3A_2238 = arith.constant 992 : index
    %get3A_2239 = tpu.vector_load %arg7[%get3A_2237, %get3A_2238] {strides = array<i32>} : memref<2x1024xf32, #tpu.memory_space<vmem>>, vector<16xf32>,
    %scatter3A_2240 = arith.constant 0 : i32
    %scatter3A_2241 = arith.constant 0 : i32
    %scatter3A_2242 = tpu.memref_slice %arg6[%scatter3A_2240, %scatter3A_2241] : memref<2x32136xf32, #tpu.memory_space<vmem>> -> memref<1x32136xf32, #tpu.memory_space<vmem>>
    %scatter3A_2243 = tpu.memref_squeeze %scatter3A_2242 : memref<1x32136xf32, #tpu.memory_space<vmem>> -> memref<32136xf32, #tpu.memory_space<vmem>>
    tpu.vector_store_idx %scatter3A_2243[%get3A_2235], %get3A_2239 {add = true} : memref<32136xf32, #tpu.memory_space<vmem>>[vector<16xi32>], vector<16xf32>,
    %get3A_2244 = arith.constant 1008 : index
    %get3A_2245 = tpu.vector_load %arg8[%get3A_2244] {strides = array<i32>} : memref<1024xi32, #tpu.memory_space<vmem>>, vector<16xi32>,
    %get3A_2246 = arith.constant 0 : i32
    %get3A_2247 = arith.index_cast %get3A_2246 : i32 to index
    %get3A_2248 = arith.constant 1008 : index
    %get3A_2249 = tpu.vector_load %arg7[%get3A_2247, %get3A_2248] {strides = array<i32>} : memref<2x1024xf32, #tpu.memory_space<vmem>>, vector<16xf32>,
    %scatter3A_2250 = arith.constant 0 : i32
    %scatter3A_2251 = arith.constant 0 : i32
    %scatter3A_2252 = tpu.memref_slice %arg6[%scatter3A_2250, %scatter3A_2251] : memref<2x32136xf32, #tpu.memory_space<vmem>> -> memref<1x32136xf32, #tpu.memory_space<vmem>>
    %scatter3A_2253 = tpu.memref_squeeze %scatter3A_2252 : memref<1x32136xf32, #tpu.memory_space<vmem>> -> memref<32136xf32, #tpu.memory_space<vmem>>
    tpu.vector_store_idx %scatter3A_2253[%get3A_2245], %get3A_2249 {add = true} : memref<32136xf32, #tpu.memory_space<vmem>>[vector<16xi32>], vector<16xf32>,
    %add3A_2254 = arith.constant 2 : i32
    %add3A_2255 = arith.addi %mul3A_32, %add3A_2254 : i32
    %dma_start3A_2256 = arith.constant 0 : i32
    %dma_start3A_2257 = arith.constant 0 : i32
    %dma_start3A_2258 = arith.constant 0 : i32
    %dma_start3A_2259 = tpu.memref_slice %arg6[%dma_start3A_2256, %dma_start3A_2258] : memref<2x32136xf32, #tpu.memory_space<vmem>> -> memref<1x32128xf32, #tpu.memory_space<vmem>>
    %dma_start3A_2260 = tpu.memref_squeeze %dma_start3A_2259 : memref<1x32128xf32, #tpu.memory_space<vmem>> -> memref<32128xf32, #tpu.memory_space<vmem>>
    %dma_start3A_2261 = arith.constant 0 : i32
    %dma_start3A_2262 = tpu.memref_slice %arg5[%select_n3A, %add3A_2255, %dma_start3A_2261] : memref<8x16x32128xf32, #tpu.memory_space<hbm>> -> memref<1x1x32128xf32, #tpu.memory_space<hbm>>
    %dma_start3A_2263 = tpu.memref_squeeze %dma_start3A_2262 : memref<1x1x32128xf32, #tpu.memory_space<hbm>> -> memref<32128xf32, #tpu.memory_space<hbm>>
    %dma_start3A_2264 = tpu.memref_slice %arg10[%dma_start3A_2257] : memref<2x!tpu.dma_semaphore, #tpu.memory_space<semaphore_mem>> -> memref<1x!tpu.dma_semaphore, #tpu.memory_space<semaphore_mem>>
    %dma_start3A_2265 = tpu.memref_squeeze %dma_start3A_2264 : memref<1x!tpu.dma_semaphore, #tpu.memory_space<semaphore_mem>> -> memref<!tpu.dma_semaphore, #tpu.memory_space<semaphore_mem>>
    %dma_start3A_2266 = arith.constant 0 : i32
    %dma_start3A_2267 = tpu.memref_slice %arg5[%select_n3A, %add3A_2255, %dma_start3A_2266] : memref<8x16x32128xf32, #tpu.memory_space<hbm>> -> memref<1x1x32128xf32, #tpu.memory_space<hbm>>
    %dma_start3A_2268 = tpu.memref_squeeze %dma_start3A_2267 : memref<1x1x32128xf32, #tpu.memory_space<hbm>> -> memref<32128xf32, #tpu.memory_space<hbm>>
    %dma_start3A_2269 = arith.constant 0 : i32
    %dma_start3A_2270 = tpu.memref_slice %arg6[%dma_start3A_2256, %dma_start3A_2269] : memref<2x32136xf32, #tpu.memory_space<vmem>> -> memref<1x32128xf32, #tpu.memory_space<vmem>>
    %dma_start3A_2271 = tpu.memref_squeeze %dma_start3A_2270 : memref<1x32128xf32, #tpu.memory_space<vmem>> -> memref<32128xf32, #tpu.memory_space<vmem>>
    tpu.enqueue_dma source(%dma_start3A_2271 : memref<32128xf32, #tpu.memory_space<vmem>>) target(%dma_start3A_2268 : memref<32128xf32, #tpu.memory_space<hbm>>) target_semaphore(%dma_start3A_2265 : memref<!tpu.dma_semaphore, #tpu.memory_space<semaphore_mem>>)
    %mul3A_2272 = arith.constant 16 : i32
    %mul3A_2273 = arith.muli %select_n3A, %mul3A_2272 : i32
    %add3A_2274 = arith.addi %mul3A_2273, %mul3A_32 : i32
    %add3A_2275 = arith.constant 3 : i32
    %add3A_2276 = arith.addi %add3A_2274, %add3A_2275 : i32
    %mul3A_2277 = arith.constant 32128 : i32
    %mul3A_2278 = arith.muli %add3A_2276, %mul3A_2277 : i32
    %mul3A_2279 = arith.constant 1024 : i32
    %mul3A_2280 = arith.muli %add3A_2276, %mul3A_2279 : i32
    %dma_wait3A_2281 = arith.constant 1 : i32
    %dma_wait3A_2282 = arith.constant 1 : i32
    %dma_wait3A_2283 = arith.constant 0 : i32
    %dma_wait3A_2284 = tpu.memref_slice %arg6[%dma_wait3A_2281, %dma_wait3A_2283] : memref<2x32136xf32, #tpu.memory_space<vmem>> -> memref<1x32128xf32, #tpu.memory_space<vmem>>
    %dma_wait3A_2285 = tpu.memref_squeeze %dma_wait3A_2284 : memref<1x32128xf32, #tpu.memory_space<vmem>> -> memref<32128xf32, #tpu.memory_space<vmem>>
    %dma_wait3A_2286 = tpu.memref_slice %arg2[%mul3A_2278] : memref<4112384xf32, #tpu.memory_space<hbm>> -> memref<32128xf32, #tpu.memory_space<hbm>>
    %dma_wait3A_2287 = tpu.memref_slice %arg9[%dma_wait3A_2282] : memref<2x!tpu.dma_semaphore, #tpu.memory_space<semaphore_mem>> -> memref<1x!tpu.dma_semaphore, #tpu.memory_space<semaphore_mem>>
    %dma_wait3A_2288 = tpu.memref_squeeze %dma_wait3A_2287 : memref<1x!tpu.dma_semaphore, #tpu.memory_space<semaphore_mem>> -> memref<!tpu.dma_semaphore, #tpu.memory_space<semaphore_mem>>
    %dma_wait3A_2289 = arith.constant 0 : i32
    %dma_wait3A_2290 = tpu.memref_slice %arg6[%dma_wait3A_2281, %dma_wait3A_2289] : memref<2x32136xf32, #tpu.memory_space<vmem>> -> memref<1x32128xf32, #tpu.memory_space<vmem>>
    %dma_wait3A_2291 = tpu.memref_squeeze %dma_wait3A_2290 : memref<1x32128xf32, #tpu.memory_space<vmem>> -> memref<32128xf32, #tpu.memory_space<vmem>>
    %dma_wait3A_2292 = tpu.memref_slice %arg2[%mul3A_2278] : memref<4112384xf32, #tpu.memory_space<hbm>> -> memref<32128xf32, #tpu.memory_space<hbm>>
    tpu.wait_dma2 semaphore(%dma_wait3A_2288 : memref<!tpu.dma_semaphore, #tpu.memory_space<semaphore_mem>>) src(%dma_wait3A_2292 : memref<32128xf32, #tpu.memory_space<hbm>>) dst(%dma_wait3A_2291 : memref<32128xf32, #tpu.memory_space<vmem>>)
    %dma_wait3A_2293 = arith.constant 1 : i32
    %dma_wait3A_2294 = arith.constant 1 : i32
    %dma_wait3A_2295 = arith.constant 0 : i32
    %dma_wait3A_2296 = tpu.memref_slice %arg7[%dma_wait3A_2293, %dma_wait3A_2295] : memref<2x1024xf32, #tpu.memory_space<vmem>> -> memref<1x1024xf32, #tpu.memory_space<vmem>>
    %dma_wait3A_2297 = tpu.memref_squeeze %dma_wait3A_2296 : memref<1x1024xf32, #tpu.memory_space<vmem>> -> memref<1024xf32, #tpu.memory_space<vmem>>
    %dma_wait3A_2298 = tpu.memref_slice %arg3[%mul3A_2280] : memref<131072xf32, #tpu.memory_space<hbm>> -> memref<1024xf32, #tpu.memory_space<hbm>>
    %dma_wait3A_2299 = tpu.memref_slice %arg9[%dma_wait3A_2294] : memref<2x!tpu.dma_semaphore, #tpu.memory_space<semaphore_mem>> -> memref<1x!tpu.dma_semaphore, #tpu.memory_space<semaphore_mem>>
    %dma_wait3A_2300 = tpu.memref_squeeze %dma_wait3A_2299 : memref<1x!tpu.dma_semaphore, #tpu.memory_space<semaphore_mem>> -> memref<!tpu.dma_semaphore, #tpu.memory_space<semaphore_mem>>
    %dma_wait3A_2301 = arith.constant 0 : i32
    %dma_wait3A_2302 = tpu.memref_slice %arg7[%dma_wait3A_2293, %dma_wait3A_2301] : memref<2x1024xf32, #tpu.memory_space<vmem>> -> memref<1x1024xf32, #tpu.memory_space<vmem>>
    %dma_wait3A_2303 = tpu.memref_squeeze %dma_wait3A_2302 : memref<1x1024xf32, #tpu.memory_space<vmem>> -> memref<1024xf32, #tpu.memory_space<vmem>>
    %dma_wait3A_2304 = tpu.memref_slice %arg3[%mul3A_2280] : memref<131072xf32, #tpu.memory_space<hbm>> -> memref<1024xf32, #tpu.memory_space<hbm>>
    tpu.wait_dma2 semaphore(%dma_wait3A_2300 : memref<!tpu.dma_semaphore, #tpu.memory_space<semaphore_mem>>) src(%dma_wait3A_2304 : memref<1024xf32, #tpu.memory_space<hbm>>) dst(%dma_wait3A_2303 : memref<1024xf32, #tpu.memory_space<vmem>>)
    %get3A_2305 = arith.constant 0 : index
    %get3A_2306 = tpu.vector_load %arg8[%get3A_2305] {strides = array<i32>} : memref<1024xi32, #tpu.memory_space<vmem>>, vector<16xi32>,
    %get3A_2307 = arith.constant 1 : i32
    %get3A_2308 = arith.index_cast %get3A_2307 : i32 to index
    %get3A_2309 = arith.constant 0 : index
    %get3A_2310 = tpu.vector_load %arg7[%get3A_2308, %get3A_2309] {strides = array<i32>} : memref<2x1024xf32, #tpu.memory_space<vmem>>, vector<16xf32>,
    %scatter3A_2311 = arith.constant 1 : i32
    %scatter3A_2312 = arith.constant 0 : i32
    %scatter3A_2313 = tpu.memref_slice %arg6[%scatter3A_2311, %scatter3A_2312] : memref<2x32136xf32, #tpu.memory_space<vmem>> -> memref<1x32136xf32, #tpu.memory_space<vmem>>
    %scatter3A_2314 = tpu.memref_squeeze %scatter3A_2313 : memref<1x32136xf32, #tpu.memory_space<vmem>> -> memref<32136xf32, #tpu.memory_space<vmem>>
    tpu.vector_store_idx %scatter3A_2314[%get3A_2306], %get3A_2310 {add = true} : memref<32136xf32, #tpu.memory_space<vmem>>[vector<16xi32>], vector<16xf32>,
    %get3A_2315 = arith.constant 16 : index
    %get3A_2316 = tpu.vector_load %arg8[%get3A_2315] {strides = array<i32>} : memref<1024xi32, #tpu.memory_space<vmem>>, vector<16xi32>,
    %get3A_2317 = arith.constant 1 : i32
    %get3A_2318 = arith.index_cast %get3A_2317 : i32 to index
    %get3A_2319 = arith.constant 16 : index
    %get3A_2320 = tpu.vector_load %arg7[%get3A_2318, %get3A_2319] {strides = array<i32>} : memref<2x1024xf32, #tpu.memory_space<vmem>>, vector<16xf32>,
    %scatter3A_2321 = arith.constant 1 : i32
    %scatter3A_2322 = arith.constant 0 : i32
    %scatter3A_2323 = tpu.memref_slice %arg6[%scatter3A_2321, %scatter3A_2322] : memref<2x32136xf32, #tpu.memory_space<vmem>> -> memref<1x32136xf32, #tpu.memory_space<vmem>>
    %scatter3A_2324 = tpu.memref_squeeze %scatter3A_2323 : memref<1x32136xf32, #tpu.memory_space<vmem>> -> memref<32136xf32, #tpu.memory_space<vmem>>
    tpu.vector_store_idx %scatter3A_2324[%get3A_2316], %get3A_2320 {add = true} : memref<32136xf32, #tpu.memory_space<vmem>>[vector<16xi32>], vector<16xf32>,
    %get3A_2325 = arith.constant 32 : index
    %get3A_2326 = tpu.vector_load %arg8[%get3A_2325] {strides = array<i32>} : memref<1024xi32, #tpu.memory_space<vmem>>, vector<16xi32>,
    %get3A_2327 = arith.constant 1 : i32
    %get3A_2328 = arith.index_cast %get3A_2327 : i32 to index
    %get3A_2329 = arith.constant 32 : index
    %get3A_2330 = tpu.vector_load %arg7[%get3A_2328, %get3A_2329] {strides = array<i32>} : memref<2x1024xf32, #tpu.memory_space<vmem>>, vector<16xf32>,
    %scatter3A_2331 = arith.constant 1 : i32
    %scatter3A_2332 = arith.constant 0 : i32
    %scatter3A_2333 = tpu.memref_slice %arg6[%scatter3A_2331, %scatter3A_2332] : memref<2x32136xf32, #tpu.memory_space<vmem>> -> memref<1x32136xf32, #tpu.memory_space<vmem>>
    %scatter3A_2334 = tpu.memref_squeeze %scatter3A_2333 : memref<1x32136xf32, #tpu.memory_space<vmem>> -> memref<32136xf32, #tpu.memory_space<vmem>>
    tpu.vector_store_idx %scatter3A_2334[%get3A_2326], %get3A_2330 {add = true} : memref<32136xf32, #tpu.memory_space<vmem>>[vector<16xi32>], vector<16xf32>,
    %get3A_2335 = arith.constant 48 : index
    %get3A_2336 = tpu.vector_load %arg8[%get3A_2335] {strides = array<i32>} : memref<1024xi32, #tpu.memory_space<vmem>>, vector<16xi32>,
    %get3A_2337 = arith.constant 1 : i32
    %get3A_2338 = arith.index_cast %get3A_2337 : i32 to index
    %get3A_2339 = arith.constant 48 : index
    %get3A_2340 = tpu.vector_load %arg7[%get3A_2338, %get3A_2339] {strides = array<i32>} : memref<2x1024xf32, #tpu.memory_space<vmem>>, vector<16xf32>,
    %scatter3A_2341 = arith.constant 1 : i32
    %scatter3A_2342 = arith.constant 0 : i32
    %scatter3A_2343 = tpu.memref_slice %arg6[%scatter3A_2341, %scatter3A_2342] : memref<2x32136xf32, #tpu.memory_space<vmem>> -> memref<1x32136xf32, #tpu.memory_space<vmem>>
    %scatter3A_2344 = tpu.memref_squeeze %scatter3A_2343 : memref<1x32136xf32, #tpu.memory_space<vmem>> -> memref<32136xf32, #tpu.memory_space<vmem>>
    tpu.vector_store_idx %scatter3A_2344[%get3A_2336], %get3A_2340 {add = true} : memref<32136xf32, #tpu.memory_space<vmem>>[vector<16xi32>], vector<16xf32>,
    %get3A_2345 = arith.constant 64 : index
    %get3A_2346 = tpu.vector_load %arg8[%get3A_2345] {strides = array<i32>} : memref<1024xi32, #tpu.memory_space<vmem>>, vector<16xi32>,
    %get3A_2347 = arith.constant 1 : i32
    %get3A_2348 = arith.index_cast %get3A_2347 : i32 to index
    %get3A_2349 = arith.constant 64 : index
    %get3A_2350 = tpu.vector_load %arg7[%get3A_2348, %get3A_2349] {strides = array<i32>} : memref<2x1024xf32, #tpu.memory_space<vmem>>, vector<16xf32>,
    %scatter3A_2351 = arith.constant 1 : i32
    %scatter3A_2352 = arith.constant 0 : i32
    %scatter3A_2353 = tpu.memref_slice %arg6[%scatter3A_2351, %scatter3A_2352] : memref<2x32136xf32, #tpu.memory_space<vmem>> -> memref<1x32136xf32, #tpu.memory_space<vmem>>
    %scatter3A_2354 = tpu.memref_squeeze %scatter3A_2353 : memref<1x32136xf32, #tpu.memory_space<vmem>> -> memref<32136xf32, #tpu.memory_space<vmem>>
    tpu.vector_store_idx %scatter3A_2354[%get3A_2346], %get3A_2350 {add = true} : memref<32136xf32, #tpu.memory_space<vmem>>[vector<16xi32>], vector<16xf32>,
    %get3A_2355 = arith.constant 80 : index
    %get3A_2356 = tpu.vector_load %arg8[%get3A_2355] {strides = array<i32>} : memref<1024xi32, #tpu.memory_space<vmem>>, vector<16xi32>,
    %get3A_2357 = arith.constant 1 : i32
    %get3A_2358 = arith.index_cast %get3A_2357 : i32 to index
    %get3A_2359 = arith.constant 80 : index
    %get3A_2360 = tpu.vector_load %arg7[%get3A_2358, %get3A_2359] {strides = array<i32>} : memref<2x1024xf32, #tpu.memory_space<vmem>>, vector<16xf32>,
    %scatter3A_2361 = arith.constant 1 : i32
    %scatter3A_2362 = arith.constant 0 : i32
    %scatter3A_2363 = tpu.memref_slice %arg6[%scatter3A_2361, %scatter3A_2362] : memref<2x32136xf32, #tpu.memory_space<vmem>> -> memref<1x32136xf32, #tpu.memory_space<vmem>>
    %scatter3A_2364 = tpu.memref_squeeze %scatter3A_2363 : memref<1x32136xf32, #tpu.memory_space<vmem>> -> memref<32136xf32, #tpu.memory_space<vmem>>
    tpu.vector_store_idx %scatter3A_2364[%get3A_2356], %get3A_2360 {add = true} : memref<32136xf32, #tpu.memory_space<vmem>>[vector<16xi32>], vector<16xf32>,
    %get3A_2365 = arith.constant 96 : index
    %get3A_2366 = tpu.vector_load %arg8[%get3A_2365] {strides = array<i32>} : memref<1024xi32, #tpu.memory_space<vmem>>, vector<16xi32>,
    %get3A_2367 = arith.constant 1 : i32
    %get3A_2368 = arith.index_cast %get3A_2367 : i32 to index
    %get3A_2369 = arith.constant 96 : index
    %get3A_2370 = tpu.vector_load %arg7[%get3A_2368, %get3A_2369] {strides = array<i32>} : memref<2x1024xf32, #tpu.memory_space<vmem>>, vector<16xf32>,
    %scatter3A_2371 = arith.constant 1 : i32
    %scatter3A_2372 = arith.constant 0 : i32
    %scatter3A_2373 = tpu.memref_slice %arg6[%scatter3A_2371, %scatter3A_2372] : memref<2x32136xf32, #tpu.memory_space<vmem>> -> memref<1x32136xf32, #tpu.memory_space<vmem>>
    %scatter3A_2374 = tpu.memref_squeeze %scatter3A_2373 : memref<1x32136xf32, #tpu.memory_space<vmem>> -> memref<32136xf32, #tpu.memory_space<vmem>>
    tpu.vector_store_idx %scatter3A_2374[%get3A_2366], %get3A_2370 {add = true} : memref<32136xf32, #tpu.memory_space<vmem>>[vector<16xi32>], vector<16xf32>,
    %get3A_2375 = arith.constant 112 : index
    %get3A_2376 = tpu.vector_load %arg8[%get3A_2375] {strides = array<i32>} : memref<1024xi32, #tpu.memory_space<vmem>>, vector<16xi32>,
    %get3A_2377 = arith.constant 1 : i32
    %get3A_2378 = arith.index_cast %get3A_2377 : i32 to index
    %get3A_2379 = arith.constant 112 : index
    %get3A_2380 = tpu.vector_load %arg7[%get3A_2378, %get3A_2379] {strides = array<i32>} : memref<2x1024xf32, #tpu.memory_space<vmem>>, vector<16xf32>,
    %scatter3A_2381 = arith.constant 1 : i32
    %scatter3A_2382 = arith.constant 0 : i32
    %scatter3A_2383 = tpu.memref_slice %arg6[%scatter3A_2381, %scatter3A_2382] : memref<2x32136xf32, #tpu.memory_space<vmem>> -> memref<1x32136xf32, #tpu.memory_space<vmem>>
    %scatter3A_2384 = tpu.memref_squeeze %scatter3A_2383 : memref<1x32136xf32, #tpu.memory_space<vmem>> -> memref<32136xf32, #tpu.memory_space<vmem>>
    tpu.vector_store_idx %scatter3A_2384[%get3A_2376], %get3A_2380 {add = true} : memref<32136xf32, #tpu.memory_space<vmem>>[vector<16xi32>], vector<16xf32>,
    %get3A_2385 = arith.constant 128 : index
    %get3A_2386 = tpu.vector_load %arg8[%get3A_2385] {strides = array<i32>} : memref<1024xi32, #tpu.memory_space<vmem>>, vector<16xi32>,
    %get3A_2387 = arith.constant 1 : i32
    %get3A_2388 = arith.index_cast %get3A_2387 : i32 to index
    %get3A_2389 = arith.constant 128 : index
    %get3A_2390 = tpu.vector_load %arg7[%get3A_2388, %get3A_2389] {strides = array<i32>} : memref<2x1024xf32, #tpu.memory_space<vmem>>, vector<16xf32>,
    %scatter3A_2391 = arith.constant 1 : i32
    %scatter3A_2392 = arith.constant 0 : i32
    %scatter3A_2393 = tpu.memref_slice %arg6[%scatter3A_2391, %scatter3A_2392] : memref<2x32136xf32, #tpu.memory_space<vmem>> -> memref<1x32136xf32, #tpu.memory_space<vmem>>
    %scatter3A_2394 = tpu.memref_squeeze %scatter3A_2393 : memref<1x32136xf32, #tpu.memory_space<vmem>> -> memref<32136xf32, #tpu.memory_space<vmem>>
    tpu.vector_store_idx %scatter3A_2394[%get3A_2386], %get3A_2390 {add = true} : memref<32136xf32, #tpu.memory_space<vmem>>[vector<16xi32>], vector<16xf32>,
    %get3A_2395 = arith.constant 144 : index
    %get3A_2396 = tpu.vector_load %arg8[%get3A_2395] {strides = array<i32>} : memref<1024xi32, #tpu.memory_space<vmem>>, vector<16xi32>,
    %get3A_2397 = arith.constant 1 : i32
    %get3A_2398 = arith.index_cast %get3A_2397 : i32 to index
    %get3A_2399 = arith.constant 144 : index
    %get3A_2400 = tpu.vector_load %arg7[%get3A_2398, %get3A_2399] {strides = array<i32>} : memref<2x1024xf32, #tpu.memory_space<vmem>>, vector<16xf32>,
    %scatter3A_2401 = arith.constant 1 : i32
    %scatter3A_2402 = arith.constant 0 : i32
    %scatter3A_2403 = tpu.memref_slice %arg6[%scatter3A_2401, %scatter3A_2402] : memref<2x32136xf32, #tpu.memory_space<vmem>> -> memref<1x32136xf32, #tpu.memory_space<vmem>>
    %scatter3A_2404 = tpu.memref_squeeze %scatter3A_2403 : memref<1x32136xf32, #tpu.memory_space<vmem>> -> memref<32136xf32, #tpu.memory_space<vmem>>
    tpu.vector_store_idx %scatter3A_2404[%get3A_2396], %get3A_2400 {add = true} : memref<32136xf32, #tpu.memory_space<vmem>>[vector<16xi32>], vector<16xf32>,
    %get3A_2405 = arith.constant 160 : index
    %get3A_2406 = tpu.vector_load %arg8[%get3A_2405] {strides = array<i32>} : memref<1024xi32, #tpu.memory_space<vmem>>, vector<16xi32>,
    %get3A_2407 = arith.constant 1 : i32
    %get3A_2408 = arith.index_cast %get3A_2407 : i32 to index
    %get3A_2409 = arith.constant 160 : index
    %get3A_2410 = tpu.vector_load %arg7[%get3A_2408, %get3A_2409] {strides = array<i32>} : memref<2x1024xf32, #tpu.memory_space<vmem>>, vector<16xf32>,
    %scatter3A_2411 = arith.constant 1 : i32
    %scatter3A_2412 = arith.constant 0 : i32
    %scatter3A_2413 = tpu.memref_slice %arg6[%scatter3A_2411, %scatter3A_2412] : memref<2x32136xf32, #tpu.memory_space<vmem>> -> memref<1x32136xf32, #tpu.memory_space<vmem>>
    %scatter3A_2414 = tpu.memref_squeeze %scatter3A_2413 : memref<1x32136xf32, #tpu.memory_space<vmem>> -> memref<32136xf32, #tpu.memory_space<vmem>>
    tpu.vector_store_idx %scatter3A_2414[%get3A_2406], %get3A_2410 {add = true} : memref<32136xf32, #tpu.memory_space<vmem>>[vector<16xi32>], vector<16xf32>,
    %get3A_2415 = arith.constant 176 : index
    %get3A_2416 = tpu.vector_load %arg8[%get3A_2415] {strides = array<i32>} : memref<1024xi32, #tpu.memory_space<vmem>>, vector<16xi32>,
    %get3A_2417 = arith.constant 1 : i32
    %get3A_2418 = arith.index_cast %get3A_2417 : i32 to index
    %get3A_2419 = arith.constant 176 : index
    %get3A_2420 = tpu.vector_load %arg7[%get3A_2418, %get3A_2419] {strides = array<i32>} : memref<2x1024xf32, #tpu.memory_space<vmem>>, vector<16xf32>,
    %scatter3A_2421 = arith.constant 1 : i32
    %scatter3A_2422 = arith.constant 0 : i32
    %scatter3A_2423 = tpu.memref_slice %arg6[%scatter3A_2421, %scatter3A_2422] : memref<2x32136xf32, #tpu.memory_space<vmem>> -> memref<1x32136xf32, #tpu.memory_space<vmem>>
    %scatter3A_2424 = tpu.memref_squeeze %scatter3A_2423 : memref<1x32136xf32, #tpu.memory_space<vmem>> -> memref<32136xf32, #tpu.memory_space<vmem>>
    tpu.vector_store_idx %scatter3A_2424[%get3A_2416], %get3A_2420 {add = true} : memref<32136xf32, #tpu.memory_space<vmem>>[vector<16xi32>], vector<16xf32>,
    %get3A_2425 = arith.constant 192 : index
    %get3A_2426 = tpu.vector_load %arg8[%get3A_2425] {strides = array<i32>} : memref<1024xi32, #tpu.memory_space<vmem>>, vector<16xi32>,
    %get3A_2427 = arith.constant 1 : i32
    %get3A_2428 = arith.index_cast %get3A_2427 : i32 to index
    %get3A_2429 = arith.constant 192 : index
    %get3A_2430 = tpu.vector_load %arg7[%get3A_2428, %get3A_2429] {strides = array<i32>} : memref<2x1024xf32, #tpu.memory_space<vmem>>, vector<16xf32>,
    %scatter3A_2431 = arith.constant 1 : i32
    %scatter3A_2432 = arith.constant 0 : i32
    %scatter3A_2433 = tpu.memref_slice %arg6[%scatter3A_2431, %scatter3A_2432] : memref<2x32136xf32, #tpu.memory_space<vmem>> -> memref<1x32136xf32, #tpu.memory_space<vmem>>
    %scatter3A_2434 = tpu.memref_squeeze %scatter3A_2433 : memref<1x32136xf32, #tpu.memory_space<vmem>> -> memref<32136xf32, #tpu.memory_space<vmem>>
    tpu.vector_store_idx %scatter3A_2434[%get3A_2426], %get3A_2430 {add = true} : memref<32136xf32, #tpu.memory_space<vmem>>[vector<16xi32>], vector<16xf32>,
    %get3A_2435 = arith.constant 208 : index
    %get3A_2436 = tpu.vector_load %arg8[%get3A_2435] {strides = array<i32>} : memref<1024xi32, #tpu.memory_space<vmem>>, vector<16xi32>,
    %get3A_2437 = arith.constant 1 : i32
    %get3A_2438 = arith.index_cast %get3A_2437 : i32 to index
    %get3A_2439 = arith.constant 208 : index
    %get3A_2440 = tpu.vector_load %arg7[%get3A_2438, %get3A_2439] {strides = array<i32>} : memref<2x1024xf32, #tpu.memory_space<vmem>>, vector<16xf32>,
    %scatter3A_2441 = arith.constant 1 : i32
    %scatter3A_2442 = arith.constant 0 : i32
    %scatter3A_2443 = tpu.memref_slice %arg6[%scatter3A_2441, %scatter3A_2442] : memref<2x32136xf32, #tpu.memory_space<vmem>> -> memref<1x32136xf32, #tpu.memory_space<vmem>>
    %scatter3A_2444 = tpu.memref_squeeze %scatter3A_2443 : memref<1x32136xf32, #tpu.memory_space<vmem>> -> memref<32136xf32, #tpu.memory_space<vmem>>
    tpu.vector_store_idx %scatter3A_2444[%get3A_2436], %get3A_2440 {add = true} : memref<32136xf32, #tpu.memory_space<vmem>>[vector<16xi32>], vector<16xf32>,
    %get3A_2445 = arith.constant 224 : index
    %get3A_2446 = tpu.vector_load %arg8[%get3A_2445] {strides = array<i32>} : memref<1024xi32, #tpu.memory_space<vmem>>, vector<16xi32>,
    %get3A_2447 = arith.constant 1 : i32
    %get3A_2448 = arith.index_cast %get3A_2447 : i32 to index
    %get3A_2449 = arith.constant 224 : index
    %get3A_2450 = tpu.vector_load %arg7[%get3A_2448, %get3A_2449] {strides = array<i32>} : memref<2x1024xf32, #tpu.memory_space<vmem>>, vector<16xf32>,
    %scatter3A_2451 = arith.constant 1 : i32
    %scatter3A_2452 = arith.constant 0 : i32
    %scatter3A_2453 = tpu.memref_slice %arg6[%scatter3A_2451, %scatter3A_2452] : memref<2x32136xf32, #tpu.memory_space<vmem>> -> memref<1x32136xf32, #tpu.memory_space<vmem>>
    %scatter3A_2454 = tpu.memref_squeeze %scatter3A_2453 : memref<1x32136xf32, #tpu.memory_space<vmem>> -> memref<32136xf32, #tpu.memory_space<vmem>>
    tpu.vector_store_idx %scatter3A_2454[%get3A_2446], %get3A_2450 {add = true} : memref<32136xf32, #tpu.memory_space<vmem>>[vector<16xi32>], vector<16xf32>,
    %get3A_2455 = arith.constant 240 : index
    %get3A_2456 = tpu.vector_load %arg8[%get3A_2455] {strides = array<i32>} : memref<1024xi32, #tpu.memory_space<vmem>>, vector<16xi32>,
    %get3A_2457 = arith.constant 1 : i32
    %get3A_2458 = arith.index_cast %get3A_2457 : i32 to index
    %get3A_2459 = arith.constant 240 : index
    %get3A_2460 = tpu.vector_load %arg7[%get3A_2458, %get3A_2459] {strides = array<i32>} : memref<2x1024xf32, #tpu.memory_space<vmem>>, vector<16xf32>,
    %scatter3A_2461 = arith.constant 1 : i32
    %scatter3A_2462 = arith.constant 0 : i32
    %scatter3A_2463 = tpu.memref_slice %arg6[%scatter3A_2461, %scatter3A_2462] : memref<2x32136xf32, #tpu.memory_space<vmem>> -> memref<1x32136xf32, #tpu.memory_space<vmem>>
    %scatter3A_2464 = tpu.memref_squeeze %scatter3A_2463 : memref<1x32136xf32, #tpu.memory_space<vmem>> -> memref<32136xf32, #tpu.memory_space<vmem>>
    tpu.vector_store_idx %scatter3A_2464[%get3A_2456], %get3A_2460 {add = true} : memref<32136xf32, #tpu.memory_space<vmem>>[vector<16xi32>], vector<16xf32>,
    %get3A_2465 = arith.constant 256 : index
    %get3A_2466 = tpu.vector_load %arg8[%get3A_2465] {strides = array<i32>} : memref<1024xi32, #tpu.memory_space<vmem>>, vector<16xi32>,
    %get3A_2467 = arith.constant 1 : i32
    %get3A_2468 = arith.index_cast %get3A_2467 : i32 to index
    %get3A_2469 = arith.constant 256 : index
    %get3A_2470 = tpu.vector_load %arg7[%get3A_2468, %get3A_2469] {strides = array<i32>} : memref<2x1024xf32, #tpu.memory_space<vmem>>, vector<16xf32>,
    %scatter3A_2471 = arith.constant 1 : i32
    %scatter3A_2472 = arith.constant 0 : i32
    %scatter3A_2473 = tpu.memref_slice %arg6[%scatter3A_2471, %scatter3A_2472] : memref<2x32136xf32, #tpu.memory_space<vmem>> -> memref<1x32136xf32, #tpu.memory_space<vmem>>
    %scatter3A_2474 = tpu.memref_squeeze %scatter3A_2473 : memref<1x32136xf32, #tpu.memory_space<vmem>> -> memref<32136xf32, #tpu.memory_space<vmem>>
    tpu.vector_store_idx %scatter3A_2474[%get3A_2466], %get3A_2470 {add = true} : memref<32136xf32, #tpu.memory_space<vmem>>[vector<16xi32>], vector<16xf32>,
    %get3A_2475 = arith.constant 272 : index
    %get3A_2476 = tpu.vector_load %arg8[%get3A_2475] {strides = array<i32>} : memref<1024xi32, #tpu.memory_space<vmem>>, vector<16xi32>,
    %get3A_2477 = arith.constant 1 : i32
    %get3A_2478 = arith.index_cast %get3A_2477 : i32 to index
    %get3A_2479 = arith.constant 272 : index
    %get3A_2480 = tpu.vector_load %arg7[%get3A_2478, %get3A_2479] {strides = array<i32>} : memref<2x1024xf32, #tpu.memory_space<vmem>>, vector<16xf32>,
    %scatter3A_2481 = arith.constant 1 : i32
    %scatter3A_2482 = arith.constant 0 : i32
    %scatter3A_2483 = tpu.memref_slice %arg6[%scatter3A_2481, %scatter3A_2482] : memref<2x32136xf32, #tpu.memory_space<vmem>> -> memref<1x32136xf32, #tpu.memory_space<vmem>>
    %scatter3A_2484 = tpu.memref_squeeze %scatter3A_2483 : memref<1x32136xf32, #tpu.memory_space<vmem>> -> memref<32136xf32, #tpu.memory_space<vmem>>
    tpu.vector_store_idx %scatter3A_2484[%get3A_2476], %get3A_2480 {add = true} : memref<32136xf32, #tpu.memory_space<vmem>>[vector<16xi32>], vector<16xf32>,
    %get3A_2485 = arith.constant 288 : index
    %get3A_2486 = tpu.vector_load %arg8[%get3A_2485] {strides = array<i32>} : memref<1024xi32, #tpu.memory_space<vmem>>, vector<16xi32>,
    %get3A_2487 = arith.constant 1 : i32
    %get3A_2488 = arith.index_cast %get3A_2487 : i32 to index
    %get3A_2489 = arith.constant 288 : index
    %get3A_2490 = tpu.vector_load %arg7[%get3A_2488, %get3A_2489] {strides = array<i32>} : memref<2x1024xf32, #tpu.memory_space<vmem>>, vector<16xf32>,
    %scatter3A_2491 = arith.constant 1 : i32
    %scatter3A_2492 = arith.constant 0 : i32
    %scatter3A_2493 = tpu.memref_slice %arg6[%scatter3A_2491, %scatter3A_2492] : memref<2x32136xf32, #tpu.memory_space<vmem>> -> memref<1x32136xf32, #tpu.memory_space<vmem>>
    %scatter3A_2494 = tpu.memref_squeeze %scatter3A_2493 : memref<1x32136xf32, #tpu.memory_space<vmem>> -> memref<32136xf32, #tpu.memory_space<vmem>>
    tpu.vector_store_idx %scatter3A_2494[%get3A_2486], %get3A_2490 {add = true} : memref<32136xf32, #tpu.memory_space<vmem>>[vector<16xi32>], vector<16xf32>,
    %get3A_2495 = arith.constant 304 : index
    %get3A_2496 = tpu.vector_load %arg8[%get3A_2495] {strides = array<i32>} : memref<1024xi32, #tpu.memory_space<vmem>>, vector<16xi32>,
    %get3A_2497 = arith.constant 1 : i32
    %get3A_2498 = arith.index_cast %get3A_2497 : i32 to index
    %get3A_2499 = arith.constant 304 : index
    %get3A_2500 = tpu.vector_load %arg7[%get3A_2498, %get3A_2499] {strides = array<i32>} : memref<2x1024xf32, #tpu.memory_space<vmem>>, vector<16xf32>,
    %scatter3A_2501 = arith.constant 1 : i32
    %scatter3A_2502 = arith.constant 0 : i32
    %scatter3A_2503 = tpu.memref_slice %arg6[%scatter3A_2501, %scatter3A_2502] : memref<2x32136xf32, #tpu.memory_space<vmem>> -> memref<1x32136xf32, #tpu.memory_space<vmem>>
    %scatter3A_2504 = tpu.memref_squeeze %scatter3A_2503 : memref<1x32136xf32, #tpu.memory_space<vmem>> -> memref<32136xf32, #tpu.memory_space<vmem>>
    tpu.vector_store_idx %scatter3A_2504[%get3A_2496], %get3A_2500 {add = true} : memref<32136xf32, #tpu.memory_space<vmem>>[vector<16xi32>], vector<16xf32>,
    %get3A_2505 = arith.constant 320 : index
    %get3A_2506 = tpu.vector_load %arg8[%get3A_2505] {strides = array<i32>} : memref<1024xi32, #tpu.memory_space<vmem>>, vector<16xi32>,
    %get3A_2507 = arith.constant 1 : i32
    %get3A_2508 = arith.index_cast %get3A_2507 : i32 to index
    %get3A_2509 = arith.constant 320 : index
    %get3A_2510 = tpu.vector_load %arg7[%get3A_2508, %get3A_2509] {strides = array<i32>} : memref<2x1024xf32, #tpu.memory_space<vmem>>, vector<16xf32>,
    %scatter3A_2511 = arith.constant 1 : i32
    %scatter3A_2512 = arith.constant 0 : i32
    %scatter3A_2513 = tpu.memref_slice %arg6[%scatter3A_2511, %scatter3A_2512] : memref<2x32136xf32, #tpu.memory_space<vmem>> -> memref<1x32136xf32, #tpu.memory_space<vmem>>
    %scatter3A_2514 = tpu.memref_squeeze %scatter3A_2513 : memref<1x32136xf32, #tpu.memory_space<vmem>> -> memref<32136xf32, #tpu.memory_space<vmem>>
    tpu.vector_store_idx %scatter3A_2514[%get3A_2506], %get3A_2510 {add = true} : memref<32136xf32, #tpu.memory_space<vmem>>[vector<16xi32>], vector<16xf32>,
    %get3A_2515 = arith.constant 336 : index
    %get3A_2516 = tpu.vector_load %arg8[%get3A_2515] {strides = array<i32>} : memref<1024xi32, #tpu.memory_space<vmem>>, vector<16xi32>,
    %get3A_2517 = arith.constant 1 : i32
    %get3A_2518 = arith.index_cast %get3A_2517 : i32 to index
    %get3A_2519 = arith.constant 336 : index
    %get3A_2520 = tpu.vector_load %arg7[%get3A_2518, %get3A_2519] {strides = array<i32>} : memref<2x1024xf32, #tpu.memory_space<vmem>>, vector<16xf32>,
    %scatter3A_2521 = arith.constant 1 : i32
    %scatter3A_2522 = arith.constant 0 : i32
    %scatter3A_2523 = tpu.memref_slice %arg6[%scatter3A_2521, %scatter3A_2522] : memref<2x32136xf32, #tpu.memory_space<vmem>> -> memref<1x32136xf32, #tpu.memory_space<vmem>>
    %scatter3A_2524 = tpu.memref_squeeze %scatter3A_2523 : memref<1x32136xf32, #tpu.memory_space<vmem>> -> memref<32136xf32, #tpu.memory_space<vmem>>
    tpu.vector_store_idx %scatter3A_2524[%get3A_2516], %get3A_2520 {add = true} : memref<32136xf32, #tpu.memory_space<vmem>>[vector<16xi32>], vector<16xf32>,
    %get3A_2525 = arith.constant 352 : index
    %get3A_2526 = tpu.vector_load %arg8[%get3A_2525] {strides = array<i32>} : memref<1024xi32, #tpu.memory_space<vmem>>, vector<16xi32>,
    %get3A_2527 = arith.constant 1 : i32
    %get3A_2528 = arith.index_cast %get3A_2527 : i32 to index
    %get3A_2529 = arith.constant 352 : index
    %get3A_2530 = tpu.vector_load %arg7[%get3A_2528, %get3A_2529] {strides = array<i32>} : memref<2x1024xf32, #tpu.memory_space<vmem>>, vector<16xf32>,
    %scatter3A_2531 = arith.constant 1 : i32
    %scatter3A_2532 = arith.constant 0 : i32
    %scatter3A_2533 = tpu.memref_slice %arg6[%scatter3A_2531, %scatter3A_2532] : memref<2x32136xf32, #tpu.memory_space<vmem>> -> memref<1x32136xf32, #tpu.memory_space<vmem>>
    %scatter3A_2534 = tpu.memref_squeeze %scatter3A_2533 : memref<1x32136xf32, #tpu.memory_space<vmem>> -> memref<32136xf32, #tpu.memory_space<vmem>>
    tpu.vector_store_idx %scatter3A_2534[%get3A_2526], %get3A_2530 {add = true} : memref<32136xf32, #tpu.memory_space<vmem>>[vector<16xi32>], vector<16xf32>,
    %get3A_2535 = arith.constant 368 : index
    %get3A_2536 = tpu.vector_load %arg8[%get3A_2535] {strides = array<i32>} : memref<1024xi32, #tpu.memory_space<vmem>>, vector<16xi32>,
    %get3A_2537 = arith.constant 1 : i32
    %get3A_2538 = arith.index_cast %get3A_2537 : i32 to index
    %get3A_2539 = arith.constant 368 : index
    %get3A_2540 = tpu.vector_load %arg7[%get3A_2538, %get3A_2539] {strides = array<i32>} : memref<2x1024xf32, #tpu.memory_space<vmem>>, vector<16xf32>,
    %scatter3A_2541 = arith.constant 1 : i32
    %scatter3A_2542 = arith.constant 0 : i32
    %scatter3A_2543 = tpu.memref_slice %arg6[%scatter3A_2541, %scatter3A_2542] : memref<2x32136xf32, #tpu.memory_space<vmem>> -> memref<1x32136xf32, #tpu.memory_space<vmem>>
    %scatter3A_2544 = tpu.memref_squeeze %scatter3A_2543 : memref<1x32136xf32, #tpu.memory_space<vmem>> -> memref<32136xf32, #tpu.memory_space<vmem>>
    tpu.vector_store_idx %scatter3A_2544[%get3A_2536], %get3A_2540 {add = true} : memref<32136xf32, #tpu.memory_space<vmem>>[vector<16xi32>], vector<16xf32>,
    %get3A_2545 = arith.constant 384 : index
    %get3A_2546 = tpu.vector_load %arg8[%get3A_2545] {strides = array<i32>} : memref<1024xi32, #tpu.memory_space<vmem>>, vector<16xi32>,
    %get3A_2547 = arith.constant 1 : i32
    %get3A_2548 = arith.index_cast %get3A_2547 : i32 to index
    %get3A_2549 = arith.constant 384 : index
    %get3A_2550 = tpu.vector_load %arg7[%get3A_2548, %get3A_2549] {strides = array<i32>} : memref<2x1024xf32, #tpu.memory_space<vmem>>, vector<16xf32>,
    %scatter3A_2551 = arith.constant 1 : i32
    %scatter3A_2552 = arith.constant 0 : i32
    %scatter3A_2553 = tpu.memref_slice %arg6[%scatter3A_2551, %scatter3A_2552] : memref<2x32136xf32, #tpu.memory_space<vmem>> -> memref<1x32136xf32, #tpu.memory_space<vmem>>
    %scatter3A_2554 = tpu.memref_squeeze %scatter3A_2553 : memref<1x32136xf32, #tpu.memory_space<vmem>> -> memref<32136xf32, #tpu.memory_space<vmem>>
    tpu.vector_store_idx %scatter3A_2554[%get3A_2546], %get3A_2550 {add = true} : memref<32136xf32, #tpu.memory_space<vmem>>[vector<16xi32>], vector<16xf32>,
    %get3A_2555 = arith.constant 400 : index
    %get3A_2556 = tpu.vector_load %arg8[%get3A_2555] {strides = array<i32>} : memref<1024xi32, #tpu.memory_space<vmem>>, vector<16xi32>,
    %get3A_2557 = arith.constant 1 : i32
    %get3A_2558 = arith.index_cast %get3A_2557 : i32 to index
    %get3A_2559 = arith.constant 400 : index
    %get3A_2560 = tpu.vector_load %arg7[%get3A_2558, %get3A_2559] {strides = array<i32>} : memref<2x1024xf32, #tpu.memory_space<vmem>>, vector<16xf32>,
    %scatter3A_2561 = arith.constant 1 : i32
    %scatter3A_2562 = arith.constant 0 : i32
    %scatter3A_2563 = tpu.memref_slice %arg6[%scatter3A_2561, %scatter3A_2562] : memref<2x32136xf32, #tpu.memory_space<vmem>> -> memref<1x32136xf32, #tpu.memory_space<vmem>>
    %scatter3A_2564 = tpu.memref_squeeze %scatter3A_2563 : memref<1x32136xf32, #tpu.memory_space<vmem>> -> memref<32136xf32, #tpu.memory_space<vmem>>
    tpu.vector_store_idx %scatter3A_2564[%get3A_2556], %get3A_2560 {add = true} : memref<32136xf32, #tpu.memory_space<vmem>>[vector<16xi32>], vector<16xf32>,
    %get3A_2565 = arith.constant 416 : index
    %get3A_2566 = tpu.vector_load %arg8[%get3A_2565] {strides = array<i32>} : memref<1024xi32, #tpu.memory_space<vmem>>, vector<16xi32>,
    %get3A_2567 = arith.constant 1 : i32
    %get3A_2568 = arith.index_cast %get3A_2567 : i32 to index
    %get3A_2569 = arith.constant 416 : index
    %get3A_2570 = tpu.vector_load %arg7[%get3A_2568, %get3A_2569] {strides = array<i32>} : memref<2x1024xf32, #tpu.memory_space<vmem>>, vector<16xf32>,
    %scatter3A_2571 = arith.constant 1 : i32
    %scatter3A_2572 = arith.constant 0 : i32
    %scatter3A_2573 = tpu.memref_slice %arg6[%scatter3A_2571, %scatter3A_2572] : memref<2x32136xf32, #tpu.memory_space<vmem>> -> memref<1x32136xf32, #tpu.memory_space<vmem>>
    %scatter3A_2574 = tpu.memref_squeeze %scatter3A_2573 : memref<1x32136xf32, #tpu.memory_space<vmem>> -> memref<32136xf32, #tpu.memory_space<vmem>>
    tpu.vector_store_idx %scatter3A_2574[%get3A_2566], %get3A_2570 {add = true} : memref<32136xf32, #tpu.memory_space<vmem>>[vector<16xi32>], vector<16xf32>,
    %get3A_2575 = arith.constant 432 : index
    %get3A_2576 = tpu.vector_load %arg8[%get3A_2575] {strides = array<i32>} : memref<1024xi32, #tpu.memory_space<vmem>>, vector<16xi32>,
    %get3A_2577 = arith.constant 1 : i32
    %get3A_2578 = arith.index_cast %get3A_2577 : i32 to index
    %get3A_2579 = arith.constant 432 : index
    %get3A_2580 = tpu.vector_load %arg7[%get3A_2578, %get3A_2579] {strides = array<i32>} : memref<2x1024xf32, #tpu.memory_space<vmem>>, vector<16xf32>,
    %scatter3A_2581 = arith.constant 1 : i32
    %scatter3A_2582 = arith.constant 0 : i32
    %scatter3A_2583 = tpu.memref_slice %arg6[%scatter3A_2581, %scatter3A_2582] : memref<2x32136xf32, #tpu.memory_space<vmem>> -> memref<1x32136xf32, #tpu.memory_space<vmem>>
    %scatter3A_2584 = tpu.memref_squeeze %scatter3A_2583 : memref<1x32136xf32, #tpu.memory_space<vmem>> -> memref<32136xf32, #tpu.memory_space<vmem>>
    tpu.vector_store_idx %scatter3A_2584[%get3A_2576], %get3A_2580 {add = true} : memref<32136xf32, #tpu.memory_space<vmem>>[vector<16xi32>], vector<16xf32>,
    %get3A_2585 = arith.constant 448 : index
    %get3A_2586 = tpu.vector_load %arg8[%get3A_2585] {strides = array<i32>} : memref<1024xi32, #tpu.memory_space<vmem>>, vector<16xi32>,
    %get3A_2587 = arith.constant 1 : i32
    %get3A_2588 = arith.index_cast %get3A_2587 : i32 to index
    %get3A_2589 = arith.constant 448 : index
    %get3A_2590 = tpu.vector_load %arg7[%get3A_2588, %get3A_2589] {strides = array<i32>} : memref<2x1024xf32, #tpu.memory_space<vmem>>, vector<16xf32>,
    %scatter3A_2591 = arith.constant 1 : i32
    %scatter3A_2592 = arith.constant 0 : i32
    %scatter3A_2593 = tpu.memref_slice %arg6[%scatter3A_2591, %scatter3A_2592] : memref<2x32136xf32, #tpu.memory_space<vmem>> -> memref<1x32136xf32, #tpu.memory_space<vmem>>
    %scatter3A_2594 = tpu.memref_squeeze %scatter3A_2593 : memref<1x32136xf32, #tpu.memory_space<vmem>> -> memref<32136xf32, #tpu.memory_space<vmem>>
    tpu.vector_store_idx %scatter3A_2594[%get3A_2586], %get3A_2590 {add = true} : memref<32136xf32, #tpu.memory_space<vmem>>[vector<16xi32>], vector<16xf32>,
    %get3A_2595 = arith.constant 464 : index
    %get3A_2596 = tpu.vector_load %arg8[%get3A_2595] {strides = array<i32>} : memref<1024xi32, #tpu.memory_space<vmem>>, vector<16xi32>,
    %get3A_2597 = arith.constant 1 : i32
    %get3A_2598 = arith.index_cast %get3A_2597 : i32 to index
    %get3A_2599 = arith.constant 464 : index
    %get3A_2600 = tpu.vector_load %arg7[%get3A_2598, %get3A_2599] {strides = array<i32>} : memref<2x1024xf32, #tpu.memory_space<vmem>>, vector<16xf32>,
    %scatter3A_2601 = arith.constant 1 : i32
    %scatter3A_2602 = arith.constant 0 : i32
    %scatter3A_2603 = tpu.memref_slice %arg6[%scatter3A_2601, %scatter3A_2602] : memref<2x32136xf32, #tpu.memory_space<vmem>> -> memref<1x32136xf32, #tpu.memory_space<vmem>>
    %scatter3A_2604 = tpu.memref_squeeze %scatter3A_2603 : memref<1x32136xf32, #tpu.memory_space<vmem>> -> memref<32136xf32, #tpu.memory_space<vmem>>
    tpu.vector_store_idx %scatter3A_2604[%get3A_2596], %get3A_2600 {add = true} : memref<32136xf32, #tpu.memory_space<vmem>>[vector<16xi32>], vector<16xf32>,
    %get3A_2605 = arith.constant 480 : index
    %get3A_2606 = tpu.vector_load %arg8[%get3A_2605] {strides = array<i32>} : memref<1024xi32, #tpu.memory_space<vmem>>, vector<16xi32>,
    %get3A_2607 = arith.constant 1 : i32
    %get3A_2608 = arith.index_cast %get3A_2607 : i32 to index
    %get3A_2609 = arith.constant 480 : index
    %get3A_2610 = tpu.vector_load %arg7[%get3A_2608, %get3A_2609] {strides = array<i32>} : memref<2x1024xf32, #tpu.memory_space<vmem>>, vector<16xf32>,
    %scatter3A_2611 = arith.constant 1 : i32
    %scatter3A_2612 = arith.constant 0 : i32
    %scatter3A_2613 = tpu.memref_slice %arg6[%scatter3A_2611, %scatter3A_2612] : memref<2x32136xf32, #tpu.memory_space<vmem>> -> memref<1x32136xf32, #tpu.memory_space<vmem>>
    %scatter3A_2614 = tpu.memref_squeeze %scatter3A_2613 : memref<1x32136xf32, #tpu.memory_space<vmem>> -> memref<32136xf32, #tpu.memory_space<vmem>>
    tpu.vector_store_idx %scatter3A_2614[%get3A_2606], %get3A_2610 {add = true} : memref<32136xf32, #tpu.memory_space<vmem>>[vector<16xi32>], vector<16xf32>,
    %get3A_2615 = arith.constant 496 : index
    %get3A_2616 = tpu.vector_load %arg8[%get3A_2615] {strides = array<i32>} : memref<1024xi32, #tpu.memory_space<vmem>>, vector<16xi32>,
    %get3A_2617 = arith.constant 1 : i32
    %get3A_2618 = arith.index_cast %get3A_2617 : i32 to index
    %get3A_2619 = arith.constant 496 : index
    %get3A_2620 = tpu.vector_load %arg7[%get3A_2618, %get3A_2619] {strides = array<i32>} : memref<2x1024xf32, #tpu.memory_space<vmem>>, vector<16xf32>,
    %scatter3A_2621 = arith.constant 1 : i32
    %scatter3A_2622 = arith.constant 0 : i32
    %scatter3A_2623 = tpu.memref_slice %arg6[%scatter3A_2621, %scatter3A_2622] : memref<2x32136xf32, #tpu.memory_space<vmem>> -> memref<1x32136xf32, #tpu.memory_space<vmem>>
    %scatter3A_2624 = tpu.memref_squeeze %scatter3A_2623 : memref<1x32136xf32, #tpu.memory_space<vmem>> -> memref<32136xf32, #tpu.memory_space<vmem>>
    tpu.vector_store_idx %scatter3A_2624[%get3A_2616], %get3A_2620 {add = true} : memref<32136xf32, #tpu.memory_space<vmem>>[vector<16xi32>], vector<16xf32>,
    %get3A_2625 = arith.constant 512 : index
    %get3A_2626 = tpu.vector_load %arg8[%get3A_2625] {strides = array<i32>} : memref<1024xi32, #tpu.memory_space<vmem>>, vector<16xi32>,
    %get3A_2627 = arith.constant 1 : i32
    %get3A_2628 = arith.index_cast %get3A_2627 : i32 to index
    %get3A_2629 = arith.constant 512 : index
    %get3A_2630 = tpu.vector_load %arg7[%get3A_2628, %get3A_2629] {strides = array<i32>} : memref<2x1024xf32, #tpu.memory_space<vmem>>, vector<16xf32>,
    %scatter3A_2631 = arith.constant 1 : i32
    %scatter3A_2632 = arith.constant 0 : i32
    %scatter3A_2633 = tpu.memref_slice %arg6[%scatter3A_2631, %scatter3A_2632] : memref<2x32136xf32, #tpu.memory_space<vmem>> -> memref<1x32136xf32, #tpu.memory_space<vmem>>
    %scatter3A_2634 = tpu.memref_squeeze %scatter3A_2633 : memref<1x32136xf32, #tpu.memory_space<vmem>> -> memref<32136xf32, #tpu.memory_space<vmem>>
    tpu.vector_store_idx %scatter3A_2634[%get3A_2626], %get3A_2630 {add = true} : memref<32136xf32, #tpu.memory_space<vmem>>[vector<16xi32>], vector<16xf32>,
    %get3A_2635 = arith.constant 528 : index
    %get3A_2636 = tpu.vector_load %arg8[%get3A_2635] {strides = array<i32>} : memref<1024xi32, #tpu.memory_space<vmem>>, vector<16xi32>,
    %get3A_2637 = arith.constant 1 : i32
    %get3A_2638 = arith.index_cast %get3A_2637 : i32 to index
    %get3A_2639 = arith.constant 528 : index
    %get3A_2640 = tpu.vector_load %arg7[%get3A_2638, %get3A_2639] {strides = array<i32>} : memref<2x1024xf32, #tpu.memory_space<vmem>>, vector<16xf32>,
    %scatter3A_2641 = arith.constant 1 : i32
    %scatter3A_2642 = arith.constant 0 : i32
    %scatter3A_2643 = tpu.memref_slice %arg6[%scatter3A_2641, %scatter3A_2642] : memref<2x32136xf32, #tpu.memory_space<vmem>> -> memref<1x32136xf32, #tpu.memory_space<vmem>>
    %scatter3A_2644 = tpu.memref_squeeze %scatter3A_2643 : memref<1x32136xf32, #tpu.memory_space<vmem>> -> memref<32136xf32, #tpu.memory_space<vmem>>
    tpu.vector_store_idx %scatter3A_2644[%get3A_2636], %get3A_2640 {add = true} : memref<32136xf32, #tpu.memory_space<vmem>>[vector<16xi32>], vector<16xf32>,
    %get3A_2645 = arith.constant 544 : index
    %get3A_2646 = tpu.vector_load %arg8[%get3A_2645] {strides = array<i32>} : memref<1024xi32, #tpu.memory_space<vmem>>, vector<16xi32>,
    %get3A_2647 = arith.constant 1 : i32
    %get3A_2648 = arith.index_cast %get3A_2647 : i32 to index
    %get3A_2649 = arith.constant 544 : index
    %get3A_2650 = tpu.vector_load %arg7[%get3A_2648, %get3A_2649] {strides = array<i32>} : memref<2x1024xf32, #tpu.memory_space<vmem>>, vector<16xf32>,
    %scatter3A_2651 = arith.constant 1 : i32
    %scatter3A_2652 = arith.constant 0 : i32
    %scatter3A_2653 = tpu.memref_slice %arg6[%scatter3A_2651, %scatter3A_2652] : memref<2x32136xf32, #tpu.memory_space<vmem>> -> memref<1x32136xf32, #tpu.memory_space<vmem>>
    %scatter3A_2654 = tpu.memref_squeeze %scatter3A_2653 : memref<1x32136xf32, #tpu.memory_space<vmem>> -> memref<32136xf32, #tpu.memory_space<vmem>>
    tpu.vector_store_idx %scatter3A_2654[%get3A_2646], %get3A_2650 {add = true} : memref<32136xf32, #tpu.memory_space<vmem>>[vector<16xi32>], vector<16xf32>,
    %get3A_2655 = arith.constant 560 : index
    %get3A_2656 = tpu.vector_load %arg8[%get3A_2655] {strides = array<i32>} : memref<1024xi32, #tpu.memory_space<vmem>>, vector<16xi32>,
    %get3A_2657 = arith.constant 1 : i32
    %get3A_2658 = arith.index_cast %get3A_2657 : i32 to index
    %get3A_2659 = arith.constant 560 : index
    %get3A_2660 = tpu.vector_load %arg7[%get3A_2658, %get3A_2659] {strides = array<i32>} : memref<2x1024xf32, #tpu.memory_space<vmem>>, vector<16xf32>,
    %scatter3A_2661 = arith.constant 1 : i32
    %scatter3A_2662 = arith.constant 0 : i32
    %scatter3A_2663 = tpu.memref_slice %arg6[%scatter3A_2661, %scatter3A_2662] : memref<2x32136xf32, #tpu.memory_space<vmem>> -> memref<1x32136xf32, #tpu.memory_space<vmem>>
    %scatter3A_2664 = tpu.memref_squeeze %scatter3A_2663 : memref<1x32136xf32, #tpu.memory_space<vmem>> -> memref<32136xf32, #tpu.memory_space<vmem>>
    tpu.vector_store_idx %scatter3A_2664[%get3A_2656], %get3A_2660 {add = true} : memref<32136xf32, #tpu.memory_space<vmem>>[vector<16xi32>], vector<16xf32>,
    %get3A_2665 = arith.constant 576 : index
    %get3A_2666 = tpu.vector_load %arg8[%get3A_2665] {strides = array<i32>} : memref<1024xi32, #tpu.memory_space<vmem>>, vector<16xi32>,
    %get3A_2667 = arith.constant 1 : i32
    %get3A_2668 = arith.index_cast %get3A_2667 : i32 to index
    %get3A_2669 = arith.constant 576 : index
    %get3A_2670 = tpu.vector_load %arg7[%get3A_2668, %get3A_2669] {strides = array<i32>} : memref<2x1024xf32, #tpu.memory_space<vmem>>, vector<16xf32>,
    %scatter3A_2671 = arith.constant 1 : i32
    %scatter3A_2672 = arith.constant 0 : i32
    %scatter3A_2673 = tpu.memref_slice %arg6[%scatter3A_2671, %scatter3A_2672] : memref<2x32136xf32, #tpu.memory_space<vmem>> -> memref<1x32136xf32, #tpu.memory_space<vmem>>
    %scatter3A_2674 = tpu.memref_squeeze %scatter3A_2673 : memref<1x32136xf32, #tpu.memory_space<vmem>> -> memref<32136xf32, #tpu.memory_space<vmem>>
    tpu.vector_store_idx %scatter3A_2674[%get3A_2666], %get3A_2670 {add = true} : memref<32136xf32, #tpu.memory_space<vmem>>[vector<16xi32>], vector<16xf32>,
    %get3A_2675 = arith.constant 592 : index
    %get3A_2676 = tpu.vector_load %arg8[%get3A_2675] {strides = array<i32>} : memref<1024xi32, #tpu.memory_space<vmem>>, vector<16xi32>,
    %get3A_2677 = arith.constant 1 : i32
    %get3A_2678 = arith.index_cast %get3A_2677 : i32 to index
    %get3A_2679 = arith.constant 592 : index
    %get3A_2680 = tpu.vector_load %arg7[%get3A_2678, %get3A_2679] {strides = array<i32>} : memref<2x1024xf32, #tpu.memory_space<vmem>>, vector<16xf32>,
    %scatter3A_2681 = arith.constant 1 : i32
    %scatter3A_2682 = arith.constant 0 : i32
    %scatter3A_2683 = tpu.memref_slice %arg6[%scatter3A_2681, %scatter3A_2682] : memref<2x32136xf32, #tpu.memory_space<vmem>> -> memref<1x32136xf32, #tpu.memory_space<vmem>>
    %scatter3A_2684 = tpu.memref_squeeze %scatter3A_2683 : memref<1x32136xf32, #tpu.memory_space<vmem>> -> memref<32136xf32, #tpu.memory_space<vmem>>
    tpu.vector_store_idx %scatter3A_2684[%get3A_2676], %get3A_2680 {add = true} : memref<32136xf32, #tpu.memory_space<vmem>>[vector<16xi32>], vector<16xf32>,
    %get3A_2685 = arith.constant 608 : index
    %get3A_2686 = tpu.vector_load %arg8[%get3A_2685] {strides = array<i32>} : memref<1024xi32, #tpu.memory_space<vmem>>, vector<16xi32>,
    %get3A_2687 = arith.constant 1 : i32
    %get3A_2688 = arith.index_cast %get3A_2687 : i32 to index
    %get3A_2689 = arith.constant 608 : index
    %get3A_2690 = tpu.vector_load %arg7[%get3A_2688, %get3A_2689] {strides = array<i32>} : memref<2x1024xf32, #tpu.memory_space<vmem>>, vector<16xf32>,
    %scatter3A_2691 = arith.constant 1 : i32
    %scatter3A_2692 = arith.constant 0 : i32
    %scatter3A_2693 = tpu.memref_slice %arg6[%scatter3A_2691, %scatter3A_2692] : memref<2x32136xf32, #tpu.memory_space<vmem>> -> memref<1x32136xf32, #tpu.memory_space<vmem>>
    %scatter3A_2694 = tpu.memref_squeeze %scatter3A_2693 : memref<1x32136xf32, #tpu.memory_space<vmem>> -> memref<32136xf32, #tpu.memory_space<vmem>>
    tpu.vector_store_idx %scatter3A_2694[%get3A_2686], %get3A_2690 {add = true} : memref<32136xf32, #tpu.memory_space<vmem>>[vector<16xi32>], vector<16xf32>,
    %get3A_2695 = arith.constant 624 : index
    %get3A_2696 = tpu.vector_load %arg8[%get3A_2695] {strides = array<i32>} : memref<1024xi32, #tpu.memory_space<vmem>>, vector<16xi32>,
    %get3A_2697 = arith.constant 1 : i32
    %get3A_2698 = arith.index_cast %get3A_2697 : i32 to index
    %get3A_2699 = arith.constant 624 : index
    %get3A_2700 = tpu.vector_load %arg7[%get3A_2698, %get3A_2699] {strides = array<i32>} : memref<2x1024xf32, #tpu.memory_space<vmem>>, vector<16xf32>,
    %scatter3A_2701 = arith.constant 1 : i32
    %scatter3A_2702 = arith.constant 0 : i32
    %scatter3A_2703 = tpu.memref_slice %arg6[%scatter3A_2701, %scatter3A_2702] : memref<2x32136xf32, #tpu.memory_space<vmem>> -> memref<1x32136xf32, #tpu.memory_space<vmem>>
    %scatter3A_2704 = tpu.memref_squeeze %scatter3A_2703 : memref<1x32136xf32, #tpu.memory_space<vmem>> -> memref<32136xf32, #tpu.memory_space<vmem>>
    tpu.vector_store_idx %scatter3A_2704[%get3A_2696], %get3A_2700 {add = true} : memref<32136xf32, #tpu.memory_space<vmem>>[vector<16xi32>], vector<16xf32>,
    %get3A_2705 = arith.constant 640 : index
    %get3A_2706 = tpu.vector_load %arg8[%get3A_2705] {strides = array<i32>} : memref<1024xi32, #tpu.memory_space<vmem>>, vector<16xi32>,
    %get3A_2707 = arith.constant 1 : i32
    %get3A_2708 = arith.index_cast %get3A_2707 : i32 to index
    %get3A_2709 = arith.constant 640 : index
    %get3A_2710 = tpu.vector_load %arg7[%get3A_2708, %get3A_2709] {strides = array<i32>} : memref<2x1024xf32, #tpu.memory_space<vmem>>, vector<16xf32>,
    %scatter3A_2711 = arith.constant 1 : i32
    %scatter3A_2712 = arith.constant 0 : i32
    %scatter3A_2713 = tpu.memref_slice %arg6[%scatter3A_2711, %scatter3A_2712] : memref<2x32136xf32, #tpu.memory_space<vmem>> -> memref<1x32136xf32, #tpu.memory_space<vmem>>
    %scatter3A_2714 = tpu.memref_squeeze %scatter3A_2713 : memref<1x32136xf32, #tpu.memory_space<vmem>> -> memref<32136xf32, #tpu.memory_space<vmem>>
    tpu.vector_store_idx %scatter3A_2714[%get3A_2706], %get3A_2710 {add = true} : memref<32136xf32, #tpu.memory_space<vmem>>[vector<16xi32>], vector<16xf32>,
    %get3A_2715 = arith.constant 656 : index
    %get3A_2716 = tpu.vector_load %arg8[%get3A_2715] {strides = array<i32>} : memref<1024xi32, #tpu.memory_space<vmem>>, vector<16xi32>,
    %get3A_2717 = arith.constant 1 : i32
    %get3A_2718 = arith.index_cast %get3A_2717 : i32 to index
    %get3A_2719 = arith.constant 656 : index
    %get3A_2720 = tpu.vector_load %arg7[%get3A_2718, %get3A_2719] {strides = array<i32>} : memref<2x1024xf32, #tpu.memory_space<vmem>>, vector<16xf32>,
    %scatter3A_2721 = arith.constant 1 : i32
    %scatter3A_2722 = arith.constant 0 : i32
    %scatter3A_2723 = tpu.memref_slice %arg6[%scatter3A_2721, %scatter3A_2722] : memref<2x32136xf32, #tpu.memory_space<vmem>> -> memref<1x32136xf32, #tpu.memory_space<vmem>>
    %scatter3A_2724 = tpu.memref_squeeze %scatter3A_2723 : memref<1x32136xf32, #tpu.memory_space<vmem>> -> memref<32136xf32, #tpu.memory_space<vmem>>
    tpu.vector_store_idx %scatter3A_2724[%get3A_2716], %get3A_2720 {add = true} : memref<32136xf32, #tpu.memory_space<vmem>>[vector<16xi32>], vector<16xf32>,
    %get3A_2725 = arith.constant 672 : index
    %get3A_2726 = tpu.vector_load %arg8[%get3A_2725] {strides = array<i32>} : memref<1024xi32, #tpu.memory_space<vmem>>, vector<16xi32>,
    %get3A_2727 = arith.constant 1 : i32
    %get3A_2728 = arith.index_cast %get3A_2727 : i32 to index
    %get3A_2729 = arith.constant 672 : index
    %get3A_2730 = tpu.vector_load %arg7[%get3A_2728, %get3A_2729] {strides = array<i32>} : memref<2x1024xf32, #tpu.memory_space<vmem>>, vector<16xf32>,
    %scatter3A_2731 = arith.constant 1 : i32
    %scatter3A_2732 = arith.constant 0 : i32
    %scatter3A_2733 = tpu.memref_slice %arg6[%scatter3A_2731, %scatter3A_2732] : memref<2x32136xf32, #tpu.memory_space<vmem>> -> memref<1x32136xf32, #tpu.memory_space<vmem>>
    %scatter3A_2734 = tpu.memref_squeeze %scatter3A_2733 : memref<1x32136xf32, #tpu.memory_space<vmem>> -> memref<32136xf32, #tpu.memory_space<vmem>>
    tpu.vector_store_idx %scatter3A_2734[%get3A_2726], %get3A_2730 {add = true} : memref<32136xf32, #tpu.memory_space<vmem>>[vector<16xi32>], vector<16xf32>,
    %get3A_2735 = arith.constant 688 : index
    %get3A_2736 = tpu.vector_load %arg8[%get3A_2735] {strides = array<i32>} : memref<1024xi32, #tpu.memory_space<vmem>>, vector<16xi32>,
    %get3A_2737 = arith.constant 1 : i32
    %get3A_2738 = arith.index_cast %get3A_2737 : i32 to index
    %get3A_2739 = arith.constant 688 : index
    %get3A_2740 = tpu.vector_load %arg7[%get3A_2738, %get3A_2739] {strides = array<i32>} : memref<2x1024xf32, #tpu.memory_space<vmem>>, vector<16xf32>,
    %scatter3A_2741 = arith.constant 1 : i32
    %scatter3A_2742 = arith.constant 0 : i32
    %scatter3A_2743 = tpu.memref_slice %arg6[%scatter3A_2741, %scatter3A_2742] : memref<2x32136xf32, #tpu.memory_space<vmem>> -> memref<1x32136xf32, #tpu.memory_space<vmem>>
    %scatter3A_2744 = tpu.memref_squeeze %scatter3A_2743 : memref<1x32136xf32, #tpu.memory_space<vmem>> -> memref<32136xf32, #tpu.memory_space<vmem>>
    tpu.vector_store_idx %scatter3A_2744[%get3A_2736], %get3A_2740 {add = true} : memref<32136xf32, #tpu.memory_space<vmem>>[vector<16xi32>], vector<16xf32>,
    %get3A_2745 = arith.constant 704 : index
    %get3A_2746 = tpu.vector_load %arg8[%get3A_2745] {strides = array<i32>} : memref<1024xi32, #tpu.memory_space<vmem>>, vector<16xi32>,
    %get3A_2747 = arith.constant 1 : i32
    %get3A_2748 = arith.index_cast %get3A_2747 : i32 to index
    %get3A_2749 = arith.constant 704 : index
    %get3A_2750 = tpu.vector_load %arg7[%get3A_2748, %get3A_2749] {strides = array<i32>} : memref<2x1024xf32, #tpu.memory_space<vmem>>, vector<16xf32>,
    %scatter3A_2751 = arith.constant 1 : i32
    %scatter3A_2752 = arith.constant 0 : i32
    %scatter3A_2753 = tpu.memref_slice %arg6[%scatter3A_2751, %scatter3A_2752] : memref<2x32136xf32, #tpu.memory_space<vmem>> -> memref<1x32136xf32, #tpu.memory_space<vmem>>
    %scatter3A_2754 = tpu.memref_squeeze %scatter3A_2753 : memref<1x32136xf32, #tpu.memory_space<vmem>> -> memref<32136xf32, #tpu.memory_space<vmem>>
    tpu.vector_store_idx %scatter3A_2754[%get3A_2746], %get3A_2750 {add = true} : memref<32136xf32, #tpu.memory_space<vmem>>[vector<16xi32>], vector<16xf32>,
    %get3A_2755 = arith.constant 720 : index
    %get3A_2756 = tpu.vector_load %arg8[%get3A_2755] {strides = array<i32>} : memref<1024xi32, #tpu.memory_space<vmem>>, vector<16xi32>,
    %get3A_2757 = arith.constant 1 : i32
    %get3A_2758 = arith.index_cast %get3A_2757 : i32 to index
    %get3A_2759 = arith.constant 720 : index
    %get3A_2760 = tpu.vector_load %arg7[%get3A_2758, %get3A_2759] {strides = array<i32>} : memref<2x1024xf32, #tpu.memory_space<vmem>>, vector<16xf32>,
    %scatter3A_2761 = arith.constant 1 : i32
    %scatter3A_2762 = arith.constant 0 : i32
    %scatter3A_2763 = tpu.memref_slice %arg6[%scatter3A_2761, %scatter3A_2762] : memref<2x32136xf32, #tpu.memory_space<vmem>> -> memref<1x32136xf32, #tpu.memory_space<vmem>>
    %scatter3A_2764 = tpu.memref_squeeze %scatter3A_2763 : memref<1x32136xf32, #tpu.memory_space<vmem>> -> memref<32136xf32, #tpu.memory_space<vmem>>
    tpu.vector_store_idx %scatter3A_2764[%get3A_2756], %get3A_2760 {add = true} : memref<32136xf32, #tpu.memory_space<vmem>>[vector<16xi32>], vector<16xf32>,
    %get3A_2765 = arith.constant 736 : index
    %get3A_2766 = tpu.vector_load %arg8[%get3A_2765] {strides = array<i32>} : memref<1024xi32, #tpu.memory_space<vmem>>, vector<16xi32>,
    %get3A_2767 = arith.constant 1 : i32
    %get3A_2768 = arith.index_cast %get3A_2767 : i32 to index
    %get3A_2769 = arith.constant 736 : index
    %get3A_2770 = tpu.vector_load %arg7[%get3A_2768, %get3A_2769] {strides = array<i32>} : memref<2x1024xf32, #tpu.memory_space<vmem>>, vector<16xf32>,
    %scatter3A_2771 = arith.constant 1 : i32
    %scatter3A_2772 = arith.constant 0 : i32
    %scatter3A_2773 = tpu.memref_slice %arg6[%scatter3A_2771, %scatter3A_2772] : memref<2x32136xf32, #tpu.memory_space<vmem>> -> memref<1x32136xf32, #tpu.memory_space<vmem>>
    %scatter3A_2774 = tpu.memref_squeeze %scatter3A_2773 : memref<1x32136xf32, #tpu.memory_space<vmem>> -> memref<32136xf32, #tpu.memory_space<vmem>>
    tpu.vector_store_idx %scatter3A_2774[%get3A_2766], %get3A_2770 {add = true} : memref<32136xf32, #tpu.memory_space<vmem>>[vector<16xi32>], vector<16xf32>,
    %get3A_2775 = arith.constant 752 : index
    %get3A_2776 = tpu.vector_load %arg8[%get3A_2775] {strides = array<i32>} : memref<1024xi32, #tpu.memory_space<vmem>>, vector<16xi32>,
    %get3A_2777 = arith.constant 1 : i32
    %get3A_2778 = arith.index_cast %get3A_2777 : i32 to index
    %get3A_2779 = arith.constant 752 : index
    %get3A_2780 = tpu.vector_load %arg7[%get3A_2778, %get3A_2779] {strides = array<i32>} : memref<2x1024xf32, #tpu.memory_space<vmem>>, vector<16xf32>,
    %scatter3A_2781 = arith.constant 1 : i32
    %scatter3A_2782 = arith.constant 0 : i32
    %scatter3A_2783 = tpu.memref_slice %arg6[%scatter3A_2781, %scatter3A_2782] : memref<2x32136xf32, #tpu.memory_space<vmem>> -> memref<1x32136xf32, #tpu.memory_space<vmem>>
    %scatter3A_2784 = tpu.memref_squeeze %scatter3A_2783 : memref<1x32136xf32, #tpu.memory_space<vmem>> -> memref<32136xf32, #tpu.memory_space<vmem>>
    tpu.vector_store_idx %scatter3A_2784[%get3A_2776], %get3A_2780 {add = true} : memref<32136xf32, #tpu.memory_space<vmem>>[vector<16xi32>], vector<16xf32>,
    %get3A_2785 = arith.constant 768 : index
    %get3A_2786 = tpu.vector_load %arg8[%get3A_2785] {strides = array<i32>} : memref<1024xi32, #tpu.memory_space<vmem>>, vector<16xi32>,
    %get3A_2787 = arith.constant 1 : i32
    %get3A_2788 = arith.index_cast %get3A_2787 : i32 to index
    %get3A_2789 = arith.constant 768 : index
    %get3A_2790 = tpu.vector_load %arg7[%get3A_2788, %get3A_2789] {strides = array<i32>} : memref<2x1024xf32, #tpu.memory_space<vmem>>, vector<16xf32>,
    %scatter3A_2791 = arith.constant 1 : i32
    %scatter3A_2792 = arith.constant 0 : i32
    %scatter3A_2793 = tpu.memref_slice %arg6[%scatter3A_2791, %scatter3A_2792] : memref<2x32136xf32, #tpu.memory_space<vmem>> -> memref<1x32136xf32, #tpu.memory_space<vmem>>
    %scatter3A_2794 = tpu.memref_squeeze %scatter3A_2793 : memref<1x32136xf32, #tpu.memory_space<vmem>> -> memref<32136xf32, #tpu.memory_space<vmem>>
    tpu.vector_store_idx %scatter3A_2794[%get3A_2786], %get3A_2790 {add = true} : memref<32136xf32, #tpu.memory_space<vmem>>[vector<16xi32>], vector<16xf32>,
    %get3A_2795 = arith.constant 784 : index
    %get3A_2796 = tpu.vector_load %arg8[%get3A_2795] {strides = array<i32>} : memref<1024xi32, #tpu.memory_space<vmem>>, vector<16xi32>,
    %get3A_2797 = arith.constant 1 : i32
    %get3A_2798 = arith.index_cast %get3A_2797 : i32 to index
    %get3A_2799 = arith.constant 784 : index
    %get3A_2800 = tpu.vector_load %arg7[%get3A_2798, %get3A_2799] {strides = array<i32>} : memref<2x1024xf32, #tpu.memory_space<vmem>>, vector<16xf32>,
    %scatter3A_2801 = arith.constant 1 : i32
    %scatter3A_2802 = arith.constant 0 : i32
    %scatter3A_2803 = tpu.memref_slice %arg6[%scatter3A_2801, %scatter3A_2802] : memref<2x32136xf32, #tpu.memory_space<vmem>> -> memref<1x32136xf32, #tpu.memory_space<vmem>>
    %scatter3A_2804 = tpu.memref_squeeze %scatter3A_2803 : memref<1x32136xf32, #tpu.memory_space<vmem>> -> memref<32136xf32, #tpu.memory_space<vmem>>
    tpu.vector_store_idx %scatter3A_2804[%get3A_2796], %get3A_2800 {add = true} : memref<32136xf32, #tpu.memory_space<vmem>>[vector<16xi32>], vector<16xf32>,
    %get3A_2805 = arith.constant 800 : index
    %get3A_2806 = tpu.vector_load %arg8[%get3A_2805] {strides = array<i32>} : memref<1024xi32, #tpu.memory_space<vmem>>, vector<16xi32>,
    %get3A_2807 = arith.constant 1 : i32
    %get3A_2808 = arith.index_cast %get3A_2807 : i32 to index
    %get3A_2809 = arith.constant 800 : index
    %get3A_2810 = tpu.vector_load %arg7[%get3A_2808, %get3A_2809] {strides = array<i32>} : memref<2x1024xf32, #tpu.memory_space<vmem>>, vector<16xf32>,
    %scatter3A_2811 = arith.constant 1 : i32
    %scatter3A_2812 = arith.constant 0 : i32
    %scatter3A_2813 = tpu.memref_slice %arg6[%scatter3A_2811, %scatter3A_2812] : memref<2x32136xf32, #tpu.memory_space<vmem>> -> memref<1x32136xf32, #tpu.memory_space<vmem>>
    %scatter3A_2814 = tpu.memref_squeeze %scatter3A_2813 : memref<1x32136xf32, #tpu.memory_space<vmem>> -> memref<32136xf32, #tpu.memory_space<vmem>>
    tpu.vector_store_idx %scatter3A_2814[%get3A_2806], %get3A_2810 {add = true} : memref<32136xf32, #tpu.memory_space<vmem>>[vector<16xi32>], vector<16xf32>,
    %get3A_2815 = arith.constant 816 : index
    %get3A_2816 = tpu.vector_load %arg8[%get3A_2815] {strides = array<i32>} : memref<1024xi32, #tpu.memory_space<vmem>>, vector<16xi32>,
    %get3A_2817 = arith.constant 1 : i32
    %get3A_2818 = arith.index_cast %get3A_2817 : i32 to index
    %get3A_2819 = arith.constant 816 : index
    %get3A_2820 = tpu.vector_load %arg7[%get3A_2818, %get3A_2819] {strides = array<i32>} : memref<2x1024xf32, #tpu.memory_space<vmem>>, vector<16xf32>,
    %scatter3A_2821 = arith.constant 1 : i32
    %scatter3A_2822 = arith.constant 0 : i32
    %scatter3A_2823 = tpu.memref_slice %arg6[%scatter3A_2821, %scatter3A_2822] : memref<2x32136xf32, #tpu.memory_space<vmem>> -> memref<1x32136xf32, #tpu.memory_space<vmem>>
    %scatter3A_2824 = tpu.memref_squeeze %scatter3A_2823 : memref<1x32136xf32, #tpu.memory_space<vmem>> -> memref<32136xf32, #tpu.memory_space<vmem>>
    tpu.vector_store_idx %scatter3A_2824[%get3A_2816], %get3A_2820 {add = true} : memref<32136xf32, #tpu.memory_space<vmem>>[vector<16xi32>], vector<16xf32>,
    %get3A_2825 = arith.constant 832 : index
    %get3A_2826 = tpu.vector_load %arg8[%get3A_2825] {strides = array<i32>} : memref<1024xi32, #tpu.memory_space<vmem>>, vector<16xi32>,
    %get3A_2827 = arith.constant 1 : i32
    %get3A_2828 = arith.index_cast %get3A_2827 : i32 to index
    %get3A_2829 = arith.constant 832 : index
    %get3A_2830 = tpu.vector_load %arg7[%get3A_2828, %get3A_2829] {strides = array<i32>} : memref<2x1024xf32, #tpu.memory_space<vmem>>, vector<16xf32>,
    %scatter3A_2831 = arith.constant 1 : i32
    %scatter3A_2832 = arith.constant 0 : i32
    %scatter3A_2833 = tpu.memref_slice %arg6[%scatter3A_2831, %scatter3A_2832] : memref<2x32136xf32, #tpu.memory_space<vmem>> -> memref<1x32136xf32, #tpu.memory_space<vmem>>
    %scatter3A_2834 = tpu.memref_squeeze %scatter3A_2833 : memref<1x32136xf32, #tpu.memory_space<vmem>> -> memref<32136xf32, #tpu.memory_space<vmem>>
    tpu.vector_store_idx %scatter3A_2834[%get3A_2826], %get3A_2830 {add = true} : memref<32136xf32, #tpu.memory_space<vmem>>[vector<16xi32>], vector<16xf32>,
    %get3A_2835 = arith.constant 848 : index
    %get3A_2836 = tpu.vector_load %arg8[%get3A_2835] {strides = array<i32>} : memref<1024xi32, #tpu.memory_space<vmem>>, vector<16xi32>,
    %get3A_2837 = arith.constant 1 : i32
    %get3A_2838 = arith.index_cast %get3A_2837 : i32 to index
    %get3A_2839 = arith.constant 848 : index
    %get3A_2840 = tpu.vector_load %arg7[%get3A_2838, %get3A_2839] {strides = array<i32>} : memref<2x1024xf32, #tpu.memory_space<vmem>>, vector<16xf32>,
    %scatter3A_2841 = arith.constant 1 : i32
    %scatter3A_2842 = arith.constant 0 : i32
    %scatter3A_2843 = tpu.memref_slice %arg6[%scatter3A_2841, %scatter3A_2842] : memref<2x32136xf32, #tpu.memory_space<vmem>> -> memref<1x32136xf32, #tpu.memory_space<vmem>>
    %scatter3A_2844 = tpu.memref_squeeze %scatter3A_2843 : memref<1x32136xf32, #tpu.memory_space<vmem>> -> memref<32136xf32, #tpu.memory_space<vmem>>
    tpu.vector_store_idx %scatter3A_2844[%get3A_2836], %get3A_2840 {add = true} : memref<32136xf32, #tpu.memory_space<vmem>>[vector<16xi32>], vector<16xf32>,
    %get3A_2845 = arith.constant 864 : index
    %get3A_2846 = tpu.vector_load %arg8[%get3A_2845] {strides = array<i32>} : memref<1024xi32, #tpu.memory_space<vmem>>, vector<16xi32>,
    %get3A_2847 = arith.constant 1 : i32
    %get3A_2848 = arith.index_cast %get3A_2847 : i32 to index
    %get3A_2849 = arith.constant 864 : index
    %get3A_2850 = tpu.vector_load %arg7[%get3A_2848, %get3A_2849] {strides = array<i32>} : memref<2x1024xf32, #tpu.memory_space<vmem>>, vector<16xf32>,
    %scatter3A_2851 = arith.constant 1 : i32
    %scatter3A_2852 = arith.constant 0 : i32
    %scatter3A_2853 = tpu.memref_slice %arg6[%scatter3A_2851, %scatter3A_2852] : memref<2x32136xf32, #tpu.memory_space<vmem>> -> memref<1x32136xf32, #tpu.memory_space<vmem>>
    %scatter3A_2854 = tpu.memref_squeeze %scatter3A_2853 : memref<1x32136xf32, #tpu.memory_space<vmem>> -> memref<32136xf32, #tpu.memory_space<vmem>>
    tpu.vector_store_idx %scatter3A_2854[%get3A_2846], %get3A_2850 {add = true} : memref<32136xf32, #tpu.memory_space<vmem>>[vector<16xi32>], vector<16xf32>,
    %get3A_2855 = arith.constant 880 : index
    %get3A_2856 = tpu.vector_load %arg8[%get3A_2855] {strides = array<i32>} : memref<1024xi32, #tpu.memory_space<vmem>>, vector<16xi32>,
    %get3A_2857 = arith.constant 1 : i32
    %get3A_2858 = arith.index_cast %get3A_2857 : i32 to index
    %get3A_2859 = arith.constant 880 : index
    %get3A_2860 = tpu.vector_load %arg7[%get3A_2858, %get3A_2859] {strides = array<i32>} : memref<2x1024xf32, #tpu.memory_space<vmem>>, vector<16xf32>,
    %scatter3A_2861 = arith.constant 1 : i32
    %scatter3A_2862 = arith.constant 0 : i32
    %scatter3A_2863 = tpu.memref_slice %arg6[%scatter3A_2861, %scatter3A_2862] : memref<2x32136xf32, #tpu.memory_space<vmem>> -> memref<1x32136xf32, #tpu.memory_space<vmem>>
    %scatter3A_2864 = tpu.memref_squeeze %scatter3A_2863 : memref<1x32136xf32, #tpu.memory_space<vmem>> -> memref<32136xf32, #tpu.memory_space<vmem>>
    tpu.vector_store_idx %scatter3A_2864[%get3A_2856], %get3A_2860 {add = true} : memref<32136xf32, #tpu.memory_space<vmem>>[vector<16xi32>], vector<16xf32>,
    %get3A_2865 = arith.constant 896 : index
    %get3A_2866 = tpu.vector_load %arg8[%get3A_2865] {strides = array<i32>} : memref<1024xi32, #tpu.memory_space<vmem>>, vector<16xi32>,
    %get3A_2867 = arith.constant 1 : i32
    %get3A_2868 = arith.index_cast %get3A_2867 : i32 to index
    %get3A_2869 = arith.constant 896 : index
    %get3A_2870 = tpu.vector_load %arg7[%get3A_2868, %get3A_2869] {strides = array<i32>} : memref<2x1024xf32, #tpu.memory_space<vmem>>, vector<16xf32>,
    %scatter3A_2871 = arith.constant 1 : i32
    %scatter3A_2872 = arith.constant 0 : i32
    %scatter3A_2873 = tpu.memref_slice %arg6[%scatter3A_2871, %scatter3A_2872] : memref<2x32136xf32, #tpu.memory_space<vmem>> -> memref<1x32136xf32, #tpu.memory_space<vmem>>
    %scatter3A_2874 = tpu.memref_squeeze %scatter3A_2873 : memref<1x32136xf32, #tpu.memory_space<vmem>> -> memref<32136xf32, #tpu.memory_space<vmem>>
    tpu.vector_store_idx %scatter3A_2874[%get3A_2866], %get3A_2870 {add = true} : memref<32136xf32, #tpu.memory_space<vmem>>[vector<16xi32>], vector<16xf32>,
    %get3A_2875 = arith.constant 912 : index
    %get3A_2876 = tpu.vector_load %arg8[%get3A_2875] {strides = array<i32>} : memref<1024xi32, #tpu.memory_space<vmem>>, vector<16xi32>,
    %get3A_2877 = arith.constant 1 : i32
    %get3A_2878 = arith.index_cast %get3A_2877 : i32 to index
    %get3A_2879 = arith.constant 912 : index
    %get3A_2880 = tpu.vector_load %arg7[%get3A_2878, %get3A_2879] {strides = array<i32>} : memref<2x1024xf32, #tpu.memory_space<vmem>>, vector<16xf32>,
    %scatter3A_2881 = arith.constant 1 : i32
    %scatter3A_2882 = arith.constant 0 : i32
    %scatter3A_2883 = tpu.memref_slice %arg6[%scatter3A_2881, %scatter3A_2882] : memref<2x32136xf32, #tpu.memory_space<vmem>> -> memref<1x32136xf32, #tpu.memory_space<vmem>>
    %scatter3A_2884 = tpu.memref_squeeze %scatter3A_2883 : memref<1x32136xf32, #tpu.memory_space<vmem>> -> memref<32136xf32, #tpu.memory_space<vmem>>
    tpu.vector_store_idx %scatter3A_2884[%get3A_2876], %get3A_2880 {add = true} : memref<32136xf32, #tpu.memory_space<vmem>>[vector<16xi32>], vector<16xf32>,
    %get3A_2885 = arith.constant 928 : index
    %get3A_2886 = tpu.vector_load %arg8[%get3A_2885] {strides = array<i32>} : memref<1024xi32, #tpu.memory_space<vmem>>, vector<16xi32>,
    %get3A_2887 = arith.constant 1 : i32
    %get3A_2888 = arith.index_cast %get3A_2887 : i32 to index
    %get3A_2889 = arith.constant 928 : index
    %get3A_2890 = tpu.vector_load %arg7[%get3A_2888, %get3A_2889] {strides = array<i32>} : memref<2x1024xf32, #tpu.memory_space<vmem>>, vector<16xf32>,
    %scatter3A_2891 = arith.constant 1 : i32
    %scatter3A_2892 = arith.constant 0 : i32
    %scatter3A_2893 = tpu.memref_slice %arg6[%scatter3A_2891, %scatter3A_2892] : memref<2x32136xf32, #tpu.memory_space<vmem>> -> memref<1x32136xf32, #tpu.memory_space<vmem>>
    %scatter3A_2894 = tpu.memref_squeeze %scatter3A_2893 : memref<1x32136xf32, #tpu.memory_space<vmem>> -> memref<32136xf32, #tpu.memory_space<vmem>>
    tpu.vector_store_idx %scatter3A_2894[%get3A_2886], %get3A_2890 {add = true} : memref<32136xf32, #tpu.memory_space<vmem>>[vector<16xi32>], vector<16xf32>,
    %get3A_2895 = arith.constant 944 : index
    %get3A_2896 = tpu.vector_load %arg8[%get3A_2895] {strides = array<i32>} : memref<1024xi32, #tpu.memory_space<vmem>>, vector<16xi32>,
    %get3A_2897 = arith.constant 1 : i32
    %get3A_2898 = arith.index_cast %get3A_2897 : i32 to index
    %get3A_2899 = arith.constant 944 : index
    %get3A_2900 = tpu.vector_load %arg7[%get3A_2898, %get3A_2899] {strides = array<i32>} : memref<2x1024xf32, #tpu.memory_space<vmem>>, vector<16xf32>,
    %scatter3A_2901 = arith.constant 1 : i32
    %scatter3A_2902 = arith.constant 0 : i32
    %scatter3A_2903 = tpu.memref_slice %arg6[%scatter3A_2901, %scatter3A_2902] : memref<2x32136xf32, #tpu.memory_space<vmem>> -> memref<1x32136xf32, #tpu.memory_space<vmem>>
    %scatter3A_2904 = tpu.memref_squeeze %scatter3A_2903 : memref<1x32136xf32, #tpu.memory_space<vmem>> -> memref<32136xf32, #tpu.memory_space<vmem>>
    tpu.vector_store_idx %scatter3A_2904[%get3A_2896], %get3A_2900 {add = true} : memref<32136xf32, #tpu.memory_space<vmem>>[vector<16xi32>], vector<16xf32>,
    %get3A_2905 = arith.constant 960 : index
    %get3A_2906 = tpu.vector_load %arg8[%get3A_2905] {strides = array<i32>} : memref<1024xi32, #tpu.memory_space<vmem>>, vector<16xi32>,
    %get3A_2907 = arith.constant 1 : i32
    %get3A_2908 = arith.index_cast %get3A_2907 : i32 to index
    %get3A_2909 = arith.constant 960 : index
    %get3A_2910 = tpu.vector_load %arg7[%get3A_2908, %get3A_2909] {strides = array<i32>} : memref<2x1024xf32, #tpu.memory_space<vmem>>, vector<16xf32>,
    %scatter3A_2911 = arith.constant 1 : i32
    %scatter3A_2912 = arith.constant 0 : i32
    %scatter3A_2913 = tpu.memref_slice %arg6[%scatter3A_2911, %scatter3A_2912] : memref<2x32136xf32, #tpu.memory_space<vmem>> -> memref<1x32136xf32, #tpu.memory_space<vmem>>
    %scatter3A_2914 = tpu.memref_squeeze %scatter3A_2913 : memref<1x32136xf32, #tpu.memory_space<vmem>> -> memref<32136xf32, #tpu.memory_space<vmem>>
    tpu.vector_store_idx %scatter3A_2914[%get3A_2906], %get3A_2910 {add = true} : memref<32136xf32, #tpu.memory_space<vmem>>[vector<16xi32>], vector<16xf32>,
    %get3A_2915 = arith.constant 976 : index
    %get3A_2916 = tpu.vector_load %arg8[%get3A_2915] {strides = array<i32>} : memref<1024xi32, #tpu.memory_space<vmem>>, vector<16xi32>,
    %get3A_2917 = arith.constant 1 : i32
    %get3A_2918 = arith.index_cast %get3A_2917 : i32 to index
    %get3A_2919 = arith.constant 976 : index
    %get3A_2920 = tpu.vector_load %arg7[%get3A_2918, %get3A_2919] {strides = array<i32>} : memref<2x1024xf32, #tpu.memory_space<vmem>>, vector<16xf32>,
    %scatter3A_2921 = arith.constant 1 : i32
    %scatter3A_2922 = arith.constant 0 : i32
    %scatter3A_2923 = tpu.memref_slice %arg6[%scatter3A_2921, %scatter3A_2922] : memref<2x32136xf32, #tpu.memory_space<vmem>> -> memref<1x32136xf32, #tpu.memory_space<vmem>>
    %scatter3A_2924 = tpu.memref_squeeze %scatter3A_2923 : memref<1x32136xf32, #tpu.memory_space<vmem>> -> memref<32136xf32, #tpu.memory_space<vmem>>
    tpu.vector_store_idx %scatter3A_2924[%get3A_2916], %get3A_2920 {add = true} : memref<32136xf32, #tpu.memory_space<vmem>>[vector<16xi32>], vector<16xf32>,
    %get3A_2925 = arith.constant 992 : index
    %get3A_2926 = tpu.vector_load %arg8[%get3A_2925] {strides = array<i32>} : memref<1024xi32, #tpu.memory_space<vmem>>, vector<16xi32>,
    %get3A_2927 = arith.constant 1 : i32
    %get3A_2928 = arith.index_cast %get3A_2927 : i32 to index
    %get3A_2929 = arith.constant 992 : index
    %get3A_2930 = tpu.vector_load %arg7[%get3A_2928, %get3A_2929] {strides = array<i32>} : memref<2x1024xf32, #tpu.memory_space<vmem>>, vector<16xf32>,
    %scatter3A_2931 = arith.constant 1 : i32
    %scatter3A_2932 = arith.constant 0 : i32
    %scatter3A_2933 = tpu.memref_slice %arg6[%scatter3A_2931, %scatter3A_2932] : memref<2x32136xf32, #tpu.memory_space<vmem>> -> memref<1x32136xf32, #tpu.memory_space<vmem>>
    %scatter3A_2934 = tpu.memref_squeeze %scatter3A_2933 : memref<1x32136xf32, #tpu.memory_space<vmem>> -> memref<32136xf32, #tpu.memory_space<vmem>>
    tpu.vector_store_idx %scatter3A_2934[%get3A_2926], %get3A_2930 {add = true} : memref<32136xf32, #tpu.memory_space<vmem>>[vector<16xi32>], vector<16xf32>,
    %get3A_2935 = arith.constant 1008 : index
    %get3A_2936 = tpu.vector_load %arg8[%get3A_2935] {strides = array<i32>} : memref<1024xi32, #tpu.memory_space<vmem>>, vector<16xi32>,
    %get3A_2937 = arith.constant 1 : i32
    %get3A_2938 = arith.index_cast %get3A_2937 : i32 to index
    %get3A_2939 = arith.constant 1008 : index
    %get3A_2940 = tpu.vector_load %arg7[%get3A_2938, %get3A_2939] {strides = array<i32>} : memref<2x1024xf32, #tpu.memory_space<vmem>>, vector<16xf32>,
    %scatter3A_2941 = arith.constant 1 : i32
    %scatter3A_2942 = arith.constant 0 : i32
    %scatter3A_2943 = tpu.memref_slice %arg6[%scatter3A_2941, %scatter3A_2942] : memref<2x32136xf32, #tpu.memory_space<vmem>> -> memref<1x32136xf32, #tpu.memory_space<vmem>>
    %scatter3A_2944 = tpu.memref_squeeze %scatter3A_2943 : memref<1x32136xf32, #tpu.memory_space<vmem>> -> memref<32136xf32, #tpu.memory_space<vmem>>
    tpu.vector_store_idx %scatter3A_2944[%get3A_2936], %get3A_2940 {add = true} : memref<32136xf32, #tpu.memory_space<vmem>>[vector<16xi32>], vector<16xf32>,
    %add3A_2945 = arith.constant 3 : i32
    %add3A_2946 = arith.addi %mul3A_32, %add3A_2945 : i32
    %dma_start3A_2947 = arith.constant 1 : i32
    %dma_start3A_2948 = arith.constant 1 : i32
    %dma_start3A_2949 = arith.constant 0 : i32
    %dma_start3A_2950 = tpu.memref_slice %arg6[%dma_start3A_2947, %dma_start3A_2949] : memref<2x32136xf32, #tpu.memory_space<vmem>> -> memref<1x32128xf32, #tpu.memory_space<vmem>>
    %dma_start3A_2951 = tpu.memref_squeeze %dma_start3A_2950 : memref<1x32128xf32, #tpu.memory_space<vmem>> -> memref<32128xf32, #tpu.memory_space<vmem>>
    %dma_start3A_2952 = arith.constant 0 : i32
    %dma_start3A_2953 = tpu.memref_slice %arg5[%select_n3A, %add3A_2946, %dma_start3A_2952] : memref<8x16x32128xf32, #tpu.memory_space<hbm>> -> memref<1x1x32128xf32, #tpu.memory_space<hbm>>
    %dma_start3A_2954 = tpu.memref_squeeze %dma_start3A_2953 : memref<1x1x32128xf32, #tpu.memory_space<hbm>> -> memref<32128xf32, #tpu.memory_space<hbm>>
    %dma_start3A_2955 = tpu.memref_slice %arg10[%dma_start3A_2948] : memref<2x!tpu.dma_semaphore, #tpu.memory_space<semaphore_mem>> -> memref<1x!tpu.dma_semaphore, #tpu.memory_space<semaphore_mem>>
    %dma_start3A_2956 = tpu.memref_squeeze %dma_start3A_2955 : memref<1x!tpu.dma_semaphore, #tpu.memory_space<semaphore_mem>> -> memref<!tpu.dma_semaphore, #tpu.memory_space<semaphore_mem>>
    %dma_start3A_2957 = arith.constant 0 : i32
    %dma_start3A_2958 = tpu.memref_slice %arg5[%select_n3A, %add3A_2946, %dma_start3A_2957] : memref<8x16x32128xf32, #tpu.memory_space<hbm>> -> memref<1x1x32128xf32, #tpu.memory_space<hbm>>
    %dma_start3A_2959 = tpu.memref_squeeze %dma_start3A_2958 : memref<1x1x32128xf32, #tpu.memory_space<hbm>> -> memref<32128xf32, #tpu.memory_space<hbm>>
    %dma_start3A_2960 = arith.constant 0 : i32
    %dma_start3A_2961 = tpu.memref_slice %arg6[%dma_start3A_2947, %dma_start3A_2960] : memref<2x32136xf32, #tpu.memory_space<vmem>> -> memref<1x32128xf32, #tpu.memory_space<vmem>>
    %dma_start3A_2962 = tpu.memref_squeeze %dma_start3A_2961 : memref<1x32128xf32, #tpu.memory_space<vmem>> -> memref<32128xf32, #tpu.memory_space<vmem>>
    tpu.enqueue_dma source(%dma_start3A_2962 : memref<32128xf32, #tpu.memory_space<vmem>>) target(%dma_start3A_2959 : memref<32128xf32, #tpu.memory_space<hbm>>) target_semaphore(%dma_start3A_2956 : memref<!tpu.dma_semaphore, #tpu.memory_space<semaphore_mem>>)
    %add3A_2963 = arith.constant 2 : i32
    %add3A_2964 = arith.addi %mul3A_32, %add3A_2963 : i32
    %dma_wait3A_2965 = arith.constant 0 : i32
    %dma_wait3A_2966 = arith.constant 0 : i32
    %dma_wait3A_2967 = arith.constant 0 : i32
    %dma_wait3A_2968 = tpu.memref_slice %arg6[%dma_wait3A_2965, %dma_wait3A_2967] : memref<2x32136xf32, #tpu.memory_space<vmem>> -> memref<1x32128xf32, #tpu.memory_space<vmem>>
    %dma_wait3A_2969 = tpu.memref_squeeze %dma_wait3A_2968 : memref<1x32128xf32, #tpu.memory_space<vmem>> -> memref<32128xf32, #tpu.memory_space<vmem>>
    %dma_wait3A_2970 = arith.constant 0 : i32
    %dma_wait3A_2971 = tpu.memref_slice %arg5[%select_n3A, %add3A_2964, %dma_wait3A_2970] : memref<8x16x32128xf32, #tpu.memory_space<hbm>> -> memref<1x1x32128xf32, #tpu.memory_space<hbm>>
    %dma_wait3A_2972 = tpu.memref_squeeze %dma_wait3A_2971 : memref<1x1x32128xf32, #tpu.memory_space<hbm>> -> memref<32128xf32, #tpu.memory_space<hbm>>
    %dma_wait3A_2973 = tpu.memref_slice %arg10[%dma_wait3A_2966] : memref<2x!tpu.dma_semaphore, #tpu.memory_space<semaphore_mem>> -> memref<1x!tpu.dma_semaphore, #tpu.memory_space<semaphore_mem>>
    %dma_wait3A_2974 = tpu.memref_squeeze %dma_wait3A_2973 : memref<1x!tpu.dma_semaphore, #tpu.memory_space<semaphore_mem>> -> memref<!tpu.dma_semaphore, #tpu.memory_space<semaphore_mem>>
    %dma_wait3A_2975 = arith.constant 0 : i32
    %dma_wait3A_2976 = tpu.memref_slice %arg5[%select_n3A, %add3A_2964, %dma_wait3A_2975] : memref<8x16x32128xf32, #tpu.memory_space<hbm>> -> memref<1x1x32128xf32, #tpu.memory_space<hbm>>
    %dma_wait3A_2977 = tpu.memref_squeeze %dma_wait3A_2976 : memref<1x1x32128xf32, #tpu.memory_space<hbm>> -> memref<32128xf32, #tpu.memory_space<hbm>>
    %dma_wait3A_2978 = arith.constant 0 : i32
    %dma_wait3A_2979 = tpu.memref_slice %arg6[%dma_wait3A_2965, %dma_wait3A_2978] : memref<2x32136xf32, #tpu.memory_space<vmem>> -> memref<1x32128xf32, #tpu.memory_space<vmem>>
    %dma_wait3A_2980 = tpu.memref_squeeze %dma_wait3A_2979 : memref<1x32128xf32, #tpu.memory_space<vmem>> -> memref<32128xf32, #tpu.memory_space<vmem>>
    tpu.wait_dma2 semaphore(%dma_wait3A_2974 : memref<!tpu.dma_semaphore, #tpu.memory_space<semaphore_mem>>) src(%dma_wait3A_2980 : memref<32128xf32, #tpu.memory_space<vmem>>) dst(%dma_wait3A_2977 : memref<32128xf32, #tpu.memory_space<hbm>>)
    %add3A_2981 = arith.constant 3 : i32
    %add3A_2982 = arith.addi %mul3A_32, %add3A_2981 : i32
    %dma_wait3A_2983 = arith.constant 1 : i32
    %dma_wait3A_2984 = arith.constant 1 : i32
    %dma_wait3A_2985 = arith.constant 0 : i32
    %dma_wait3A_2986 = tpu.memref_slice %arg6[%dma_wait3A_2983, %dma_wait3A_2985] : memref<2x32136xf32, #tpu.memory_space<vmem>> -> memref<1x32128xf32, #tpu.memory_space<vmem>>
    %dma_wait3A_2987 = tpu.memref_squeeze %dma_wait3A_2986 : memref<1x32128xf32, #tpu.memory_space<vmem>> -> memref<32128xf32, #tpu.memory_space<vmem>>
    %dma_wait3A_2988 = arith.constant 0 : i32
    %dma_wait3A_2989 = tpu.memref_slice %arg5[%select_n3A, %add3A_2982, %dma_wait3A_2988] : memref<8x16x32128xf32, #tpu.memory_space<hbm>> -> memref<1x1x32128xf32, #tpu.memory_space<hbm>>
    %dma_wait3A_2990 = tpu.memref_squeeze %dma_wait3A_2989 : memref<1x1x32128xf32, #tpu.memory_space<hbm>> -> memref<32128xf32, #tpu.memory_space<hbm>>
    %dma_wait3A_2991 = tpu.memref_slice %arg10[%dma_wait3A_2984] : memref<2x!tpu.dma_semaphore, #tpu.memory_space<semaphore_mem>> -> memref<1x!tpu.dma_semaphore, #tpu.memory_space<semaphore_mem>>
    %dma_wait3A_2992 = tpu.memref_squeeze %dma_wait3A_2991 : memref<1x!tpu.dma_semaphore, #tpu.memory_space<semaphore_mem>> -> memref<!tpu.dma_semaphore, #tpu.memory_space<semaphore_mem>>
    %dma_wait3A_2993 = arith.constant 0 : i32
    %dma_wait3A_2994 = tpu.memref_slice %arg5[%select_n3A, %add3A_2982, %dma_wait3A_2993] : memref<8x16x32128xf32, #tpu.memory_space<hbm>> -> memref<1x1x32128xf32, #tpu.memory_space<hbm>>
    %dma_wait3A_2995 = tpu.memref_squeeze %dma_wait3A_2994 : memref<1x1x32128xf32, #tpu.memory_space<hbm>> -> memref<32128xf32, #tpu.memory_space<hbm>>
    %dma_wait3A_2996 = arith.constant 0 : i32
    %dma_wait3A_2997 = tpu.memref_slice %arg6[%dma_wait3A_2983, %dma_wait3A_2996] : memref<2x32136xf32, #tpu.memory_space<vmem>> -> memref<1x32128xf32, #tpu.memory_space<vmem>>
    %dma_wait3A_2998 = tpu.memref_squeeze %dma_wait3A_2997 : memref<1x32128xf32, #tpu.memory_space<vmem>> -> memref<32128xf32, #tpu.memory_space<vmem>>
    tpu.wait_dma2 semaphore(%dma_wait3A_2992 : memref<!tpu.dma_semaphore, #tpu.memory_space<semaphore_mem>>) src(%dma_wait3A_2998 : memref<32128xf32, #tpu.memory_space<vmem>>) dst(%dma_wait3A_2995 : memref<32128xf32, #tpu.memory_space<hbm>>)
    return
  }
}

module attributes {stable_mosaic.version = 14 : i64} {
  func.func @_attn_body(%arg0: i32, %arg1: memref<1x16x512xf32, #tpu.memory_space<vmem>>, %arg2: memref<1x4x200x512xf32, #tpu.memory_space<vmem>>, %arg3: memref<1x4x200xi32, #tpu.memory_space<vmem>>, %arg4: memref<1x16x32128xf32, #tpu.memory_space<vmem>>, %arg5: memref<512x512xf32, #tpu.memory_space<vmem>>, %arg6: memref<1x512xf32, #tpu.memory_space<vmem>>, %arg7: memref<512x512xf32, #tpu.memory_space<vmem>>, %arg8: memref<1x512xf32, #tpu.memory_space<vmem>>, %arg9: memref<512x512xf32, #tpu.memory_space<vmem>>, %arg10: memref<1x512xf32, #tpu.memory_space<vmem>>, %arg11: memref<1x512xf32, #tpu.memory_space<vmem>>, %arg12: memref<1x512xf32, #tpu.memory_space<vmem>>, %arg13: memref<1x1xf32, #tpu.memory_space<vmem>>, %arg14: memref<514048xf32, #tpu.memory_space<vmem>>, %arg15: memref<16384xf32, #tpu.memory_space<vmem>>, %arg16: memref<1024xi32, #tpu.memory_space<vmem>>) attributes {dimension_semantics = [#tpu.dimension_semantics<arbitrary>], iteration_bounds = array<i64: 8>, scalar_prefetch = 0 : i64, scratch_operands = 0 : i64, tpu.core_type = #tpu.core_type<tc>, window_params = [{transform_indices = @transform_0, window_bounds = array<i64: 1, 16, 512>}, {transform_indices = @transform_1, window_bounds = array<i64: 1, 4, 200, 512>}, {transform_indices = @transform_2, window_bounds = array<i64: 1, 4, 200>}, {transform_indices = @transform_3, window_bounds = array<i64: 1, 16, 32128>}, {pipeline_mode = #tpu.pipeline_mode<synchronous>, transform_indices = @transform_4, window_bounds = array<i64: 512, 512>}, {pipeline_mode = #tpu.pipeline_mode<synchronous>, transform_indices = @transform_5, window_bounds = array<i64: 1, 512>}, {pipeline_mode = #tpu.pipeline_mode<synchronous>, transform_indices = @transform_6, window_bounds = array<i64: 512, 512>}, {pipeline_mode = #tpu.pipeline_mode<synchronous>, transform_indices = @transform_7, window_bounds = array<i64: 1, 512>}, {pipeline_mode = #tpu.pipeline_mode<synchronous>, transform_indices = @transform_8, window_bounds = array<i64: 512, 512>}, {pipeline_mode = #tpu.pipeline_mode<synchronous>, transform_indices = @transform_9, window_bounds = array<i64: 1, 512>}, {pipeline_mode = #tpu.pipeline_mode<synchronous>, transform_indices = @transform_10, window_bounds = array<i64: 1, 512>}, {pipeline_mode = #tpu.pipeline_mode<synchronous>, transform_indices = @transform_11, window_bounds = array<i64: 1, 512>}, {pipeline_mode = #tpu.pipeline_mode<synchronous>, transform_indices = @transform_12, window_bounds = array<i64: 1, 1>}, {transform_indices = @transform_13, window_bounds = array<i64: 514048>}, {transform_indices = @transform_14, window_bounds = array<i64: 16384>}, {transform_indices = @transform_15, window_bounds = array<i64: 1024>}]} {
    %get3A = arith.constant 0 : index
    %get3A_0 = arith.constant 0 : index
    %get3A_1 = arith.constant 0 : index
    %get3A_2 = vector.load %arg1[%get3A, %get3A_0, %get3A_1] : memref<1x16x512xf32, #tpu.memory_space<vmem>>, vector<1x16x512xf32>
    %get3A_3 = vector.shape_cast %get3A_2 : vector<1x16x512xf32> to vector<16x512xf32>
    %get3A_4 = arith.constant 0 : index
    %get3A_5 = arith.constant 0 : index
    %get3A_6 = vector.load %arg5[%get3A_4, %get3A_5] : memref<512x512xf32, #tpu.memory_space<vmem>>, vector<512x512xf32>
    %dot_general3A = arith.constant dense<0.000000e+00> : vector<16x512xf32>
    %dot_general3A_7 = tpu.matmul %get3A_3, %get3A_6, %dot_general3A {dimension_numbers = #tpu.dot_dimension_numbers<[1], [0], [0], [1], [0, 0, 1, 1], [], []>, transpose_lhs_hint = false} : vector<16x512xf32>, vector<512x512xf32>, vector<16x512xf32> -> vector<16x512xf32>
    %get3A_8 = arith.constant 0 : index
    %get3A_9 = arith.constant 0 : index
    %get3A_10 = vector.load %arg6[%get3A_8, %get3A_9] : memref<1x512xf32, #tpu.memory_space<vmem>>, vector<1x512xf32>
    %get3A_11 = vector.shape_cast %get3A_10 : vector<1x512xf32> to vector<512xf32>
    %broadcast_in_dim3A = vector.shape_cast %get3A_11 : vector<512xf32> to vector<1x512xf32>
    %add3A = vector.broadcast %broadcast_in_dim3A : vector<1x512xf32> to vector<16x512xf32>
    %add3A_12 = arith.addf %dot_general3A_7, %add3A : vector<16x512xf32>
    %get3A_13 = arith.constant 0 : index
    %get3A_14 = arith.constant 0 : index
    %get3A_15 = vector.load %arg7[%get3A_13, %get3A_14] : memref<512x512xf32, #tpu.memory_space<vmem>>, vector<512x512xf32>
    %dot_general3A_16 = arith.constant dense<0.000000e+00> : vector<16x512xf32>
    %dot_general3A_17 = tpu.matmul %add3A_12, %get3A_15, %dot_general3A_16 {dimension_numbers = #tpu.dot_dimension_numbers<[1], [1], [0], [0], [0, 0, 1, 0], [], []>, transpose_lhs_hint = false} : vector<16x512xf32>, vector<512x512xf32>, vector<16x512xf32> -> vector<16x512xf32>
    %get3A_18 = arith.constant 0 : index
    %get3A_19 = arith.constant 0 : index
    %get3A_20 = vector.load %arg8[%get3A_18, %get3A_19] : memref<1x512xf32, #tpu.memory_space<vmem>>, vector<1x512xf32>
    %get3A_21 = vector.shape_cast %get3A_20 : vector<1x512xf32> to vector<512xf32>
    %broadcast_in_dim3A_22 = vector.shape_cast %get3A_21 : vector<512xf32> to vector<1x512xf32>
    %mul3A = vector.broadcast %broadcast_in_dim3A_22 : vector<1x512xf32> to vector<16x512xf32>
    %mul3A_23 = arith.mulf %add3A_12, %mul3A : vector<16x512xf32>
    %reduce_sum3A = arith.constant dense<0.000000e+00> : vector<16xf32>
    %reduce_sum3A_24 = vector.multi_reduction <add>, %mul3A_23, %reduce_sum3A [1] : vector<16x512xf32> to vector<16xf32>
    %broadcast_in_dim3A_25 = vector.shape_cast %reduce_sum3A_24 : vector<16xf32> to vector<16x1xf32>
    %get3A_26 = arith.constant 0 : index
    %get3A_27 = arith.constant 0 : index
    %get3A_28 = vector.load %arg11[%get3A_26, %get3A_27] : memref<1x512xf32, #tpu.memory_space<vmem>>, vector<1x512xf32>
    %get3A_29 = vector.shape_cast %get3A_28 : vector<1x512xf32> to vector<512xf32>
    %broadcast_in_dim3A_30 = vector.shape_cast %get3A_29 : vector<512xf32> to vector<1x512xf32>
    %mul3A_31 = vector.broadcast %broadcast_in_dim3A_30 : vector<1x512xf32> to vector<16x512xf32>
    %mul3A_32 = arith.mulf %get3A_3, %mul3A_31 : vector<16x512xf32>
    %reduce_sum3A_33 = arith.constant dense<0.000000e+00> : vector<16xf32>
    %reduce_sum3A_34 = vector.multi_reduction <add>, %mul3A_32, %reduce_sum3A_33 [1] : vector<16x512xf32> to vector<16xf32>
    %broadcast_in_dim3A_35 = vector.shape_cast %reduce_sum3A_34 : vector<16xf32> to vector<16x1xf32>
    %get3A_36 = arith.constant 0 : index
    %get3A_37 = arith.constant 0 : index
    %get3A_38 = vector.load %arg12[%get3A_36, %get3A_37] : memref<1x512xf32, #tpu.memory_space<vmem>>, vector<1x512xf32>
    %get3A_39 = arith.constant 0 : index
    %get3A_40 = arith.constant 0 : index
    %get3A_41 = vector.load %arg9[%get3A_39, %get3A_40] : memref<512x512xf32, #tpu.memory_space<vmem>>, vector<512x512xf32>
    %dot_general3A_42 = arith.constant dense<0.000000e+00> : vector<1x512xf32>
    %dot_general3A_43 = tpu.matmul %get3A_38, %get3A_41, %dot_general3A_42 {dimension_numbers = #tpu.dot_dimension_numbers<[1], [1], [0], [0], [0, 0, 1, 0], [], []>, transpose_lhs_hint = false} : vector<1x512xf32>, vector<512x512xf32>, vector<1x512xf32> -> vector<1x512xf32>
    %get3A_44 = arith.constant 0 : index
    %get3A_45 = arith.constant 0 : index
    %get3A_46 = vector.load %arg12[%get3A_44, %get3A_45] : memref<1x512xf32, #tpu.memory_space<vmem>>, vector<1x512xf32>
    %get3A_47 = vector.shape_cast %get3A_46 : vector<1x512xf32> to vector<512xf32>
    %get3A_48 = arith.constant 0 : index
    %get3A_49 = arith.constant 0 : index
    %get3A_50 = vector.load %arg10[%get3A_48, %get3A_49] : memref<1x512xf32, #tpu.memory_space<vmem>>, vector<1x512xf32>
    %get3A_51 = vector.shape_cast %get3A_50 : vector<1x512xf32> to vector<512xf32>
    %mul3A_52 = arith.mulf %get3A_47, %get3A_51 : vector<512xf32>
    %reduce_sum3A_53 = vector.shape_cast %mul3A_52 : vector<512xf32> to vector<1x512xf32>
    %reduce_sum3A_54 = arith.constant dense<0.000000e+00> : vector<1xf32>
    %reduce_sum3A_55 = vector.multi_reduction <add>, %reduce_sum3A_53, %reduce_sum3A_54 [1] : vector<1x512xf32> to vector<1xf32>
    %reduce_sum3A_56 = vector.shape_cast %reduce_sum3A_55 : vector<1xf32> to vector<1x1xf32>
    %reduce_sum3A_57 = vector.extract %reduce_sum3A_56[0, 0] : f32 from vector<1x1xf32>
    %get3A_58 = arith.constant 0 : index
    %get3A_59 = arith.constant 0 : index
    %get3A_60 = arith.constant 0 : index
    %get3A_61 = arith.constant 0 : index
    %get3A_62 = vector.load %arg2[%get3A_58, %get3A_59, %get3A_60, %get3A_61] : memref<1x4x200x512xf32, #tpu.memory_space<vmem>>, vector<1x4x200x512xf32>
    %get3A_63 = vector.shape_cast %get3A_62 : vector<1x4x200x512xf32> to vector<4x200x512xf32>
    %reshape3A = vector.shape_cast %get3A_63 : vector<4x200x512xf32> to vector<800x512xf32>
    %dot_general3A_64 = arith.constant dense<0.000000e+00> : vector<16x800xf32>
    %dot_general3A_65 = tpu.matmul %dot_general3A_17, %reshape3A, %dot_general3A_64 {dimension_numbers = #tpu.dot_dimension_numbers<[1], [1], [0], [0], [0, 0, 1, 0], [], []>, transpose_lhs_hint = false} : vector<16x512xf32>, vector<800x512xf32>, vector<16x800xf32> -> vector<16x800xf32>
    %add3A_66 = vector.broadcast %broadcast_in_dim3A_25 : vector<16x1xf32> to vector<16x800xf32>
    %add3A_67 = arith.addf %dot_general3A_65, %add3A_66 : vector<16x800xf32>
    %mul3A_68 = arith.constant 0.0441941731 : f32
    %mul3A_69 = vector.broadcast %mul3A_68 : f32 to vector<16x800xf32>
    %mul3A_70 = arith.mulf %add3A_67, %mul3A_69 : vector<16x800xf32>
    %iota3A = tpu.iota {dimensions = array<i32: 1>} : vector<1x800xi32>
    %jit3A = arith.constant 200 : i32
    %div3A = vector.broadcast %jit3A : i32 to vector<1x800xi32>
    %div3A_71 = arith.divsi %iota3A, %div3A : vector<1x800xi32>
    %sign3A = arith.constant 0 : i32
    %sign3A_72 = vector.broadcast %sign3A : i32 to vector<1x800xi32>
    %sign3A_73 = arith.cmpi sgt, %iota3A, %sign3A_72 : vector<1x800xi32>
    %sign3A_74 = arith.extui %sign3A_73 : vector<1x800xi1> to vector<1x800xi32>
    %sign3A_75 = arith.constant 0 : i32
    %sign3A_76 = vector.broadcast %sign3A_75 : i32 to vector<1x800xi32>
    %sign3A_77 = arith.cmpi slt, %iota3A, %sign3A_76 : vector<1x800xi32>
    %sign3A_78 = arith.extui %sign3A_77 : vector<1x800xi1> to vector<1x800xi32>
    %sign3A_79 = arith.subi %sign3A_74, %sign3A_78 : vector<1x800xi32>
    %sign3A_80 = arith.constant 0 : i32
    %sign3A_81 = arith.cmpi sgt, %jit3A, %sign3A_80 : i32
    %sign3A_82 = arith.extui %sign3A_81 : i1 to i32
    %sign3A_83 = arith.constant 0 : i32
    %sign3A_84 = arith.cmpi slt, %jit3A, %sign3A_83 : i32
    %sign3A_85 = arith.extui %sign3A_84 : i1 to i32
    %sign3A_86 = arith.subi %sign3A_82, %sign3A_85 : i32
    %ne3A = vector.broadcast %sign3A_86 : i32 to vector<1x800xi32>
    %ne3A_87 = arith.cmpi ne, %sign3A_79, %ne3A : vector<1x800xi32>
    %rem3A = vector.broadcast %jit3A : i32 to vector<1x800xi32>
    %rem3A_88 = arith.remsi %iota3A, %rem3A : vector<1x800xi32>
    %ne3A_89 = arith.constant 0 : i32
    %ne3A_90 = vector.broadcast %ne3A_89 : i32 to vector<1x800xi32>
    %ne3A_91 = arith.cmpi ne, %rem3A_88, %ne3A_90 : vector<1x800xi32>
    %and3A = arith.andi %ne3A_87, %ne3A_91 : vector<1x800xi1>
    %sub3A = arith.constant 1 : i32
    %sub3A_92 = vector.broadcast %sub3A : i32 to vector<1x800xi32>
    %sub3A_93 = arith.subi %div3A_71, %sub3A_92 : vector<1x800xi32>
    %select_n3A = arith.select %and3A, %sub3A_93, %div3A_71 : vector<1x800xi1>, vector<1x800xi32>
    %eq3A = arith.constant 0 : i32
    %eq3A_94 = vector.broadcast %eq3A : i32 to vector<1x800xi32>
    %eq3A_95 = arith.cmpi eq, %select_n3A, %eq3A_94 : vector<1x800xi32>
    %eq3A_96 = arith.constant 1 : i32
    %eq3A_97 = vector.broadcast %eq3A_96 : i32 to vector<1x800xi32>
    %eq3A_98 = arith.cmpi eq, %select_n3A, %eq3A_97 : vector<1x800xi32>
    %eq3A_99 = arith.constant 2 : i32
    %eq3A_100 = vector.broadcast %eq3A_99 : i32 to vector<1x800xi32>
    %eq3A_101 = arith.cmpi eq, %select_n3A, %eq3A_100 : vector<1x800xi32>
    %eq3A_102 = arith.constant 3 : i32
    %eq3A_103 = vector.broadcast %eq3A_102 : i32 to vector<1x800xi32>
    %eq3A_104 = arith.cmpi eq, %select_n3A, %eq3A_103 : vector<1x800xi32>
    %get3A_105 = arith.constant 0 : index
    %get3A_106 = arith.constant 0 : index
    %get3A_107 = arith.constant 0 : index
    %get3A_108 = vector.load %arg3[%get3A_105, %get3A_106, %get3A_107] : memref<1x4x200xi32, #tpu.memory_space<vmem>>, vector<1x4x200xi32>
    %get3A_109 = vector.shape_cast %get3A_108 : vector<1x4x200xi32> to vector<4x200xi32>
    %concatenate3A = tpu.concatenate %get3A_109, %get3A_109, %get3A_109, %get3A_109 in 1 : vector<4x200xi32>, vector<4x200xi32>, vector<4x200xi32>, vector<4x200xi32> -> vector<4x800xi32>
    %slice3A = vector.extract_strided_slice %concatenate3A {offsets = [0, 0], sizes = [1, 800], strides = [1, 1]} : vector<4x800xi32> to vector<1x800xi32>
    %jit3A_110 = arith.constant 0 : i32
    %broadcast_in_dim3A_111 = vector.broadcast %jit3A_110 : i32 to vector<1x800xi32>
    %select_n3A_112 = arith.select %eq3A_95, %slice3A, %broadcast_in_dim3A_111 : vector<1x800xi1>, vector<1x800xi32>
    %slice3A_113 = vector.extract_strided_slice %concatenate3A {offsets = [1, 0], sizes = [1, 800], strides = [1, 1]} : vector<4x800xi32> to vector<1x800xi32>
    %select_n3A_114 = arith.select %eq3A_98, %slice3A_113, %select_n3A_112 : vector<1x800xi1>, vector<1x800xi32>
    %slice3A_115 = vector.extract_strided_slice %concatenate3A {offsets = [2, 0], sizes = [1, 800], strides = [1, 1]} : vector<4x800xi32> to vector<1x800xi32>
    %select_n3A_116 = arith.select %eq3A_101, %slice3A_115, %select_n3A_114 : vector<1x800xi1>, vector<1x800xi32>
    %slice3A_117 = vector.extract_strided_slice %concatenate3A {offsets = [3, 0], sizes = [1, 800], strides = [1, 1]} : vector<4x800xi32> to vector<1x800xi32>
    %select_n3A_118 = arith.select %eq3A_104, %slice3A_117, %select_n3A_116 : vector<1x800xi1>, vector<1x800xi32>
    %eq3A_119 = arith.constant 0 : i32
    %eq3A_120 = vector.broadcast %eq3A_119 : i32 to vector<1x800xi32>
    %eq3A_121 = arith.cmpi eq, %select_n3A_118, %eq3A_120 : vector<1x800xi32>
    %jit3A_122 = arith.constant -1.000000e+09 : f32
    %broadcast_in_dim3A_123 = vector.shape_cast %eq3A_121 : vector<1x800xi1> to vector<1x800xi1>
    %broadcast_in_dim3A_124 = vector.broadcast %broadcast_in_dim3A_123 : vector<1x800xi1> to vector<16x800xi1>
    %broadcast_in_dim3A_125 = vector.broadcast %jit3A_122 : f32 to vector<16x800xf32>
    %select_n3A_126 = arith.select %broadcast_in_dim3A_124, %broadcast_in_dim3A_125, %mul3A_70 : vector<16x800xi1>, vector<16x800xf32>
    %reduce_max3A = arith.constant dense<0xFF800000> : vector<16xf32>
    %reduce_max3A_127 = vector.multi_reduction <maximumf>, %select_n3A_126, %reduce_max3A [1] : vector<16x800xf32> to vector<16xf32>
    %broadcast_in_dim3A_128 = vector.shape_cast %reduce_max3A_127 : vector<16xf32> to vector<16x1xf32>
    %sub3A_129 = vector.broadcast %broadcast_in_dim3A_128 : vector<16x1xf32> to vector<16x800xf32>
    %sub3A_130 = arith.subf %select_n3A_126, %sub3A_129 : vector<16x800xf32>
    %exp3A = math.exp %sub3A_130 : vector<16x800xf32>
    %jit3A_131 = arith.constant 0.000000e+00 : f32
    %broadcast_in_dim3A_132 = vector.shape_cast %eq3A_95 : vector<1x800xi1> to vector<1x800xi1>
    %broadcast_in_dim3A_133 = vector.broadcast %broadcast_in_dim3A_132 : vector<1x800xi1> to vector<16x800xi1>
    %broadcast_in_dim3A_134 = vector.broadcast %jit3A_131 : f32 to vector<16x800xf32>
    %select_n3A_135 = arith.select %broadcast_in_dim3A_133, %exp3A, %broadcast_in_dim3A_134 : vector<16x800xi1>, vector<16x800xf32>
    %reduce_sum3A_136 = arith.constant dense<0.000000e+00> : vector<16xf32>
    %reduce_sum3A_137 = vector.multi_reduction <add>, %select_n3A_135, %reduce_sum3A_136 [1] : vector<16x800xf32> to vector<16xf32>
    %broadcast_in_dim3A_138 = vector.shape_cast %reduce_sum3A_137 : vector<16xf32> to vector<16x1xf32>
    %jit3A_139 = arith.constant 0.000000e+00 : f32
    %broadcast_in_dim3A_140 = vector.shape_cast %eq3A_98 : vector<1x800xi1> to vector<1x800xi1>
    %broadcast_in_dim3A_141 = vector.broadcast %broadcast_in_dim3A_140 : vector<1x800xi1> to vector<16x800xi1>
    %broadcast_in_dim3A_142 = vector.broadcast %jit3A_139 : f32 to vector<16x800xf32>
    %select_n3A_143 = arith.select %broadcast_in_dim3A_141, %exp3A, %broadcast_in_dim3A_142 : vector<16x800xi1>, vector<16x800xf32>
    %reduce_sum3A_144 = arith.constant dense<0.000000e+00> : vector<16xf32>
    %reduce_sum3A_145 = vector.multi_reduction <add>, %select_n3A_143, %reduce_sum3A_144 [1] : vector<16x800xf32> to vector<16xf32>
    %broadcast_in_dim3A_146 = vector.shape_cast %reduce_sum3A_145 : vector<16xf32> to vector<16x1xf32>
    %jit3A_147 = arith.constant 0.000000e+00 : f32
    %broadcast_in_dim3A_148 = vector.shape_cast %eq3A_101 : vector<1x800xi1> to vector<1x800xi1>
    %broadcast_in_dim3A_149 = vector.broadcast %broadcast_in_dim3A_148 : vector<1x800xi1> to vector<16x800xi1>
    %broadcast_in_dim3A_150 = vector.broadcast %jit3A_147 : f32 to vector<16x800xf32>
    %select_n3A_151 = arith.select %broadcast_in_dim3A_149, %exp3A, %broadcast_in_dim3A_150 : vector<16x800xi1>, vector<16x800xf32>
    %reduce_sum3A_152 = arith.constant dense<0.000000e+00> : vector<16xf32>
    %reduce_sum3A_153 = vector.multi_reduction <add>, %select_n3A_151, %reduce_sum3A_152 [1] : vector<16x800xf32> to vector<16xf32>
    %broadcast_in_dim3A_154 = vector.shape_cast %reduce_sum3A_153 : vector<16xf32> to vector<16x1xf32>
    %jit3A_155 = arith.constant 0.000000e+00 : f32
    %broadcast_in_dim3A_156 = vector.shape_cast %eq3A_104 : vector<1x800xi1> to vector<1x800xi1>
    %broadcast_in_dim3A_157 = vector.broadcast %broadcast_in_dim3A_156 : vector<1x800xi1> to vector<16x800xi1>
    %broadcast_in_dim3A_158 = vector.broadcast %jit3A_155 : f32 to vector<16x800xf32>
    %select_n3A_159 = arith.select %broadcast_in_dim3A_157, %exp3A, %broadcast_in_dim3A_158 : vector<16x800xi1>, vector<16x800xf32>
    %reduce_sum3A_160 = arith.constant dense<0.000000e+00> : vector<16xf32>
    %reduce_sum3A_161 = vector.multi_reduction <add>, %select_n3A_159, %reduce_sum3A_160 [1] : vector<16x800xf32> to vector<16xf32>
    %broadcast_in_dim3A_162 = vector.shape_cast %reduce_sum3A_161 : vector<16xf32> to vector<16x1xf32>
    %jit3A_163 = arith.constant 0.000000e+00 : f32
    %broadcast_in_dim3A_164 = vector.shape_cast %eq3A_95 : vector<1x800xi1> to vector<1x800xi1>
    %broadcast_in_dim3A_165 = vector.broadcast %broadcast_in_dim3A_164 : vector<1x800xi1> to vector<16x800xi1>
    %broadcast_in_dim3A_166 = vector.shape_cast %broadcast_in_dim3A_138 : vector<16x1xf32> to vector<16x1xf32>
    %broadcast_in_dim3A_167 = vector.broadcast %broadcast_in_dim3A_166 : vector<16x1xf32> to vector<16x800xf32>
    %broadcast_in_dim3A_168 = vector.broadcast %jit3A_163 : f32 to vector<16x800xf32>
    %select_n3A_169 = arith.select %broadcast_in_dim3A_165, %broadcast_in_dim3A_167, %broadcast_in_dim3A_168 : vector<16x800xi1>, vector<16x800xf32>
    %broadcast_in_dim3A_170 = vector.shape_cast %eq3A_98 : vector<1x800xi1> to vector<1x800xi1>
    %broadcast_in_dim3A_171 = vector.broadcast %broadcast_in_dim3A_170 : vector<1x800xi1> to vector<16x800xi1>
    %broadcast_in_dim3A_172 = vector.shape_cast %broadcast_in_dim3A_146 : vector<16x1xf32> to vector<16x1xf32>
    %broadcast_in_dim3A_173 = vector.broadcast %broadcast_in_dim3A_172 : vector<16x1xf32> to vector<16x800xf32>
    %select_n3A_174 = arith.select %broadcast_in_dim3A_171, %broadcast_in_dim3A_173, %select_n3A_169 : vector<16x800xi1>, vector<16x800xf32>
    %broadcast_in_dim3A_175 = vector.shape_cast %eq3A_101 : vector<1x800xi1> to vector<1x800xi1>
    %broadcast_in_dim3A_176 = vector.broadcast %broadcast_in_dim3A_175 : vector<1x800xi1> to vector<16x800xi1>
    %broadcast_in_dim3A_177 = vector.shape_cast %broadcast_in_dim3A_154 : vector<16x1xf32> to vector<16x1xf32>
    %broadcast_in_dim3A_178 = vector.broadcast %broadcast_in_dim3A_177 : vector<16x1xf32> to vector<16x800xf32>
    %select_n3A_179 = arith.select %broadcast_in_dim3A_176, %broadcast_in_dim3A_178, %select_n3A_174 : vector<16x800xi1>, vector<16x800xf32>
    %broadcast_in_dim3A_180 = vector.shape_cast %eq3A_104 : vector<1x800xi1> to vector<1x800xi1>
    %broadcast_in_dim3A_181 = vector.broadcast %broadcast_in_dim3A_180 : vector<1x800xi1> to vector<16x800xi1>
    %broadcast_in_dim3A_182 = vector.shape_cast %broadcast_in_dim3A_162 : vector<16x1xf32> to vector<16x1xf32>
    %broadcast_in_dim3A_183 = vector.broadcast %broadcast_in_dim3A_182 : vector<16x1xf32> to vector<16x800xf32>
    %select_n3A_184 = arith.select %broadcast_in_dim3A_181, %broadcast_in_dim3A_183, %select_n3A_179 : vector<16x800xi1>, vector<16x800xf32>
    %div3A_185 = arith.divf %exp3A, %select_n3A_184 : vector<16x800xf32>
    %dot_general3A_186 = arith.constant dense<0.000000e+00> : vector<1x800xf32>
    %dot_general3A_187 = tpu.matmul %dot_general3A_43, %reshape3A, %dot_general3A_186 {dimension_numbers = #tpu.dot_dimension_numbers<[1], [1], [0], [0], [0, 0, 1, 0], [], []>, transpose_lhs_hint = false} : vector<1x512xf32>, vector<800x512xf32>, vector<1x800xf32> -> vector<1x800xf32>
    %mul3A_188 = vector.broadcast %dot_general3A_187 : vector<1x800xf32> to vector<16x800xf32>
    %mul3A_189 = arith.mulf %div3A_185, %mul3A_188 : vector<16x800xf32>
    %jit3A_190 = arith.constant 0.000000e+00 : f32
    %broadcast_in_dim3A_191 = vector.shape_cast %eq3A_95 : vector<1x800xi1> to vector<1x800xi1>
    %broadcast_in_dim3A_192 = vector.broadcast %broadcast_in_dim3A_191 : vector<1x800xi1> to vector<16x800xi1>
    %broadcast_in_dim3A_193 = vector.broadcast %jit3A_190 : f32 to vector<16x800xf32>
    %select_n3A_194 = arith.select %broadcast_in_dim3A_192, %mul3A_189, %broadcast_in_dim3A_193 : vector<16x800xi1>, vector<16x800xf32>
    %reduce_sum3A_195 = arith.constant dense<0.000000e+00> : vector<16xf32>
    %reduce_sum3A_196 = vector.multi_reduction <add>, %select_n3A_194, %reduce_sum3A_195 [1] : vector<16x800xf32> to vector<16xf32>
    %broadcast_in_dim3A_197 = vector.shape_cast %reduce_sum3A_196 : vector<16xf32> to vector<16x1xf32>
    %add3A_198 = arith.addf %broadcast_in_dim3A_35, %broadcast_in_dim3A_197 : vector<16x1xf32>
    %add3A_199 = vector.broadcast %reduce_sum3A_57 : f32 to vector<16x1xf32>
    %add3A_200 = arith.addf %add3A_198, %add3A_199 : vector<16x1xf32>
    %get3A_201 = arith.constant 0 : index
    %get3A_202 = arith.constant 0 : index
    %get3A_203 = vector.load %arg13[%get3A_201, %get3A_202] : memref<1x1xf32, #tpu.memory_space<vmem>>, vector<1x1xf32>
    %get3A_204 = vector.extract %get3A_203[0, 0] : f32 from vector<1x1xf32>
    %add3A_205 = vector.broadcast %get3A_204 : f32 to vector<16x1xf32>
    %add3A_206 = arith.addf %add3A_200, %add3A_205 : vector<16x1xf32>
    %logistic3A = arith.negf %add3A_206 : vector<16x1xf32>
    %logistic3A_207 = math.exp %logistic3A : vector<16x1xf32>
    %logistic3A_208 = arith.constant 1.000000e+00 : f32
    %logistic3A_209 = vector.broadcast %logistic3A_208 : f32 to vector<16x1xf32>
    %logistic3A_210 = arith.addf %logistic3A_209, %logistic3A_207 : vector<16x1xf32>
    %logistic3A_211 = arith.divf %logistic3A_209, %logistic3A_210 : vector<16x1xf32>
    %jit3A_212 = arith.constant 0.000000e+00 : f32
    %broadcast_in_dim3A_213 = vector.shape_cast %eq3A_98 : vector<1x800xi1> to vector<1x800xi1>
    %broadcast_in_dim3A_214 = vector.broadcast %broadcast_in_dim3A_213 : vector<1x800xi1> to vector<16x800xi1>
    %broadcast_in_dim3A_215 = vector.broadcast %jit3A_212 : f32 to vector<16x800xf32>
    %select_n3A_216 = arith.select %broadcast_in_dim3A_214, %mul3A_189, %broadcast_in_dim3A_215 : vector<16x800xi1>, vector<16x800xf32>
    %reduce_sum3A_217 = arith.constant dense<0.000000e+00> : vector<16xf32>
    %reduce_sum3A_218 = vector.multi_reduction <add>, %select_n3A_216, %reduce_sum3A_217 [1] : vector<16x800xf32> to vector<16xf32>
    %broadcast_in_dim3A_219 = vector.shape_cast %reduce_sum3A_218 : vector<16xf32> to vector<16x1xf32>
    %add3A_220 = arith.addf %broadcast_in_dim3A_35, %broadcast_in_dim3A_219 : vector<16x1xf32>
    %add3A_221 = vector.broadcast %reduce_sum3A_57 : f32 to vector<16x1xf32>
    %add3A_222 = arith.addf %add3A_220, %add3A_221 : vector<16x1xf32>
    %get3A_223 = arith.constant 0 : index
    %get3A_224 = arith.constant 0 : index
    %get3A_225 = vector.load %arg13[%get3A_223, %get3A_224] : memref<1x1xf32, #tpu.memory_space<vmem>>, vector<1x1xf32>
    %get3A_226 = vector.extract %get3A_225[0, 0] : f32 from vector<1x1xf32>
    %add3A_227 = vector.broadcast %get3A_226 : f32 to vector<16x1xf32>
    %add3A_228 = arith.addf %add3A_222, %add3A_227 : vector<16x1xf32>
    %logistic3A_229 = arith.negf %add3A_228 : vector<16x1xf32>
    %logistic3A_230 = math.exp %logistic3A_229 : vector<16x1xf32>
    %logistic3A_231 = arith.constant 1.000000e+00 : f32
    %logistic3A_232 = vector.broadcast %logistic3A_231 : f32 to vector<16x1xf32>
    %logistic3A_233 = arith.addf %logistic3A_232, %logistic3A_230 : vector<16x1xf32>
    %logistic3A_234 = arith.divf %logistic3A_232, %logistic3A_233 : vector<16x1xf32>
    %jit3A_235 = arith.constant 0.000000e+00 : f32
    %broadcast_in_dim3A_236 = vector.shape_cast %eq3A_101 : vector<1x800xi1> to vector<1x800xi1>
    %broadcast_in_dim3A_237 = vector.broadcast %broadcast_in_dim3A_236 : vector<1x800xi1> to vector<16x800xi1>
    %broadcast_in_dim3A_238 = vector.broadcast %jit3A_235 : f32 to vector<16x800xf32>
    %select_n3A_239 = arith.select %broadcast_in_dim3A_237, %mul3A_189, %broadcast_in_dim3A_238 : vector<16x800xi1>, vector<16x800xf32>
    %reduce_sum3A_240 = arith.constant dense<0.000000e+00> : vector<16xf32>
    %reduce_sum3A_241 = vector.multi_reduction <add>, %select_n3A_239, %reduce_sum3A_240 [1] : vector<16x800xf32> to vector<16xf32>
    %broadcast_in_dim3A_242 = vector.shape_cast %reduce_sum3A_241 : vector<16xf32> to vector<16x1xf32>
    %add3A_243 = arith.addf %broadcast_in_dim3A_35, %broadcast_in_dim3A_242 : vector<16x1xf32>
    %add3A_244 = vector.broadcast %reduce_sum3A_57 : f32 to vector<16x1xf32>
    %add3A_245 = arith.addf %add3A_243, %add3A_244 : vector<16x1xf32>
    %get3A_246 = arith.constant 0 : index
    %get3A_247 = arith.constant 0 : index
    %get3A_248 = vector.load %arg13[%get3A_246, %get3A_247] : memref<1x1xf32, #tpu.memory_space<vmem>>, vector<1x1xf32>
    %get3A_249 = vector.extract %get3A_248[0, 0] : f32 from vector<1x1xf32>
    %add3A_250 = vector.broadcast %get3A_249 : f32 to vector<16x1xf32>
    %add3A_251 = arith.addf %add3A_245, %add3A_250 : vector<16x1xf32>
    %logistic3A_252 = arith.negf %add3A_251 : vector<16x1xf32>
    %logistic3A_253 = math.exp %logistic3A_252 : vector<16x1xf32>
    %logistic3A_254 = arith.constant 1.000000e+00 : f32
    %logistic3A_255 = vector.broadcast %logistic3A_254 : f32 to vector<16x1xf32>
    %logistic3A_256 = arith.addf %logistic3A_255, %logistic3A_253 : vector<16x1xf32>
    %logistic3A_257 = arith.divf %logistic3A_255, %logistic3A_256 : vector<16x1xf32>
    %jit3A_258 = arith.constant 0.000000e+00 : f32
    %broadcast_in_dim3A_259 = vector.shape_cast %eq3A_104 : vector<1x800xi1> to vector<1x800xi1>
    %broadcast_in_dim3A_260 = vector.broadcast %broadcast_in_dim3A_259 : vector<1x800xi1> to vector<16x800xi1>
    %broadcast_in_dim3A_261 = vector.broadcast %jit3A_258 : f32 to vector<16x800xf32>
    %select_n3A_262 = arith.select %broadcast_in_dim3A_260, %mul3A_189, %broadcast_in_dim3A_261 : vector<16x800xi1>, vector<16x800xf32>
    %reduce_sum3A_263 = arith.constant dense<0.000000e+00> : vector<16xf32>
    %reduce_sum3A_264 = vector.multi_reduction <add>, %select_n3A_262, %reduce_sum3A_263 [1] : vector<16x800xf32> to vector<16xf32>
    %broadcast_in_dim3A_265 = vector.shape_cast %reduce_sum3A_264 : vector<16xf32> to vector<16x1xf32>
    %add3A_266 = arith.addf %broadcast_in_dim3A_35, %broadcast_in_dim3A_265 : vector<16x1xf32>
    %add3A_267 = vector.broadcast %reduce_sum3A_57 : f32 to vector<16x1xf32>
    %add3A_268 = arith.addf %add3A_266, %add3A_267 : vector<16x1xf32>
    %get3A_269 = arith.constant 0 : index
    %get3A_270 = arith.constant 0 : index
    %get3A_271 = vector.load %arg13[%get3A_269, %get3A_270] : memref<1x1xf32, #tpu.memory_space<vmem>>, vector<1x1xf32>
    %get3A_272 = vector.extract %get3A_271[0, 0] : f32 from vector<1x1xf32>
    %add3A_273 = vector.broadcast %get3A_272 : f32 to vector<16x1xf32>
    %add3A_274 = arith.addf %add3A_268, %add3A_273 : vector<16x1xf32>
    %logistic3A_275 = arith.negf %add3A_274 : vector<16x1xf32>
    %logistic3A_276 = math.exp %logistic3A_275 : vector<16x1xf32>
    %logistic3A_277 = arith.constant 1.000000e+00 : f32
    %logistic3A_278 = vector.broadcast %logistic3A_277 : f32 to vector<16x1xf32>
    %logistic3A_279 = arith.addf %logistic3A_278, %logistic3A_276 : vector<16x1xf32>
    %logistic3A_280 = arith.divf %logistic3A_278, %logistic3A_279 : vector<16x1xf32>
    %jit3A_281 = arith.constant 0.000000e+00 : f32
    %broadcast_in_dim3A_282 = vector.shape_cast %eq3A_95 : vector<1x800xi1> to vector<1x800xi1>
    %broadcast_in_dim3A_283 = vector.broadcast %broadcast_in_dim3A_282 : vector<1x800xi1> to vector<16x800xi1>
    %broadcast_in_dim3A_284 = vector.shape_cast %logistic3A_211 : vector<16x1xf32> to vector<16x1xf32>
    %broadcast_in_dim3A_285 = vector.broadcast %broadcast_in_dim3A_284 : vector<16x1xf32> to vector<16x800xf32>
    %broadcast_in_dim3A_286 = vector.broadcast %jit3A_281 : f32 to vector<16x800xf32>
    %select_n3A_287 = arith.select %broadcast_in_dim3A_283, %broadcast_in_dim3A_285, %broadcast_in_dim3A_286 : vector<16x800xi1>, vector<16x800xf32>
    %broadcast_in_dim3A_288 = vector.shape_cast %eq3A_98 : vector<1x800xi1> to vector<1x800xi1>
    %broadcast_in_dim3A_289 = vector.broadcast %broadcast_in_dim3A_288 : vector<1x800xi1> to vector<16x800xi1>
    %broadcast_in_dim3A_290 = vector.shape_cast %logistic3A_234 : vector<16x1xf32> to vector<16x1xf32>
    %broadcast_in_dim3A_291 = vector.broadcast %broadcast_in_dim3A_290 : vector<16x1xf32> to vector<16x800xf32>
    %select_n3A_292 = arith.select %broadcast_in_dim3A_289, %broadcast_in_dim3A_291, %select_n3A_287 : vector<16x800xi1>, vector<16x800xf32>
    %broadcast_in_dim3A_293 = vector.shape_cast %eq3A_101 : vector<1x800xi1> to vector<1x800xi1>
    %broadcast_in_dim3A_294 = vector.broadcast %broadcast_in_dim3A_293 : vector<1x800xi1> to vector<16x800xi1>
    %broadcast_in_dim3A_295 = vector.shape_cast %logistic3A_257 : vector<16x1xf32> to vector<16x1xf32>
    %broadcast_in_dim3A_296 = vector.broadcast %broadcast_in_dim3A_295 : vector<16x1xf32> to vector<16x800xf32>
    %select_n3A_297 = arith.select %broadcast_in_dim3A_294, %broadcast_in_dim3A_296, %select_n3A_292 : vector<16x800xi1>, vector<16x800xf32>
    %broadcast_in_dim3A_298 = vector.shape_cast %eq3A_104 : vector<1x800xi1> to vector<1x800xi1>
    %broadcast_in_dim3A_299 = vector.broadcast %broadcast_in_dim3A_298 : vector<1x800xi1> to vector<16x800xi1>
    %broadcast_in_dim3A_300 = vector.shape_cast %logistic3A_280 : vector<16x1xf32> to vector<16x1xf32>
    %broadcast_in_dim3A_301 = vector.broadcast %broadcast_in_dim3A_300 : vector<16x1xf32> to vector<16x800xf32>
    %select_n3A_302 = arith.select %broadcast_in_dim3A_299, %broadcast_in_dim3A_301, %select_n3A_297 : vector<16x800xi1>, vector<16x800xf32>
    %mul3A_303 = arith.mulf %div3A_185, %select_n3A_302 : vector<16x800xf32>
    %mul3A_304 = arith.constant 2.500000e-01 : f32
    %mul3A_305 = vector.broadcast %mul3A_304 : f32 to vector<16x800xf32>
    %mul3A_306 = arith.mulf %mul3A_303, %mul3A_305 : vector<16x800xf32>
    %broadcast_in_dim3A_307 = arith.constant 0.000000e+00 : f32
    %broadcast_in_dim3A_308 = vector.broadcast %broadcast_in_dim3A_307 : f32 to vector<16x224xf32>
    %concatenate3A_309 = tpu.concatenate %mul3A_306, %broadcast_in_dim3A_308 in 1 : vector<16x800xf32>, vector<16x224xf32> -> vector<16x1024xf32>
    %slice3A_310 = vector.extract_strided_slice %concatenate3A_309 {offsets = [0, 0], sizes = [1, 1024], strides = [1, 1]} : vector<16x1024xf32> to vector<1x1024xf32>
    %squeeze3A = vector.shape_cast %slice3A_310 : vector<1x1024xf32> to vector<1024xf32>
    %swap3A = arith.constant 0 : index
    %swap3A_311 = vector.load %arg15[%swap3A] : memref<16384xf32, #tpu.memory_space<vmem>>, vector<1024xf32>
    tpu.vector_store %arg15[%swap3A], %squeeze3A {strides = array<i32>} : memref<16384xf32, #tpu.memory_space<vmem>>, vector<1024xf32>,
    %slice3A_312 = vector.extract_strided_slice %concatenate3A_309 {offsets = [1, 0], sizes = [1, 1024], strides = [1, 1]} : vector<16x1024xf32> to vector<1x1024xf32>
    %squeeze3A_313 = vector.shape_cast %slice3A_312 : vector<1x1024xf32> to vector<1024xf32>
    %swap3A_314 = arith.constant 1024 : index
    %swap3A_315 = vector.load %arg15[%swap3A_314] : memref<16384xf32, #tpu.memory_space<vmem>>, vector<1024xf32>
    tpu.vector_store %arg15[%swap3A_314], %squeeze3A_313 {strides = array<i32>} : memref<16384xf32, #tpu.memory_space<vmem>>, vector<1024xf32>,
    %slice3A_316 = vector.extract_strided_slice %concatenate3A_309 {offsets = [2, 0], sizes = [1, 1024], strides = [1, 1]} : vector<16x1024xf32> to vector<1x1024xf32>
    %squeeze3A_317 = vector.shape_cast %slice3A_316 : vector<1x1024xf32> to vector<1024xf32>
    %swap3A_318 = arith.constant 2048 : index
    %swap3A_319 = vector.load %arg15[%swap3A_318] : memref<16384xf32, #tpu.memory_space<vmem>>, vector<1024xf32>
    tpu.vector_store %arg15[%swap3A_318], %squeeze3A_317 {strides = array<i32>} : memref<16384xf32, #tpu.memory_space<vmem>>, vector<1024xf32>,
    %slice3A_320 = vector.extract_strided_slice %concatenate3A_309 {offsets = [3, 0], sizes = [1, 1024], strides = [1, 1]} : vector<16x1024xf32> to vector<1x1024xf32>
    %squeeze3A_321 = vector.shape_cast %slice3A_320 : vector<1x1024xf32> to vector<1024xf32>
    %swap3A_322 = arith.constant 3072 : index
    %swap3A_323 = vector.load %arg15[%swap3A_322] : memref<16384xf32, #tpu.memory_space<vmem>>, vector<1024xf32>
    tpu.vector_store %arg15[%swap3A_322], %squeeze3A_321 {strides = array<i32>} : memref<16384xf32, #tpu.memory_space<vmem>>, vector<1024xf32>,
    %slice3A_324 = vector.extract_strided_slice %concatenate3A_309 {offsets = [4, 0], sizes = [1, 1024], strides = [1, 1]} : vector<16x1024xf32> to vector<1x1024xf32>
    %squeeze3A_325 = vector.shape_cast %slice3A_324 : vector<1x1024xf32> to vector<1024xf32>
    %swap3A_326 = arith.constant 4096 : index
    %swap3A_327 = vector.load %arg15[%swap3A_326] : memref<16384xf32, #tpu.memory_space<vmem>>, vector<1024xf32>
    tpu.vector_store %arg15[%swap3A_326], %squeeze3A_325 {strides = array<i32>} : memref<16384xf32, #tpu.memory_space<vmem>>, vector<1024xf32>,
    %slice3A_328 = vector.extract_strided_slice %concatenate3A_309 {offsets = [5, 0], sizes = [1, 1024], strides = [1, 1]} : vector<16x1024xf32> to vector<1x1024xf32>
    %squeeze3A_329 = vector.shape_cast %slice3A_328 : vector<1x1024xf32> to vector<1024xf32>
    %swap3A_330 = arith.constant 5120 : index
    %swap3A_331 = vector.load %arg15[%swap3A_330] : memref<16384xf32, #tpu.memory_space<vmem>>, vector<1024xf32>
    tpu.vector_store %arg15[%swap3A_330], %squeeze3A_329 {strides = array<i32>} : memref<16384xf32, #tpu.memory_space<vmem>>, vector<1024xf32>,
    %slice3A_332 = vector.extract_strided_slice %concatenate3A_309 {offsets = [6, 0], sizes = [1, 1024], strides = [1, 1]} : vector<16x1024xf32> to vector<1x1024xf32>
    %squeeze3A_333 = vector.shape_cast %slice3A_332 : vector<1x1024xf32> to vector<1024xf32>
    %swap3A_334 = arith.constant 6144 : index
    %swap3A_335 = vector.load %arg15[%swap3A_334] : memref<16384xf32, #tpu.memory_space<vmem>>, vector<1024xf32>
    tpu.vector_store %arg15[%swap3A_334], %squeeze3A_333 {strides = array<i32>} : memref<16384xf32, #tpu.memory_space<vmem>>, vector<1024xf32>,
    %slice3A_336 = vector.extract_strided_slice %concatenate3A_309 {offsets = [7, 0], sizes = [1, 1024], strides = [1, 1]} : vector<16x1024xf32> to vector<1x1024xf32>
    %squeeze3A_337 = vector.shape_cast %slice3A_336 : vector<1x1024xf32> to vector<1024xf32>
    %swap3A_338 = arith.constant 7168 : index
    %swap3A_339 = vector.load %arg15[%swap3A_338] : memref<16384xf32, #tpu.memory_space<vmem>>, vector<1024xf32>
    tpu.vector_store %arg15[%swap3A_338], %squeeze3A_337 {strides = array<i32>} : memref<16384xf32, #tpu.memory_space<vmem>>, vector<1024xf32>,
    %slice3A_340 = vector.extract_strided_slice %concatenate3A_309 {offsets = [8, 0], sizes = [1, 1024], strides = [1, 1]} : vector<16x1024xf32> to vector<1x1024xf32>
    %squeeze3A_341 = vector.shape_cast %slice3A_340 : vector<1x1024xf32> to vector<1024xf32>
    %swap3A_342 = arith.constant 8192 : index
    %swap3A_343 = vector.load %arg15[%swap3A_342] : memref<16384xf32, #tpu.memory_space<vmem>>, vector<1024xf32>
    tpu.vector_store %arg15[%swap3A_342], %squeeze3A_341 {strides = array<i32>} : memref<16384xf32, #tpu.memory_space<vmem>>, vector<1024xf32>,
    %slice3A_344 = vector.extract_strided_slice %concatenate3A_309 {offsets = [9, 0], sizes = [1, 1024], strides = [1, 1]} : vector<16x1024xf32> to vector<1x1024xf32>
    %squeeze3A_345 = vector.shape_cast %slice3A_344 : vector<1x1024xf32> to vector<1024xf32>
    %swap3A_346 = arith.constant 9216 : index
    %swap3A_347 = vector.load %arg15[%swap3A_346] : memref<16384xf32, #tpu.memory_space<vmem>>, vector<1024xf32>
    tpu.vector_store %arg15[%swap3A_346], %squeeze3A_345 {strides = array<i32>} : memref<16384xf32, #tpu.memory_space<vmem>>, vector<1024xf32>,
    %slice3A_348 = vector.extract_strided_slice %concatenate3A_309 {offsets = [10, 0], sizes = [1, 1024], strides = [1, 1]} : vector<16x1024xf32> to vector<1x1024xf32>
    %squeeze3A_349 = vector.shape_cast %slice3A_348 : vector<1x1024xf32> to vector<1024xf32>
    %swap3A_350 = arith.constant 10240 : index
    %swap3A_351 = vector.load %arg15[%swap3A_350] : memref<16384xf32, #tpu.memory_space<vmem>>, vector<1024xf32>
    tpu.vector_store %arg15[%swap3A_350], %squeeze3A_349 {strides = array<i32>} : memref<16384xf32, #tpu.memory_space<vmem>>, vector<1024xf32>,
    %slice3A_352 = vector.extract_strided_slice %concatenate3A_309 {offsets = [11, 0], sizes = [1, 1024], strides = [1, 1]} : vector<16x1024xf32> to vector<1x1024xf32>
    %squeeze3A_353 = vector.shape_cast %slice3A_352 : vector<1x1024xf32> to vector<1024xf32>
    %swap3A_354 = arith.constant 11264 : index
    %swap3A_355 = vector.load %arg15[%swap3A_354] : memref<16384xf32, #tpu.memory_space<vmem>>, vector<1024xf32>
    tpu.vector_store %arg15[%swap3A_354], %squeeze3A_353 {strides = array<i32>} : memref<16384xf32, #tpu.memory_space<vmem>>, vector<1024xf32>,
    %slice3A_356 = vector.extract_strided_slice %concatenate3A_309 {offsets = [12, 0], sizes = [1, 1024], strides = [1, 1]} : vector<16x1024xf32> to vector<1x1024xf32>
    %squeeze3A_357 = vector.shape_cast %slice3A_356 : vector<1x1024xf32> to vector<1024xf32>
    %swap3A_358 = arith.constant 12288 : index
    %swap3A_359 = vector.load %arg15[%swap3A_358] : memref<16384xf32, #tpu.memory_space<vmem>>, vector<1024xf32>
    tpu.vector_store %arg15[%swap3A_358], %squeeze3A_357 {strides = array<i32>} : memref<16384xf32, #tpu.memory_space<vmem>>, vector<1024xf32>,
    %slice3A_360 = vector.extract_strided_slice %concatenate3A_309 {offsets = [13, 0], sizes = [1, 1024], strides = [1, 1]} : vector<16x1024xf32> to vector<1x1024xf32>
    %squeeze3A_361 = vector.shape_cast %slice3A_360 : vector<1x1024xf32> to vector<1024xf32>
    %swap3A_362 = arith.constant 13312 : index
    %swap3A_363 = vector.load %arg15[%swap3A_362] : memref<16384xf32, #tpu.memory_space<vmem>>, vector<1024xf32>
    tpu.vector_store %arg15[%swap3A_362], %squeeze3A_361 {strides = array<i32>} : memref<16384xf32, #tpu.memory_space<vmem>>, vector<1024xf32>,
    %slice3A_364 = vector.extract_strided_slice %concatenate3A_309 {offsets = [14, 0], sizes = [1, 1024], strides = [1, 1]} : vector<16x1024xf32> to vector<1x1024xf32>
    %squeeze3A_365 = vector.shape_cast %slice3A_364 : vector<1x1024xf32> to vector<1024xf32>
    %swap3A_366 = arith.constant 14336 : index
    %swap3A_367 = vector.load %arg15[%swap3A_366] : memref<16384xf32, #tpu.memory_space<vmem>>, vector<1024xf32>
    tpu.vector_store %arg15[%swap3A_366], %squeeze3A_365 {strides = array<i32>} : memref<16384xf32, #tpu.memory_space<vmem>>, vector<1024xf32>,
    %slice3A_368 = vector.extract_strided_slice %concatenate3A_309 {offsets = [15, 0], sizes = [1, 1024], strides = [1, 1]} : vector<16x1024xf32> to vector<1x1024xf32>
    %squeeze3A_369 = vector.shape_cast %slice3A_368 : vector<1x1024xf32> to vector<1024xf32>
    %swap3A_370 = arith.constant 15360 : index
    %swap3A_371 = vector.load %arg15[%swap3A_370] : memref<16384xf32, #tpu.memory_space<vmem>>, vector<1024xf32>
    tpu.vector_store %arg15[%swap3A_370], %squeeze3A_369 {strides = array<i32>} : memref<16384xf32, #tpu.memory_space<vmem>>, vector<1024xf32>,
    %broadcast_in_dim3A_372 = arith.constant 32128 : i32
    %broadcast_in_dim3A_373 = vector.broadcast %broadcast_in_dim3A_372 : i32 to vector<1x224xi32>
    %concatenate3A_374 = tpu.concatenate %select_n3A_118, %broadcast_in_dim3A_373 in 1 : vector<1x800xi32>, vector<1x224xi32> -> vector<1x1024xi32>
    %squeeze3A_375 = vector.shape_cast %concatenate3A_374 : vector<1x1024xi32> to vector<1024xi32>
    %swap3A_376 = arith.constant 0 : index
    %swap3A_377 = vector.load %arg16[%swap3A_376] : memref<1024xi32, #tpu.memory_space<vmem>>, vector<1024xi32>
    tpu.vector_store %arg16[%swap3A_376], %squeeze3A_375 {strides = array<i32>} : memref<1024xi32, #tpu.memory_space<vmem>>, vector<1024xi32>,
    %add3A_378 = arith.addf %logistic3A_211, %logistic3A_234 : vector<16x1xf32>
    %add3A_379 = arith.addf %add3A_378, %logistic3A_257 : vector<16x1xf32>
    %add3A_380 = arith.addf %add3A_379, %logistic3A_280 : vector<16x1xf32>
    %mul3A_381 = arith.constant 2.500000e-01 : f32
    %mul3A_382 = vector.broadcast %mul3A_381 : f32 to vector<16x1xf32>
    %mul3A_383 = arith.mulf %add3A_380, %mul3A_382 : vector<16x1xf32>
    %sub3A_384 = arith.constant 1.000000e+00 : f32
    %sub3A_385 = vector.broadcast %sub3A_384 : f32 to vector<16x1xf32>
    %sub3A_386 = arith.subf %sub3A_385, %mul3A_383 : vector<16x1xf32>
    %get3A_387 = arith.constant 0 : index
    %get3A_388 = arith.constant 0 : index
    %get3A_389 = arith.constant 0 : index
    %get3A_390 = vector.load %arg4[%get3A_387, %get3A_388, %get3A_389] : memref<1x16x32128xf32, #tpu.memory_space<vmem>>, vector<1x16x32128xf32>
    %get3A_391 = vector.shape_cast %get3A_390 : vector<1x16x32128xf32> to vector<16x32128xf32>
    %reduce_max3A_392 = arith.constant dense<0xFF800000> : vector<16xf32>
    %reduce_max3A_393 = vector.multi_reduction <maximumf>, %get3A_391, %reduce_max3A_392 [1] : vector<16x32128xf32> to vector<16xf32>
    %broadcast_in_dim3A_394 = vector.shape_cast %reduce_max3A_393 : vector<16xf32> to vector<16x1xf32>
    %sub3A_395 = vector.broadcast %broadcast_in_dim3A_394 : vector<16x1xf32> to vector<16x32128xf32>
    %sub3A_396 = arith.subf %get3A_391, %sub3A_395 : vector<16x32128xf32>
    %exp3A_397 = math.exp %sub3A_396 : vector<16x32128xf32>
    %reduce_sum3A_398 = arith.constant dense<0.000000e+00> : vector<16xf32>
    %reduce_sum3A_399 = vector.multi_reduction <add>, %exp3A_397, %reduce_sum3A_398 [1] : vector<16x32128xf32> to vector<16xf32>
    %broadcast_in_dim3A_400 = vector.shape_cast %reduce_sum3A_399 : vector<16xf32> to vector<16x1xf32>
    %div3A_401 = arith.divf %sub3A_386, %broadcast_in_dim3A_400 : vector<16x1xf32>
    %mul3A_402 = vector.broadcast %div3A_401 : vector<16x1xf32> to vector<16x32128xf32>
    %mul3A_403 = arith.mulf %exp3A_397, %mul3A_402 : vector<16x32128xf32>
    %slice3A_404 = vector.extract_strided_slice %mul3A_403 {offsets = [0, 0], sizes = [1, 32128], strides = [1, 1]} : vector<16x32128xf32> to vector<1x32128xf32>
    %squeeze3A_405 = vector.shape_cast %slice3A_404 : vector<1x32128xf32> to vector<32128xf32>
    %swap3A_406 = arith.constant 0 : index
    %swap3A_407 = vector.load %arg14[%swap3A_406] : memref<514048xf32, #tpu.memory_space<vmem>>, vector<32128xf32>
    tpu.vector_store %arg14[%swap3A_406], %squeeze3A_405 {strides = array<i32>} : memref<514048xf32, #tpu.memory_space<vmem>>, vector<32128xf32>,
    %slice3A_408 = vector.extract_strided_slice %mul3A_403 {offsets = [1, 0], sizes = [1, 32128], strides = [1, 1]} : vector<16x32128xf32> to vector<1x32128xf32>
    %squeeze3A_409 = vector.shape_cast %slice3A_408 : vector<1x32128xf32> to vector<32128xf32>
    %swap3A_410 = arith.constant 32128 : index
    %swap3A_411 = vector.load %arg14[%swap3A_410] : memref<514048xf32, #tpu.memory_space<vmem>>, vector<32128xf32>
    tpu.vector_store %arg14[%swap3A_410], %squeeze3A_409 {strides = array<i32>} : memref<514048xf32, #tpu.memory_space<vmem>>, vector<32128xf32>,
    %slice3A_412 = vector.extract_strided_slice %mul3A_403 {offsets = [2, 0], sizes = [1, 32128], strides = [1, 1]} : vector<16x32128xf32> to vector<1x32128xf32>
    %squeeze3A_413 = vector.shape_cast %slice3A_412 : vector<1x32128xf32> to vector<32128xf32>
    %swap3A_414 = arith.constant 64256 : index
    %swap3A_415 = vector.load %arg14[%swap3A_414] : memref<514048xf32, #tpu.memory_space<vmem>>, vector<32128xf32>
    tpu.vector_store %arg14[%swap3A_414], %squeeze3A_413 {strides = array<i32>} : memref<514048xf32, #tpu.memory_space<vmem>>, vector<32128xf32>,
    %slice3A_416 = vector.extract_strided_slice %mul3A_403 {offsets = [3, 0], sizes = [1, 32128], strides = [1, 1]} : vector<16x32128xf32> to vector<1x32128xf32>
    %squeeze3A_417 = vector.shape_cast %slice3A_416 : vector<1x32128xf32> to vector<32128xf32>
    %swap3A_418 = arith.constant 96384 : index
    %swap3A_419 = vector.load %arg14[%swap3A_418] : memref<514048xf32, #tpu.memory_space<vmem>>, vector<32128xf32>
    tpu.vector_store %arg14[%swap3A_418], %squeeze3A_417 {strides = array<i32>} : memref<514048xf32, #tpu.memory_space<vmem>>, vector<32128xf32>,
    %slice3A_420 = vector.extract_strided_slice %mul3A_403 {offsets = [4, 0], sizes = [1, 32128], strides = [1, 1]} : vector<16x32128xf32> to vector<1x32128xf32>
    %squeeze3A_421 = vector.shape_cast %slice3A_420 : vector<1x32128xf32> to vector<32128xf32>
    %swap3A_422 = arith.constant 128512 : index
    %swap3A_423 = vector.load %arg14[%swap3A_422] : memref<514048xf32, #tpu.memory_space<vmem>>, vector<32128xf32>
    tpu.vector_store %arg14[%swap3A_422], %squeeze3A_421 {strides = array<i32>} : memref<514048xf32, #tpu.memory_space<vmem>>, vector<32128xf32>,
    %slice3A_424 = vector.extract_strided_slice %mul3A_403 {offsets = [5, 0], sizes = [1, 32128], strides = [1, 1]} : vector<16x32128xf32> to vector<1x32128xf32>
    %squeeze3A_425 = vector.shape_cast %slice3A_424 : vector<1x32128xf32> to vector<32128xf32>
    %swap3A_426 = arith.constant 160640 : index
    %swap3A_427 = vector.load %arg14[%swap3A_426] : memref<514048xf32, #tpu.memory_space<vmem>>, vector<32128xf32>
    tpu.vector_store %arg14[%swap3A_426], %squeeze3A_425 {strides = array<i32>} : memref<514048xf32, #tpu.memory_space<vmem>>, vector<32128xf32>,
    %slice3A_428 = vector.extract_strided_slice %mul3A_403 {offsets = [6, 0], sizes = [1, 32128], strides = [1, 1]} : vector<16x32128xf32> to vector<1x32128xf32>
    %squeeze3A_429 = vector.shape_cast %slice3A_428 : vector<1x32128xf32> to vector<32128xf32>
    %swap3A_430 = arith.constant 192768 : index
    %swap3A_431 = vector.load %arg14[%swap3A_430] : memref<514048xf32, #tpu.memory_space<vmem>>, vector<32128xf32>
    tpu.vector_store %arg14[%swap3A_430], %squeeze3A_429 {strides = array<i32>} : memref<514048xf32, #tpu.memory_space<vmem>>, vector<32128xf32>,
    %slice3A_432 = vector.extract_strided_slice %mul3A_403 {offsets = [7, 0], sizes = [1, 32128], strides = [1, 1]} : vector<16x32128xf32> to vector<1x32128xf32>
    %squeeze3A_433 = vector.shape_cast %slice3A_432 : vector<1x32128xf32> to vector<32128xf32>
    %swap3A_434 = arith.constant 224896 : index
    %swap3A_435 = vector.load %arg14[%swap3A_434] : memref<514048xf32, #tpu.memory_space<vmem>>, vector<32128xf32>
    tpu.vector_store %arg14[%swap3A_434], %squeeze3A_433 {strides = array<i32>} : memref<514048xf32, #tpu.memory_space<vmem>>, vector<32128xf32>,
    %slice3A_436 = vector.extract_strided_slice %mul3A_403 {offsets = [8, 0], sizes = [1, 32128], strides = [1, 1]} : vector<16x32128xf32> to vector<1x32128xf32>
    %squeeze3A_437 = vector.shape_cast %slice3A_436 : vector<1x32128xf32> to vector<32128xf32>
    %swap3A_438 = arith.constant 257024 : index
    %swap3A_439 = vector.load %arg14[%swap3A_438] : memref<514048xf32, #tpu.memory_space<vmem>>, vector<32128xf32>
    tpu.vector_store %arg14[%swap3A_438], %squeeze3A_437 {strides = array<i32>} : memref<514048xf32, #tpu.memory_space<vmem>>, vector<32128xf32>,
    %slice3A_440 = vector.extract_strided_slice %mul3A_403 {offsets = [9, 0], sizes = [1, 32128], strides = [1, 1]} : vector<16x32128xf32> to vector<1x32128xf32>
    %squeeze3A_441 = vector.shape_cast %slice3A_440 : vector<1x32128xf32> to vector<32128xf32>
    %swap3A_442 = arith.constant 289152 : index
    %swap3A_443 = vector.load %arg14[%swap3A_442] : memref<514048xf32, #tpu.memory_space<vmem>>, vector<32128xf32>
    tpu.vector_store %arg14[%swap3A_442], %squeeze3A_441 {strides = array<i32>} : memref<514048xf32, #tpu.memory_space<vmem>>, vector<32128xf32>,
    %slice3A_444 = vector.extract_strided_slice %mul3A_403 {offsets = [10, 0], sizes = [1, 32128], strides = [1, 1]} : vector<16x32128xf32> to vector<1x32128xf32>
    %squeeze3A_445 = vector.shape_cast %slice3A_444 : vector<1x32128xf32> to vector<32128xf32>
    %swap3A_446 = arith.constant 321280 : index
    %swap3A_447 = vector.load %arg14[%swap3A_446] : memref<514048xf32, #tpu.memory_space<vmem>>, vector<32128xf32>
    tpu.vector_store %arg14[%swap3A_446], %squeeze3A_445 {strides = array<i32>} : memref<514048xf32, #tpu.memory_space<vmem>>, vector<32128xf32>,
    %slice3A_448 = vector.extract_strided_slice %mul3A_403 {offsets = [11, 0], sizes = [1, 32128], strides = [1, 1]} : vector<16x32128xf32> to vector<1x32128xf32>
    %squeeze3A_449 = vector.shape_cast %slice3A_448 : vector<1x32128xf32> to vector<32128xf32>
    %swap3A_450 = arith.constant 353408 : index
    %swap3A_451 = vector.load %arg14[%swap3A_450] : memref<514048xf32, #tpu.memory_space<vmem>>, vector<32128xf32>
    tpu.vector_store %arg14[%swap3A_450], %squeeze3A_449 {strides = array<i32>} : memref<514048xf32, #tpu.memory_space<vmem>>, vector<32128xf32>,
    %slice3A_452 = vector.extract_strided_slice %mul3A_403 {offsets = [12, 0], sizes = [1, 32128], strides = [1, 1]} : vector<16x32128xf32> to vector<1x32128xf32>
    %squeeze3A_453 = vector.shape_cast %slice3A_452 : vector<1x32128xf32> to vector<32128xf32>
    %swap3A_454 = arith.constant 385536 : index
    %swap3A_455 = vector.load %arg14[%swap3A_454] : memref<514048xf32, #tpu.memory_space<vmem>>, vector<32128xf32>
    tpu.vector_store %arg14[%swap3A_454], %squeeze3A_453 {strides = array<i32>} : memref<514048xf32, #tpu.memory_space<vmem>>, vector<32128xf32>,
    %slice3A_456 = vector.extract_strided_slice %mul3A_403 {offsets = [13, 0], sizes = [1, 32128], strides = [1, 1]} : vector<16x32128xf32> to vector<1x32128xf32>
    %squeeze3A_457 = vector.shape_cast %slice3A_456 : vector<1x32128xf32> to vector<32128xf32>
    %swap3A_458 = arith.constant 417664 : index
    %swap3A_459 = vector.load %arg14[%swap3A_458] : memref<514048xf32, #tpu.memory_space<vmem>>, vector<32128xf32>
    tpu.vector_store %arg14[%swap3A_458], %squeeze3A_457 {strides = array<i32>} : memref<514048xf32, #tpu.memory_space<vmem>>, vector<32128xf32>,
    %slice3A_460 = vector.extract_strided_slice %mul3A_403 {offsets = [14, 0], sizes = [1, 32128], strides = [1, 1]} : vector<16x32128xf32> to vector<1x32128xf32>
    %squeeze3A_461 = vector.shape_cast %slice3A_460 : vector<1x32128xf32> to vector<32128xf32>
    %swap3A_462 = arith.constant 449792 : index
    %swap3A_463 = vector.load %arg14[%swap3A_462] : memref<514048xf32, #tpu.memory_space<vmem>>, vector<32128xf32>
    tpu.vector_store %arg14[%swap3A_462], %squeeze3A_461 {strides = array<i32>} : memref<514048xf32, #tpu.memory_space<vmem>>, vector<32128xf32>,
    %slice3A_464 = vector.extract_strided_slice %mul3A_403 {offsets = [15, 0], sizes = [1, 32128], strides = [1, 1]} : vector<16x32128xf32> to vector<1x32128xf32>
    %squeeze3A_465 = vector.shape_cast %slice3A_464 : vector<1x32128xf32> to vector<32128xf32>
    %swap3A_466 = arith.constant 481920 : index
    %swap3A_467 = vector.load %arg14[%swap3A_466] : memref<514048xf32, #tpu.memory_space<vmem>>, vector<32128xf32>
    tpu.vector_store %arg14[%swap3A_466], %squeeze3A_465 {strides = array<i32>} : memref<514048xf32, #tpu.memory_space<vmem>>, vector<32128xf32>,
    return
  }
  func.func @transform_0(%arg0: i32) -> (i32, i32, i32) {
    %add3A = arith.constant 0 : i32
    %add3A_0 = arith.addi %arg0, %add3A : i32
    %c0_i32 = arith.constant 0 : i32
    %c0_i32_1 = arith.constant 0 : i32
    %c0_i32_2 = arith.constant 0 : i32
    return %add3A_0, %c0_i32, %c0_i32_1 : i32, i32, i32
  }
  func.func @transform_1(%arg0: i32) -> (i32, i32, i32, i32) {
    %add3A = arith.constant 0 : i32
    %add3A_0 = arith.addi %arg0, %add3A : i32
    %c0_i32 = arith.constant 0 : i32
    %c0_i32_1 = arith.constant 0 : i32
    %c0_i32_2 = arith.constant 0 : i32
    %c0_i32_3 = arith.constant 0 : i32
    return %add3A_0, %c0_i32, %c0_i32_1, %c0_i32_2 : i32, i32, i32, i32
  }
  func.func @transform_2(%arg0: i32) -> (i32, i32, i32) {
    %add3A = arith.constant 0 : i32
    %add3A_0 = arith.addi %arg0, %add3A : i32
    %c0_i32 = arith.constant 0 : i32
    %c0_i32_1 = arith.constant 0 : i32
    %c0_i32_2 = arith.constant 0 : i32
    return %add3A_0, %c0_i32, %c0_i32_1 : i32, i32, i32
  }
  func.func @transform_3(%arg0: i32) -> (i32, i32, i32) {
    %add3A = arith.constant 0 : i32
    %add3A_0 = arith.addi %arg0, %add3A : i32
    %c0_i32 = arith.constant 0 : i32
    %c0_i32_1 = arith.constant 0 : i32
    %c0_i32_2 = arith.constant 0 : i32
    return %add3A_0, %c0_i32, %c0_i32_1 : i32, i32, i32
  }
  func.func @transform_4(%arg0: i32) -> (i32, i32) {
    %c0_i32 = arith.constant 0 : i32
    %c0_i32_0 = arith.constant 0 : i32
    %c0_i32_1 = arith.constant 0 : i32
    return %c0_i32, %c0_i32_0 : i32, i32
  }
  func.func @transform_5(%arg0: i32) -> (i32, i32) {
    %c0_i32 = arith.constant 0 : i32
    %c0_i32_0 = arith.constant 0 : i32
    %c0_i32_1 = arith.constant 0 : i32
    return %c0_i32, %c0_i32_0 : i32, i32
  }
  func.func @transform_6(%arg0: i32) -> (i32, i32) {
    %c0_i32 = arith.constant 0 : i32
    %c0_i32_0 = arith.constant 0 : i32
    %c0_i32_1 = arith.constant 0 : i32
    return %c0_i32, %c0_i32_0 : i32, i32
  }
  func.func @transform_7(%arg0: i32) -> (i32, i32) {
    %c0_i32 = arith.constant 0 : i32
    %c0_i32_0 = arith.constant 0 : i32
    %c0_i32_1 = arith.constant 0 : i32
    return %c0_i32, %c0_i32_0 : i32, i32
  }
  func.func @transform_8(%arg0: i32) -> (i32, i32) {
    %c0_i32 = arith.constant 0 : i32
    %c0_i32_0 = arith.constant 0 : i32
    %c0_i32_1 = arith.constant 0 : i32
    return %c0_i32, %c0_i32_0 : i32, i32
  }
  func.func @transform_9(%arg0: i32) -> (i32, i32) {
    %c0_i32 = arith.constant 0 : i32
    %c0_i32_0 = arith.constant 0 : i32
    %c0_i32_1 = arith.constant 0 : i32
    return %c0_i32, %c0_i32_0 : i32, i32
  }
  func.func @transform_10(%arg0: i32) -> (i32, i32) {
    %c0_i32 = arith.constant 0 : i32
    %c0_i32_0 = arith.constant 0 : i32
    %c0_i32_1 = arith.constant 0 : i32
    return %c0_i32, %c0_i32_0 : i32, i32
  }
  func.func @transform_11(%arg0: i32) -> (i32, i32) {
    %c0_i32 = arith.constant 0 : i32
    %c0_i32_0 = arith.constant 0 : i32
    %c0_i32_1 = arith.constant 0 : i32
    return %c0_i32, %c0_i32_0 : i32, i32
  }
  func.func @transform_12(%arg0: i32) -> (i32, i32) {
    %c0_i32 = arith.constant 0 : i32
    %c0_i32_0 = arith.constant 0 : i32
    %c0_i32_1 = arith.constant 0 : i32
    return %c0_i32, %c0_i32_0 : i32, i32
  }
  func.func @transform_13(%arg0: i32) -> i32 {
    %c0_i32 = arith.constant 0 : i32
    return %arg0 : i32
  }
  func.func @transform_14(%arg0: i32) -> i32 {
    %c0_i32 = arith.constant 0 : i32
    return %arg0 : i32
  }
  func.func @transform_15(%arg0: i32) -> i32 {
    %c0_i32 = arith.constant 0 : i32
    return %arg0 : i32
  }
}

</mosaic_0001>

<sc_bundles>
// kernel: kernel.4.cloned.1.call-start
scs
__scs_entry_jumppad:
0x0: {  	(pc) =	sbr.rel $0x88, $3  }
0x1: {  	(tag) =	ssettag $0x0;
	lr =	simm.s32 $0x1  }
0x2: {  	[smem:$0x3F93] =	sst lr;
	_ =	strace $0xD0000000  }
0x3: {  	_ = 	snop  }
0x4: {  	_ = 	snop  }
0x5: {  	_ = 	snop  }
0x6: {  	_ = 	snop  }
0x7: {  	_ = 	snop  }
__scs_overlays_trampoline_lowered:
0x8: {  	[smem:$0x3FA2] =	sst s0  }
0x9: {  	[smem:$0x3FA3] =	sst s1  }
0xa: {  	[smem:$0x3FA4] =	sst s2  }
0xb: {  	[smem:$0x3FA5] =	sst s3  }
0xc: {  	[smem:$0x3FA6] =	sst s4  }
0xd: {  	[smem:$0x3FA7] =	sst s5  }
0xe: {  	[smem:$0x3FA8] =	sst s6  }
0xf: {  	[smem:$0x3FA9] =	sst s7  }
0x10: {  	[smem:$0x3FAA] =	sst s8  }
0x11: {  	[smem:$0x3FAB] =	sst s9;
	s0 =	simm.s32 @!p0 $0x0  }
0x12: {  	s1 =	sld [smem:$0x3F91];
	s0 =	simm.s32 @p0 $0x1  }
0x13: {  	[smem:$0x3FAC] =	sst s0;
	s0 =	simm.s32 @!p1 $0x0  }
0x14: {  	s2 =	sld [smem:$0x3F90];
	s0 =	simm.s32 @p1 $0x1  }
0x15: {  	[smem:$0x3FAD] =	sst s0;
	s0 =	simm.s32 @!p2 $0x0  }
0x16: {  	s3 =	sld [smem:$0x3FDB];
	s0 =	simm.s32 @p2 $0x1  }
0x17: {  	s4 =	simm.s32 $0x1BF5;
	[smem:$0x3FAF] =	sst s0  }
0x18: {  	s0 =	sld [smem:$0x3F92];
	_ =	swait.ge [sflag:s4], $0x0  }
0x19: {  	s7 =	sld [smem:$0x3F93]  }
0x1a: {  	s8 =	sadd.s32 $0xFFFFE003, lr  }
0x1b: {  	s9 =	sadd.s32 $0xFFFFFEF7, lr;
	s5 =	simm.s32 $0xFFFFFFFF;
	p2 =	slt.u32 s8, $0xFFFFF086  }
0x1c: {  	p1 =	slt.u32 s9, $0xF7A;
	s5 =	simm.s32 @!p2 $0x0  }
0x1d: {  	s5 =	simm.s32 @p1 $0x1;
	p0 =	seq.s32 s7, s2  }
0x1e: {  	s7 =	smul.u32 @!p0 $0xF7A, s2;
	p2 =	seq.s32 @!p0 s5, $0x0  }
0x1f: {  	s9 =	smul.u32 $0xF7A, s1;
	s8 =	simm.s32 @!p0 $0x1BF5;
	p2 =	por !p2, p0  }
0x20: {  	[sflag:s8] =	ssyncset.s32 @!p0 $0xFFFFF086;
	s6 =	sadd.s32 @!p0 s3, s7;
	s7 =	simm.s32 @!p0 $0x108  }
0x21: {  	s3 =	sadd.s32 s3, s9;
	s6 =	sadd.s32 @!p0 $0x88, s6;
	s7 =	simm.s32 @p2 $0x1082  }
0x22: {  	[simem:s7], [sflag:s8] =	dma.local @!p0 [hbm:s6], $0xF7A  }
0x23: {  	s9 =	sor.u32 $0xD0000000, s2;
	s6 =	simm.s32 $0x108;
	_ =	swait.ge @!p0 [sflag:s8], $0x0  }
0x24: {  	s3 =	sadd.s32 $0x88, s3;
	s6 =	simm.s32 @!p1 $0x1082;
	[sflag:s4] =	ssyncset.s32 $0xFFFFF086  }
0x25: {  	[simem:s6], [sflag:s4] =	dma.local [hbm:s3], $0xF7A  }
0x26: {  	[smem:$0x3F93] =	sst s1;
	(tag) =	ssettag s2;
	_ =	strace s9  }
0x27: {  	s1 =	sld [smem:$0x3FA3]  }
0x28: {  	s2 =	sld [smem:$0x3FA4]  }
0x29: {  	s4 =	sld [smem:$0x3FA6]  }
0x2a: {  	p0 =	seq.s32 s5, $0x0;
	s5 =	sld [smem:$0x3FA7]  }
0x2b: {  	s6 =	sld [smem:$0x3FA8]  }
0x2c: {  	s7 =	sld [smem:$0x3FA9]  }
0x2d: {  	s3 =	simm.s32 $0x108;
	s8 =	sld [smem:$0x3FAA]  }
0x2e: {  	s3 =	simm.s32 @!p0 $0x1082;
	s9 =	sld [smem:$0x3FAB]  }
0x2f: {  	lr =	sadd.s32 s0, s3;
	s0 =	sld [smem:$0x3FA2]  }
0x30: {  	s3 =	sld [smem:$0x3FA5]  }
0x31: {  	[smem:$0x3FAE] =	sst s10  }
0x32: {  	s10 =	sld [smem:$0x3FAC];
	_ =	sdelay $0x3  }
0x33: {  	p0 =	seq.s32 s10, $0x1;
	s10 =	sld [smem:$0x3FAE];
	_ =	sdelay $0x3  }
0x34: {  	[smem:$0x3FAE] =	sst s10  }
0x35: {  	s10 =	sld [smem:$0x3FAD];
	_ =	sdelay $0x3  }
0x36: {  	p1 =	seq.s32 s10, $0x1;
	s10 =	sld [smem:$0x3FAE];
	_ =	sdelay $0x3  }
0x37: {  	[smem:$0x3FAE] =	sst s10  }
0x38: {  	s10 =	sld [smem:$0x3FAF]  }
0x39: {  	_ = 	snop;
	(pc) =	sbr.ind lr, $3  }
0x3a: {  	_ = 	snop  }
0x3b: {  	_ = 	snop  }
0x3c: {  	p2 =	seq.s32 s10, $0x1;
	s10 =	sld [smem:$0x3FAE]  }
0x3d: {  	_ =	shalt  }
0x3e: {  	_ =	shalt  }
0x3f: {  	_ =	shalt  }
0x40: {  	_ =	shalt  }
0x41: {  	_ =	shalt  }
0x42: {  	_ =	shalt  }
0x43: {  	_ =	shalt  }
0x44: {  	_ =	shalt  }
0x45: {  	_ =	shalt  }
0x46: {  	_ =	shalt  }
0x47: {  	_ =	shalt  }
0x48: {  	_ =	shalt  }
0x49: {  	_ =	shalt  }
0x4a: {  	_ =	shalt  }
0x4b: {  	_ =	shalt  }
0x4c: {  	_ =	shalt  }
0x4d: {  	_ =	shalt  }
0x4e: {  	_ =	shalt  }
0x4f: {  	_ =	shalt  }
0x50: {  	_ =	shalt  }
0x51: {  	_ =	shalt  }
0x52: {  	_ =	shalt  }
0x53: {  	_ =	shalt  }
0x54: {  	_ =	shalt  }
0x55: {  	_ =	shalt  }
0x56: {  	_ =	shalt  }
0x57: {  	_ =	shalt  }
0x58: {  	_ =	shalt  }
0x59: {  	_ =	shalt  }
0x5a: {  	_ =	shalt  }
0x5b: {  	_ =	shalt  }
0x5c: {  	_ =	shalt  }
0x5d: {  	_ =	shalt  }
0x5e: {  	_ =	shalt  }
0x5f: {  	_ =	shalt  }
0x60: {  	_ =	shalt  }
0x61: {  	_ =	shalt  }
0x62: {  	_ =	shalt  }
0x63: {  	_ =	shalt  }
0x64: {  	_ =	shalt  }
0x65: {  	_ =	shalt  }
0x66: {  	_ =	shalt  }
0x67: {  	_ =	shalt  }
0x68: {  	_ =	shalt  }
0x69: {  	_ =	shalt  }
0x6a: {  	_ =	shalt  }
0x6b: {  	_ =	shalt  }
0x6c: {  	_ =	shalt  }
0x6d: {  	_ =	shalt  }
0x6e: {  	_ =	shalt  }
0x6f: {  	_ =	shalt  }
0x70: {  	_ =	shalt  }
0x71: {  	_ =	shalt  }
0x72: {  	_ =	shalt  }
0x73: {  	_ =	shalt  }
0x74: {  	_ =	shalt  }
0x75: {  	_ =	shalt  }
0x76: {  	_ =	shalt  }
0x77: {  	_ =	shalt  }
0x78: {  	_ =	shalt  }
0x79: {  	_ =	shalt  }
0x7a: {  	_ =	shalt  }
0x7b: {  	_ =	shalt  }
0x7c: {  	_ =	shalt  }
0x7d: {  	_ =	shalt  }
0x7e: {  	_ =	shalt  }
0x7f: {  	_ =	shalt  }
0x80: {  	_ =	shalt  }
0x81: {  	_ =	shalt  }
0x82: {  	_ =	shalt  }
0x83: {  	_ =	shalt  }
0x84: {  	_ =	shalt  }
0x85: {  	_ =	shalt  }
0x86: {  	_ =	shalt  }
0x87: {  	_ =	shalt  }
.Lfunc_end0:
.L_simem_size_0:
called_computation_lowered:
.L_overlay_start_0:
0x88: {  	s2 =	sld [smem:$0x3FD9]  }
0x89: {  	s3 =	sld [smem:$0x3FFE];
	_ =	sdelay $0x1  }
0x8a: {  	s1 =	srdreg.scid  }
0x8b: {  	s0 =	sand.u32 $0x1, s1  }
0x8c: {  	s17 =	sshll.u32 s0, $0xA;
	s2 =	sadd.s32 s3, s2  }
0x8d: {  	s2 =	sadd.s32 s2, s17  }
0x8e: {  	[smem:$0x3FBA] =	sst s2  }
0x8f: {  	_ = 	snop  }
0x90: {  	s2 =	sld [smem:$0x3FD0];
	(tm) =	ssettm $0x1  }
0x91: {  	s18 =	sld [smem:$0x3FFB];
	_ =	sdelay $0x3  }
0x92: {  	_ =	strace s18  }
0x93: {  	s3 =	sld [smem:$0x3FFC];
	_ =	sdelay $0x3  }
0x94: {  	_ =	strace s3  }
0x95: {  	s3 =	sld [smem:$0x3FFD];
	_ =	sdelay $0x3  }
0x96: {  	_ =	strace s3  }
0x97: {  	_ =	strace $0x8FFFFFFF  }
0x98: {  	s19 =	sld [smem:$0x3FDB];
	_ =	sdelay $0x1  }
0x99: {  	s4 =	simm.s32 $_scs_section_size  }
0x9a: {  	s5 =	simm.s32 $_size__tile_overlayer_lowered;
	s6 =	simm.s32 $_tile_overlayer_lowered  }
0x9b: {  	s22 =	simm.s32 $0x1BFF;
	s21 =	sshll.u32 s6, $0x1;
	s3 =	sadd.s32 s4, s19  }
0x9c: {  	s7 =	simm.s32 $0x0;
	s20 =	sshll.u32 s5, $0x1;
	s5 =	sadd.s32 s21, s3  }
0x9d: {  	[timem:s7], [sflag:s22] =	dma.local [hbm:s5], s20  }
0x9e: {  	_ =	swait.ge [sflag:s22], s20  }
0x9f: {  	s4 =	ssub.s32 $0x0, s20;
	[sflag:s22] =	ssyncset.done $0x0  }
0xa0: {  	[sflag:s22] =	ssyncadd.s32 s4;
	_ =	sdelay $0x1  }
0xa1: {  	s23 =	simm.s32 $0x1B8B  }
0xa2: {  	_ =	swait.ge [sflag:s23], $0x1  }
0xa3: {  	[sflag:s23] =	ssyncset.done $0x0  }
0xa4: {  	s25 =	simm.s32 $0x1B8E;
	s24 =	sld [smem:$0x3FFE];
	[sflag:s23] =	ssyncadd.s32 $0xFFFFFFFF  }
0xa5: {  	s26 =	simm.s32 $execute0_lowered;
	[smem:$0x3FD2] =	sst s25  }
0xa6: {  	s5 =	sshll.u32 s26, $0x1;
	_ =	strace $0x80000046;
	[dreg:$0x1] =	wrdreg $0xFFFFFFFF  }
0xa7: {  	s28 =	simm.s32 $_size_execute0_lowered;
	s3 =	sadd.s32 s3, s5;
	[dreg:$0x0] =	wrdreg $0x0  }
0xa8: {  	s5 =	sshll.u32 s28, $0x1;
	[dreg:$0x2] =	wrdreg s3  }
0xa9: {  	[dreg:$0x3] =	wrdreg s5  }
0xaa: {  	[dreg:$0x4] =	wrdreg $0xC0  }
0xab: {  	_ =	task [dreg:s7], $0x5FFFF  }
0xac: {  	[dreg:$0x1] =	wrdreg $0xFFFFFFFF  }
0xad: {  	[dreg:$0x0] =	wrdreg $0x60  }
0xae: {  	[dreg:$0x2] =	wrdreg s2  }
0xaf: {  	[dreg:$0x3] =	wrdreg s24  }
0xb0: {  	[dreg:$0x4] =	wrdreg $0x9  }
0xb1: {  	_ =	task.clear_ibuf [dreg:s7], $0x5FFFF;
	_ =	strace $0x90000046  }
0xb2: {  	s29 =	simm.s32 $0x9;
	_ =	strace $0x80000048  }
0xb3: {  	_ =	swait.ge [sflag:s29], $0x1  }
0xb4: {  	[sflag:s29] =	ssyncadd.s32 $0xFFFFFFFF  }
0xb5: {  	_ =	strace $0x90000048  }
0xb6: {  	_ =	sfence  }
0xb7: {  	s30 =	sld [smem:$0x0];
	_ =	sdelay $0x2  }
0xb8: {  	s31 =	sshll.u32 s1, $0xD;
	s1 =	sshrl.u32 s1, $0x2  }
0xb9: {  	s3 =	sand.u32 $0x4000, s31;
	s1 =	sadd.s32 s1, s30  }
0xba: {  	s0 =	sor.u32 s3, s0;
	s1 =	sshll.u32 s1, $0x11  }
0xbb: {  	s0 =	sor.u32 s1, s0  }
0xbc: {  	s0 =	sadd.s32 $0x8F2B, s0  }
0xbd: {  	[sflag:s0] =	ssyncadd.remote.s32 $0x1  }
0xbe: {  	_ =	sfence.sel $0xFFFF  }
0xbf: {  	[dreg:$0x0] =	wrdreg $0xFFFFFFFF;
	(pc) =	sbr.abs _section_cstart, $3  }
0xc0: {  	[dreg:$0x1] =	wrdreg $0xFFFFFFFF  }
0xc1: {  	_ =	task.clear_ibuf [dreg:s7], $0x2FFFF;
	_ =	strace $0x9FFFFFFF  }
0xc2: {  	(tm) =	ssettm $0x7FFFFFFF  }
0xc3: {  	_ =	shalt  }
tec
execute0_lowered:
.L_overlay_start_1:
0x0: {  	(tag) =	ssettag $0x1  }
0x1: {  	s12 =	rddreg [dreg:$0x0]  }
0x2: {  	s3 =	rddreg [dreg:$0x1]  }
0x3: {  	s1 =	stileid.u32;
	s0 =	rddreg [dreg:$0x2]  }
0x4: {  	s2 =	srdreg.scid;
	s18 =	simm.s32 $0x5;
	s19 =	simm.s32 $0xFB10  }
0x5: {  	s20 =	simm.s32 $0x7D88;
	s21 =	simm.s32 $0xFF10;
	s22 =	simm.s32 $0x1  }
0x6: {  	s4 =	sshll.u32 s1, $0x1;
	s5 =	sshrl.u32 s1, $0x1;
	s6 =	sand.u32 $0x1, s2  }
0x7: {  	s2 =	simm.s32 $0x0;
	s13 =	sadd.s32 $0x2000, s3;
	s4 =	sand.u32 $0x2, s4  }
0x8: {  	s7 =	smul.u32 $0x7D800, s5;
	[smem:$0x7FF] =	sst s2;
	s9 =	sshll.u32 s5, $0x7  }
0x9: {  	s5 =	sshll.u32 s5, $0x4;
	s23 =	ssub.s32 $0x2, s6;
	s4 =	sor.u32 s6, s4  }
0xa: {  	_ =	strace $0x80000047;
	s9 =	sadd.s32 s9, s3;
	s25 =	sshrl.u32 s23, $0x1  }
0xb: {  	s8 =	smul.u32 $0x1F600, s4;
	s4 =	sshll.u32 s4, $0x2;
	s16 =	ssub.s32 s23, s25  }
0xc: {  	s23 =	simm.s32 $0x3;
	s25 =	simm.s32 $0x4;
	s24 =	sor.u32 s5, s4  }
0xd: {  	s16 =	smax.u32 s16, $0x1;
	s7 =	sadd.s32 s7, s8;
	s5 =	smul.u32 $0xFB0, s24  }
0xe: {  	s26 =	sor.u32 $0x1, s24;
	s28 =	sshll.u32 s24, $0x7;
	s29 =	sor.u32 $0x2, s24  }
0xf: {  	s11 =	sor.u32 $0x3, s24;
	s24 =	simm.s32 $0x2;
	s10 =	smul.u32 $0xFB0, s26  }
0x10: {  	s7 =	sshrl.u32 s7, $0x3;
	s30 =	smul.u32 $0xFB0, s29;
	s14 =	sshll.u32 s29, $0x7  }
0x11: {  	s17 =	smul.u32 $0xFB0, s11;
	s31 =	sshll.u32 s11, $0x7;
	s15 =	sadd.s32 s7, s3  }
0x12: {  	s3 =	sadd.s32 $0x6000, s9;
	s4 =	sadd.s32 s12, s5;
	s7 =	sshll.u32 s26, $0x7  }
0x13: {  	s5 =	sadd.s32 s13, s28;
	s6 =	sadd.s32 s12, s10;
	s7 =	sadd.s32 s13, s7  }
0x14: {  	s8 =	sadd.s32 $0x6400, s15;
	s9 =	sadd.s32 s12, s30;
	s10 =	sadd.s32 s13, s14  }
0x15: {  	s11 =	sadd.s32 $0x73B0, s15;
	s12 =	sadd.s32 s12, s17;
	s13 =	sadd.s32 s13, s31  }
0x16: {  	s14 =	sadd.s32 $0x8360, s15;
	s15 =	sadd.s32 $0x9310, s15;
	s17 =	simm.s32 $0x10310  }
.LBB2_1:
0x17: {  	[tilespmem:s17], [sflag:$0x5] =	stream.linear.gather [hbm4b:s3+s2], $0x400, $0x38;
	[tilespmem:$0x10710] =	vst v63  }
0x18: {  	_ =	swait.ge [sflag:s18], $0x400  }
0x19: {  	[sflag:s18] =	ssyncset.done $0x0  }
0x1a: {  	[sflag:s18] =	ssyncadd.s32 $0xFFFFFC00  }
0x1b: {  	[tilespmem:s2], [sflag:$0x1] =	stream.linear.gather [hbm4b:s4+s2], $0x7D80, $0x38;
	[tilespmem:$0x10710] =	vst v63  }
0x1c: {  	_ = 	snop  }
0x1d: {  	[tilespmem:s19], [sflag:$0x1] =	stream.linear.gather [hbm4b:s5+s2], $0x400, $0x38;
	[tilespmem:$0x10710] =	vst v63  }
0x1e: {  	_ = 	snop  }
0x1f: {  	[tilespmem:s20], [sflag:$0x2] =	stream.linear.gather [hbm4b:s6+s2], $0x7D80, $0x38;
	[tilespmem:$0x10710] =	vst v63  }
0x20: {  	_ = 	snop  }
0x21: {  	[tilespmem:s21], [sflag:$0x2] =	stream.linear.gather [hbm4b:s7+s2], $0x400, $0x38;
	[tilespmem:$0x10710] =	vst v63  }
0x22: {  	_ =	swait.ge [sflag:s22], $0x7D80  }
0x23: {  	[sflag:s22] =	ssyncset.done $0x0  }
0x24: {  	[sflag:s22] =	ssyncadd.s32 $0xFFFF8280  }
0x25: {  	_ =	swait.ge [sflag:s22], $0x400  }
0x26: {  	[sflag:s22] =	ssyncset.done $0x0  }
0x27: {  	[sflag:s22] =	ssyncadd.s32 $0xFFFFFC00  }
0x28: {  	v0 =	vld [tilespmem:$0x10310];
	_ =	sdelay $0x2  }
0x29: {  	v1 =	vld [tilespmem:$0xFB10];
	_ =	sdelay $0x4  }
0x2a: {  	[tilespmem:v0+s2+$0x0] =	vst.idx.add.f32.msk $0xffff, v1  }
0x2b: {  	v0 =	vld [tilespmem:$0x10320];
	_ =	sdelay $0x2  }
0x2c: {  	v1 =	vld [tilespmem:$0xFB20];
	_ =	sdelay $0x4  }
0x2d: {  	[tilespmem:v0+s2+$0x0] =	vst.idx.add.f32.msk $0xffff, v1  }
0x2e: {  	v0 =	vld [tilespmem:$0x10330];
	_ =	sdelay $0x2  }
0x2f: {  	v1 =	vld [tilespmem:$0xFB30];
	_ =	sdelay $0x4  }
0x30: {  	[tilespmem:v0+s2+$0x0] =	vst.idx.add.f32.msk $0xffff, v1  }
0x31: {  	v0 =	vld [tilespmem:$0x10340];
	_ =	sdelay $0x2  }
0x32: {  	v1 =	vld [tilespmem:$0xFB40];
	_ =	sdelay $0x4  }
0x33: {  	[tilespmem:v0+s2+$0x0] =	vst.idx.add.f32.msk $0xffff, v1  }
0x34: {  	v0 =	vld [tilespmem:$0x10350];
	_ =	sdelay $0x2  }
0x35: {  	v1 =	vld [tilespmem:$0xFB50];
	_ =	sdelay $0x4  }
0x36: {  	[tilespmem:v0+s2+$0x0] =	vst.idx.add.f32.msk $0xffff, v1  }
0x37: {  	v0 =	vld [tilespmem:$0x10360];
	_ =	sdelay $0x2  }
0x38: {  	v1 =	vld [tilespmem:$0xFB60];
	_ =	sdelay $0x4  }
0x39: {  	[tilespmem:v0+s2+$0x0] =	vst.idx.add.f32.msk $0xffff, v1  }
0x3a: {  	v0 =	vld [tilespmem:$0x10370];
	_ =	sdelay $0x2  }
0x3b: {  	v1 =	vld [tilespmem:$0xFB70];
	_ =	sdelay $0x4  }
0x3c: {  	[tilespmem:v0+s2+$0x0] =	vst.idx.add.f32.msk $0xffff, v1  }
0x3d: {  	v0 =	vld [tilespmem:$0x10380];
	_ =	sdelay $0x2  }
0x3e: {  	v1 =	vld [tilespmem:$0xFB80];
	_ =	sdelay $0x4  }
0x3f: {  	[tilespmem:v0+s2+$0x0] =	vst.idx.add.f32.msk $0xffff, v1  }
0x40: {  	v0 =	vld [tilespmem:$0x10390];
	_ =	sdelay $0x2  }
0x41: {  	v1 =	vld [tilespmem:$0xFB90];
	_ =	sdelay $0x4  }
0x42: {  	[tilespmem:v0+s2+$0x0] =	vst.idx.add.f32.msk $0xffff, v1  }
0x43: {  	v0 =	vld [tilespmem:$0x103A0];
	_ =	sdelay $0x2  }
0x44: {  	v1 =	vld [tilespmem:$0xFBA0];
	_ =	sdelay $0x4  }
0x45: {  	[tilespmem:v0+s2+$0x0] =	vst.idx.add.f32.msk $0xffff, v1  }
0x46: {  	v0 =	vld [tilespmem:$0x103B0];
	_ =	sdelay $0x2  }
0x47: {  	v1 =	vld [tilespmem:$0xFBB0];
	_ =	sdelay $0x4  }
0x48: {  	[tilespmem:v0+s2+$0x0] =	vst.idx.add.f32.msk $0xffff, v1  }
0x49: {  	v0 =	vld [tilespmem:$0x103C0];
	_ =	sdelay $0x2  }
0x4a: {  	v1 =	vld [tilespmem:$0xFBC0];
	_ =	sdelay $0x4  }
0x4b: {  	[tilespmem:v0+s2+$0x0] =	vst.idx.add.f32.msk $0xffff, v1  }
0x4c: {  	v0 =	vld [tilespmem:$0x103D0];
	_ =	sdelay $0x2  }
0x4d: {  	v1 =	vld [tilespmem:$0xFBD0];
	_ =	sdelay $0x4  }
0x4e: {  	[tilespmem:v0+s2+$0x0] =	vst.idx.add.f32.msk $0xffff, v1  }
0x4f: {  	v0 =	vld [tilespmem:$0x103E0];
	_ =	sdelay $0x2  }
0x50: {  	v1 =	vld [tilespmem:$0xFBE0];
	_ =	sdelay $0x4  }
0x51: {  	[tilespmem:v0+s2+$0x0] =	vst.idx.add.f32.msk $0xffff, v1  }
0x52: {  	v0 =	vld [tilespmem:$0x103F0];
	_ =	sdelay $0x2  }
0x53: {  	v1 =	vld [tilespmem:$0xFBF0];
	_ =	sdelay $0x4  }
0x54: {  	[tilespmem:v0+s2+$0x0] =	vst.idx.add.f32.msk $0xffff, v1  }
0x55: {  	v0 =	vld [tilespmem:$0x10400];
	_ =	sdelay $0x2  }
0x56: {  	v1 =	vld [tilespmem:$0xFC00];
	_ =	sdelay $0x4  }
0x57: {  	[tilespmem:v0+s2+$0x0] =	vst.idx.add.f32.msk $0xffff, v1  }
0x58: {  	v0 =	vld [tilespmem:$0x10410];
	_ =	sdelay $0x2  }
0x59: {  	v1 =	vld [tilespmem:$0xFC10];
	_ =	sdelay $0x4  }
0x5a: {  	[tilespmem:v0+s2+$0x0] =	vst.idx.add.f32.msk $0xffff, v1  }
0x5b: {  	v0 =	vld [tilespmem:$0x10420];
	_ =	sdelay $0x2  }
0x5c: {  	v1 =	vld [tilespmem:$0xFC20];
	_ =	sdelay $0x4  }
0x5d: {  	[tilespmem:v0+s2+$0x0] =	vst.idx.add.f32.msk $0xffff, v1  }
0x5e: {  	v0 =	vld [tilespmem:$0x10430];
	_ =	sdelay $0x2  }
0x5f: {  	v1 =	vld [tilespmem:$0xFC30];
	_ =	sdelay $0x4  }
0x60: {  	[tilespmem:v0+s2+$0x0] =	vst.idx.add.f32.msk $0xffff, v1  }
0x61: {  	v0 =	vld [tilespmem:$0x10440];
	_ =	sdelay $0x2  }
0x62: {  	v1 =	vld [tilespmem:$0xFC40];
	_ =	sdelay $0x4  }
0x63: {  	[tilespmem:v0+s2+$0x0] =	vst.idx.add.f32.msk $0xffff, v1  }
0x64: {  	v0 =	vld [tilespmem:$0x10450];
	_ =	sdelay $0x2  }
0x65: {  	v1 =	vld [tilespmem:$0xFC50];
	_ =	sdelay $0x4  }
0x66: {  	[tilespmem:v0+s2+$0x0] =	vst.idx.add.f32.msk $0xffff, v1  }
0x67: {  	v0 =	vld [tilespmem:$0x10460];
	_ =	sdelay $0x2  }
0x68: {  	v1 =	vld [tilespmem:$0xFC60];
	_ =	sdelay $0x4  }
0x69: {  	[tilespmem:v0+s2+$0x0] =	vst.idx.add.f32.msk $0xffff, v1  }
0x6a: {  	v0 =	vld [tilespmem:$0x10470];
	_ =	sdelay $0x2  }
0x6b: {  	v1 =	vld [tilespmem:$0xFC70];
	_ =	sdelay $0x4  }
0x6c: {  	[tilespmem:v0+s2+$0x0] =	vst.idx.add.f32.msk $0xffff, v1  }
0x6d: {  	v0 =	vld [tilespmem:$0x10480];
	_ =	sdelay $0x2  }
0x6e: {  	v1 =	vld [tilespmem:$0xFC80];
	_ =	sdelay $0x4  }
0x6f: {  	[tilespmem:v0+s2+$0x0] =	vst.idx.add.f32.msk $0xffff, v1  }
0x70: {  	v0 =	vld [tilespmem:$0x10490];
	_ =	sdelay $0x2  }
0x71: {  	v1 =	vld [tilespmem:$0xFC90];
	_ =	sdelay $0x4  }
0x72: {  	[tilespmem:v0+s2+$0x0] =	vst.idx.add.f32.msk $0xffff, v1  }
0x73: {  	v0 =	vld [tilespmem:$0x104A0];
	_ =	sdelay $0x2  }
0x74: {  	v1 =	vld [tilespmem:$0xFCA0];
	_ =	sdelay $0x4  }
0x75: {  	[tilespmem:v0+s2+$0x0] =	vst.idx.add.f32.msk $0xffff, v1  }
0x76: {  	v0 =	vld [tilespmem:$0x104B0];
	_ =	sdelay $0x2  }
0x77: {  	v1 =	vld [tilespmem:$0xFCB0];
	_ =	sdelay $0x4  }
0x78: {  	[tilespmem:v0+s2+$0x0] =	vst.idx.add.f32.msk $0xffff, v1  }
0x79: {  	v0 =	vld [tilespmem:$0x104C0];
	_ =	sdelay $0x2  }
0x7a: {  	v1 =	vld [tilespmem:$0xFCC0];
	_ =	sdelay $0x4  }
0x7b: {  	[tilespmem:v0+s2+$0x0] =	vst.idx.add.f32.msk $0xffff, v1  }
0x7c: {  	v0 =	vld [tilespmem:$0x104D0];
	_ =	sdelay $0x2  }
0x7d: {  	v1 =	vld [tilespmem:$0xFCD0];
	_ =	sdelay $0x4  }
0x7e: {  	[tilespmem:v0+s2+$0x0] =	vst.idx.add.f32.msk $0xffff, v1  }
0x7f: {  	v0 =	vld [tilespmem:$0x104E0];
	_ =	sdelay $0x2  }
0x80: {  	v1 =	vld [tilespmem:$0xFCE0];
	_ =	sdelay $0x4  }
0x81: {  	[tilespmem:v0+s2+$0x0] =	vst.idx.add.f32.msk $0xffff, v1  }
0x82: {  	v0 =	vld [tilespmem:$0x104F0];
	_ =	sdelay $0x2  }
0x83: {  	v1 =	vld [tilespmem:$0xFCF0];
	_ =	sdelay $0x4  }
0x84: {  	[tilespmem:v0+s2+$0x0] =	vst.idx.add.f32.msk $0xffff, v1  }
0x85: {  	v0 =	vld [tilespmem:$0x10500];
	_ =	sdelay $0x2  }
0x86: {  	v1 =	vld [tilespmem:$0xFD00];
	_ =	sdelay $0x4  }
0x87: {  	[tilespmem:v0+s2+$0x0] =	vst.idx.add.f32.msk $0xffff, v1  }
0x88: {  	v0 =	vld [tilespmem:$0x10510];
	_ =	sdelay $0x2  }
0x89: {  	v1 =	vld [tilespmem:$0xFD10];
	_ =	sdelay $0x4  }
0x8a: {  	[tilespmem:v0+s2+$0x0] =	vst.idx.add.f32.msk $0xffff, v1  }
0x8b: {  	v0 =	vld [tilespmem:$0x10520];
	_ =	sdelay $0x2  }
0x8c: {  	v1 =	vld [tilespmem:$0xFD20];
	_ =	sdelay $0x4  }
0x8d: {  	[tilespmem:v0+s2+$0x0] =	vst.idx.add.f32.msk $0xffff, v1  }
0x8e: {  	v0 =	vld [tilespmem:$0x10530];
	_ =	sdelay $0x2  }
0x8f: {  	v1 =	vld [tilespmem:$0xFD30];
	_ =	sdelay $0x4  }
0x90: {  	[tilespmem:v0+s2+$0x0] =	vst.idx.add.f32.msk $0xffff, v1  }
0x91: {  	v0 =	vld [tilespmem:$0x10540];
	_ =	sdelay $0x2  }
0x92: {  	v1 =	vld [tilespmem:$0xFD40];
	_ =	sdelay $0x4  }
0x93: {  	[tilespmem:v0+s2+$0x0] =	vst.idx.add.f32.msk $0xffff, v1  }
0x94: {  	v0 =	vld [tilespmem:$0x10550];
	_ =	sdelay $0x2  }
0x95: {  	v1 =	vld [tilespmem:$0xFD50];
	_ =	sdelay $0x4  }
0x96: {  	[tilespmem:v0+s2+$0x0] =	vst.idx.add.f32.msk $0xffff, v1  }
0x97: {  	v0 =	vld [tilespmem:$0x10560];
	_ =	sdelay $0x2  }
0x98: {  	v1 =	vld [tilespmem:$0xFD60];
	_ =	sdelay $0x4  }
0x99: {  	[tilespmem:v0+s2+$0x0] =	vst.idx.add.f32.msk $0xffff, v1  }
0x9a: {  	v0 =	vld [tilespmem:$0x10570];
	_ =	sdelay $0x2  }
0x9b: {  	v1 =	vld [tilespmem:$0xFD70];
	_ =	sdelay $0x4  }
0x9c: {  	[tilespmem:v0+s2+$0x0] =	vst.idx.add.f32.msk $0xffff, v1  }
0x9d: {  	v0 =	vld [tilespmem:$0x10580];
	_ =	sdelay $0x2  }
0x9e: {  	v1 =	vld [tilespmem:$0xFD80];
	_ =	sdelay $0x4  }
0x9f: {  	[tilespmem:v0+s2+$0x0] =	vst.idx.add.f32.msk $0xffff, v1  }
0xa0: {  	v0 =	vld [tilespmem:$0x10590];
	_ =	sdelay $0x2  }
0xa1: {  	v1 =	vld [tilespmem:$0xFD90];
	_ =	sdelay $0x4  }
0xa2: {  	[tilespmem:v0+s2+$0x0] =	vst.idx.add.f32.msk $0xffff, v1  }
0xa3: {  	v0 =	vld [tilespmem:$0x105A0];
	_ =	sdelay $0x2  }
0xa4: {  	v1 =	vld [tilespmem:$0xFDA0];
	_ =	sdelay $0x4  }
0xa5: {  	[tilespmem:v0+s2+$0x0] =	vst.idx.add.f32.msk $0xffff, v1  }
0xa6: {  	v0 =	vld [tilespmem:$0x105B0];
	_ =	sdelay $0x2  }
0xa7: {  	v1 =	vld [tilespmem:$0xFDB0];
	_ =	sdelay $0x4  }
0xa8: {  	[tilespmem:v0+s2+$0x0] =	vst.idx.add.f32.msk $0xffff, v1  }
0xa9: {  	v0 =	vld [tilespmem:$0x105C0];
	_ =	sdelay $0x2  }
0xaa: {  	v1 =	vld [tilespmem:$0xFDC0];
	_ =	sdelay $0x4  }
0xab: {  	[tilespmem:v0+s2+$0x0] =	vst.idx.add.f32.msk $0xffff, v1  }
0xac: {  	v0 =	vld [tilespmem:$0x105D0];
	_ =	sdelay $0x2  }
0xad: {  	v1 =	vld [tilespmem:$0xFDD0];
	_ =	sdelay $0x4  }
0xae: {  	[tilespmem:v0+s2+$0x0] =	vst.idx.add.f32.msk $0xffff, v1  }
0xaf: {  	v0 =	vld [tilespmem:$0x105E0];
	_ =	sdelay $0x2  }
0xb0: {  	v1 =	vld [tilespmem:$0xFDE0];
	_ =	sdelay $0x4  }
0xb1: {  	[tilespmem:v0+s2+$0x0] =	vst.idx.add.f32.msk $0xffff, v1  }
0xb2: {  	v0 =	vld [tilespmem:$0x105F0];
	_ =	sdelay $0x2  }
0xb3: {  	v1 =	vld [tilespmem:$0xFDF0];
	_ =	sdelay $0x4  }
0xb4: {  	[tilespmem:v0+s2+$0x0] =	vst.idx.add.f32.msk $0xffff, v1  }
0xb5: {  	v0 =	vld [tilespmem:$0x10600];
	_ =	sdelay $0x2  }
0xb6: {  	v1 =	vld [tilespmem:$0xFE00];
	_ =	sdelay $0x4  }
0xb7: {  	[tilespmem:v0+s2+$0x0] =	vst.idx.add.f32.msk $0xffff, v1  }
0xb8: {  	v0 =	vld [tilespmem:$0x10610];
	_ =	sdelay $0x2  }
0xb9: {  	v1 =	vld [tilespmem:$0xFE10];
	_ =	sdelay $0x4  }
0xba: {  	[tilespmem:v0+s2+$0x0] =	vst.idx.add.f32.msk $0xffff, v1  }
0xbb: {  	v0 =	vld [tilespmem:$0x10620];
	_ =	sdelay $0x2  }
0xbc: {  	v1 =	vld [tilespmem:$0xFE20];
	_ =	sdelay $0x4  }
0xbd: {  	[tilespmem:v0+s2+$0x0] =	vst.idx.add.f32.msk $0xffff, v1  }
0xbe: {  	v0 =	vld [tilespmem:$0x10630];
	_ =	sdelay $0x2  }
0xbf: {  	v1 =	vld [tilespmem:$0xFE30];
	_ =	sdelay $0x4  }
0xc0: {  	[tilespmem:v0+s2+$0x0] =	vst.idx.add.f32.msk $0xffff, v1  }
0xc1: {  	v0 =	vld [tilespmem:$0x10640];
	_ =	sdelay $0x2  }
0xc2: {  	v1 =	vld [tilespmem:$0xFE40];
	_ =	sdelay $0x4  }
0xc3: {  	[tilespmem:v0+s2+$0x0] =	vst.idx.add.f32.msk $0xffff, v1  }
0xc4: {  	v0 =	vld [tilespmem:$0x10650];
	_ =	sdelay $0x2  }
0xc5: {  	v1 =	vld [tilespmem:$0xFE50];
	_ =	sdelay $0x4  }
0xc6: {  	[tilespmem:v0+s2+$0x0] =	vst.idx.add.f32.msk $0xffff, v1  }
0xc7: {  	v0 =	vld [tilespmem:$0x10660];
	_ =	sdelay $0x2  }
0xc8: {  	v1 =	vld [tilespmem:$0xFE60];
	_ =	sdelay $0x4  }
0xc9: {  	[tilespmem:v0+s2+$0x0] =	vst.idx.add.f32.msk $0xffff, v1  }
0xca: {  	v0 =	vld [tilespmem:$0x10670];
	_ =	sdelay $0x2  }
0xcb: {  	v1 =	vld [tilespmem:$0xFE70];
	_ =	sdelay $0x4  }
0xcc: {  	[tilespmem:v0+s2+$0x0] =	vst.idx.add.f32.msk $0xffff, v1  }
0xcd: {  	v0 =	vld [tilespmem:$0x10680];
	_ =	sdelay $0x2  }
0xce: {  	v1 =	vld [tilespmem:$0xFE80];
	_ =	sdelay $0x4  }
0xcf: {  	[tilespmem:v0+s2+$0x0] =	vst.idx.add.f32.msk $0xffff, v1  }
0xd0: {  	v0 =	vld [tilespmem:$0x10690];
	_ =	sdelay $0x2  }
0xd1: {  	v1 =	vld [tilespmem:$0xFE90];
	_ =	sdelay $0x4  }
0xd2: {  	[tilespmem:v0+s2+$0x0] =	vst.idx.add.f32.msk $0xffff, v1  }
0xd3: {  	v0 =	vld [tilespmem:$0x106A0];
	_ =	sdelay $0x2  }
0xd4: {  	v1 =	vld [tilespmem:$0xFEA0];
	_ =	sdelay $0x4  }
0xd5: {  	[tilespmem:v0+s2+$0x0] =	vst.idx.add.f32.msk $0xffff, v1  }
0xd6: {  	v0 =	vld [tilespmem:$0x106B0];
	_ =	sdelay $0x2  }
0xd7: {  	v1 =	vld [tilespmem:$0xFEB0];
	_ =	sdelay $0x4  }
0xd8: {  	[tilespmem:v0+s2+$0x0] =	vst.idx.add.f32.msk $0xffff, v1  }
0xd9: {  	v0 =	vld [tilespmem:$0x106C0];
	_ =	sdelay $0x2  }
0xda: {  	v1 =	vld [tilespmem:$0xFEC0];
	_ =	sdelay $0x4  }
0xdb: {  	[tilespmem:v0+s2+$0x0] =	vst.idx.add.f32.msk $0xffff, v1  }
0xdc: {  	v0 =	vld [tilespmem:$0x106D0];
	_ =	sdelay $0x2  }
0xdd: {  	v1 =	vld [tilespmem:$0xFED0];
	_ =	sdelay $0x4  }
0xde: {  	[tilespmem:v0+s2+$0x0] =	vst.idx.add.f32.msk $0xffff, v1  }
0xdf: {  	v0 =	vld [tilespmem:$0x106E0];
	_ =	sdelay $0x2  }
0xe0: {  	v1 =	vld [tilespmem:$0xFEE0];
	_ =	sdelay $0x4  }
0xe1: {  	[tilespmem:v0+s2+$0x0] =	vst.idx.add.f32.msk $0xffff, v1  }
0xe2: {  	v0 =	vld [tilespmem:$0x106F0];
	_ =	sdelay $0x2  }
0xe3: {  	v1 =	vld [tilespmem:$0xFEF0];
	_ =	sdelay $0x4  }
0xe4: {  	[tilespmem:v0+s2+$0x0] =	vst.idx.add.f32.msk $0xffff, v1  }
0xe5: {  	v0 =	vld [tilespmem:$0x10700];
	_ =	sdelay $0x2  }
0xe6: {  	v1 =	vld [tilespmem:$0xFF00];
	_ =	sdelay $0x4  }
0xe7: {  	[tilespmem:v0+s2+$0x0] =	vst.idx.add.f32.msk $0xffff, v1  }
0xe8: {  	[hbm4b:s8+s2] =	stream.linear.scatter [tilespmem:s2], [sflag:$0x3], $0x7D80, $0x38;
	[tilespmem:$0x10710] =	vst v63  }
0xe9: {  	_ =	swait.ge [sflag:s23], $0x7D80  }
0xea: {  	[sflag:s23] =	ssyncset.done $0x0  }
0xeb: {  	[sflag:s23] =	ssyncadd.s32 $0xFFFF8280  }
0xec: {  	[tilespmem:s2], [sflag:$0x1] =	stream.linear.gather [hbm4b:s9+s2], $0x7D80, $0x38;
	[tilespmem:$0x10710] =	vst v63  }
0xed: {  	_ = 	snop  }
0xee: {  	[tilespmem:s19], [sflag:$0x1] =	stream.linear.gather [hbm4b:s10+s2], $0x400, $0x38;
	[tilespmem:$0x10710] =	vst v63  }
0xef: {  	_ =	swait.ge [sflag:s24], $0x7D80  }
0xf0: {  	[sflag:s24] =	ssyncset.done $0x0  }
0xf1: {  	[sflag:s24] =	ssyncadd.s32 $0xFFFF8280  }
0xf2: {  	_ =	swait.ge [sflag:s24], $0x400  }
0xf3: {  	[sflag:s24] =	ssyncset.done $0x0  }
0xf4: {  	[sflag:s24] =	ssyncadd.s32 $0xFFFFFC00  }
0xf5: {  	v58 =	vld [tilespmem:$0x10310];
	_ =	sdelay $0x2  }
0xf6: {  	v59 =	vld [tilespmem:$0xFF10];
	_ =	sdelay $0x4  }
0xf7: {  	[tilespmem:v58+s20+$0x0] =	vst.idx.add.f32.msk $0xffff, v59  }
0xf8: {  	v0 =	vld [tilespmem:$0x10320];
	_ =	sdelay $0x2  }
0xf9: {  	v1 =	vld [tilespmem:$0xFF20];
	_ =	sdelay $0x4  }
0xfa: {  	[tilespmem:v0+s20+$0x0] =	vst.idx.add.f32.msk $0xffff, v1  }
0xfb: {  	v0 =	vld [tilespmem:$0x10330];
	_ =	sdelay $0x2  }
0xfc: {  	v1 =	vld [tilespmem:$0xFF30];
	_ =	sdelay $0x4  }
0xfd: {  	[tilespmem:v0+s20+$0x0] =	vst.idx.add.f32.msk $0xffff, v1  }
0xfe: {  	v0 =	vld [tilespmem:$0x10340];
	_ =	sdelay $0x2  }
0xff: {  	v1 =	vld [tilespmem:$0xFF40];
	_ =	sdelay $0x4  }
0x100: {  	[tilespmem:v0+s20+$0x0] =	vst.idx.add.f32.msk $0xffff, v1  }
0x101: {  	v0 =	vld [tilespmem:$0x10350];
	_ =	sdelay $0x2  }
0x102: {  	v1 =	vld [tilespmem:$0xFF50];
	_ =	sdelay $0x4  }
0x103: {  	[tilespmem:v0+s20+$0x0] =	vst.idx.add.f32.msk $0xffff, v1  }
0x104: {  	v0 =	vld [tilespmem:$0x10360];
	_ =	sdelay $0x2  }
0x105: {  	v1 =	vld [tilespmem:$0xFF60];
	_ =	sdelay $0x4  }
0x106: {  	[tilespmem:v0+s20+$0x0] =	vst.idx.add.f32.msk $0xffff, v1  }
0x107: {  	v0 =	vld [tilespmem:$0x10370];
	_ =	sdelay $0x2  }
0x108: {  	v1 =	vld [tilespmem:$0xFF70];
	_ =	sdelay $0x4  }
0x109: {  	[tilespmem:v0+s20+$0x0] =	vst.idx.add.f32.msk $0xffff, v1  }
0x10a: {  	v0 =	vld [tilespmem:$0x10380];
	_ =	sdelay $0x2  }
0x10b: {  	v1 =	vld [tilespmem:$0xFF80];
	_ =	sdelay $0x4  }
0x10c: {  	[tilespmem:v0+s20+$0x0] =	vst.idx.add.f32.msk $0xffff, v1  }
0x10d: {  	v0 =	vld [tilespmem:$0x10390];
	_ =	sdelay $0x2  }
0x10e: {  	v1 =	vld [tilespmem:$0xFF90];
	_ =	sdelay $0x4  }
0x10f: {  	[tilespmem:v0+s20+$0x0] =	vst.idx.add.f32.msk $0xffff, v1  }
0x110: {  	v0 =	vld [tilespmem:$0x103A0];
	_ =	sdelay $0x2  }
0x111: {  	v1 =	vld [tilespmem:$0xFFA0];
	_ =	sdelay $0x4  }
0x112: {  	[tilespmem:v0+s20+$0x0] =	vst.idx.add.f32.msk $0xffff, v1  }
0x113: {  	v0 =	vld [tilespmem:$0x103B0];
	_ =	sdelay $0x2  }
0x114: {  	v1 =	vld [tilespmem:$0xFFB0];
	_ =	sdelay $0x4  }
0x115: {  	[tilespmem:v0+s20+$0x0] =	vst.idx.add.f32.msk $0xffff, v1  }
0x116: {  	v0 =	vld [tilespmem:$0x103C0];
	_ =	sdelay $0x2  }
0x117: {  	v1 =	vld [tilespmem:$0xFFC0];
	_ =	sdelay $0x4  }
0x118: {  	[tilespmem:v0+s20+$0x0] =	vst.idx.add.f32.msk $0xffff, v1  }
0x119: {  	v0 =	vld [tilespmem:$0x103D0];
	_ =	sdelay $0x2  }
0x11a: {  	v1 =	vld [tilespmem:$0xFFD0];
	_ =	sdelay $0x4  }
0x11b: {  	[tilespmem:v0+s20+$0x0] =	vst.idx.add.f32.msk $0xffff, v1  }
0x11c: {  	v0 =	vld [tilespmem:$0x103E0];
	_ =	sdelay $0x2  }
0x11d: {  	v1 =	vld [tilespmem:$0xFFE0];
	_ =	sdelay $0x4  }
0x11e: {  	[tilespmem:v0+s20+$0x0] =	vst.idx.add.f32.msk $0xffff, v1  }
0x11f: {  	v0 =	vld [tilespmem:$0x103F0];
	_ =	sdelay $0x2  }
0x120: {  	v1 =	vld [tilespmem:$0xFFF0];
	_ =	sdelay $0x4  }
0x121: {  	[tilespmem:v0+s20+$0x0] =	vst.idx.add.f32.msk $0xffff, v1  }
0x122: {  	v0 =	vld [tilespmem:$0x10400];
	_ =	sdelay $0x2  }
0x123: {  	v1 =	vld [tilespmem:$0x10000];
	_ =	sdelay $0x4  }
0x124: {  	[tilespmem:v0+s20+$0x0] =	vst.idx.add.f32.msk $0xffff, v1  }
0x125: {  	v0 =	vld [tilespmem:$0x10410];
	_ =	sdelay $0x2  }
0x126: {  	v1 =	vld [tilespmem:$0x10010];
	_ =	sdelay $0x4  }
0x127: {  	[tilespmem:v0+s20+$0x0] =	vst.idx.add.f32.msk $0xffff, v1  }
0x128: {  	v0 =	vld [tilespmem:$0x10420];
	_ =	sdelay $0x2  }
0x129: {  	v1 =	vld [tilespmem:$0x10020];
	_ =	sdelay $0x4  }
0x12a: {  	[tilespmem:v0+s20+$0x0] =	vst.idx.add.f32.msk $0xffff, v1  }
0x12b: {  	v0 =	vld [tilespmem:$0x10430];
	_ =	sdelay $0x2  }
0x12c: {  	v1 =	vld [tilespmem:$0x10030];
	_ =	sdelay $0x4  }
0x12d: {  	[tilespmem:v0+s20+$0x0] =	vst.idx.add.f32.msk $0xffff, v1  }
0x12e: {  	v0 =	vld [tilespmem:$0x10440];
	_ =	sdelay $0x2  }
0x12f: {  	v1 =	vld [tilespmem:$0x10040];
	_ =	sdelay $0x4  }
0x130: {  	[tilespmem:v0+s20+$0x0] =	vst.idx.add.f32.msk $0xffff, v1  }
0x131: {  	v0 =	vld [tilespmem:$0x10450];
	_ =	sdelay $0x2  }
0x132: {  	v1 =	vld [tilespmem:$0x10050];
	_ =	sdelay $0x4  }
0x133: {  	[tilespmem:v0+s20+$0x0] =	vst.idx.add.f32.msk $0xffff, v1  }
0x134: {  	v0 =	vld [tilespmem:$0x10460];
	_ =	sdelay $0x2  }
0x135: {  	v1 =	vld [tilespmem:$0x10060];
	_ =	sdelay $0x4  }
0x136: {  	[tilespmem:v0+s20+$0x0] =	vst.idx.add.f32.msk $0xffff, v1  }
0x137: {  	v0 =	vld [tilespmem:$0x10470];
	_ =	sdelay $0x2  }
0x138: {  	v1 =	vld [tilespmem:$0x10070];
	_ =	sdelay $0x4  }
0x139: {  	[tilespmem:v0+s20+$0x0] =	vst.idx.add.f32.msk $0xffff, v1  }
0x13a: {  	v0 =	vld [tilespmem:$0x10480];
	_ =	sdelay $0x2  }
0x13b: {  	v1 =	vld [tilespmem:$0x10080];
	_ =	sdelay $0x4  }
0x13c: {  	[tilespmem:v0+s20+$0x0] =	vst.idx.add.f32.msk $0xffff, v1  }
0x13d: {  	v0 =	vld [tilespmem:$0x10490];
	_ =	sdelay $0x2  }
0x13e: {  	v1 =	vld [tilespmem:$0x10090];
	_ =	sdelay $0x4  }
0x13f: {  	[tilespmem:v0+s20+$0x0] =	vst.idx.add.f32.msk $0xffff, v1  }
0x140: {  	v0 =	vld [tilespmem:$0x104A0];
	_ =	sdelay $0x2  }
0x141: {  	v1 =	vld [tilespmem:$0x100A0];
	_ =	sdelay $0x4  }
0x142: {  	[tilespmem:v0+s20+$0x0] =	vst.idx.add.f32.msk $0xffff, v1  }
0x143: {  	v0 =	vld [tilespmem:$0x104B0];
	_ =	sdelay $0x2  }
0x144: {  	v1 =	vld [tilespmem:$0x100B0];
	_ =	sdelay $0x4  }
0x145: {  	[tilespmem:v0+s20+$0x0] =	vst.idx.add.f32.msk $0xffff, v1  }
0x146: {  	v0 =	vld [tilespmem:$0x104C0];
	_ =	sdelay $0x2  }
0x147: {  	v1 =	vld [tilespmem:$0x100C0];
	_ =	sdelay $0x4  }
0x148: {  	[tilespmem:v0+s20+$0x0] =	vst.idx.add.f32.msk $0xffff, v1  }
0x149: {  	v0 =	vld [tilespmem:$0x104D0];
	_ =	sdelay $0x2  }
0x14a: {  	v1 =	vld [tilespmem:$0x100D0];
	_ =	sdelay $0x4  }
0x14b: {  	[tilespmem:v0+s20+$0x0] =	vst.idx.add.f32.msk $0xffff, v1  }
0x14c: {  	v0 =	vld [tilespmem:$0x104E0];
	_ =	sdelay $0x2  }
0x14d: {  	v1 =	vld [tilespmem:$0x100E0];
	_ =	sdelay $0x4  }
0x14e: {  	[tilespmem:v0+s20+$0x0] =	vst.idx.add.f32.msk $0xffff, v1  }
0x14f: {  	v0 =	vld [tilespmem:$0x104F0];
	_ =	sdelay $0x2  }
0x150: {  	v1 =	vld [tilespmem:$0x100F0];
	_ =	sdelay $0x4  }
0x151: {  	[tilespmem:v0+s20+$0x0] =	vst.idx.add.f32.msk $0xffff, v1  }
0x152: {  	v0 =	vld [tilespmem:$0x10500];
	_ =	sdelay $0x2  }
0x153: {  	v1 =	vld [tilespmem:$0x10100];
	_ =	sdelay $0x4  }
0x154: {  	[tilespmem:v0+s20+$0x0] =	vst.idx.add.f32.msk $0xffff, v1  }
0x155: {  	v0 =	vld [tilespmem:$0x10510];
	_ =	sdelay $0x2  }
0x156: {  	v1 =	vld [tilespmem:$0x10110];
	_ =	sdelay $0x4  }
0x157: {  	[tilespmem:v0+s20+$0x0] =	vst.idx.add.f32.msk $0xffff, v1  }
0x158: {  	v0 =	vld [tilespmem:$0x10520];
	_ =	sdelay $0x2  }
0x159: {  	v1 =	vld [tilespmem:$0x10120];
	_ =	sdelay $0x4  }
0x15a: {  	[tilespmem:v0+s20+$0x0] =	vst.idx.add.f32.msk $0xffff, v1  }
0x15b: {  	v0 =	vld [tilespmem:$0x10530];
	_ =	sdelay $0x2  }
0x15c: {  	v1 =	vld [tilespmem:$0x10130];
	_ =	sdelay $0x4  }
0x15d: {  	[tilespmem:v0+s20+$0x0] =	vst.idx.add.f32.msk $0xffff, v1  }
0x15e: {  	v0 =	vld [tilespmem:$0x10540];
	_ =	sdelay $0x2  }
0x15f: {  	v1 =	vld [tilespmem:$0x10140];
	_ =	sdelay $0x4  }
0x160: {  	[tilespmem:v0+s20+$0x0] =	vst.idx.add.f32.msk $0xffff, v1  }
0x161: {  	v0 =	vld [tilespmem:$0x10550];
	_ =	sdelay $0x2  }
0x162: {  	v1 =	vld [tilespmem:$0x10150];
	_ =	sdelay $0x4  }
0x163: {  	[tilespmem:v0+s20+$0x0] =	vst.idx.add.f32.msk $0xffff, v1  }
0x164: {  	v0 =	vld [tilespmem:$0x10560];
	_ =	sdelay $0x2  }
0x165: {  	v1 =	vld [tilespmem:$0x10160];
	_ =	sdelay $0x4  }
0x166: {  	[tilespmem:v0+s20+$0x0] =	vst.idx.add.f32.msk $0xffff, v1  }
0x167: {  	v0 =	vld [tilespmem:$0x10570];
	_ =	sdelay $0x2  }
0x168: {  	v1 =	vld [tilespmem:$0x10170];
	_ =	sdelay $0x4  }
0x169: {  	[tilespmem:v0+s20+$0x0] =	vst.idx.add.f32.msk $0xffff, v1  }
0x16a: {  	v0 =	vld [tilespmem:$0x10580];
	_ =	sdelay $0x2  }
0x16b: {  	v1 =	vld [tilespmem:$0x10180];
	_ =	sdelay $0x4  }
0x16c: {  	[tilespmem:v0+s20+$0x0] =	vst.idx.add.f32.msk $0xffff, v1  }
0x16d: {  	v0 =	vld [tilespmem:$0x10590];
	_ =	sdelay $0x2  }
0x16e: {  	v1 =	vld [tilespmem:$0x10190];
	_ =	sdelay $0x4  }
0x16f: {  	[tilespmem:v0+s20+$0x0] =	vst.idx.add.f32.msk $0xffff, v1  }
0x170: {  	v0 =	vld [tilespmem:$0x105A0];
	_ =	sdelay $0x2  }
0x171: {  	v1 =	vld [tilespmem:$0x101A0];
	_ =	sdelay $0x4  }
0x172: {  	[tilespmem:v0+s20+$0x0] =	vst.idx.add.f32.msk $0xffff, v1  }
0x173: {  	v0 =	vld [tilespmem:$0x105B0];
	_ =	sdelay $0x2  }
0x174: {  	v1 =	vld [tilespmem:$0x101B0];
	_ =	sdelay $0x4  }
0x175: {  	[tilespmem:v0+s20+$0x0] =	vst.idx.add.f32.msk $0xffff, v1  }
0x176: {  	v0 =	vld [tilespmem:$0x105C0];
	_ =	sdelay $0x2  }
0x177: {  	v1 =	vld [tilespmem:$0x101C0];
	_ =	sdelay $0x4  }
0x178: {  	[tilespmem:v0+s20+$0x0] =	vst.idx.add.f32.msk $0xffff, v1  }
0x179: {  	v0 =	vld [tilespmem:$0x105D0];
	_ =	sdelay $0x2  }
0x17a: {  	v1 =	vld [tilespmem:$0x101D0];
	_ =	sdelay $0x4  }
0x17b: {  	[tilespmem:v0+s20+$0x0] =	vst.idx.add.f32.msk $0xffff, v1  }
0x17c: {  	v0 =	vld [tilespmem:$0x105E0];
	_ =	sdelay $0x2  }
0x17d: {  	v1 =	vld [tilespmem:$0x101E0];
	_ =	sdelay $0x4  }
0x17e: {  	[tilespmem:v0+s20+$0x0] =	vst.idx.add.f32.msk $0xffff, v1  }
0x17f: {  	v0 =	vld [tilespmem:$0x105F0];
	_ =	sdelay $0x2  }
0x180: {  	v1 =	vld [tilespmem:$0x101F0];
	_ =	sdelay $0x4  }
0x181: {  	[tilespmem:v0+s20+$0x0] =	vst.idx.add.f32.msk $0xffff, v1  }
0x182: {  	v0 =	vld [tilespmem:$0x10600];
	_ =	sdelay $0x2  }
0x183: {  	v1 =	vld [tilespmem:$0x10200];
	_ =	sdelay $0x4  }
0x184: {  	[tilespmem:v0+s20+$0x0] =	vst.idx.add.f32.msk $0xffff, v1  }
0x185: {  	v0 =	vld [tilespmem:$0x10610];
	_ =	sdelay $0x2  }
0x186: {  	v1 =	vld [tilespmem:$0x10210];
	_ =	sdelay $0x4  }
0x187: {  	[tilespmem:v0+s20+$0x0] =	vst.idx.add.f32.msk $0xffff, v1  }
0x188: {  	v0 =	vld [tilespmem:$0x10620];
	_ =	sdelay $0x2  }
0x189: {  	v1 =	vld [tilespmem:$0x10220];
	_ =	sdelay $0x4  }
0x18a: {  	[tilespmem:v0+s20+$0x0] =	vst.idx.add.f32.msk $0xffff, v1  }
0x18b: {  	v0 =	vld [tilespmem:$0x10630];
	_ =	sdelay $0x2  }
0x18c: {  	v1 =	vld [tilespmem:$0x10230];
	_ =	sdelay $0x4  }
0x18d: {  	[tilespmem:v0+s20+$0x0] =	vst.idx.add.f32.msk $0xffff, v1  }
0x18e: {  	v0 =	vld [tilespmem:$0x10640];
	_ =	sdelay $0x2  }
0x18f: {  	v1 =	vld [tilespmem:$0x10240];
	_ =	sdelay $0x4  }
0x190: {  	[tilespmem:v0+s20+$0x0] =	vst.idx.add.f32.msk $0xffff, v1  }
0x191: {  	v0 =	vld [tilespmem:$0x10650];
	_ =	sdelay $0x2  }
0x192: {  	v1 =	vld [tilespmem:$0x10250];
	_ =	sdelay $0x4  }
0x193: {  	[tilespmem:v0+s20+$0x0] =	vst.idx.add.f32.msk $0xffff, v1  }
0x194: {  	v0 =	vld [tilespmem:$0x10660];
	_ =	sdelay $0x2  }
0x195: {  	v1 =	vld [tilespmem:$0x10260];
	_ =	sdelay $0x4  }
0x196: {  	[tilespmem:v0+s20+$0x0] =	vst.idx.add.f32.msk $0xffff, v1  }
0x197: {  	v0 =	vld [tilespmem:$0x10670];
	_ =	sdelay $0x2  }
0x198: {  	v1 =	vld [tilespmem:$0x10270];
	_ =	sdelay $0x4  }
0x199: {  	[tilespmem:v0+s20+$0x0] =	vst.idx.add.f32.msk $0xffff, v1  }
0x19a: {  	v0 =	vld [tilespmem:$0x10680];
	_ =	sdelay $0x2  }
0x19b: {  	v1 =	vld [tilespmem:$0x10280];
	_ =	sdelay $0x4  }
0x19c: {  	[tilespmem:v0+s20+$0x0] =	vst.idx.add.f32.msk $0xffff, v1  }
0x19d: {  	v0 =	vld [tilespmem:$0x10690];
	_ =	sdelay $0x2  }
0x19e: {  	v1 =	vld [tilespmem:$0x10290];
	_ =	sdelay $0x4  }
0x19f: {  	[tilespmem:v0+s20+$0x0] =	vst.idx.add.f32.msk $0xffff, v1  }
0x1a0: {  	v0 =	vld [tilespmem:$0x106A0];
	_ =	sdelay $0x2  }
0x1a1: {  	v1 =	vld [tilespmem:$0x102A0];
	_ =	sdelay $0x4  }
0x1a2: {  	[tilespmem:v0+s20+$0x0] =	vst.idx.add.f32.msk $0xffff, v1  }
0x1a3: {  	v0 =	vld [tilespmem:$0x106B0];
	_ =	sdelay $0x2  }
0x1a4: {  	v1 =	vld [tilespmem:$0x102B0];
	_ =	sdelay $0x4  }
0x1a5: {  	[tilespmem:v0+s20+$0x0] =	vst.idx.add.f32.msk $0xffff, v1  }
0x1a6: {  	v0 =	vld [tilespmem:$0x106C0];
	_ =	sdelay $0x2  }
0x1a7: {  	v1 =	vld [tilespmem:$0x102C0];
	_ =	sdelay $0x4  }
0x1a8: {  	[tilespmem:v0+s20+$0x0] =	vst.idx.add.f32.msk $0xffff, v1  }
0x1a9: {  	v0 =	vld [tilespmem:$0x106D0];
	_ =	sdelay $0x2  }
0x1aa: {  	v1 =	vld [tilespmem:$0x102D0];
	_ =	sdelay $0x4  }
0x1ab: {  	[tilespmem:v0+s20+$0x0] =	vst.idx.add.f32.msk $0xffff, v1  }
0x1ac: {  	v0 =	vld [tilespmem:$0x106E0];
	_ =	sdelay $0x2  }
0x1ad: {  	v1 =	vld [tilespmem:$0x102E0];
	_ =	sdelay $0x4  }
0x1ae: {  	[tilespmem:v0+s20+$0x0] =	vst.idx.add.f32.msk $0xffff, v1  }
0x1af: {  	v0 =	vld [tilespmem:$0x106F0];
	_ =	sdelay $0x2  }
0x1b0: {  	v1 =	vld [tilespmem:$0x102F0];
	_ =	sdelay $0x4  }
0x1b1: {  	[tilespmem:v0+s20+$0x0] =	vst.idx.add.f32.msk $0xffff, v1  }
0x1b2: {  	v0 =	vld [tilespmem:$0x10700];
	_ =	sdelay $0x2  }
0x1b3: {  	v1 =	vld [tilespmem:$0x10300];
	_ =	sdelay $0x4  }
0x1b4: {  	[tilespmem:v0+s20+$0x0] =	vst.idx.add.f32.msk $0xffff, v1  }
0x1b5: {  	[hbm4b:s11+s2] =	stream.linear.scatter [tilespmem:s20], [sflag:$0x4], $0x7D80, $0x38;
	[tilespmem:$0x10710] =	vst v63  }
0x1b6: {  	_ =	swait.ge [sflag:s25], $0x7D80  }
0x1b7: {  	[sflag:s25] =	ssyncset.done $0x0  }
0x1b8: {  	[sflag:s25] =	ssyncadd.s32 $0xFFFF8280  }
0x1b9: {  	[tilespmem:s20], [sflag:$0x2] =	stream.linear.gather [hbm4b:s12+s2], $0x7D80, $0x38;
	[tilespmem:$0x10710] =	vst v63  }
0x1ba: {  	_ = 	snop  }
0x1bb: {  	[tilespmem:s21], [sflag:$0x2] =	stream.linear.gather [hbm4b:s13+s2], $0x400, $0x38;
	[tilespmem:$0x10710] =	vst v63  }
0x1bc: {  	_ =	swait.ge [sflag:s22], $0x7D80  }
0x1bd: {  	[sflag:s22] =	ssyncset.done $0x0  }
0x1be: {  	[sflag:s22] =	ssyncadd.s32 $0xFFFF8280  }
0x1bf: {  	_ =	swait.ge [sflag:s22], $0x400  }
0x1c0: {  	[sflag:s22] =	ssyncset.done $0x0  }
0x1c1: {  	[sflag:s22] =	ssyncadd.s32 $0xFFFFFC00  }
0x1c2: {  	v60 =	vld [tilespmem:$0x10310];
	_ =	sdelay $0x2  }
0x1c3: {  	v61 =	vld [tilespmem:$0xFB10];
	_ =	sdelay $0x4  }
0x1c4: {  	[tilespmem:v60+s2+$0x0] =	vst.idx.add.f32.msk $0xffff, v61  }
0x1c5: {  	v0 =	vld [tilespmem:$0x10320];
	_ =	sdelay $0x2  }
0x1c6: {  	v1 =	vld [tilespmem:$0xFB20];
	_ =	sdelay $0x4  }
0x1c7: {  	[tilespmem:v0+s2+$0x0] =	vst.idx.add.f32.msk $0xffff, v1  }
0x1c8: {  	v0 =	vld [tilespmem:$0x10330];
	_ =	sdelay $0x2  }
0x1c9: {  	v1 =	vld [tilespmem:$0xFB30];
	_ =	sdelay $0x4  }
0x1ca: {  	[tilespmem:v0+s2+$0x0] =	vst.idx.add.f32.msk $0xffff, v1  }
0x1cb: {  	v0 =	vld [tilespmem:$0x10340];
	_ =	sdelay $0x2  }
0x1cc: {  	v1 =	vld [tilespmem:$0xFB40];
	_ =	sdelay $0x4  }
0x1cd: {  	[tilespmem:v0+s2+$0x0] =	vst.idx.add.f32.msk $0xffff, v1  }
0x1ce: {  	v0 =	vld [tilespmem:$0x10350];
	_ =	sdelay $0x2  }
0x1cf: {  	v1 =	vld [tilespmem:$0xFB50];
	_ =	sdelay $0x4  }
0x1d0: {  	[tilespmem:v0+s2+$0x0] =	vst.idx.add.f32.msk $0xffff, v1  }
0x1d1: {  	v0 =	vld [tilespmem:$0x10360];
	_ =	sdelay $0x2  }
0x1d2: {  	v1 =	vld [tilespmem:$0xFB60];
	_ =	sdelay $0x4  }
0x1d3: {  	[tilespmem:v0+s2+$0x0] =	vst.idx.add.f32.msk $0xffff, v1  }
0x1d4: {  	v0 =	vld [tilespmem:$0x10370];
	_ =	sdelay $0x2  }
0x1d5: {  	v1 =	vld [tilespmem:$0xFB70];
	_ =	sdelay $0x4  }
0x1d6: {  	[tilespmem:v0+s2+$0x0] =	vst.idx.add.f32.msk $0xffff, v1  }
0x1d7: {  	v0 =	vld [tilespmem:$0x10380];
	_ =	sdelay $0x2  }
0x1d8: {  	v1 =	vld [tilespmem:$0xFB80];
	_ =	sdelay $0x4  }
0x1d9: {  	[tilespmem:v0+s2+$0x0] =	vst.idx.add.f32.msk $0xffff, v1  }
0x1da: {  	v0 =	vld [tilespmem:$0x10390];
	_ =	sdelay $0x2  }
0x1db: {  	v1 =	vld [tilespmem:$0xFB90];
	_ =	sdelay $0x4  }
0x1dc: {  	[tilespmem:v0+s2+$0x0] =	vst.idx.add.f32.msk $0xffff, v1  }
0x1dd: {  	v0 =	vld [tilespmem:$0x103A0];
	_ =	sdelay $0x2  }
0x1de: {  	v1 =	vld [tilespmem:$0xFBA0];
	_ =	sdelay $0x4  }
0x1df: {  	[tilespmem:v0+s2+$0x0] =	vst.idx.add.f32.msk $0xffff, v1  }
0x1e0: {  	v0 =	vld [tilespmem:$0x103B0];
	_ =	sdelay $0x2  }
0x1e1: {  	v1 =	vld [tilespmem:$0xFBB0];
	_ =	sdelay $0x4  }
0x1e2: {  	[tilespmem:v0+s2+$0x0] =	vst.idx.add.f32.msk $0xffff, v1  }
0x1e3: {  	v0 =	vld [tilespmem:$0x103C0];
	_ =	sdelay $0x2  }
0x1e4: {  	v1 =	vld [tilespmem:$0xFBC0];
	_ =	sdelay $0x4  }
0x1e5: {  	[tilespmem:v0+s2+$0x0] =	vst.idx.add.f32.msk $0xffff, v1  }
0x1e6: {  	v0 =	vld [tilespmem:$0x103D0];
	_ =	sdelay $0x2  }
0x1e7: {  	v1 =	vld [tilespmem:$0xFBD0];
	_ =	sdelay $0x4  }
0x1e8: {  	[tilespmem:v0+s2+$0x0] =	vst.idx.add.f32.msk $0xffff, v1  }
0x1e9: {  	v0 =	vld [tilespmem:$0x103E0];
	_ =	sdelay $0x2  }
0x1ea: {  	v1 =	vld [tilespmem:$0xFBE0];
	_ =	sdelay $0x4  }
0x1eb: {  	[tilespmem:v0+s2+$0x0] =	vst.idx.add.f32.msk $0xffff, v1  }
0x1ec: {  	v0 =	vld [tilespmem:$0x103F0];
	_ =	sdelay $0x2  }
0x1ed: {  	v1 =	vld [tilespmem:$0xFBF0];
	_ =	sdelay $0x4  }
0x1ee: {  	[tilespmem:v0+s2+$0x0] =	vst.idx.add.f32.msk $0xffff, v1  }
0x1ef: {  	v0 =	vld [tilespmem:$0x10400];
	_ =	sdelay $0x2  }
0x1f0: {  	v1 =	vld [tilespmem:$0xFC00];
	_ =	sdelay $0x4  }
0x1f1: {  	[tilespmem:v0+s2+$0x0] =	vst.idx.add.f32.msk $0xffff, v1  }
0x1f2: {  	v0 =	vld [tilespmem:$0x10410];
	_ =	sdelay $0x2  }
0x1f3: {  	v1 =	vld [tilespmem:$0xFC10];
	_ =	sdelay $0x4  }
0x1f4: {  	[tilespmem:v0+s2+$0x0] =	vst.idx.add.f32.msk $0xffff, v1  }
0x1f5: {  	v0 =	vld [tilespmem:$0x10420];
	_ =	sdelay $0x2  }
0x1f6: {  	v1 =	vld [tilespmem:$0xFC20];
	_ =	sdelay $0x4  }
0x1f7: {  	[tilespmem:v0+s2+$0x0] =	vst.idx.add.f32.msk $0xffff, v1  }
0x1f8: {  	v0 =	vld [tilespmem:$0x10430];
	_ =	sdelay $0x2  }
0x1f9: {  	v1 =	vld [tilespmem:$0xFC30];
	_ =	sdelay $0x4  }
0x1fa: {  	[tilespmem:v0+s2+$0x0] =	vst.idx.add.f32.msk $0xffff, v1  }
0x1fb: {  	v0 =	vld [tilespmem:$0x10440];
	_ =	sdelay $0x2  }
0x1fc: {  	v1 =	vld [tilespmem:$0xFC40];
	_ =	sdelay $0x4  }
0x1fd: {  	[tilespmem:v0+s2+$0x0] =	vst.idx.add.f32.msk $0xffff, v1  }
0x1fe: {  	v0 =	vld [tilespmem:$0x10450];
	_ =	sdelay $0x2  }
0x1ff: {  	v1 =	vld [tilespmem:$0xFC50];
	_ =	sdelay $0x4  }
0x200: {  	[tilespmem:v0+s2+$0x0] =	vst.idx.add.f32.msk $0xffff, v1  }
0x201: {  	v0 =	vld [tilespmem:$0x10460];
	_ =	sdelay $0x2  }
0x202: {  	v1 =	vld [tilespmem:$0xFC60];
	_ =	sdelay $0x4  }
0x203: {  	[tilespmem:v0+s2+$0x0] =	vst.idx.add.f32.msk $0xffff, v1  }
0x204: {  	v0 =	vld [tilespmem:$0x10470];
	_ =	sdelay $0x2  }
0x205: {  	v1 =	vld [tilespmem:$0xFC70];
	_ =	sdelay $0x4  }
0x206: {  	[tilespmem:v0+s2+$0x0] =	vst.idx.add.f32.msk $0xffff, v1  }
0x207: {  	v0 =	vld [tilespmem:$0x10480];
	_ =	sdelay $0x2  }
0x208: {  	v1 =	vld [tilespmem:$0xFC80];
	_ =	sdelay $0x4  }
0x209: {  	[tilespmem:v0+s2+$0x0] =	vst.idx.add.f32.msk $0xffff, v1  }
0x20a: {  	v0 =	vld [tilespmem:$0x10490];
	_ =	sdelay $0x2  }
0x20b: {  	v1 =	vld [tilespmem:$0xFC90];
	_ =	sdelay $0x4  }
0x20c: {  	[tilespmem:v0+s2+$0x0] =	vst.idx.add.f32.msk $0xffff, v1  }
0x20d: {  	v0 =	vld [tilespmem:$0x104A0];
	_ =	sdelay $0x2  }
0x20e: {  	v1 =	vld [tilespmem:$0xFCA0];
	_ =	sdelay $0x4  }
0x20f: {  	[tilespmem:v0+s2+$0x0] =	vst.idx.add.f32.msk $0xffff, v1  }
0x210: {  	v0 =	vld [tilespmem:$0x104B0];
	_ =	sdelay $0x2  }
0x211: {  	v1 =	vld [tilespmem:$0xFCB0];
	_ =	sdelay $0x4  }
0x212: {  	[tilespmem:v0+s2+$0x0] =	vst.idx.add.f32.msk $0xffff, v1  }
0x213: {  	v0 =	vld [tilespmem:$0x104C0];
	_ =	sdelay $0x2  }
0x214: {  	v1 =	vld [tilespmem:$0xFCC0];
	_ =	sdelay $0x4  }
0x215: {  	[tilespmem:v0+s2+$0x0] =	vst.idx.add.f32.msk $0xffff, v1  }
0x216: {  	v0 =	vld [tilespmem:$0x104D0];
	_ =	sdelay $0x2  }
0x217: {  	v1 =	vld [tilespmem:$0xFCD0];
	_ =	sdelay $0x4  }
0x218: {  	[tilespmem:v0+s2+$0x0] =	vst.idx.add.f32.msk $0xffff, v1  }
0x219: {  	v0 =	vld [tilespmem:$0x104E0];
	_ =	sdelay $0x2  }
0x21a: {  	v1 =	vld [tilespmem:$0xFCE0];
	_ =	sdelay $0x4  }
0x21b: {  	[tilespmem:v0+s2+$0x0] =	vst.idx.add.f32.msk $0xffff, v1  }
0x21c: {  	v0 =	vld [tilespmem:$0x104F0];
	_ =	sdelay $0x2  }
0x21d: {  	v1 =	vld [tilespmem:$0xFCF0];
	_ =	sdelay $0x4  }
0x21e: {  	[tilespmem:v0+s2+$0x0] =	vst.idx.add.f32.msk $0xffff, v1  }
0x21f: {  	v0 =	vld [tilespmem:$0x10500];
	_ =	sdelay $0x2  }
0x220: {  	v1 =	vld [tilespmem:$0xFD00];
	_ =	sdelay $0x4  }
0x221: {  	[tilespmem:v0+s2+$0x0] =	vst.idx.add.f32.msk $0xffff, v1  }
0x222: {  	v0 =	vld [tilespmem:$0x10510];
	_ =	sdelay $0x2  }
0x223: {  	v1 =	vld [tilespmem:$0xFD10];
	_ =	sdelay $0x4  }
0x224: {  	[tilespmem:v0+s2+$0x0] =	vst.idx.add.f32.msk $0xffff, v1  }
0x225: {  	v0 =	vld [tilespmem:$0x10520];
	_ =	sdelay $0x2  }
0x226: {  	v1 =	vld [tilespmem:$0xFD20];
	_ =	sdelay $0x4  }
0x227: {  	[tilespmem:v0+s2+$0x0] =	vst.idx.add.f32.msk $0xffff, v1  }
0x228: {  	v0 =	vld [tilespmem:$0x10530];
	_ =	sdelay $0x2  }
0x229: {  	v1 =	vld [tilespmem:$0xFD30];
	_ =	sdelay $0x4  }
0x22a: {  	[tilespmem:v0+s2+$0x0] =	vst.idx.add.f32.msk $0xffff, v1  }
0x22b: {  	v0 =	vld [tilespmem:$0x10540];
	_ =	sdelay $0x2  }
0x22c: {  	v1 =	vld [tilespmem:$0xFD40];
	_ =	sdelay $0x4  }
0x22d: {  	[tilespmem:v0+s2+$0x0] =	vst.idx.add.f32.msk $0xffff, v1  }
0x22e: {  	v0 =	vld [tilespmem:$0x10550];
	_ =	sdelay $0x2  }
0x22f: {  	v1 =	vld [tilespmem:$0xFD50];
	_ =	sdelay $0x4  }
0x230: {  	[tilespmem:v0+s2+$0x0] =	vst.idx.add.f32.msk $0xffff, v1  }
0x231: {  	v0 =	vld [tilespmem:$0x10560];
	_ =	sdelay $0x2  }
0x232: {  	v1 =	vld [tilespmem:$0xFD60];
	_ =	sdelay $0x4  }
0x233: {  	[tilespmem:v0+s2+$0x0] =	vst.idx.add.f32.msk $0xffff, v1  }
0x234: {  	v0 =	vld [tilespmem:$0x10570];
	_ =	sdelay $0x2  }
0x235: {  	v1 =	vld [tilespmem:$0xFD70];
	_ =	sdelay $0x4  }
0x236: {  	[tilespmem:v0+s2+$0x0] =	vst.idx.add.f32.msk $0xffff, v1  }
0x237: {  	v0 =	vld [tilespmem:$0x10580];
	_ =	sdelay $0x2  }
0x238: {  	v1 =	vld [tilespmem:$0xFD80];
	_ =	sdelay $0x4  }
0x239: {  	[tilespmem:v0+s2+$0x0] =	vst.idx.add.f32.msk $0xffff, v1  }
0x23a: {  	v0 =	vld [tilespmem:$0x10590];
	_ =	sdelay $0x2  }
0x23b: {  	v1 =	vld [tilespmem:$0xFD90];
	_ =	sdelay $0x4  }
0x23c: {  	[tilespmem:v0+s2+$0x0] =	vst.idx.add.f32.msk $0xffff, v1  }
0x23d: {  	v0 =	vld [tilespmem:$0x105A0];
	_ =	sdelay $0x2  }
0x23e: {  	v1 =	vld [tilespmem:$0xFDA0];
	_ =	sdelay $0x4  }
0x23f: {  	[tilespmem:v0+s2+$0x0] =	vst.idx.add.f32.msk $0xffff, v1  }
0x240: {  	v0 =	vld [tilespmem:$0x105B0];
	_ =	sdelay $0x2  }
0x241: {  	v1 =	vld [tilespmem:$0xFDB0];
	_ =	sdelay $0x4  }
0x242: {  	[tilespmem:v0+s2+$0x0] =	vst.idx.add.f32.msk $0xffff, v1  }
0x243: {  	v0 =	vld [tilespmem:$0x105C0];
	_ =	sdelay $0x2  }
0x244: {  	v1 =	vld [tilespmem:$0xFDC0];
	_ =	sdelay $0x4  }
0x245: {  	[tilespmem:v0+s2+$0x0] =	vst.idx.add.f32.msk $0xffff, v1  }
0x246: {  	v0 =	vld [tilespmem:$0x105D0];
	_ =	sdelay $0x2  }
0x247: {  	v1 =	vld [tilespmem:$0xFDD0];
	_ =	sdelay $0x4  }
0x248: {  	[tilespmem:v0+s2+$0x0] =	vst.idx.add.f32.msk $0xffff, v1  }
0x249: {  	v0 =	vld [tilespmem:$0x105E0];
	_ =	sdelay $0x2  }
0x24a: {  	v1 =	vld [tilespmem:$0xFDE0];
	_ =	sdelay $0x4  }
0x24b: {  	[tilespmem:v0+s2+$0x0] =	vst.idx.add.f32.msk $0xffff, v1  }
0x24c: {  	v0 =	vld [tilespmem:$0x105F0];
	_ =	sdelay $0x2  }
0x24d: {  	v1 =	vld [tilespmem:$0xFDF0];
	_ =	sdelay $0x4  }
0x24e: {  	[tilespmem:v0+s2+$0x0] =	vst.idx.add.f32.msk $0xffff, v1  }
0x24f: {  	v0 =	vld [tilespmem:$0x10600];
	_ =	sdelay $0x2  }
0x250: {  	v1 =	vld [tilespmem:$0xFE00];
	_ =	sdelay $0x4  }
0x251: {  	[tilespmem:v0+s2+$0x0] =	vst.idx.add.f32.msk $0xffff, v1  }
0x252: {  	v0 =	vld [tilespmem:$0x10610];
	_ =	sdelay $0x2  }
0x253: {  	v1 =	vld [tilespmem:$0xFE10];
	_ =	sdelay $0x4  }
0x254: {  	[tilespmem:v0+s2+$0x0] =	vst.idx.add.f32.msk $0xffff, v1  }
0x255: {  	v0 =	vld [tilespmem:$0x10620];
	_ =	sdelay $0x2  }
0x256: {  	v1 =	vld [tilespmem:$0xFE20];
	_ =	sdelay $0x4  }
0x257: {  	[tilespmem:v0+s2+$0x0] =	vst.idx.add.f32.msk $0xffff, v1  }
0x258: {  	v0 =	vld [tilespmem:$0x10630];
	_ =	sdelay $0x2  }
0x259: {  	v1 =	vld [tilespmem:$0xFE30];
	_ =	sdelay $0x4  }
0x25a: {  	[tilespmem:v0+s2+$0x0] =	vst.idx.add.f32.msk $0xffff, v1  }
0x25b: {  	v0 =	vld [tilespmem:$0x10640];
	_ =	sdelay $0x2  }
0x25c: {  	v1 =	vld [tilespmem:$0xFE40];
	_ =	sdelay $0x4  }
0x25d: {  	[tilespmem:v0+s2+$0x0] =	vst.idx.add.f32.msk $0xffff, v1  }
0x25e: {  	v0 =	vld [tilespmem:$0x10650];
	_ =	sdelay $0x2  }
0x25f: {  	v1 =	vld [tilespmem:$0xFE50];
	_ =	sdelay $0x4  }
0x260: {  	[tilespmem:v0+s2+$0x0] =	vst.idx.add.f32.msk $0xffff, v1  }
0x261: {  	v0 =	vld [tilespmem:$0x10660];
	_ =	sdelay $0x2  }
0x262: {  	v1 =	vld [tilespmem:$0xFE60];
	_ =	sdelay $0x4  }
0x263: {  	[tilespmem:v0+s2+$0x0] =	vst.idx.add.f32.msk $0xffff, v1  }
0x264: {  	v0 =	vld [tilespmem:$0x10670];
	_ =	sdelay $0x2  }
0x265: {  	v1 =	vld [tilespmem:$0xFE70];
	_ =	sdelay $0x4  }
0x266: {  	[tilespmem:v0+s2+$0x0] =	vst.idx.add.f32.msk $0xffff, v1  }
0x267: {  	v0 =	vld [tilespmem:$0x10680];
	_ =	sdelay $0x2  }
0x268: {  	v1 =	vld [tilespmem:$0xFE80];
	_ =	sdelay $0x4  }
0x269: {  	[tilespmem:v0+s2+$0x0] =	vst.idx.add.f32.msk $0xffff, v1  }
0x26a: {  	v0 =	vld [tilespmem:$0x10690];
	_ =	sdelay $0x2  }
0x26b: {  	v1 =	vld [tilespmem:$0xFE90];
	_ =	sdelay $0x4  }
0x26c: {  	[tilespmem:v0+s2+$0x0] =	vst.idx.add.f32.msk $0xffff, v1  }
0x26d: {  	v0 =	vld [tilespmem:$0x106A0];
	_ =	sdelay $0x2  }
0x26e: {  	v1 =	vld [tilespmem:$0xFEA0];
	_ =	sdelay $0x4  }
0x26f: {  	[tilespmem:v0+s2+$0x0] =	vst.idx.add.f32.msk $0xffff, v1  }
0x270: {  	v0 =	vld [tilespmem:$0x106B0];
	_ =	sdelay $0x2  }
0x271: {  	v1 =	vld [tilespmem:$0xFEB0];
	_ =	sdelay $0x4  }
0x272: {  	[tilespmem:v0+s2+$0x0] =	vst.idx.add.f32.msk $0xffff, v1  }
0x273: {  	v0 =	vld [tilespmem:$0x106C0];
	_ =	sdelay $0x2  }
0x274: {  	v1 =	vld [tilespmem:$0xFEC0];
	_ =	sdelay $0x4  }
0x275: {  	[tilespmem:v0+s2+$0x0] =	vst.idx.add.f32.msk $0xffff, v1  }
0x276: {  	v0 =	vld [tilespmem:$0x106D0];
	_ =	sdelay $0x2  }
0x277: {  	v1 =	vld [tilespmem:$0xFED0];
	_ =	sdelay $0x4  }
0x278: {  	[tilespmem:v0+s2+$0x0] =	vst.idx.add.f32.msk $0xffff, v1  }
0x279: {  	v0 =	vld [tilespmem:$0x106E0];
	_ =	sdelay $0x2  }
0x27a: {  	v1 =	vld [tilespmem:$0xFEE0];
	_ =	sdelay $0x4  }
0x27b: {  	[tilespmem:v0+s2+$0x0] =	vst.idx.add.f32.msk $0xffff, v1  }
0x27c: {  	v0 =	vld [tilespmem:$0x106F0];
	_ =	sdelay $0x2  }
0x27d: {  	v1 =	vld [tilespmem:$0xFEF0];
	_ =	sdelay $0x4  }
0x27e: {  	[tilespmem:v0+s2+$0x0] =	vst.idx.add.f32.msk $0xffff, v1  }
0x27f: {  	v0 =	vld [tilespmem:$0x10700];
	_ =	sdelay $0x2  }
0x280: {  	v1 =	vld [tilespmem:$0xFF00];
	_ =	sdelay $0x4  }
0x281: {  	[tilespmem:v0+s2+$0x0] =	vst.idx.add.f32.msk $0xffff, v1  }
0x282: {  	[hbm4b:s14+s2] =	stream.linear.scatter [tilespmem:s2], [sflag:$0x3], $0x7D80, $0x38;
	[tilespmem:$0x10710] =	vst v63  }
0x283: {  	_ =	swait.ge [sflag:s24], $0x7D80  }
0x284: {  	[sflag:s24] =	ssyncset.done $0x0  }
0x285: {  	[sflag:s24] =	ssyncadd.s32 $0xFFFF8280  }
0x286: {  	_ =	swait.ge [sflag:s24], $0x400  }
0x287: {  	[sflag:s24] =	ssyncset.done $0x0  }
0x288: {  	[sflag:s24] =	ssyncadd.s32 $0xFFFFFC00  }
0x289: {  	v62 =	vld [tilespmem:$0x10310];
	_ =	sdelay $0x2  }
0x28a: {  	v63 =	vld [tilespmem:$0xFF10];
	_ =	sdelay $0x4  }
0x28b: {  	[tilespmem:v62+s20+$0x0] =	vst.idx.add.f32.msk $0xffff, v63  }
0x28c: {  	v0 =	vld [tilespmem:$0x10320];
	_ =	sdelay $0x2  }
0x28d: {  	v1 =	vld [tilespmem:$0xFF20];
	_ =	sdelay $0x4  }
0x28e: {  	[tilespmem:v0+s20+$0x0] =	vst.idx.add.f32.msk $0xffff, v1  }
0x28f: {  	v0 =	vld [tilespmem:$0x10330];
	_ =	sdelay $0x2  }
0x290: {  	v1 =	vld [tilespmem:$0xFF30];
	_ =	sdelay $0x4  }
0x291: {  	[tilespmem:v0+s20+$0x0] =	vst.idx.add.f32.msk $0xffff, v1  }
0x292: {  	v0 =	vld [tilespmem:$0x10340];
	_ =	sdelay $0x2  }
0x293: {  	v1 =	vld [tilespmem:$0xFF40];
	_ =	sdelay $0x4  }
0x294: {  	[tilespmem:v0+s20+$0x0] =	vst.idx.add.f32.msk $0xffff, v1  }
0x295: {  	v0 =	vld [tilespmem:$0x10350];
	_ =	sdelay $0x2  }
0x296: {  	v1 =	vld [tilespmem:$0xFF50];
	_ =	sdelay $0x4  }
0x297: {  	[tilespmem:v0+s20+$0x0] =	vst.idx.add.f32.msk $0xffff, v1  }
0x298: {  	v0 =	vld [tilespmem:$0x10360];
	_ =	sdelay $0x2  }
0x299: {  	v1 =	vld [tilespmem:$0xFF60];
	_ =	sdelay $0x4  }
0x29a: {  	[tilespmem:v0+s20+$0x0] =	vst.idx.add.f32.msk $0xffff, v1  }
0x29b: {  	v0 =	vld [tilespmem:$0x10370];
	_ =	sdelay $0x2  }
0x29c: {  	v1 =	vld [tilespmem:$0xFF70];
	_ =	sdelay $0x4  }
0x29d: {  	[tilespmem:v0+s20+$0x0] =	vst.idx.add.f32.msk $0xffff, v1  }
0x29e: {  	v0 =	vld [tilespmem:$0x10380];
	_ =	sdelay $0x2  }
0x29f: {  	v1 =	vld [tilespmem:$0xFF80];
	_ =	sdelay $0x4  }
0x2a0: {  	[tilespmem:v0+s20+$0x0] =	vst.idx.add.f32.msk $0xffff, v1  }
0x2a1: {  	v0 =	vld [tilespmem:$0x10390];
	_ =	sdelay $0x2  }
0x2a2: {  	v1 =	vld [tilespmem:$0xFF90];
	_ =	sdelay $0x4  }
0x2a3: {  	[tilespmem:v0+s20+$0x0] =	vst.idx.add.f32.msk $0xffff, v1  }
0x2a4: {  	v0 =	vld [tilespmem:$0x103A0];
	_ =	sdelay $0x2  }
0x2a5: {  	v1 =	vld [tilespmem:$0xFFA0];
	_ =	sdelay $0x4  }
0x2a6: {  	[tilespmem:v0+s20+$0x0] =	vst.idx.add.f32.msk $0xffff, v1  }
0x2a7: {  	v0 =	vld [tilespmem:$0x103B0];
	_ =	sdelay $0x2  }
0x2a8: {  	v1 =	vld [tilespmem:$0xFFB0];
	_ =	sdelay $0x4  }
0x2a9: {  	[tilespmem:v0+s20+$0x0] =	vst.idx.add.f32.msk $0xffff, v1  }
0x2aa: {  	v0 =	vld [tilespmem:$0x103C0];
	_ =	sdelay $0x2  }
0x2ab: {  	v1 =	vld [tilespmem:$0xFFC0];
	_ =	sdelay $0x4  }
0x2ac: {  	[tilespmem:v0+s20+$0x0] =	vst.idx.add.f32.msk $0xffff, v1  }
0x2ad: {  	v0 =	vld [tilespmem:$0x103D0];
	_ =	sdelay $0x2  }
0x2ae: {  	v1 =	vld [tilespmem:$0xFFD0];
	_ =	sdelay $0x4  }
0x2af: {  	[tilespmem:v0+s20+$0x0] =	vst.idx.add.f32.msk $0xffff, v1  }
0x2b0: {  	v0 =	vld [tilespmem:$0x103E0];
	_ =	sdelay $0x2  }
0x2b1: {  	v1 =	vld [tilespmem:$0xFFE0];
	_ =	sdelay $0x4  }
0x2b2: {  	[tilespmem:v0+s20+$0x0] =	vst.idx.add.f32.msk $0xffff, v1  }
0x2b3: {  	v0 =	vld [tilespmem:$0x103F0];
	_ =	sdelay $0x2  }
0x2b4: {  	v1 =	vld [tilespmem:$0xFFF0];
	_ =	sdelay $0x4  }
0x2b5: {  	[tilespmem:v0+s20+$0x0] =	vst.idx.add.f32.msk $0xffff, v1  }
0x2b6: {  	v0 =	vld [tilespmem:$0x10400];
	_ =	sdelay $0x2  }
0x2b7: {  	v1 =	vld [tilespmem:$0x10000];
	_ =	sdelay $0x4  }
0x2b8: {  	[tilespmem:v0+s20+$0x0] =	vst.idx.add.f32.msk $0xffff, v1  }
0x2b9: {  	v0 =	vld [tilespmem:$0x10410];
	_ =	sdelay $0x2  }
0x2ba: {  	v1 =	vld [tilespmem:$0x10010];
	_ =	sdelay $0x4  }
0x2bb: {  	[tilespmem:v0+s20+$0x0] =	vst.idx.add.f32.msk $0xffff, v1  }
0x2bc: {  	v0 =	vld [tilespmem:$0x10420];
	_ =	sdelay $0x2  }
0x2bd: {  	v1 =	vld [tilespmem:$0x10020];
	_ =	sdelay $0x4  }
0x2be: {  	[tilespmem:v0+s20+$0x0] =	vst.idx.add.f32.msk $0xffff, v1  }
0x2bf: {  	v0 =	vld [tilespmem:$0x10430];
	_ =	sdelay $0x2  }
0x2c0: {  	v1 =	vld [tilespmem:$0x10030];
	_ =	sdelay $0x4  }
0x2c1: {  	[tilespmem:v0+s20+$0x0] =	vst.idx.add.f32.msk $0xffff, v1  }
0x2c2: {  	v0 =	vld [tilespmem:$0x10440];
	_ =	sdelay $0x2  }
0x2c3: {  	v1 =	vld [tilespmem:$0x10040];
	_ =	sdelay $0x4  }
0x2c4: {  	[tilespmem:v0+s20+$0x0] =	vst.idx.add.f32.msk $0xffff, v1  }
0x2c5: {  	v0 =	vld [tilespmem:$0x10450];
	_ =	sdelay $0x2  }
0x2c6: {  	v1 =	vld [tilespmem:$0x10050];
	_ =	sdelay $0x4  }
0x2c7: {  	[tilespmem:v0+s20+$0x0] =	vst.idx.add.f32.msk $0xffff, v1  }
0x2c8: {  	v0 =	vld [tilespmem:$0x10460];
	_ =	sdelay $0x2  }
0x2c9: {  	v1 =	vld [tilespmem:$0x10060];
	_ =	sdelay $0x4  }
0x2ca: {  	[tilespmem:v0+s20+$0x0] =	vst.idx.add.f32.msk $0xffff, v1  }
0x2cb: {  	v0 =	vld [tilespmem:$0x10470];
	_ =	sdelay $0x2  }
0x2cc: {  	v1 =	vld [tilespmem:$0x10070];
	_ =	sdelay $0x4  }
0x2cd: {  	[tilespmem:v0+s20+$0x0] =	vst.idx.add.f32.msk $0xffff, v1  }
0x2ce: {  	v0 =	vld [tilespmem:$0x10480];
	_ =	sdelay $0x2  }
0x2cf: {  	v1 =	vld [tilespmem:$0x10080];
	_ =	sdelay $0x4  }
0x2d0: {  	[tilespmem:v0+s20+$0x0] =	vst.idx.add.f32.msk $0xffff, v1  }
0x2d1: {  	v0 =	vld [tilespmem:$0x10490];
	_ =	sdelay $0x2  }
0x2d2: {  	v1 =	vld [tilespmem:$0x10090];
	_ =	sdelay $0x4  }
0x2d3: {  	[tilespmem:v0+s20+$0x0] =	vst.idx.add.f32.msk $0xffff, v1  }
0x2d4: {  	v0 =	vld [tilespmem:$0x104A0];
	_ =	sdelay $0x2  }
0x2d5: {  	v1 =	vld [tilespmem:$0x100A0];
	_ =	sdelay $0x4  }
0x2d6: {  	[tilespmem:v0+s20+$0x0] =	vst.idx.add.f32.msk $0xffff, v1  }
0x2d7: {  	v0 =	vld [tilespmem:$0x104B0];
	_ =	sdelay $0x2  }
0x2d8: {  	v1 =	vld [tilespmem:$0x100B0];
	_ =	sdelay $0x4  }
0x2d9: {  	[tilespmem:v0+s20+$0x0] =	vst.idx.add.f32.msk $0xffff, v1  }
0x2da: {  	v0 =	vld [tilespmem:$0x104C0];
	_ =	sdelay $0x2  }
0x2db: {  	v1 =	vld [tilespmem:$0x100C0];
	_ =	sdelay $0x4  }
0x2dc: {  	[tilespmem:v0+s20+$0x0] =	vst.idx.add.f32.msk $0xffff, v1  }
0x2dd: {  	v0 =	vld [tilespmem:$0x104D0];
	_ =	sdelay $0x2  }
0x2de: {  	v1 =	vld [tilespmem:$0x100D0];
	_ =	sdelay $0x4  }
0x2df: {  	[tilespmem:v0+s20+$0x0] =	vst.idx.add.f32.msk $0xffff, v1  }
0x2e0: {  	v0 =	vld [tilespmem:$0x104E0];
	_ =	sdelay $0x2  }
0x2e1: {  	v1 =	vld [tilespmem:$0x100E0];
	_ =	sdelay $0x4  }
0x2e2: {  	[tilespmem:v0+s20+$0x0] =	vst.idx.add.f32.msk $0xffff, v1  }
0x2e3: {  	v0 =	vld [tilespmem:$0x104F0];
	_ =	sdelay $0x2  }
0x2e4: {  	v1 =	vld [tilespmem:$0x100F0];
	_ =	sdelay $0x4  }
0x2e5: {  	[tilespmem:v0+s20+$0x0] =	vst.idx.add.f32.msk $0xffff, v1  }
0x2e6: {  	v0 =	vld [tilespmem:$0x10500];
	_ =	sdelay $0x2  }
0x2e7: {  	v1 =	vld [tilespmem:$0x10100];
	_ =	sdelay $0x4  }
0x2e8: {  	[tilespmem:v0+s20+$0x0] =	vst.idx.add.f32.msk $0xffff, v1  }
0x2e9: {  	v0 =	vld [tilespmem:$0x10510];
	_ =	sdelay $0x2  }
0x2ea: {  	v1 =	vld [tilespmem:$0x10110];
	_ =	sdelay $0x4  }
0x2eb: {  	[tilespmem:v0+s20+$0x0] =	vst.idx.add.f32.msk $0xffff, v1  }
0x2ec: {  	v0 =	vld [tilespmem:$0x10520];
	_ =	sdelay $0x2  }
0x2ed: {  	v1 =	vld [tilespmem:$0x10120];
	_ =	sdelay $0x4  }
0x2ee: {  	[tilespmem:v0+s20+$0x0] =	vst.idx.add.f32.msk $0xffff, v1  }
0x2ef: {  	v0 =	vld [tilespmem:$0x10530];
	_ =	sdelay $0x2  }
0x2f0: {  	v1 =	vld [tilespmem:$0x10130];
	_ =	sdelay $0x4  }
0x2f1: {  	[tilespmem:v0+s20+$0x0] =	vst.idx.add.f32.msk $0xffff, v1  }
0x2f2: {  	v0 =	vld [tilespmem:$0x10540];
	_ =	sdelay $0x2  }
0x2f3: {  	v1 =	vld [tilespmem:$0x10140];
	_ =	sdelay $0x4  }
0x2f4: {  	[tilespmem:v0+s20+$0x0] =	vst.idx.add.f32.msk $0xffff, v1  }
0x2f5: {  	v0 =	vld [tilespmem:$0x10550];
	_ =	sdelay $0x2  }
0x2f6: {  	v1 =	vld [tilespmem:$0x10150];
	_ =	sdelay $0x4  }
0x2f7: {  	[tilespmem:v0+s20+$0x0] =	vst.idx.add.f32.msk $0xffff, v1  }
0x2f8: {  	v0 =	vld [tilespmem:$0x10560];
	_ =	sdelay $0x2  }
0x2f9: {  	v1 =	vld [tilespmem:$0x10160];
	_ =	sdelay $0x4  }
0x2fa: {  	[tilespmem:v0+s20+$0x0] =	vst.idx.add.f32.msk $0xffff, v1  }
0x2fb: {  	v0 =	vld [tilespmem:$0x10570];
	_ =	sdelay $0x2  }
0x2fc: {  	v1 =	vld [tilespmem:$0x10170];
	_ =	sdelay $0x4  }
0x2fd: {  	[tilespmem:v0+s20+$0x0] =	vst.idx.add.f32.msk $0xffff, v1  }
0x2fe: {  	v0 =	vld [tilespmem:$0x10580];
	_ =	sdelay $0x2  }
0x2ff: {  	v1 =	vld [tilespmem:$0x10180];
	_ =	sdelay $0x4  }
0x300: {  	[tilespmem:v0+s20+$0x0] =	vst.idx.add.f32.msk $0xffff, v1  }
0x301: {  	v0 =	vld [tilespmem:$0x10590];
	_ =	sdelay $0x2  }
0x302: {  	v1 =	vld [tilespmem:$0x10190];
	_ =	sdelay $0x4  }
0x303: {  	[tilespmem:v0+s20+$0x0] =	vst.idx.add.f32.msk $0xffff, v1  }
0x304: {  	v0 =	vld [tilespmem:$0x105A0];
	_ =	sdelay $0x2  }
0x305: {  	v1 =	vld [tilespmem:$0x101A0];
	_ =	sdelay $0x4  }
0x306: {  	[tilespmem:v0+s20+$0x0] =	vst.idx.add.f32.msk $0xffff, v1  }
0x307: {  	v0 =	vld [tilespmem:$0x105B0];
	_ =	sdelay $0x2  }
0x308: {  	v1 =	vld [tilespmem:$0x101B0];
	_ =	sdelay $0x4  }
0x309: {  	[tilespmem:v0+s20+$0x0] =	vst.idx.add.f32.msk $0xffff, v1  }
0x30a: {  	v0 =	vld [tilespmem:$0x105C0];
	_ =	sdelay $0x2  }
0x30b: {  	v1 =	vld [tilespmem:$0x101C0];
	_ =	sdelay $0x4  }
0x30c: {  	[tilespmem:v0+s20+$0x0] =	vst.idx.add.f32.msk $0xffff, v1  }
0x30d: {  	v0 =	vld [tilespmem:$0x105D0];
	_ =	sdelay $0x2  }
0x30e: {  	v1 =	vld [tilespmem:$0x101D0];
	_ =	sdelay $0x4  }
0x30f: {  	[tilespmem:v0+s20+$0x0] =	vst.idx.add.f32.msk $0xffff, v1  }
0x310: {  	v0 =	vld [tilespmem:$0x105E0];
	_ =	sdelay $0x2  }
0x311: {  	v1 =	vld [tilespmem:$0x101E0];
	_ =	sdelay $0x4  }
0x312: {  	[tilespmem:v0+s20+$0x0] =	vst.idx.add.f32.msk $0xffff, v1  }
0x313: {  	v0 =	vld [tilespmem:$0x105F0];
	_ =	sdelay $0x2  }
0x314: {  	v1 =	vld [tilespmem:$0x101F0];
	_ =	sdelay $0x4  }
0x315: {  	[tilespmem:v0+s20+$0x0] =	vst.idx.add.f32.msk $0xffff, v1  }
0x316: {  	v0 =	vld [tilespmem:$0x10600];
	_ =	sdelay $0x2  }
0x317: {  	v1 =	vld [tilespmem:$0x10200];
	_ =	sdelay $0x4  }
0x318: {  	[tilespmem:v0+s20+$0x0] =	vst.idx.add.f32.msk $0xffff, v1  }
0x319: {  	v0 =	vld [tilespmem:$0x10610];
	_ =	sdelay $0x2  }
0x31a: {  	v1 =	vld [tilespmem:$0x10210];
	_ =	sdelay $0x4  }
0x31b: {  	[tilespmem:v0+s20+$0x0] =	vst.idx.add.f32.msk $0xffff, v1  }
0x31c: {  	v0 =	vld [tilespmem:$0x10620];
	_ =	sdelay $0x2  }
0x31d: {  	v1 =	vld [tilespmem:$0x10220];
	_ =	sdelay $0x4  }
0x31e: {  	[tilespmem:v0+s20+$0x0] =	vst.idx.add.f32.msk $0xffff, v1  }
0x31f: {  	v0 =	vld [tilespmem:$0x10630];
	_ =	sdelay $0x2  }
0x320: {  	v1 =	vld [tilespmem:$0x10230];
	_ =	sdelay $0x4  }
0x321: {  	[tilespmem:v0+s20+$0x0] =	vst.idx.add.f32.msk $0xffff, v1  }
0x322: {  	v0 =	vld [tilespmem:$0x10640];
	_ =	sdelay $0x2  }
0x323: {  	v1 =	vld [tilespmem:$0x10240];
	_ =	sdelay $0x4  }
0x324: {  	[tilespmem:v0+s20+$0x0] =	vst.idx.add.f32.msk $0xffff, v1  }
0x325: {  	v0 =	vld [tilespmem:$0x10650];
	_ =	sdelay $0x2  }
0x326: {  	v1 =	vld [tilespmem:$0x10250];
	_ =	sdelay $0x4  }
0x327: {  	[tilespmem:v0+s20+$0x0] =	vst.idx.add.f32.msk $0xffff, v1  }
0x328: {  	v0 =	vld [tilespmem:$0x10660];
	_ =	sdelay $0x2  }
0x329: {  	v1 =	vld [tilespmem:$0x10260];
	_ =	sdelay $0x4  }
0x32a: {  	[tilespmem:v0+s20+$0x0] =	vst.idx.add.f32.msk $0xffff, v1  }
0x32b: {  	v0 =	vld [tilespmem:$0x10670];
	_ =	sdelay $0x2  }
0x32c: {  	v1 =	vld [tilespmem:$0x10270];
	_ =	sdelay $0x4  }
0x32d: {  	[tilespmem:v0+s20+$0x0] =	vst.idx.add.f32.msk $0xffff, v1  }
0x32e: {  	v0 =	vld [tilespmem:$0x10680];
	_ =	sdelay $0x2  }
0x32f: {  	v1 =	vld [tilespmem:$0x10280];
	_ =	sdelay $0x4  }
0x330: {  	[tilespmem:v0+s20+$0x0] =	vst.idx.add.f32.msk $0xffff, v1  }
0x331: {  	v0 =	vld [tilespmem:$0x10690];
	_ =	sdelay $0x2  }
0x332: {  	v1 =	vld [tilespmem:$0x10290];
	_ =	sdelay $0x4  }
0x333: {  	[tilespmem:v0+s20+$0x0] =	vst.idx.add.f32.msk $0xffff, v1  }
0x334: {  	v0 =	vld [tilespmem:$0x106A0];
	_ =	sdelay $0x2  }
0x335: {  	v1 =	vld [tilespmem:$0x102A0];
	_ =	sdelay $0x4  }
0x336: {  	[tilespmem:v0+s20+$0x0] =	vst.idx.add.f32.msk $0xffff, v1  }
0x337: {  	v0 =	vld [tilespmem:$0x106B0];
	_ =	sdelay $0x2  }
0x338: {  	v1 =	vld [tilespmem:$0x102B0];
	_ =	sdelay $0x4  }
0x339: {  	[tilespmem:v0+s20+$0x0] =	vst.idx.add.f32.msk $0xffff, v1  }
0x33a: {  	v0 =	vld [tilespmem:$0x106C0];
	_ =	sdelay $0x2  }
0x33b: {  	v1 =	vld [tilespmem:$0x102C0];
	_ =	sdelay $0x4  }
0x33c: {  	[tilespmem:v0+s20+$0x0] =	vst.idx.add.f32.msk $0xffff, v1  }
0x33d: {  	v0 =	vld [tilespmem:$0x106D0];
	_ =	sdelay $0x2  }
0x33e: {  	v1 =	vld [tilespmem:$0x102D0];
	_ =	sdelay $0x4  }
0x33f: {  	[tilespmem:v0+s20+$0x0] =	vst.idx.add.f32.msk $0xffff, v1  }
0x340: {  	v0 =	vld [tilespmem:$0x106E0];
	_ =	sdelay $0x2  }
0x341: {  	v1 =	vld [tilespmem:$0x102E0];
	_ =	sdelay $0x4  }
0x342: {  	[tilespmem:v0+s20+$0x0] =	vst.idx.add.f32.msk $0xffff, v1  }
0x343: {  	v0 =	vld [tilespmem:$0x106F0];
	_ =	sdelay $0x2  }
0x344: {  	v1 =	vld [tilespmem:$0x102F0];
	_ =	sdelay $0x4  }
0x345: {  	[tilespmem:v0+s20+$0x0] =	vst.idx.add.f32.msk $0xffff, v1  }
0x346: {  	v0 =	vld [tilespmem:$0x10700];
	_ =	sdelay $0x2  }
0x347: {  	v1 =	vld [tilespmem:$0x10300];
	_ =	sdelay $0x4  }
0x348: {  	[tilespmem:v0+s20+$0x0] =	vst.idx.add.f32.msk $0xffff, v1  }
0x349: {  	[hbm4b:s15+s2] =	stream.linear.scatter [tilespmem:s20], [sflag:$0x4], $0x7D80, $0x38;
	[tilespmem:$0x10710] =	vst v63  }
0x34a: {  	p0 =	sne.s32 s16, $0x1;
	_ =	swait.ge [sflag:s23], $0x7D80  }
.Ltmp0:
0x34b: {  	[sflag:s23] =	ssyncset.done $0x0;
	(pc) =	sbr.rel @p0 .LBB2_1-.Ltmp0, $4  }
0x34c: {  	[sflag:s23] =	ssyncadd.s32 $0xFFFF8280  }
0x34d: {  	_ =	swait.ge [sflag:s25], $0x7D80  }
0x34e: {  	[sflag:s25] =	ssyncset.done $0x0  }
0x34f: {  	s16 =	sadd.s32 $0xFFFFFFFF, s16;
	[sflag:s25] =	ssyncadd.s32 $0xFFFF8280  }
0x350: {  	_ =	sfence.sel $0x180000  }
0x351: {  	[bflag:$0x0] =	sbarrier.arrive $0xFFFF  }
0x352: {  	p0 =	sne.s32 s1, $0x0;
	_ =	strace $0x90000047  }
0x353: {  	s0 =	sadd.s32 @!p0 $0x100000, s0;
	[bflag:$0x2] =	sbarrier.arrive $0xFFFF  }
0x354: {  	[sflag:s0] =	ssyncadd.tile.s32 @!p0 $0x1;
	_ =	shalt  }
.Lfunc_end2:
_tile_overlayer_lowered:
.L_overlay_start_2:
0x355: {  	(tag) =	ssettag $0x2  }
0x356: {  	s0 =	rddreg [dreg:$0x0];
	s2 =	stileid.u32  }
0x357: {  	s1 =	rddreg [dreg:$0x1];
	p0 =	sne.s32 s2, $0x0  }
0x358: {  	s3 =	rddreg [dreg:$0x2];
	[bflag:$0x3] =	sbarrier.arrive $0xFFFF;
	s2 =	simm.s32 @!p0 $0x1C05  }
0x359: {  	[timem:s3], [sflag:s2] =	dma.local @!p0 [hbm:s0], s1  }
0x35a: {  	s0 =	simm.s32 @!p0 $0x5  }
0x35b: {  	_ =	swait.ge @!p0 [sflag:s0], s1  }
0x35c: {  	s1 =	ssub.s32 @!p0 $0x0, s1;
	[sflag:s0] =	ssyncset.done @!p0 $0x0  }
0x35d: {  	[sflag:s0] =	ssyncadd.s32 @!p0 s1  }
0x35e: {  	[bflag:$0x3] =	sbarrier.arrive $0xFFFF  }
0x35f: {  	_ =	shalt  }

</sc_bundles>
